<compile_context>
chip_gen: v7x
topology: tpu7x:2x2x1
jax: 0.10.2.dev20260603
libtpu: 0.0.44.dev20260713+nightly
codegen_flags: <defaults>
</compile_context>

<pallas_src>
import functools

import jax
import jax.numpy as jnp
from jax import lax
from jax.experimental import pallas as pl
from jax.experimental.pallas import tpu as pltpu
from jax.experimental.pallas import tpu_sc as plsc

N = 4096
BLK = 256
GR = N // BLK
BB = 512
GR2 = N // BB

NW = 32
CHUNK = 16384
NCHUNK = N * N // NW // CHUNK
NBIN = 1024
SENT = 0x7FFFFFFF
NBINF = 4096
HIST = NBINF * 16
HIST2 = 2 * NBIN * 16


def _mm_body(a_ref, b_ref, o_ref):
    o_ref[:] = jnp.dot(a_ref[:], b_ref[:], preferred_element_type=jnp.float32)


def _mm(a, b):
    return pl.pallas_call(
        _mm_body,
        out_shape=jax.ShapeDtypeStruct((a.shape[0], b.shape[1]), jnp.float32),
    )(a, b)


def _bigmm_body(a_ref, b_ref, o_ref, *, relu):
    r = jnp.dot(a_ref[:], b_ref[:], preferred_element_type=jnp.float32)
    if relu:
        r = jnp.maximum(r, 0.0)
    o_ref[:] = r


def _bigmm(a, b, relu=False):
    k = b.shape[1]
    return pl.pallas_call(
        functools.partial(_bigmm_body, relu=relu),
        grid=(GR2,),
        in_specs=[
            pl.BlockSpec((BB, N), lambda i: (i, 0)),
            pl.BlockSpec((N, k), lambda i: (0, 0)),
        ],
        out_specs=pl.BlockSpec((BB, k), lambda i: (i, 0)),
        out_shape=jax.ShapeDtypeStruct((N, k), jnp.float32),
    )(a, b)


def _logits_body(mi_ref, mj_ref, o_ref, mx_ref):
    gi = pl.program_id(0)
    gj = pl.program_id(1)
    lg = lax.dot_general(mi_ref[:], mj_ref[:], (((1,), (1,)), ((), ())),
                         preferred_element_type=jnp.float32)
    o_ref[:] = lg
    rows = gi * BB + lax.broadcasted_iota(jnp.int32, (BB, BB), 0)
    cols = gj * BB + lax.broadcasted_iota(jnp.int32, (BB, BB), 1)
    bm = jnp.max(jnp.where(cols > rows, lg, -jnp.inf))

    @pl.when(jnp.logical_and(gi == 0, gj == 0))
    def _():
        mx_ref[:] = jnp.full_like(mx_ref, -jnp.inf)

    mx_ref[:] = jnp.maximum(mx_ref[:], bm)


def _logits(mean):
    return pl.pallas_call(
        _logits_body,
        grid=(GR2, GR2),
        in_specs=[
            pl.BlockSpec((BB, 64), lambda i, j: (i, 0)),
            pl.BlockSpec((BB, 64), lambda i, j: (j, 0)),
        ],
        out_specs=[
            pl.BlockSpec((BB, BB), lambda i, j: (i, j)),
            pl.BlockSpec((8, 128), lambda i, j: (0, 0)),
        ],
        out_shape=[
            jax.ShapeDtypeStruct((N, N), jnp.float32),
            jax.ShapeDtypeStruct((8, 128), jnp.float32),
        ],
    )(mean, mean)


def _key_body(lg_ref, adj_ref, mx_ref, key_ref, cnt_ref):
    gi = pl.program_id(0)
    maxv = mx_ref[0]
    lg = lg_ref[:]
    adj = adj_ref[:]
    ep = lg / maxv
    rows = gi * BLK + lax.broadcasted_iota(jnp.int32, (BLK, N), 0)
    cols = lax.broadcasted_iota(jnp.int32, (BLK, N), 1)
    valid = jnp.logical_and(cols > rows, ep > 0.0)
    bits = lax.bitcast_convert_type(ep, jnp.int32)
    keyed = jnp.where(adj == 0.0, bits | jnp.int32(-2147483648), bits)
    key_ref[:] = jnp.where(valid, keyed, jnp.int32(SENT))
    cnt = jnp.sum((adj != 0.0).astype(jnp.int32))

    @pl.when(gi == 0)
    def _():
        cnt_ref[:] = jnp.zeros_like(cnt_ref)

    cnt_ref[:] = cnt_ref[:] + cnt


def _keys(logits, adj_ori, maxv):
    return pl.pallas_call(
        _key_body,
        grid=(GR,),
        in_specs=[
            pl.BlockSpec((BLK, N), lambda i: (i, 0)),
            pl.BlockSpec((BLK, N), lambda i: (i, 0)),
            pl.BlockSpec(memory_space=pltpu.SMEM),
        ],
        out_specs=[
            pl.BlockSpec((BLK, N), lambda i: (i, 0)),
            pl.BlockSpec((8, 128), lambda i: (0, 0)),
        ],
        out_shape=[
            jax.ShapeDtypeStruct((N, N), jnp.int32),
            jax.ShapeDtypeStruct((8, 128), jnp.int32),
        ],
    )(logits, adj_ori, maxv)


def _sc_hist_body(key_hbm, par_hbm, hist_hbm, keybuf, parbuf, *rest,
                  masked):
    if masked:
        histA, histB, sem0, sem1 = rest
        hists = (histA, histB)
    else:
        (histbuf, sem0, sem1) = rest
        hists = (histbuf,)
    c = lax.axis_index("c")
    s = lax.axis_index("s")
    wid = s * 2 + c
    pltpu.sync_copy(par_hbm, parbuf)

    for hb in hists:
        nzero = (HIST2 if masked else HIST) // 16

        def zero_body(i, carry, hb=hb):
            hb[pl.ds(i * 16, 16)] = jnp.zeros((16,), jnp.int32)
            return carry

        lax.fori_loop(0, nzero, zero_body, 0, unroll=8)

    p_rm = parbuf[pl.ds(0, 16)]
    p_add = parbuf[pl.ds(16, 16)]
    s_p = parbuf[pl.ds(32, 16)]
    s_d = parbuf[pl.ds(48, 16)]
    lane = lax.iota(jnp.int32, 16)
    ones = jnp.ones((16,), jnp.int32)

    def one_vreg(off, hb):
        k = keybuf[pl.ds(off, 16)]
        dig = lax.shift_right_logical(k, s_d)
        if masked:
            dig = lax.bitwise_and(dig, jnp.int32(NBIN - 1))
            sign = lax.shift_right_logical(k, 31)
            dig = lax.bitwise_or(dig, lax.shift_left(sign, 10))
            idx = lax.bitwise_or(lax.shift_left(dig, 4), lane)
            pref = lax.shift_right_logical(k, s_p)
            m = jnp.logical_or(pref == p_rm, pref == p_add)
            plsc.addupdate_scatter(hb, [idx], ones, mask=m)
        else:
            idx = lax.bitwise_or(lax.shift_left(dig, 4), lane)
            plsc.addupdate_scatter(hb, [idx], ones)

    def process(base):
        if masked:
            def vec_body(j, carry2):
                off = base + j * 32
                one_vreg(off, histA)
                one_vreg(off + 16, histB)
                return carry2

            lax.fori_loop(0, CHUNK // 32, vec_body, 0, unroll=8)
        else:
            def vec_body(j, carry2):
                one_vreg(base + j * 16, histbuf)
                return carry2

            lax.fori_loop(0, CHUNK // 16, vec_body, 0, unroll=16)

    def start(ci, half, sem):
        pltpu.make_async_copy(
            key_hbm.at[wid, ci],
            keybuf.at[pl.ds(half * CHUNK, CHUNK)], sem).start()

    def wait(half, sem):
        pltpu.make_async_copy(
            key_hbm.at[wid, 0],
            keybuf.at[pl.ds(half * CHUNK, CHUNK)], sem).wait()

    start(0, 0, sem0)

    def pair_body(i, carry):
        c0 = i * 2
        start(c0 + 1, 1, sem1)
        wait(0, sem0)
        process(0)

        @pl.when(c0 + 2 < NCHUNK)
        def _():
            start(c0 + 2, 0, sem0)

        wait(1, sem1)
        process(CHUNK)
        return carry

    lax.fori_loop(0, NCHUNK // 2, pair_body, 0)
    if masked:
        pltpu.sync_copy(histA, hist_hbm.at[wid, 0])
        pltpu.sync_copy(histB, hist_hbm.at[wid, 1])
    else:
        pltpu.sync_copy(histbuf, hist_hbm.at[wid])


def _sc_hist(keys3d, par, masked):
    mesh = plsc.VectorSubcoreMesh(core_axis_name="c", subcore_axis_name="s")
    if masked:
        out_type = jax.ShapeDtypeStruct((NW, 2, HIST2), jnp.int32)
        hist_scratch = [pltpu.VMEM((HIST2,), jnp.int32),
                        pltpu.VMEM((HIST2,), jnp.int32)]
    else:
        out_type = jax.ShapeDtypeStruct((NW, HIST), jnp.int32)
        hist_scratch = [pltpu.VMEM((HIST,), jnp.int32)]
    f = pl.kernel(
        functools.partial(_sc_hist_body, masked=masked),
        out_type=out_type,
        mesh=mesh,
        compiler_params=pltpu.CompilerParams(needs_layout_passes=False),
        scratch_types=[
            pltpu.VMEM((2 * CHUNK,), jnp.int32),
            pltpu.VMEM((64,), jnp.int32),
        ] + hist_scratch + [
            pltpu.SemaphoreType.DMA,
            pltpu.SemaphoreType.DMA,
        ],
    )
    return f(keys3d, par)


def _search_body(h_ref, r_ref, o_ref, *, stage1):
    if stage1:
        nrows, hist = NW, HIST
        RM_HI = 2 * NBIN - 2
        ADD_LO = 2 * NBIN
        ADD_HI = 4 * NBIN - 1
    else:
        nrows, hist = NW * 2, HIST2
        RM_HI = NBIN - 1
        ADD_LO = NBIN
        ADD_HI = 2 * NBIN - 1

    def body(i, acc):
        return acc + h_ref[i]

    H = lax.fori_loop(0, nrows, body,
                      jnp.zeros((hist // 128, 128), jnp.int32))
    flat = (lax.broadcasted_iota(jnp.int32, (hist // 128, 128), 0) * 128
            + lax.broadcasted_iota(jnp.int32, (hist // 128, 128), 1))
    binmap = flat >> 4

    def count_le(d, lo_bin, hi_bin):
        m = jnp.logical_and(binmap >= lo_bin, binmap <= jnp.minimum(d, hi_bin))
        return jnp.sum(jnp.where(m, H, 0))

    nnz_rm = count_le(RM_HI, 0, RM_HI)
    nnz_add = count_le(ADD_HI, ADD_LO, ADD_HI)

    if stage1:
        nc = r_ref[0]
        n_rm = jnp.minimum(nnz_rm, nc)
        n_add = jnp.minimum(nnz_add, nc)
        r_rm = jnp.maximum(n_rm, 1)
        r_add = nnz_add - jnp.maximum(n_add, 1) + 1
    else:
        n_rm = jnp.int32(0)
        n_add = jnp.int32(0)
        r_rm = r_ref[0]
        r_add = r_ref[1]

    def bsearch(rank, lo_bin, hi_bin):
        def body(it, lohi):
            lo, hi = lohi
            mid = (lo + hi) >> 1
            c = count_le(mid, lo_bin, hi_bin)
            pred = c >= rank
            return (jnp.where(pred, lo, mid + 1), jnp.where(pred, mid, hi))

        lo, hi = lax.fori_loop(0, 11, body, (lo_bin, hi_bin))
        cb = count_le(lo - 1, lo_bin, hi_bin)
        return lo, cb

    p_rm, cb_rm = bsearch(r_rm, 0, RM_HI)
    p_add, cb_add = bsearch(r_add, ADD_LO, ADD_HI)

    vals = [p_rm, r_rm - cb_rm, p_add - ADD_LO, r_add - cb_add,
            nnz_rm, nnz_add, n_rm, n_add]
    ridx = lax.broadcasted_iota(jnp.int32, (8, 128), 0)
    out = jnp.zeros((8, 128), jnp.int32)
    for i, v in enumerate(vals):
        out = jnp.where(ridx == i, v, out)
    o_ref[:] = out


def _search(hist, scal, stage1):
    if stage1:
        h = hist.reshape(NW, HIST // 128, 128)
    else:
        h = hist.reshape(NW * 2, HIST2 // 128, 128)
    return pl.pallas_call(
        functools.partial(_search_body, stage1=stage1),
        in_specs=[
            pl.BlockSpec(memory_space=pltpu.VMEM),
            pl.BlockSpec(memory_space=pltpu.SMEM),
        ],
        out_shape=jax.ShapeDtypeStruct((8, 128), jnp.int32),
    )(h, scal)


def _build_body(kA_ref, kB_ref, adj_ref, scal_ref, A_ref, rsabs_ref, rs_ref,
                acc_abs, acc):
    gi = pl.program_id(0)
    gj = pl.program_id(1)
    t_rm = scal_ref[0]
    t_add = scal_ref[1]
    rm_bin = scal_ref[2] > 0.0
    add_bin = scal_ref[3] > 0.0

    kA = kA_ref[:]
    kB = kB_ref[:].T
    adj = adj_ref[:]
    epA = lax.bitcast_convert_type(
        lax.bitwise_and(kA, jnp.int32(0x3FFFFFFF)), jnp.float32)
    epB = lax.bitcast_convert_type(
        lax.bitwise_and(kB, jnp.int32(0x3FFFFFFF)), jnp.float32)

    vA = jnp.logical_and(kA > 0, kA < jnp.int32(0x40000000))
    vB = jnp.logical_and(kB > 0, kB < jnp.int32(0x40000000))
    uA = jnp.logical_and(vA, epA <= t_rm)
    uB = jnp.logical_and(vB, epB <= t_rm)
    rm_b = jnp.logical_or(uA, uB).astype(jnp.float32)
    rm_raw = jnp.where(vA, epA, 0.0)
    mask_rm = jnp.where(rm_bin, rm_b, rm_raw)

    aA = jnp.logical_and(kA < 0, epA >= t_add)
    aB = jnp.logical_and(kB < 0, epB >= t_add)
    add_b = jnp.logical_or(aA, aB).astype(jnp.float32)
    add_raw = jnp.where(kA < 0, epA, 0.0)
    mask_add = jnp.where(add_bin, add_b, add_raw)

    Ablk = adj - mask_rm + mask_add
    rows = gi * BB + lax.broadcasted_iota(jnp.int32, (BB, BB), 0)
    cols = gj * BB + lax.broadcasted_iota(jnp.int32, (BB, BB), 1)
    Ablk = jnp.where(rows == cols, 1.0, Ablk)
    A_ref[:] = Ablk

    @pl.when(gj == 0)
    def _():
        acc_abs[:] = jnp.zeros_like(acc_abs)
        acc[:] = jnp.zeros_like(acc)

    acc_abs[:] = acc_abs[:] + jnp.sum(jnp.abs(Ablk), axis=1, keepdims=True)
    acc[:] = acc[:] + jnp.sum(Ablk, axis=1, keepdims=True)

    @pl.when(gj == GR2 - 1)
    def _():
        rsabs_ref[:] = acc_abs[:]
        rs_ref[:] = acc[:]


def _build(keys, adj_ori, scal):
    return pl.pallas_call(
        _build_body,
        grid=(GR2, GR2),
        in_specs=[
            pl.BlockSpec((BB, BB), lambda i, j: (i, j)),
            pl.BlockSpec((BB, BB), lambda i, j: (j, i)),
            pl.BlockSpec((BB, BB), lambda i, j: (i, j)),
            pl.BlockSpec(memory_space=pltpu.SMEM),
        ],
        out_specs=[
            pl.BlockSpec((BB, BB), lambda i, j: (i, j)),
            pl.BlockSpec((BB, 1), lambda i, j: (i, 0)),
            pl.BlockSpec((BB, 1), lambda i, j: (i, 0)),
        ],
        out_shape=[
            jax.ShapeDtypeStruct((N, N), jnp.float32),
            jax.ShapeDtypeStruct((N, 1), jnp.float32),
            jax.ShapeDtypeStruct((N, 1), jnp.float32),
        ],
        scratch_shapes=[
            pltpu.VMEM((BB, 1), jnp.float32),
            pltpu.VMEM((BB, 1), jnp.float32),
        ],
    )(keys, keys, adj_ori, scal)


def _gcn1_body(A_ref, fj_ref, fi_ref, sc_ref, w1a_ref, w1b_ref, b1_ref,
               x_ref, acc):
    gj = pl.program_id(1)

    @pl.when(gj == 0)
    def _():
        acc[:] = jnp.zeros_like(acc)

    acc[:] = acc[:] + jnp.dot(A_ref[:], fj_ref[:],
                              preferred_element_type=jnp.float32)

    @pl.when(gj == GR2 - 1)
    def _():
        mean = acc[:] * sc_ref[:]
        x = (jnp.dot(fi_ref[:], w1a_ref[:], preferred_element_type=jnp.float32)
             + jnp.dot(mean, w1b_ref[:], preferred_element_type=jnp.float32)
             + b1_ref[:])
        x_ref[:] = jnp.maximum(x, 0.0)


def _gcn1(A, feats, scale, w1a, w1b, b1):
    return pl.pallas_call(
        _gcn1_body,
        grid=(GR2, GR2),
        in_specs=[
            pl.BlockSpec((BB, BB), lambda i, j: (i, j)),
            pl.BlockSpec((BB, 256), lambda i, j: (j, 0)),
            pl.BlockSpec((BB, 256), lambda i, j: (i, 0)),
            pl.BlockSpec((BB, 1), lambda i, j: (i, 0)),
            pl.BlockSpec((256, 128), lambda i, j: (0, 0)),
            pl.BlockSpec((256, 128), lambda i, j: (0, 0)),
            pl.BlockSpec((1, 128), lambda i, j: (0, 0)),
        ],
        out_specs=pl.BlockSpec((BB, 128), lambda i, j: (i, 0)),
        out_shape=jax.ShapeDtypeStruct((N, 128), jnp.float32),
        scratch_shapes=[pltpu.VMEM((BB, 256), jnp.float32)],
    )(A, feats, feats, scale, w1a, w1b, b1)


def _gcn2_body(A_ref, xj_ref, xi_ref, sc_ref, w2a_ref, w2b_ref, b2_ref,
               csd_ref, img_ref, ft_ref, pt_ref, pi_ref, acc):
    gj = pl.program_id(1)

    @pl.when(gj == 0)
    def _():
        acc[:] = jnp.zeros_like(acc)

    acc[:] = acc[:] + jnp.dot(A_ref[:], xj_ref[:],
                              preferred_element_type=jnp.float32)

    @pl.when(gj == GR2 - 1)
    def _():
        mean2 = acc[:] * sc_ref[:]
        x2 = (jnp.dot(xi_ref[:], w2a_ref[:], preferred_element_type=jnp.float32)
              + jnp.dot(mean2, w2b_ref[:], preferred_element_type=jnp.float32)
              + b2_ref[:])
        m = jnp.max(x2, axis=1, keepdims=True)
        sh = x2 - m
        lse = jnp.log(jnp.sum(jnp.exp(sh), axis=1, keepdims=True))
        ft = sh - lse
        ft_ref[:] = ft
        pt_ref[:] = lax.dot_general(ft, csd_ref[:], (((1,), (1,)), ((), ())),
                                    preferred_element_type=jnp.float32)
        pi_ref[:] = lax.dot_general(img_ref[:], csd_ref[:],
                                    (((1,), (1,)), ((), ())),
                                    preferred_element_type=jnp.float32)


def _gcn2(A, x, scale, w2a, w2b, b2, csd_img, img_feats):
    return pl.pallas_call(
        _gcn2_body,
        grid=(GR2, GR2),
        in_specs=[
            pl.BlockSpec((BB, BB), lambda i, j: (i, j)),
            pl.BlockSpec((BB, 128), lambda i, j: (j, 0)),
            pl.BlockSpec((BB, 128), lambda i, j: (i, 0)),
            pl.BlockSpec((BB, 1), lambda i, j: (i, 0)),
            pl.BlockSpec((128, 128), lambda i, j: (0, 0)),
            pl.BlockSpec((128, 128), lambda i, j: (0, 0)),
            pl.BlockSpec((1, 128), lambda i, j: (0, 0)),
            pl.BlockSpec((40, 128), lambda i, j: (0, 0)),
            pl.BlockSpec((BB, 128), lambda i, j: (i, 0)),
        ],
        out_specs=[
            pl.BlockSpec((BB, 128), lambda i, j: (i, 0)),
            pl.BlockSpec((BB, 40), lambda i, j: (i, 0)),
            pl.BlockSpec((BB, 40), lambda i, j: (i, 0)),
        ],
        out_shape=[
            jax.ShapeDtypeStruct((N, 128), jnp.float32),
            jax.ShapeDtypeStruct((N, 40), jnp.float32),
            jax.ShapeDtypeStruct((N, 40), jnp.float32),
        ],
        scratch_shapes=[pltpu.VMEM((BB, 128), jnp.float32)],
    )(A, x, x, scale, w2a, w2b, b2, csd_img, img_feats)


def _splat16(v):
    return jnp.full((16,), v, jnp.int32)


def kernel(adj_norm, adj_ori, feats_ori, img_feats, csd_ori, csd_img,
           Wb, Wm, Wl, W1, b1, W2, b2):
    B1 = _mm(img_feats, Wb)
    hidden = _bigmm(adj_norm, B1)
    B2 = _mm(hidden, Wm)
    mean = _bigmm(adj_norm, B2, relu=True)
    adj_logits, mx = _logits(mean)
    maxv = jnp.max(mx).reshape(1)

    keys, cnt = _keys(adj_logits, adj_ori, maxv)
    n_edges = cnt[0, 0]
    n_change = n_edges // 2

    keys3d = keys.reshape(NW, NCHUNK, CHUNK)

    par1 = jnp.concatenate([_splat16(0), _splat16(0),
                            _splat16(31), _splat16(20)])
    h1 = _sc_hist(keys3d, par1, masked=False)
    s1 = _search(h1, jnp.stack([n_change, n_change]), stage1=True)
    p1_rm, r2_rm, p1_add, r2_add = s1[0, 0], s1[1, 0], s1[2, 0], s1[3, 0]
    nnz_rm, nnz_add, n_rm, n_add = s1[4, 0], s1[5, 0], s1[6, 0], s1[7, 0]

    par2 = jnp.concatenate([_splat16(p1_rm), _splat16(2048 + p1_add),
                            _splat16(20), _splat16(10)])
    h2 = _sc_hist(keys3d, par2, masked=True)
    s2 = _search(h2, jnp.stack([r2_rm, r2_add]), stage1=False)
    p2_rm, r3_rm, p2_add, r3_add = s2[0, 0], s2[1, 0], s2[2, 0], s2[3, 0]

    pre_rm = (p1_rm << 10) | p2_rm
    pre_add = (p1_add << 10) | p2_add
    par3 = jnp.concatenate([_splat16(pre_rm), _splat16((1 << 21) | pre_add),
                            _splat16(10), _splat16(0)])
    h3 = _sc_hist(keys3d, par3, masked=True)
    s3 = _search(h3, jnp.stack([r3_rm, r3_add]), stage1=False)
    p3_rm, p3_add = s3[0, 0], s3[2, 0]

    bits_rm = (pre_rm << 10) | p3_rm
    bits_add = (pre_add << 10) | p3_add
    thresh_rm = jnp.where(nnz_rm > 0,
                          lax.bitcast_convert_type(bits_rm, jnp.float32), 0.0)
    thresh_add = jnp.where(nnz_add > 0,
                           lax.bitcast_convert_type(bits_add, jnp.float32), 0.0)

    scal = jnp.stack([thresh_rm, thresh_add,
                      (n_rm > 0).astype(jnp.float32),
                      (n_add > 0).astype(jnp.float32)])

    A, rs_abs, rs = _build(keys, adj_ori, scal)
    denom = jnp.maximum(rs_abs, 1e-12)
    deg = rs / denom + 1e-7
    scale = 1.0 / (denom * deg)

    w1a, w1b = W1[:256], W1[256:]
    w2a, w2b = W2[:128], W2[128:]
    x = _gcn1(A, feats_ori, scale, w1a, w1b, b1.reshape(1, 128))
    feat_total, preds_total, preds_img = _gcn2(
        A, x, scale, w2a, w2b, b2.reshape(1, 128), csd_img, img_feats)

    return preds_total, feat_total, preds_img, adj_logits

# --- scband reference (transcript-rebuilt; emitter-appended) ---
"""Pipeline reference for scband-gci-66211215835484 (READ-ONLY COPY).

The authoritative reference and input builder live on the scoring server;
editing this copy changes nothing except your own understanding.
"""

import jax
import jax.numpy as jnp
import numpy as np

N = 4096
DIM_FEATS = 256
DIM_H = 128
DIM_Z = 64
DIM_IMG = 128
N_CLASS = 40
ALPHA = 1.0

def _xavier(k, shape):
    lim = float(np.sqrt(6.0 / (shape[0] + shape[1])))
    return jax.random.uniform(k, shape, jnp.float32, -lim, lim)

def setup_inputs(seed: int = 0):
    key = jax.random.key(seed)
    ks = jax.random.split(key, 12)
    adj_norm = jax.random.uniform(ks[0], (N, N), jnp.float32)
    adj_ori = jax.random.randint(ks[1], (N, N), 0, 2).astype(jnp.float32)
    feats_ori = jax.random.normal(ks[2], (N, DIM_FEATS), jnp.float32)
    img_feats = jax.random.normal(ks[3], (N, DIM_IMG), jnp.float32)
    csd_ori = jax.random.normal(ks[4], (N_CLASS, DIM_FEATS), jnp.float32)
    csd_img = jax.random.normal(ks[5], (N_CLASS, DIM_IMG), jnp.float32)
    Wb = _xavier(ks[6], (DIM_IMG, DIM_H))
    Wm = _xavier(ks[7], (DIM_H, DIM_Z))
    Wl = _xavier(ks[8], (DIM_H, DIM_Z))
    W1 = _xavier(ks[9], (2 * DIM_FEATS, DIM_H))
    b1 = jnp.zeros((DIM_H,), jnp.float32)
    W2 = _xavier(ks[10], (2 * DIM_H, DIM_IMG))
    b2 = jnp.zeros((DIM_IMG,), jnp.float32)
    return {"adj_norm": adj_norm, "adj_ori": adj_ori, "feats_ori": feats_ori, "img_feats": img_feats, "csd_ori": csd_ori, "csd_img": csd_img, "Wb": Wb, "Wm": Wm, "Wl": Wl, "W1": W1, "b1": b1, "W2": W2, "b2": b2}

def _ceil_st(x):
    return x + jax.lax.stop_gradient(jnp.ceil(x) - x)

def _ep_net(adj_norm, img_feats, Wb, Wm):
    hidden = adj_norm @ (img_feats @ Wb)
    mean = jax.nn.relu(adj_norm @ (hidden @ Wm))
    return mean @ mean.T

def _edge_probs(adj_logits):
    ep = jnp.triu(adj_logits, 1)
    ep = ep - jnp.min(ep)
    ep = ep / jnp.max(ep)
    return ep

def _compute_thresholds(adj_logits, adj):
    n_edges = jnp.sum(adj != 0)
    n_change = jnp.floor(n_edges * ALPHA / 2).astype(n_edges.dtype)
    ep = _edge_probs(adj_logits)
    mask_rm = ep * adj
    nnz_rm = jnp.sum(mask_rm > 0)
    n_rm = jnp.minimum(nnz_rm, n_change)
    srt_rm = jnp.sort(jnp.where(mask_rm > 0, mask_rm, jnp.inf).ravel())
    thresh_rm = jnp.where(nnz_rm > 0, srt_rm[jnp.maximum(n_rm - 1, 0)], 0.0)
    mask_add = ep * (1.0 - adj)
    nnz_add = jnp.sum(mask_add > 0)
    n_add = jnp.minimum(nnz_add, n_change)
    srt_add = jnp.sort(jnp.where(mask_add > 0, mask_add, -jnp.inf).ravel())[::-1]
    thresh_add = jnp.where(nnz_add > 0, srt_add[jnp.maximum(n_add - 1, 0)], 0.0)
    return n_rm, thresh_rm, n_add, thresh_add

def _forward(adj_norm, adj_ori, feats_ori, img_feats, csd_img, Wb, Wm, W1, b1, W2, b2, n_rm, thresh_rm, n_add, thresh_add):
    adj_logits = _ep_net(adj_norm, img_feats, Wb, Wm)
    adj = adj_ori
    ep = _edge_probs(adj_logits)
    mask_rm = ep * adj
    mr = jnp.where(mask_rm > thresh_rm, 0.0, mask_rm)
    mr = _ceil_st(mr)
    mr = mr + mr.T
    mask_rm = jnp.where(n_rm > 0, mr, mask_rm)
    adj_new = adj - mask_rm
    mask_add = ep * (1.0 - adj)
    ma = jnp.where(mask_add < thresh_add, 0.0, mask_add)
    ma = _ceil_st(ma)
    ma = ma + ma.T
    mask_add = jnp.where(n_add > 0, ma, mask_add)
    adj_new = adj_new + mask_add
    eye = jnp.eye(adj_new.shape[0], dtype=adj_new.dtype)
    adj_new = adj_new * (1.0 - eye) + eye
    denom = jnp.maximum(jnp.sum(jnp.abs(adj_new), axis=1, keepdims=True), 1e-12)
    adj_new = adj_new / denom
    preds_img = img_feats @ csd_img.T
    h = feats_ori
    deg = jnp.sum(adj_new, axis=1, keepdims=True) + 1e-07
    mean_neigh = (adj_new @ h) / deg
    x = jax.nn.relu(jnp.concatenate([h, mean_neigh], axis=1) @ W1 + b1)
    mean_neigh2 = (adj_new @ x) / deg
    x2 = jnp.concatenate([x, mean_neigh2], axis=1) @ W2 + b2
    feat_total = jax.nn.log_softmax(x2, axis=-1)
    preds_total = feat_total @ csd_img.T
    return preds_total, feat_total, preds_img, adj_logits

def reference(adj_norm, adj_ori, feats_ori, img_feats, csd_ori, csd_img, Wb, Wm, Wl, W1, b1, W2, b2):
    adj_logits = _ep_net(adj_norm, img_feats, Wb, Wm)
    n_rm, thresh_rm, n_add, thresh_add = _compute_thresholds(adj_logits, adj_ori)
    return _forward(adj_norm, adj_ori, feats_ori, img_feats, csd_img, Wb, Wm, W1, b1, W2, b2, n_rm, thresh_rm, n_add, thresh_add)

if __name__ == "__main__":
    import jax
    _d = setup_inputs()
    print(jax.jit(kernel)(*tuple(_d.values())))

</pallas_src>

<mosaic_0001>
#map = affine_map<(d0, d1) -> (0, 0, 0)>
#map1 = affine_map<(d0, d1) -> (0)>
#map2 = affine_map<(d0, d1) -> (0, 0)>
module attributes {stable_mosaic.version = 14 : i64} {
  func.func @_sc_hist_body(%arg0: i32, %arg1: i32, %arg2: memref<32x32x16384xi32, #tpu.memory_space<hbm>>, %arg3: memref<64xi32, #tpu.memory_space<hbm>>, %arg4: memref<32x65536xi32, #tpu.memory_space<hbm>>, %arg5: memref<32768xi32, #tpu.memory_space<vmem>>, %arg6: memref<64xi32, #tpu.memory_space<vmem>>, %arg7: memref<65536xi32, #tpu.memory_space<vmem>>, %arg8: memref<!tpu.dma_semaphore, #tpu.memory_space<semaphore_mem>>, %arg9: memref<!tpu.dma_semaphore, #tpu.memory_space<semaphore_mem>>) attributes {dimension_semantics = [#tpu.dimension_semantics<core_parallel>, #tpu.dimension_semantics<subcore_parallel>], iteration_bounds = array<i64: 2, 16>, scalar_prefetch = 0 : i64, scratch_operands = 5 : i64, tpu.core_type = #tpu.core_type<sc_vector_subcore>, window_params = [{transform_indices = #map}, {transform_indices = #map1}, {transform_indices = #map2}]} {
    %mul3A = arith.constant 2 : i32
    %mul3A_0 = arith.muli %arg1, %mul3A : i32
    %add3A = arith.addi %mul3A_0, %arg0 : i32
    "tpu.region"() ({
      %run_scoped3A = tpu.sem_alloc : memref<!tpu.dma_semaphore, #tpu.memory_space<semaphore_mem>>
      tpu.enqueue_dma source(%arg3 : memref<64xi32, #tpu.memory_space<hbm>>) target(%arg6 : memref<64xi32, #tpu.memory_space<vmem>>) target_semaphore(%run_scoped3A : memref<!tpu.dma_semaphore, #tpu.memory_space<semaphore_mem>>)
      tpu.wait_dma2 semaphore(%run_scoped3A : memref<!tpu.dma_semaphore, #tpu.memory_space<semaphore_mem>>) src(%arg3 : memref<64xi32, #tpu.memory_space<hbm>>) dst(%arg6 : memref<64xi32, #tpu.memory_space<vmem>>)
      tpu.yield
    }) : () -> ()
    %scan3A = arith.constant 0 : i32
    %scan3A_1 = arith.constant 0 : i32
    %scan3A_2 = arith.constant 4096 : i32
    %scan3A_3 = arith.addi %scan3A_1, %scan3A_2 : i32
    %scan3A_4 = arith.constant 8 : i32
    scf.for %scan3A_30 = %scan3A_1 to %scan3A_3 step %scan3A_4  : i32 {
      %broadcast_in_dim3A_31 = arith.constant 0 : i32
      %broadcast_in_dim3A_32 = vector.broadcast %broadcast_in_dim3A_31 : i32 to vector<16xi32>
      %mul3A_33 = arith.constant 16 : i32
      %mul3A_34 = arith.muli %scan3A_30, %mul3A_33 : i32
      %swap3A = arith.index_cast %mul3A_34 : i32 to index
      %swap3A_35 = tpu.vector_load %arg7[%swap3A] {strides = array<i32>} : memref<65536xi32, #tpu.memory_space<vmem>>, vector<16xi32>,
      tpu.vector_store %arg7[%swap3A], %broadcast_in_dim3A_32 {strides = array<i32>} : memref<65536xi32, #tpu.memory_space<vmem>>, vector<16xi32>,
      %scan3A_36 = arith.constant 1 : i32
      %scan3A_37 = arith.addi %scan3A_30, %scan3A_36 : i32
      %broadcast_in_dim3A_38 = arith.constant 0 : i32
      %broadcast_in_dim3A_39 = vector.broadcast %broadcast_in_dim3A_38 : i32 to vector<16xi32>
      %mul3A_40 = arith.constant 16 : i32
      %mul3A_41 = arith.muli %scan3A_37, %mul3A_40 : i32
      %swap3A_42 = arith.index_cast %mul3A_41 : i32 to index
      %swap3A_43 = tpu.vector_load %arg7[%swap3A_42] {strides = array<i32>} : memref<65536xi32, #tpu.memory_space<vmem>>, vector<16xi32>,
      tpu.vector_store %arg7[%swap3A_42], %broadcast_in_dim3A_39 {strides = array<i32>} : memref<65536xi32, #tpu.memory_space<vmem>>, vector<16xi32>,
      %scan3A_44 = arith.constant 2 : i32
      %scan3A_45 = arith.addi %scan3A_30, %scan3A_44 : i32
      %broadcast_in_dim3A_46 = arith.constant 0 : i32
      %broadcast_in_dim3A_47 = vector.broadcast %broadcast_in_dim3A_46 : i32 to vector<16xi32>
      %mul3A_48 = arith.constant 16 : i32
      %mul3A_49 = arith.muli %scan3A_45, %mul3A_48 : i32
      %swap3A_50 = arith.index_cast %mul3A_49 : i32 to index
      %swap3A_51 = tpu.vector_load %arg7[%swap3A_50] {strides = array<i32>} : memref<65536xi32, #tpu.memory_space<vmem>>, vector<16xi32>,
      tpu.vector_store %arg7[%swap3A_50], %broadcast_in_dim3A_47 {strides = array<i32>} : memref<65536xi32, #tpu.memory_space<vmem>>, vector<16xi32>,
      %scan3A_52 = arith.constant 3 : i32
      %scan3A_53 = arith.addi %scan3A_30, %scan3A_52 : i32
      %broadcast_in_dim3A_54 = arith.constant 0 : i32
      %broadcast_in_dim3A_55 = vector.broadcast %broadcast_in_dim3A_54 : i32 to vector<16xi32>
      %mul3A_56 = arith.constant 16 : i32
      %mul3A_57 = arith.muli %scan3A_53, %mul3A_56 : i32
      %swap3A_58 = arith.index_cast %mul3A_57 : i32 to index
      %swap3A_59 = tpu.vector_load %arg7[%swap3A_58] {strides = array<i32>} : memref<65536xi32, #tpu.memory_space<vmem>>, vector<16xi32>,
      tpu.vector_store %arg7[%swap3A_58], %broadcast_in_dim3A_55 {strides = array<i32>} : memref<65536xi32, #tpu.memory_space<vmem>>, vector<16xi32>,
      %scan3A_60 = arith.constant 4 : i32
      %scan3A_61 = arith.addi %scan3A_30, %scan3A_60 : i32
      %broadcast_in_dim3A_62 = arith.constant 0 : i32
      %broadcast_in_dim3A_63 = vector.broadcast %broadcast_in_dim3A_62 : i32 to vector<16xi32>
      %mul3A_64 = arith.constant 16 : i32
      %mul3A_65 = arith.muli %scan3A_61, %mul3A_64 : i32
      %swap3A_66 = arith.index_cast %mul3A_65 : i32 to index
      %swap3A_67 = tpu.vector_load %arg7[%swap3A_66] {strides = array<i32>} : memref<65536xi32, #tpu.memory_space<vmem>>, vector<16xi32>,
      tpu.vector_store %arg7[%swap3A_66], %broadcast_in_dim3A_63 {strides = array<i32>} : memref<65536xi32, #tpu.memory_space<vmem>>, vector<16xi32>,
      %scan3A_68 = arith.constant 5 : i32
      %scan3A_69 = arith.addi %scan3A_30, %scan3A_68 : i32
      %broadcast_in_dim3A_70 = arith.constant 0 : i32
      %broadcast_in_dim3A_71 = vector.broadcast %broadcast_in_dim3A_70 : i32 to vector<16xi32>
      %mul3A_72 = arith.constant 16 : i32
      %mul3A_73 = arith.muli %scan3A_69, %mul3A_72 : i32
      %swap3A_74 = arith.index_cast %mul3A_73 : i32 to index
      %swap3A_75 = tpu.vector_load %arg7[%swap3A_74] {strides = array<i32>} : memref<65536xi32, #tpu.memory_space<vmem>>, vector<16xi32>,
      tpu.vector_store %arg7[%swap3A_74], %broadcast_in_dim3A_71 {strides = array<i32>} : memref<65536xi32, #tpu.memory_space<vmem>>, vector<16xi32>,
      %scan3A_76 = arith.constant 6 : i32
      %scan3A_77 = arith.addi %scan3A_30, %scan3A_76 : i32
      %broadcast_in_dim3A_78 = arith.constant 0 : i32
      %broadcast_in_dim3A_79 = vector.broadcast %broadcast_in_dim3A_78 : i32 to vector<16xi32>
      %mul3A_80 = arith.constant 16 : i32
      %mul3A_81 = arith.muli %scan3A_77, %mul3A_80 : i32
      %swap3A_82 = arith.index_cast %mul3A_81 : i32 to index
      %swap3A_83 = tpu.vector_load %arg7[%swap3A_82] {strides = array<i32>} : memref<65536xi32, #tpu.memory_space<vmem>>, vector<16xi32>,
      tpu.vector_store %arg7[%swap3A_82], %broadcast_in_dim3A_79 {strides = array<i32>} : memref<65536xi32, #tpu.memory_space<vmem>>, vector<16xi32>,
      %scan3A_84 = arith.constant 7 : i32
      %scan3A_85 = arith.addi %scan3A_30, %scan3A_84 : i32
      %broadcast_in_dim3A_86 = arith.constant 0 : i32
      %broadcast_in_dim3A_87 = vector.broadcast %broadcast_in_dim3A_86 : i32 to vector<16xi32>
      %mul3A_88 = arith.constant 16 : i32
      %mul3A_89 = arith.muli %scan3A_85, %mul3A_88 : i32
      %swap3A_90 = arith.index_cast %mul3A_89 : i32 to index
      %swap3A_91 = tpu.vector_load %arg7[%swap3A_90] {strides = array<i32>} : memref<65536xi32, #tpu.memory_space<vmem>>, vector<16xi32>,
      tpu.vector_store %arg7[%swap3A_90], %broadcast_in_dim3A_87 {strides = array<i32>} : memref<65536xi32, #tpu.memory_space<vmem>>, vector<16xi32>,
    }
    %scan3A_5 = arith.constant 4096 : i32
    %get3A = arith.constant 0 : index
    %get3A_6 = tpu.vector_load %arg6[%get3A] {strides = array<i32>} : memref<64xi32, #tpu.memory_space<vmem>>, vector<16xi32>,
    %get3A_7 = arith.constant 16 : index
    %get3A_8 = tpu.vector_load %arg6[%get3A_7] {strides = array<i32>} : memref<64xi32, #tpu.memory_space<vmem>>, vector<16xi32>,
    %get3A_9 = arith.constant 32 : index
    %get3A_10 = tpu.vector_load %arg6[%get3A_9] {strides = array<i32>} : memref<64xi32, #tpu.memory_space<vmem>>, vector<16xi32>,
    %get3A_11 = arith.constant 48 : index
    %get3A_12 = tpu.vector_load %arg6[%get3A_11] {strides = array<i32>} : memref<64xi32, #tpu.memory_space<vmem>>, vector<16xi32>,
    %iota3A = tpu.iota {dimensions = array<i32: 0>} : vector<16xi32>
    %broadcast_in_dim3A = arith.constant 1 : i32
    %broadcast_in_dim3A_13 = vector.broadcast %broadcast_in_dim3A : i32 to vector<16xi32>
    %dma_start3A = arith.constant 0 : i32
    %dma_start3A_14 = arith.constant 0 : i32
    %dma_start3A_15 = tpu.memref_slice %arg5[%dma_start3A_14] : memref<32768xi32, #tpu.memory_space<vmem>> -> memref<16384xi32, #tpu.memory_space<vmem>>
    %dma_start3A_16 = arith.constant 0 : i32
    %dma_start3A_17 = tpu.memref_slice %arg2[%add3A, %dma_start3A, %dma_start3A_16] : memref<32x32x16384xi32, #tpu.memory_space<hbm>> -> memref<1x1x16384xi32, #tpu.memory_space<hbm>>
    %dma_start3A_18 = tpu.memref_squeeze %dma_start3A_17 : memref<1x1x16384xi32, #tpu.memory_space<hbm>> -> memref<16384xi32, #tpu.memory_space<hbm>>
    %dma_start3A_19 = arith.constant 0 : i32
    %dma_start3A_20 = tpu.memref_slice %arg5[%dma_start3A_19] : memref<32768xi32, #tpu.memory_space<vmem>> -> memref<16384xi32, #tpu.memory_space<vmem>>
    %dma_start3A_21 = arith.constant 0 : i32
    %dma_start3A_22 = tpu.memref_slice %arg2[%add3A, %dma_start3A, %dma_start3A_21] : memref<32x32x16384xi32, #tpu.memory_space<hbm>> -> memref<1x1x16384xi32, #tpu.memory_space<hbm>>
    %dma_start3A_23 = tpu.memref_squeeze %dma_start3A_22 : memref<1x1x16384xi32, #tpu.memory_space<hbm>> -> memref<16384xi32, #tpu.memory_space<hbm>>
    tpu.enqueue_dma source(%dma_start3A_23 : memref<16384xi32, #tpu.memory_space<hbm>>) target(%dma_start3A_20 : memref<16384xi32, #tpu.memory_space<vmem>>) target_semaphore(%arg8 : memref<!tpu.dma_semaphore, #tpu.memory_space<semaphore_mem>>)
    %scan3A_24 = arith.constant 0 : i32
    %scan3A_25 = arith.constant 0 : i32
    %scan3A_26 = arith.constant 16 : i32
    %scan3A_27 = arith.addi %scan3A_25, %scan3A_26 : i32
    %scan3A_28 = arith.constant 1 : i32
    scf.for %scan3A_30 = %scan3A_25 to %scan3A_27 step %scan3A_28  : i32 {
      %mul3A_31 = arith.constant 2 : i32
      %mul3A_32 = arith.muli %scan3A_30, %mul3A_31 : i32
      %add3A_33 = arith.constant 1 : i32
      %add3A_34 = arith.addi %mul3A_32, %add3A_33 : i32
      %dma_start3A_35 = arith.constant 16384 : i32
      %dma_start3A_36 = tpu.memref_slice %arg5[%dma_start3A_35] : memref<32768xi32, #tpu.memory_space<vmem>> -> memref<16384xi32, #tpu.memory_space<vmem>>
      %dma_start3A_37 = arith.constant 0 : i32
      %dma_start3A_38 = tpu.memref_slice %arg2[%add3A, %add3A_34, %dma_start3A_37] : memref<32x32x16384xi32, #tpu.memory_space<hbm>> -> memref<1x1x16384xi32, #tpu.memory_space<hbm>>
      %dma_start3A_39 = tpu.memref_squeeze %dma_start3A_38 : memref<1x1x16384xi32, #tpu.memory_space<hbm>> -> memref<16384xi32, #tpu.memory_space<hbm>>
      %dma_start3A_40 = arith.constant 16384 : i32
      %dma_start3A_41 = tpu.memref_slice %arg5[%dma_start3A_40] : memref<32768xi32, #tpu.memory_space<vmem>> -> memref<16384xi32, #tpu.memory_space<vmem>>
      %dma_start3A_42 = arith.constant 0 : i32
      %dma_start3A_43 = tpu.memref_slice %arg2[%add3A, %add3A_34, %dma_start3A_42] : memref<32x32x16384xi32, #tpu.memory_space<hbm>> -> memref<1x1x16384xi32, #tpu.memory_space<hbm>>
      %dma_start3A_44 = tpu.memref_squeeze %dma_start3A_43 : memref<1x1x16384xi32, #tpu.memory_space<hbm>> -> memref<16384xi32, #tpu.memory_space<hbm>>
      tpu.enqueue_dma source(%dma_start3A_44 : memref<16384xi32, #tpu.memory_space<hbm>>) target(%dma_start3A_41 : memref<16384xi32, #tpu.memory_space<vmem>>) target_semaphore(%arg9 : memref<!tpu.dma_semaphore, #tpu.memory_space<semaphore_mem>>)
      %dma_wait3A = arith.constant 0 : i32
      %dma_wait3A_45 = arith.constant 0 : i32
      %dma_wait3A_46 = tpu.memref_slice %arg5[%dma_wait3A_45] : memref<32768xi32, #tpu.memory_space<vmem>> -> memref<16384xi32, #tpu.memory_space<vmem>>
      %dma_wait3A_47 = arith.constant 0 : i32
      %dma_wait3A_48 = tpu.memref_slice %arg2[%add3A, %dma_wait3A, %dma_wait3A_47] : memref<32x32x16384xi32, #tpu.memory_space<hbm>> -> memref<1x1x16384xi32, #tpu.memory_space<hbm>>
      %dma_wait3A_49 = tpu.memref_squeeze %dma_wait3A_48 : memref<1x1x16384xi32, #tpu.memory_space<hbm>> -> memref<16384xi32, #tpu.memory_space<hbm>>
      %dma_wait3A_50 = arith.constant 0 : i32
      %dma_wait3A_51 = tpu.memref_slice %arg5[%dma_wait3A_50] : memref<32768xi32, #tpu.memory_space<vmem>> -> memref<16384xi32, #tpu.memory_space<vmem>>
      %dma_wait3A_52 = arith.constant 0 : i32
      %dma_wait3A_53 = tpu.memref_slice %arg2[%add3A, %dma_wait3A, %dma_wait3A_52] : memref<32x32x16384xi32, #tpu.memory_space<hbm>> -> memref<1x1x16384xi32, #tpu.memory_space<hbm>>
      %dma_wait3A_54 = tpu.memref_squeeze %dma_wait3A_53 : memref<1x1x16384xi32, #tpu.memory_space<hbm>> -> memref<16384xi32, #tpu.memory_space<hbm>>
      tpu.wait_dma2 semaphore(%arg8 : memref<!tpu.dma_semaphore, #tpu.memory_space<semaphore_mem>>) src(%dma_wait3A_54 : memref<16384xi32, #tpu.memory_space<hbm>>) dst(%dma_wait3A_51 : memref<16384xi32, #tpu.memory_space<vmem>>)
      %scan3A_55 = arith.constant 0 : i32
      %scan3A_56 = arith.constant 0 : i32
      %scan3A_57 = arith.constant 1024 : i32
      %scan3A_58 = arith.addi %scan3A_56, %scan3A_57 : i32
      %scan3A_59 = arith.constant 16 : i32
      scf.for %scan3A_82 = %scan3A_56 to %scan3A_58 step %scan3A_59  : i32 {
        %mul3A_83 = arith.constant 16 : i32
        %mul3A_84 = arith.muli %scan3A_82, %mul3A_83 : i32
        %add3A_85 = arith.constant 0 : i32
        %add3A_86 = arith.addi %add3A_85, %mul3A_84 : i32
        %get3A_87 = arith.index_cast %add3A_86 : i32 to index
        %get3A_88 = tpu.vector_load %arg5[%get3A_87] {strides = array<i32>} : memref<32768xi32, #tpu.memory_space<vmem>>, vector<16xi32>,
        %shift_right_logical3A = arith.shrui %get3A_88, %get3A_12 : vector<16xi32>
        %shift_left3A = arith.constant 4 : i32
        %shift_left3A_89 = vector.broadcast %shift_left3A : i32 to vector<16xi32>
        %shift_left3A_90 = arith.shli %shift_right_logical3A, %shift_left3A_89 : vector<16xi32>
        %or3A = arith.ori %shift_left3A_90, %iota3A : vector<16xi32>
        tpu.vector_store_idx %arg7[%or3A], %broadcast_in_dim3A_13 {add = true} : memref<65536xi32, #tpu.memory_space<vmem>>[vector<16xi32>], vector<16xi32>,
        %scan3A_91 = arith.constant 1 : i32
        %scan3A_92 = arith.addi %scan3A_82, %scan3A_91 : i32
        %mul3A_93 = arith.constant 16 : i32
        %mul3A_94 = arith.muli %scan3A_92, %mul3A_93 : i32
        %add3A_95 = arith.constant 0 : i32
        %add3A_96 = arith.addi %add3A_95, %mul3A_94 : i32
        %get3A_97 = arith.index_cast %add3A_96 : i32 to index
        %get3A_98 = tpu.vector_load %arg5[%get3A_97] {strides = array<i32>} : memref<32768xi32, #tpu.memory_space<vmem>>, vector<16xi32>,
        %shift_right_logical3A_99 = arith.shrui %get3A_98, %get3A_12 : vector<16xi32>
        %shift_left3A_100 = arith.constant 4 : i32
        %shift_left3A_101 = vector.broadcast %shift_left3A_100 : i32 to vector<16xi32>
        %shift_left3A_102 = arith.shli %shift_right_logical3A_99, %shift_left3A_101 : vector<16xi32>
        %or3A_103 = arith.ori %shift_left3A_102, %iota3A : vector<16xi32>
        tpu.vector_store_idx %arg7[%or3A_103], %broadcast_in_dim3A_13 {add = true} : memref<65536xi32, #tpu.memory_space<vmem>>[vector<16xi32>], vector<16xi32>,
        %scan3A_104 = arith.constant 2 : i32
        %scan3A_105 = arith.addi %scan3A_82, %scan3A_104 : i32
        %mul3A_106 = arith.constant 16 : i32
        %mul3A_107 = arith.muli %scan3A_105, %mul3A_106 : i32
        %add3A_108 = arith.constant 0 : i32
        %add3A_109 = arith.addi %add3A_108, %mul3A_107 : i32
        %get3A_110 = arith.index_cast %add3A_109 : i32 to index
        %get3A_111 = tpu.vector_load %arg5[%get3A_110] {strides = array<i32>} : memref<32768xi32, #tpu.memory_space<vmem>>, vector<16xi32>,
        %shift_right_logical3A_112 = arith.shrui %get3A_111, %get3A_12 : vector<16xi32>
        %shift_left3A_113 = arith.constant 4 : i32
        %shift_left3A_114 = vector.broadcast %shift_left3A_113 : i32 to vector<16xi32>
        %shift_left3A_115 = arith.shli %shift_right_logical3A_112, %shift_left3A_114 : vector<16xi32>
        %or3A_116 = arith.ori %shift_left3A_115, %iota3A : vector<16xi32>
        tpu.vector_store_idx %arg7[%or3A_116], %broadcast_in_dim3A_13 {add = true} : memref<65536xi32, #tpu.memory_space<vmem>>[vector<16xi32>], vector<16xi32>,
        %scan3A_117 = arith.constant 3 : i32
        %scan3A_118 = arith.addi %scan3A_82, %scan3A_117 : i32
        %mul3A_119 = arith.constant 16 : i32
        %mul3A_120 = arith.muli %scan3A_118, %mul3A_119 : i32
        %add3A_121 = arith.constant 0 : i32
        %add3A_122 = arith.addi %add3A_121, %mul3A_120 : i32
        %get3A_123 = arith.index_cast %add3A_122 : i32 to index
        %get3A_124 = tpu.vector_load %arg5[%get3A_123] {strides = array<i32>} : memref<32768xi32, #tpu.memory_space<vmem>>, vector<16xi32>,
        %shift_right_logical3A_125 = arith.shrui %get3A_124, %get3A_12 : vector<16xi32>
        %shift_left3A_126 = arith.constant 4 : i32
        %shift_left3A_127 = vector.broadcast %shift_left3A_126 : i32 to vector<16xi32>
        %shift_left3A_128 = arith.shli %shift_right_logical3A_125, %shift_left3A_127 : vector<16xi32>
        %or3A_129 = arith.ori %shift_left3A_128, %iota3A : vector<16xi32>
        tpu.vector_store_idx %arg7[%or3A_129], %broadcast_in_dim3A_13 {add = true} : memref<65536xi32, #tpu.memory_space<vmem>>[vector<16xi32>], vector<16xi32>,
        %scan3A_130 = arith.constant 4 : i32
        %scan3A_131 = arith.addi %scan3A_82, %scan3A_130 : i32
        %mul3A_132 = arith.constant 16 : i32
        %mul3A_133 = arith.muli %scan3A_131, %mul3A_132 : i32
        %add3A_134 = arith.constant 0 : i32
        %add3A_135 = arith.addi %add3A_134, %mul3A_133 : i32
        %get3A_136 = arith.index_cast %add3A_135 : i32 to index
        %get3A_137 = tpu.vector_load %arg5[%get3A_136] {strides = array<i32>} : memref<32768xi32, #tpu.memory_space<vmem>>, vector<16xi32>,
        %shift_right_logical3A_138 = arith.shrui %get3A_137, %get3A_12 : vector<16xi32>
        %shift_left3A_139 = arith.constant 4 : i32
        %shift_left3A_140 = vector.broadcast %shift_left3A_139 : i32 to vector<16xi32>
        %shift_left3A_141 = arith.shli %shift_right_logical3A_138, %shift_left3A_140 : vector<16xi32>
        %or3A_142 = arith.ori %shift_left3A_141, %iota3A : vector<16xi32>
        tpu.vector_store_idx %arg7[%or3A_142], %broadcast_in_dim3A_13 {add = true} : memref<65536xi32, #tpu.memory_space<vmem>>[vector<16xi32>], vector<16xi32>,
        %scan3A_143 = arith.constant 5 : i32
        %scan3A_144 = arith.addi %scan3A_82, %scan3A_143 : i32
        %mul3A_145 = arith.constant 16 : i32
        %mul3A_146 = arith.muli %scan3A_144, %mul3A_145 : i32
        %add3A_147 = arith.constant 0 : i32
        %add3A_148 = arith.addi %add3A_147, %mul3A_146 : i32
        %get3A_149 = arith.index_cast %add3A_148 : i32 to index
        %get3A_150 = tpu.vector_load %arg5[%get3A_149] {strides = array<i32>} : memref<32768xi32, #tpu.memory_space<vmem>>, vector<16xi32>,
        %shift_right_logical3A_151 = arith.shrui %get3A_150, %get3A_12 : vector<16xi32>
        %shift_left3A_152 = arith.constant 4 : i32
        %shift_left3A_153 = vector.broadcast %shift_left3A_152 : i32 to vector<16xi32>
        %shift_left3A_154 = arith.shli %shift_right_logical3A_151, %shift_left3A_153 : vector<16xi32>
        %or3A_155 = arith.ori %shift_left3A_154, %iota3A : vector<16xi32>
        tpu.vector_store_idx %arg7[%or3A_155], %broadcast_in_dim3A_13 {add = true} : memref<65536xi32, #tpu.memory_space<vmem>>[vector<16xi32>], vector<16xi32>,
        %scan3A_156 = arith.constant 6 : i32
        %scan3A_157 = arith.addi %scan3A_82, %scan3A_156 : i32
        %mul3A_158 = arith.constant 16 : i32
        %mul3A_159 = arith.muli %scan3A_157, %mul3A_158 : i32
        %add3A_160 = arith.constant 0 : i32
        %add3A_161 = arith.addi %add3A_160, %mul3A_159 : i32
        %get3A_162 = arith.index_cast %add3A_161 : i32 to index
        %get3A_163 = tpu.vector_load %arg5[%get3A_162] {strides = array<i32>} : memref<32768xi32, #tpu.memory_space<vmem>>, vector<16xi32>,
        %shift_right_logical3A_164 = arith.shrui %get3A_163, %get3A_12 : vector<16xi32>
        %shift_left3A_165 = arith.constant 4 : i32
        %shift_left3A_166 = vector.broadcast %shift_left3A_165 : i32 to vector<16xi32>
        %shift_left3A_167 = arith.shli %shift_right_logical3A_164, %shift_left3A_166 : vector<16xi32>
        %or3A_168 = arith.ori %shift_left3A_167, %iota3A : vector<16xi32>
        tpu.vector_store_idx %arg7[%or3A_168], %broadcast_in_dim3A_13 {add = true} : memref<65536xi32, #tpu.memory_space<vmem>>[vector<16xi32>], vector<16xi32>,
        %scan3A_169 = arith.constant 7 : i32
        %scan3A_170 = arith.addi %scan3A_82, %scan3A_169 : i32
        %mul3A_171 = arith.constant 16 : i32
        %mul3A_172 = arith.muli %scan3A_170, %mul3A_171 : i32
        %add3A_173 = arith.constant 0 : i32
        %add3A_174 = arith.addi %add3A_173, %mul3A_172 : i32
        %get3A_175 = arith.index_cast %add3A_174 : i32 to index
        %get3A_176 = tpu.vector_load %arg5[%get3A_175] {strides = array<i32>} : memref<32768xi32, #tpu.memory_space<vmem>>, vector<16xi32>,
        %shift_right_logical3A_177 = arith.shrui %get3A_176, %get3A_12 : vector<16xi32>
        %shift_left3A_178 = arith.constant 4 : i32
        %shift_left3A_179 = vector.broadcast %shift_left3A_178 : i32 to vector<16xi32>
        %shift_left3A_180 = arith.shli %shift_right_logical3A_177, %shift_left3A_179 : vector<16xi32>
        %or3A_181 = arith.ori %shift_left3A_180, %iota3A : vector<16xi32>
        tpu.vector_store_idx %arg7[%or3A_181], %broadcast_in_dim3A_13 {add = true} : memref<65536xi32, #tpu.memory_space<vmem>>[vector<16xi32>], vector<16xi32>,
        %scan3A_182 = arith.constant 8 : i32
        %scan3A_183 = arith.addi %scan3A_82, %scan3A_182 : i32
        %mul3A_184 = arith.constant 16 : i32
        %mul3A_185 = arith.muli %scan3A_183, %mul3A_184 : i32
        %add3A_186 = arith.constant 0 : i32
        %add3A_187 = arith.addi %add3A_186, %mul3A_185 : i32
        %get3A_188 = arith.index_cast %add3A_187 : i32 to index
        %get3A_189 = tpu.vector_load %arg5[%get3A_188] {strides = array<i32>} : memref<32768xi32, #tpu.memory_space<vmem>>, vector<16xi32>,
        %shift_right_logical3A_190 = arith.shrui %get3A_189, %get3A_12 : vector<16xi32>
        %shift_left3A_191 = arith.constant 4 : i32
        %shift_left3A_192 = vector.broadcast %shift_left3A_191 : i32 to vector<16xi32>
        %shift_left3A_193 = arith.shli %shift_right_logical3A_190, %shift_left3A_192 : vector<16xi32>
        %or3A_194 = arith.ori %shift_left3A_193, %iota3A : vector<16xi32>
        tpu.vector_store_idx %arg7[%or3A_194], %broadcast_in_dim3A_13 {add = true} : memref<65536xi32, #tpu.memory_space<vmem>>[vector<16xi32>], vector<16xi32>,
        %scan3A_195 = arith.constant 9 : i32
        %scan3A_196 = arith.addi %scan3A_82, %scan3A_195 : i32
        %mul3A_197 = arith.constant 16 : i32
        %mul3A_198 = arith.muli %scan3A_196, %mul3A_197 : i32
        %add3A_199 = arith.constant 0 : i32
        %add3A_200 = arith.addi %add3A_199, %mul3A_198 : i32
        %get3A_201 = arith.index_cast %add3A_200 : i32 to index
        %get3A_202 = tpu.vector_load %arg5[%get3A_201] {strides = array<i32>} : memref<32768xi32, #tpu.memory_space<vmem>>, vector<16xi32>,
        %shift_right_logical3A_203 = arith.shrui %get3A_202, %get3A_12 : vector<16xi32>
        %shift_left3A_204 = arith.constant 4 : i32
        %shift_left3A_205 = vector.broadcast %shift_left3A_204 : i32 to vector<16xi32>
        %shift_left3A_206 = arith.shli %shift_right_logical3A_203, %shift_left3A_205 : vector<16xi32>
        %or3A_207 = arith.ori %shift_left3A_206, %iota3A : vector<16xi32>
        tpu.vector_store_idx %arg7[%or3A_207], %broadcast_in_dim3A_13 {add = true} : memref<65536xi32, #tpu.memory_space<vmem>>[vector<16xi32>], vector<16xi32>,
        %scan3A_208 = arith.constant 10 : i32
        %scan3A_209 = arith.addi %scan3A_82, %scan3A_208 : i32
        %mul3A_210 = arith.constant 16 : i32
        %mul3A_211 = arith.muli %scan3A_209, %mul3A_210 : i32
        %add3A_212 = arith.constant 0 : i32
        %add3A_213 = arith.addi %add3A_212, %mul3A_211 : i32
        %get3A_214 = arith.index_cast %add3A_213 : i32 to index
        %get3A_215 = tpu.vector_load %arg5[%get3A_214] {strides = array<i32>} : memref<32768xi32, #tpu.memory_space<vmem>>, vector<16xi32>,
        %shift_right_logical3A_216 = arith.shrui %get3A_215, %get3A_12 : vector<16xi32>
        %shift_left3A_217 = arith.constant 4 : i32
        %shift_left3A_218 = vector.broadcast %shift_left3A_217 : i32 to vector<16xi32>
        %shift_left3A_219 = arith.shli %shift_right_logical3A_216, %shift_left3A_218 : vector<16xi32>
        %or3A_220 = arith.ori %shift_left3A_219, %iota3A : vector<16xi32>
        tpu.vector_store_idx %arg7[%or3A_220], %broadcast_in_dim3A_13 {add = true} : memref<65536xi32, #tpu.memory_space<vmem>>[vector<16xi32>], vector<16xi32>,
        %scan3A_221 = arith.constant 11 : i32
        %scan3A_222 = arith.addi %scan3A_82, %scan3A_221 : i32
        %mul3A_223 = arith.constant 16 : i32
        %mul3A_224 = arith.muli %scan3A_222, %mul3A_223 : i32
        %add3A_225 = arith.constant 0 : i32
        %add3A_226 = arith.addi %add3A_225, %mul3A_224 : i32
        %get3A_227 = arith.index_cast %add3A_226 : i32 to index
        %get3A_228 = tpu.vector_load %arg5[%get3A_227] {strides = array<i32>} : memref<32768xi32, #tpu.memory_space<vmem>>, vector<16xi32>,
        %shift_right_logical3A_229 = arith.shrui %get3A_228, %get3A_12 : vector<16xi32>
        %shift_left3A_230 = arith.constant 4 : i32
        %shift_left3A_231 = vector.broadcast %shift_left3A_230 : i32 to vector<16xi32>
        %shift_left3A_232 = arith.shli %shift_right_logical3A_229, %shift_left3A_231 : vector<16xi32>
        %or3A_233 = arith.ori %shift_left3A_232, %iota3A : vector<16xi32>
        tpu.vector_store_idx %arg7[%or3A_233], %broadcast_in_dim3A_13 {add = true} : memref<65536xi32, #tpu.memory_space<vmem>>[vector<16xi32>], vector<16xi32>,
        %scan3A_234 = arith.constant 12 : i32
        %scan3A_235 = arith.addi %scan3A_82, %scan3A_234 : i32
        %mul3A_236 = arith.constant 16 : i32
        %mul3A_237 = arith.muli %scan3A_235, %mul3A_236 : i32
        %add3A_238 = arith.constant 0 : i32
        %add3A_239 = arith.addi %add3A_238, %mul3A_237 : i32
        %get3A_240 = arith.index_cast %add3A_239 : i32 to index
        %get3A_241 = tpu.vector_load %arg5[%get3A_240] {strides = array<i32>} : memref<32768xi32, #tpu.memory_space<vmem>>, vector<16xi32>,
        %shift_right_logical3A_242 = arith.shrui %get3A_241, %get3A_12 : vector<16xi32>
        %shift_left3A_243 = arith.constant 4 : i32
        %shift_left3A_244 = vector.broadcast %shift_left3A_243 : i32 to vector<16xi32>
        %shift_left3A_245 = arith.shli %shift_right_logical3A_242, %shift_left3A_244 : vector<16xi32>
        %or3A_246 = arith.ori %shift_left3A_245, %iota3A : vector<16xi32>
        tpu.vector_store_idx %arg7[%or3A_246], %broadcast_in_dim3A_13 {add = true} : memref<65536xi32, #tpu.memory_space<vmem>>[vector<16xi32>], vector<16xi32>,
        %scan3A_247 = arith.constant 13 : i32
        %scan3A_248 = arith.addi %scan3A_82, %scan3A_247 : i32
        %mul3A_249 = arith.constant 16 : i32
        %mul3A_250 = arith.muli %scan3A_248, %mul3A_249 : i32
        %add3A_251 = arith.constant 0 : i32
        %add3A_252 = arith.addi %add3A_251, %mul3A_250 : i32
        %get3A_253 = arith.index_cast %add3A_252 : i32 to index
        %get3A_254 = tpu.vector_load %arg5[%get3A_253] {strides = array<i32>} : memref<32768xi32, #tpu.memory_space<vmem>>, vector<16xi32>,
        %shift_right_logical3A_255 = arith.shrui %get3A_254, %get3A_12 : vector<16xi32>
        %shift_left3A_256 = arith.constant 4 : i32
        %shift_left3A_257 = vector.broadcast %shift_left3A_256 : i32 to vector<16xi32>
        %shift_left3A_258 = arith.shli %shift_right_logical3A_255, %shift_left3A_257 : vector<16xi32>
        %or3A_259 = arith.ori %shift_left3A_258, %iota3A : vector<16xi32>
        tpu.vector_store_idx %arg7[%or3A_259], %broadcast_in_dim3A_13 {add = true} : memref<65536xi32, #tpu.memory_space<vmem>>[vector<16xi32>], vector<16xi32>,
        %scan3A_260 = arith.constant 14 : i32
        %scan3A_261 = arith.addi %scan3A_82, %scan3A_260 : i32
        %mul3A_262 = arith.constant 16 : i32
        %mul3A_263 = arith.muli %scan3A_261, %mul3A_262 : i32
        %add3A_264 = arith.constant 0 : i32
        %add3A_265 = arith.addi %add3A_264, %mul3A_263 : i32
        %get3A_266 = arith.index_cast %add3A_265 : i32 to index
        %get3A_267 = tpu.vector_load %arg5[%get3A_266] {strides = array<i32>} : memref<32768xi32, #tpu.memory_space<vmem>>, vector<16xi32>,
        %shift_right_logical3A_268 = arith.shrui %get3A_267, %get3A_12 : vector<16xi32>
        %shift_left3A_269 = arith.constant 4 : i32
        %shift_left3A_270 = vector.broadcast %shift_left3A_269 : i32 to vector<16xi32>
        %shift_left3A_271 = arith.shli %shift_right_logical3A_268, %shift_left3A_270 : vector<16xi32>
        %or3A_272 = arith.ori %shift_left3A_271, %iota3A : vector<16xi32>
        tpu.vector_store_idx %arg7[%or3A_272], %broadcast_in_dim3A_13 {add = true} : memref<65536xi32, #tpu.memory_space<vmem>>[vector<16xi32>], vector<16xi32>,
        %scan3A_273 = arith.constant 15 : i32
        %scan3A_274 = arith.addi %scan3A_82, %scan3A_273 : i32
        %mul3A_275 = arith.constant 16 : i32
        %mul3A_276 = arith.muli %scan3A_274, %mul3A_275 : i32
        %add3A_277 = arith.constant 0 : i32
        %add3A_278 = arith.addi %add3A_277, %mul3A_276 : i32
        %get3A_279 = arith.index_cast %add3A_278 : i32 to index
        %get3A_280 = tpu.vector_load %arg5[%get3A_279] {strides = array<i32>} : memref<32768xi32, #tpu.memory_space<vmem>>, vector<16xi32>,
        %shift_right_logical3A_281 = arith.shrui %get3A_280, %get3A_12 : vector<16xi32>
        %shift_left3A_282 = arith.constant 4 : i32
        %shift_left3A_283 = vector.broadcast %shift_left3A_282 : i32 to vector<16xi32>
        %shift_left3A_284 = arith.shli %shift_right_logical3A_281, %shift_left3A_283 : vector<16xi32>
        %or3A_285 = arith.ori %shift_left3A_284, %iota3A : vector<16xi32>
        tpu.vector_store_idx %arg7[%or3A_285], %broadcast_in_dim3A_13 {add = true} : memref<65536xi32, #tpu.memory_space<vmem>>[vector<16xi32>], vector<16xi32>,
      }
      %scan3A_60 = arith.constant 1024 : i32
      %add3A_61 = arith.constant 2 : i32
      %add3A_62 = arith.addi %mul3A_32, %add3A_61 : i32
      %lt3A = arith.constant 32 : i32
      %lt3A_63 = arith.cmpi slt, %add3A_62, %lt3A : i32
      %convert_element_type3A = arith.extui %lt3A_63 : i1 to i32
      %cond3A = arith.constant 0 : i32
      %cond3A_64 = arith.cmpi ne, %convert_element_type3A, %cond3A : i32
      scf.if %cond3A_64 {
        %add3A_82 = arith.constant 2 : i32
        %add3A_83 = arith.addi %mul3A_32, %add3A_82 : i32
        %dma_start3A_84 = arith.constant 0 : i32
        %dma_start3A_85 = tpu.memref_slice %arg5[%dma_start3A_84] : memref<32768xi32, #tpu.memory_space<vmem>> -> memref<16384xi32, #tpu.memory_space<vmem>>
        %dma_start3A_86 = arith.constant 0 : i32
        %dma_start3A_87 = tpu.memref_slice %arg2[%add3A, %add3A_83, %dma_start3A_86] : memref<32x32x16384xi32, #tpu.memory_space<hbm>> -> memref<1x1x16384xi32, #tpu.memory_space<hbm>>
        %dma_start3A_88 = tpu.memref_squeeze %dma_start3A_87 : memref<1x1x16384xi32, #tpu.memory_space<hbm>> -> memref<16384xi32, #tpu.memory_space<hbm>>
        %dma_start3A_89 = arith.constant 0 : i32
        %dma_start3A_90 = tpu.memref_slice %arg5[%dma_start3A_89] : memref<32768xi32, #tpu.memory_space<vmem>> -> memref<16384xi32, #tpu.memory_space<vmem>>
        %dma_start3A_91 = arith.constant 0 : i32
        %dma_start3A_92 = tpu.memref_slice %arg2[%add3A, %add3A_83, %dma_start3A_91] : memref<32x32x16384xi32, #tpu.memory_space<hbm>> -> memref<1x1x16384xi32, #tpu.memory_space<hbm>>
        %dma_start3A_93 = tpu.memref_squeeze %dma_start3A_92 : memref<1x1x16384xi32, #tpu.memory_space<hbm>> -> memref<16384xi32, #tpu.memory_space<hbm>>
        tpu.enqueue_dma source(%dma_start3A_93 : memref<16384xi32, #tpu.memory_space<hbm>>) target(%dma_start3A_90 : memref<16384xi32, #tpu.memory_space<vmem>>) target_semaphore(%arg8 : memref<!tpu.dma_semaphore, #tpu.memory_space<semaphore_mem>>)
      } else {
      }
      %dma_wait3A_65 = arith.constant 0 : i32
      %dma_wait3A_66 = arith.constant 16384 : i32
      %dma_wait3A_67 = tpu.memref_slice %arg5[%dma_wait3A_66] : memref<32768xi32, #tpu.memory_space<vmem>> -> memref<16384xi32, #tpu.memory_space<vmem>>
      %dma_wait3A_68 = arith.constant 0 : i32
      %dma_wait3A_69 = tpu.memref_slice %arg2[%add3A, %dma_wait3A_65, %dma_wait3A_68] : memref<32x32x16384xi32, #tpu.memory_space<hbm>> -> memref<1x1x16384xi32, #tpu.memory_space<hbm>>
      %dma_wait3A_70 = tpu.memref_squeeze %dma_wait3A_69 : memref<1x1x16384xi32, #tpu.memory_space<hbm>> -> memref<16384xi32, #tpu.memory_space<hbm>>
      %dma_wait3A_71 = arith.constant 16384 : i32
      %dma_wait3A_72 = tpu.memref_slice %arg5[%dma_wait3A_71] : memref<32768xi32, #tpu.memory_space<vmem>> -> memref<16384xi32, #tpu.memory_space<vmem>>
      %dma_wait3A_73 = arith.constant 0 : i32
      %dma_wait3A_74 = tpu.memref_slice %arg2[%add3A, %dma_wait3A_65, %dma_wait3A_73] : memref<32x32x16384xi32, #tpu.memory_space<hbm>> -> memref<1x1x16384xi32, #tpu.memory_space<hbm>>
      %dma_wait3A_75 = tpu.memref_squeeze %dma_wait3A_74 : memref<1x1x16384xi32, #tpu.memory_space<hbm>> -> memref<16384xi32, #tpu.memory_space<hbm>>
      tpu.wait_dma2 semaphore(%arg9 : memref<!tpu.dma_semaphore, #tpu.memory_space<semaphore_mem>>) src(%dma_wait3A_75 : memref<16384xi32, #tpu.memory_space<hbm>>) dst(%dma_wait3A_72 : memref<16384xi32, #tpu.memory_space<vmem>>)
      %scan3A_76 = arith.constant 0 : i32
      %scan3A_77 = arith.constant 0 : i32
      %scan3A_78 = arith.constant 1024 : i32
      %scan3A_79 = arith.addi %scan3A_77, %scan3A_78 : i32
      %scan3A_80 = arith.constant 16 : i32
      scf.for %scan3A_82 = %scan3A_77 to %scan3A_79 step %scan3A_80  : i32 {
        %mul3A_83 = arith.constant 16 : i32
        %mul3A_84 = arith.muli %scan3A_82, %mul3A_83 : i32
        %add3A_85 = arith.constant 16384 : i32
        %add3A_86 = arith.addi %add3A_85, %mul3A_84 : i32
        %get3A_87 = arith.index_cast %add3A_86 : i32 to index
        %get3A_88 = tpu.vector_load %arg5[%get3A_87] {strides = array<i32>} : memref<32768xi32, #tpu.memory_space<vmem>>, vector<16xi32>,
        %shift_right_logical3A = arith.shrui %get3A_88, %get3A_12 : vector<16xi32>
        %shift_left3A = arith.constant 4 : i32
        %shift_left3A_89 = vector.broadcast %shift_left3A : i32 to vector<16xi32>
        %shift_left3A_90 = arith.shli %shift_right_logical3A, %shift_left3A_89 : vector<16xi32>
        %or3A = arith.ori %shift_left3A_90, %iota3A : vector<16xi32>
        tpu.vector_store_idx %arg7[%or3A], %broadcast_in_dim3A_13 {add = true} : memref<65536xi32, #tpu.memory_space<vmem>>[vector<16xi32>], vector<16xi32>,
        %scan3A_91 = arith.constant 1 : i32
        %scan3A_92 = arith.addi %scan3A_82, %scan3A_91 : i32
        %mul3A_93 = arith.constant 16 : i32
        %mul3A_94 = arith.muli %scan3A_92, %mul3A_93 : i32
        %add3A_95 = arith.constant 16384 : i32
        %add3A_96 = arith.addi %add3A_95, %mul3A_94 : i32
        %get3A_97 = arith.index_cast %add3A_96 : i32 to index
        %get3A_98 = tpu.vector_load %arg5[%get3A_97] {strides = array<i32>} : memref<32768xi32, #tpu.memory_space<vmem>>, vector<16xi32>,
        %shift_right_logical3A_99 = arith.shrui %get3A_98, %get3A_12 : vector<16xi32>
        %shift_left3A_100 = arith.constant 4 : i32
        %shift_left3A_101 = vector.broadcast %shift_left3A_100 : i32 to vector<16xi32>
        %shift_left3A_102 = arith.shli %shift_right_logical3A_99, %shift_left3A_101 : vector<16xi32>
        %or3A_103 = arith.ori %shift_left3A_102, %iota3A : vector<16xi32>
        tpu.vector_store_idx %arg7[%or3A_103], %broadcast_in_dim3A_13 {add = true} : memref<65536xi32, #tpu.memory_space<vmem>>[vector<16xi32>], vector<16xi32>,
        %scan3A_104 = arith.constant 2 : i32
        %scan3A_105 = arith.addi %scan3A_82, %scan3A_104 : i32
        %mul3A_106 = arith.constant 16 : i32
        %mul3A_107 = arith.muli %scan3A_105, %mul3A_106 : i32
        %add3A_108 = arith.constant 16384 : i32
        %add3A_109 = arith.addi %add3A_108, %mul3A_107 : i32
        %get3A_110 = arith.index_cast %add3A_109 : i32 to index
        %get3A_111 = tpu.vector_load %arg5[%get3A_110] {strides = array<i32>} : memref<32768xi32, #tpu.memory_space<vmem>>, vector<16xi32>,
        %shift_right_logical3A_112 = arith.shrui %get3A_111, %get3A_12 : vector<16xi32>
        %shift_left3A_113 = arith.constant 4 : i32
        %shift_left3A_114 = vector.broadcast %shift_left3A_113 : i32 to vector<16xi32>
        %shift_left3A_115 = arith.shli %shift_right_logical3A_112, %shift_left3A_114 : vector<16xi32>
        %or3A_116 = arith.ori %shift_left3A_115, %iota3A : vector<16xi32>
        tpu.vector_store_idx %arg7[%or3A_116], %broadcast_in_dim3A_13 {add = true} : memref<65536xi32, #tpu.memory_space<vmem>>[vector<16xi32>], vector<16xi32>,
        %scan3A_117 = arith.constant 3 : i32
        %scan3A_118 = arith.addi %scan3A_82, %scan3A_117 : i32
        %mul3A_119 = arith.constant 16 : i32
        %mul3A_120 = arith.muli %scan3A_118, %mul3A_119 : i32
        %add3A_121 = arith.constant 16384 : i32
        %add3A_122 = arith.addi %add3A_121, %mul3A_120 : i32
        %get3A_123 = arith.index_cast %add3A_122 : i32 to index
        %get3A_124 = tpu.vector_load %arg5[%get3A_123] {strides = array<i32>} : memref<32768xi32, #tpu.memory_space<vmem>>, vector<16xi32>,
        %shift_right_logical3A_125 = arith.shrui %get3A_124, %get3A_12 : vector<16xi32>
        %shift_left3A_126 = arith.constant 4 : i32
        %shift_left3A_127 = vector.broadcast %shift_left3A_126 : i32 to vector<16xi32>
        %shift_left3A_128 = arith.shli %shift_right_logical3A_125, %shift_left3A_127 : vector<16xi32>
        %or3A_129 = arith.ori %shift_left3A_128, %iota3A : vector<16xi32>
        tpu.vector_store_idx %arg7[%or3A_129], %broadcast_in_dim3A_13 {add = true} : memref<65536xi32, #tpu.memory_space<vmem>>[vector<16xi32>], vector<16xi32>,
        %scan3A_130 = arith.constant 4 : i32
        %scan3A_131 = arith.addi %scan3A_82, %scan3A_130 : i32
        %mul3A_132 = arith.constant 16 : i32
        %mul3A_133 = arith.muli %scan3A_131, %mul3A_132 : i32
        %add3A_134 = arith.constant 16384 : i32
        %add3A_135 = arith.addi %add3A_134, %mul3A_133 : i32
        %get3A_136 = arith.index_cast %add3A_135 : i32 to index
        %get3A_137 = tpu.vector_load %arg5[%get3A_136] {strides = array<i32>} : memref<32768xi32, #tpu.memory_space<vmem>>, vector<16xi32>,
        %shift_right_logical3A_138 = arith.shrui %get3A_137, %get3A_12 : vector<16xi32>
        %shift_left3A_139 = arith.constant 4 : i32
        %shift_left3A_140 = vector.broadcast %shift_left3A_139 : i32 to vector<16xi32>
        %shift_left3A_141 = arith.shli %shift_right_logical3A_138, %shift_left3A_140 : vector<16xi32>
        %or3A_142 = arith.ori %shift_left3A_141, %iota3A : vector<16xi32>
        tpu.vector_store_idx %arg7[%or3A_142], %broadcast_in_dim3A_13 {add = true} : memref<65536xi32, #tpu.memory_space<vmem>>[vector<16xi32>], vector<16xi32>,
        %scan3A_143 = arith.constant 5 : i32
        %scan3A_144 = arith.addi %scan3A_82, %scan3A_143 : i32
        %mul3A_145 = arith.constant 16 : i32
        %mul3A_146 = arith.muli %scan3A_144, %mul3A_145 : i32
        %add3A_147 = arith.constant 16384 : i32
        %add3A_148 = arith.addi %add3A_147, %mul3A_146 : i32
        %get3A_149 = arith.index_cast %add3A_148 : i32 to index
        %get3A_150 = tpu.vector_load %arg5[%get3A_149] {strides = array<i32>} : memref<32768xi32, #tpu.memory_space<vmem>>, vector<16xi32>,
        %shift_right_logical3A_151 = arith.shrui %get3A_150, %get3A_12 : vector<16xi32>
        %shift_left3A_152 = arith.constant 4 : i32
        %shift_left3A_153 = vector.broadcast %shift_left3A_152 : i32 to vector<16xi32>
        %shift_left3A_154 = arith.shli %shift_right_logical3A_151, %shift_left3A_153 : vector<16xi32>
        %or3A_155 = arith.ori %shift_left3A_154, %iota3A : vector<16xi32>
        tpu.vector_store_idx %arg7[%or3A_155], %broadcast_in_dim3A_13 {add = true} : memref<65536xi32, #tpu.memory_space<vmem>>[vector<16xi32>], vector<16xi32>,
        %scan3A_156 = arith.constant 6 : i32
        %scan3A_157 = arith.addi %scan3A_82, %scan3A_156 : i32
        %mul3A_158 = arith.constant 16 : i32
        %mul3A_159 = arith.muli %scan3A_157, %mul3A_158 : i32
        %add3A_160 = arith.constant 16384 : i32
        %add3A_161 = arith.addi %add3A_160, %mul3A_159 : i32
        %get3A_162 = arith.index_cast %add3A_161 : i32 to index
        %get3A_163 = tpu.vector_load %arg5[%get3A_162] {strides = array<i32>} : memref<32768xi32, #tpu.memory_space<vmem>>, vector<16xi32>,
        %shift_right_logical3A_164 = arith.shrui %get3A_163, %get3A_12 : vector<16xi32>
        %shift_left3A_165 = arith.constant 4 : i32
        %shift_left3A_166 = vector.broadcast %shift_left3A_165 : i32 to vector<16xi32>
        %shift_left3A_167 = arith.shli %shift_right_logical3A_164, %shift_left3A_166 : vector<16xi32>
        %or3A_168 = arith.ori %shift_left3A_167, %iota3A : vector<16xi32>
        tpu.vector_store_idx %arg7[%or3A_168], %broadcast_in_dim3A_13 {add = true} : memref<65536xi32, #tpu.memory_space<vmem>>[vector<16xi32>], vector<16xi32>,
        %scan3A_169 = arith.constant 7 : i32
        %scan3A_170 = arith.addi %scan3A_82, %scan3A_169 : i32
        %mul3A_171 = arith.constant 16 : i32
        %mul3A_172 = arith.muli %scan3A_170, %mul3A_171 : i32
        %add3A_173 = arith.constant 16384 : i32
        %add3A_174 = arith.addi %add3A_173, %mul3A_172 : i32
        %get3A_175 = arith.index_cast %add3A_174 : i32 to index
        %get3A_176 = tpu.vector_load %arg5[%get3A_175] {strides = array<i32>} : memref<32768xi32, #tpu.memory_space<vmem>>, vector<16xi32>,
        %shift_right_logical3A_177 = arith.shrui %get3A_176, %get3A_12 : vector<16xi32>
        %shift_left3A_178 = arith.constant 4 : i32
        %shift_left3A_179 = vector.broadcast %shift_left3A_178 : i32 to vector<16xi32>
        %shift_left3A_180 = arith.shli %shift_right_logical3A_177, %shift_left3A_179 : vector<16xi32>
        %or3A_181 = arith.ori %shift_left3A_180, %iota3A : vector<16xi32>
        tpu.vector_store_idx %arg7[%or3A_181], %broadcast_in_dim3A_13 {add = true} : memref<65536xi32, #tpu.memory_space<vmem>>[vector<16xi32>], vector<16xi32>,
        %scan3A_182 = arith.constant 8 : i32
        %scan3A_183 = arith.addi %scan3A_82, %scan3A_182 : i32
        %mul3A_184 = arith.constant 16 : i32
        %mul3A_185 = arith.muli %scan3A_183, %mul3A_184 : i32
        %add3A_186 = arith.constant 16384 : i32
        %add3A_187 = arith.addi %add3A_186, %mul3A_185 : i32
        %get3A_188 = arith.index_cast %add3A_187 : i32 to index
        %get3A_189 = tpu.vector_load %arg5[%get3A_188] {strides = array<i32>} : memref<32768xi32, #tpu.memory_space<vmem>>, vector<16xi32>,
        %shift_right_logical3A_190 = arith.shrui %get3A_189, %get3A_12 : vector<16xi32>
        %shift_left3A_191 = arith.constant 4 : i32
        %shift_left3A_192 = vector.broadcast %shift_left3A_191 : i32 to vector<16xi32>
        %shift_left3A_193 = arith.shli %shift_right_logical3A_190, %shift_left3A_192 : vector<16xi32>
        %or3A_194 = arith.ori %shift_left3A_193, %iota3A : vector<16xi32>
        tpu.vector_store_idx %arg7[%or3A_194], %broadcast_in_dim3A_13 {add = true} : memref<65536xi32, #tpu.memory_space<vmem>>[vector<16xi32>], vector<16xi32>,
        %scan3A_195 = arith.constant 9 : i32
        %scan3A_196 = arith.addi %scan3A_82, %scan3A_195 : i32
        %mul3A_197 = arith.constant 16 : i32
        %mul3A_198 = arith.muli %scan3A_196, %mul3A_197 : i32
        %add3A_199 = arith.constant 16384 : i32
        %add3A_200 = arith.addi %add3A_199, %mul3A_198 : i32
        %get3A_201 = arith.index_cast %add3A_200 : i32 to index
        %get3A_202 = tpu.vector_load %arg5[%get3A_201] {strides = array<i32>} : memref<32768xi32, #tpu.memory_space<vmem>>, vector<16xi32>,
        %shift_right_logical3A_203 = arith.shrui %get3A_202, %get3A_12 : vector<16xi32>
        %shift_left3A_204 = arith.constant 4 : i32
        %shift_left3A_205 = vector.broadcast %shift_left3A_204 : i32 to vector<16xi32>
        %shift_left3A_206 = arith.shli %shift_right_logical3A_203, %shift_left3A_205 : vector<16xi32>
        %or3A_207 = arith.ori %shift_left3A_206, %iota3A : vector<16xi32>
        tpu.vector_store_idx %arg7[%or3A_207], %broadcast_in_dim3A_13 {add = true} : memref<65536xi32, #tpu.memory_space<vmem>>[vector<16xi32>], vector<16xi32>,
        %scan3A_208 = arith.constant 10 : i32
        %scan3A_209 = arith.addi %scan3A_82, %scan3A_208 : i32
        %mul3A_210 = arith.constant 16 : i32
        %mul3A_211 = arith.muli %scan3A_209, %mul3A_210 : i32
        %add3A_212 = arith.constant 16384 : i32
        %add3A_213 = arith.addi %add3A_212, %mul3A_211 : i32
        %get3A_214 = arith.index_cast %add3A_213 : i32 to index
        %get3A_215 = tpu.vector_load %arg5[%get3A_214] {strides = array<i32>} : memref<32768xi32, #tpu.memory_space<vmem>>, vector<16xi32>,
        %shift_right_logical3A_216 = arith.shrui %get3A_215, %get3A_12 : vector<16xi32>
        %shift_left3A_217 = arith.constant 4 : i32
        %shift_left3A_218 = vector.broadcast %shift_left3A_217 : i32 to vector<16xi32>
        %shift_left3A_219 = arith.shli %shift_right_logical3A_216, %shift_left3A_218 : vector<16xi32>
        %or3A_220 = arith.ori %shift_left3A_219, %iota3A : vector<16xi32>
        tpu.vector_store_idx %arg7[%or3A_220], %broadcast_in_dim3A_13 {add = true} : memref<65536xi32, #tpu.memory_space<vmem>>[vector<16xi32>], vector<16xi32>,
        %scan3A_221 = arith.constant 11 : i32
        %scan3A_222 = arith.addi %scan3A_82, %scan3A_221 : i32
        %mul3A_223 = arith.constant 16 : i32
        %mul3A_224 = arith.muli %scan3A_222, %mul3A_223 : i32
        %add3A_225 = arith.constant 16384 : i32
        %add3A_226 = arith.addi %add3A_225, %mul3A_224 : i32
        %get3A_227 = arith.index_cast %add3A_226 : i32 to index
        %get3A_228 = tpu.vector_load %arg5[%get3A_227] {strides = array<i32>} : memref<32768xi32, #tpu.memory_space<vmem>>, vector<16xi32>,
        %shift_right_logical3A_229 = arith.shrui %get3A_228, %get3A_12 : vector<16xi32>
        %shift_left3A_230 = arith.constant 4 : i32
        %shift_left3A_231 = vector.broadcast %shift_left3A_230 : i32 to vector<16xi32>
        %shift_left3A_232 = arith.shli %shift_right_logical3A_229, %shift_left3A_231 : vector<16xi32>
        %or3A_233 = arith.ori %shift_left3A_232, %iota3A : vector<16xi32>
        tpu.vector_store_idx %arg7[%or3A_233], %broadcast_in_dim3A_13 {add = true} : memref<65536xi32, #tpu.memory_space<vmem>>[vector<16xi32>], vector<16xi32>,
        %scan3A_234 = arith.constant 12 : i32
        %scan3A_235 = arith.addi %scan3A_82, %scan3A_234 : i32
        %mul3A_236 = arith.constant 16 : i32
        %mul3A_237 = arith.muli %scan3A_235, %mul3A_236 : i32
        %add3A_238 = arith.constant 16384 : i32
        %add3A_239 = arith.addi %add3A_238, %mul3A_237 : i32
        %get3A_240 = arith.index_cast %add3A_239 : i32 to index
        %get3A_241 = tpu.vector_load %arg5[%get3A_240] {strides = array<i32>} : memref<32768xi32, #tpu.memory_space<vmem>>, vector<16xi32>,
        %shift_right_logical3A_242 = arith.shrui %get3A_241, %get3A_12 : vector<16xi32>
        %shift_left3A_243 = arith.constant 4 : i32
        %shift_left3A_244 = vector.broadcast %shift_left3A_243 : i32 to vector<16xi32>
        %shift_left3A_245 = arith.shli %shift_right_logical3A_242, %shift_left3A_244 : vector<16xi32>
        %or3A_246 = arith.ori %shift_left3A_245, %iota3A : vector<16xi32>
        tpu.vector_store_idx %arg7[%or3A_246], %broadcast_in_dim3A_13 {add = true} : memref<65536xi32, #tpu.memory_space<vmem>>[vector<16xi32>], vector<16xi32>,
        %scan3A_247 = arith.constant 13 : i32
        %scan3A_248 = arith.addi %scan3A_82, %scan3A_247 : i32
        %mul3A_249 = arith.constant 16 : i32
        %mul3A_250 = arith.muli %scan3A_248, %mul3A_249 : i32
        %add3A_251 = arith.constant 16384 : i32
        %add3A_252 = arith.addi %add3A_251, %mul3A_250 : i32
        %get3A_253 = arith.index_cast %add3A_252 : i32 to index
        %get3A_254 = tpu.vector_load %arg5[%get3A_253] {strides = array<i32>} : memref<32768xi32, #tpu.memory_space<vmem>>, vector<16xi32>,
        %shift_right_logical3A_255 = arith.shrui %get3A_254, %get3A_12 : vector<16xi32>
        %shift_left3A_256 = arith.constant 4 : i32
        %shift_left3A_257 = vector.broadcast %shift_left3A_256 : i32 to vector<16xi32>
        %shift_left3A_258 = arith.shli %shift_right_logical3A_255, %shift_left3A_257 : vector<16xi32>
        %or3A_259 = arith.ori %shift_left3A_258, %iota3A : vector<16xi32>
        tpu.vector_store_idx %arg7[%or3A_259], %broadcast_in_dim3A_13 {add = true} : memref<65536xi32, #tpu.memory_space<vmem>>[vector<16xi32>], vector<16xi32>,
        %scan3A_260 = arith.constant 14 : i32
        %scan3A_261 = arith.addi %scan3A_82, %scan3A_260 : i32
        %mul3A_262 = arith.constant 16 : i32
        %mul3A_263 = arith.muli %scan3A_261, %mul3A_262 : i32
        %add3A_264 = arith.constant 16384 : i32
        %add3A_265 = arith.addi %add3A_264, %mul3A_263 : i32
        %get3A_266 = arith.index_cast %add3A_265 : i32 to index
        %get3A_267 = tpu.vector_load %arg5[%get3A_266] {strides = array<i32>} : memref<32768xi32, #tpu.memory_space<vmem>>, vector<16xi32>,
        %shift_right_logical3A_268 = arith.shrui %get3A_267, %get3A_12 : vector<16xi32>
        %shift_left3A_269 = arith.constant 4 : i32
        %shift_left3A_270 = vector.broadcast %shift_left3A_269 : i32 to vector<16xi32>
        %shift_left3A_271 = arith.shli %shift_right_logical3A_268, %shift_left3A_270 : vector<16xi32>
        %or3A_272 = arith.ori %shift_left3A_271, %iota3A : vector<16xi32>
        tpu.vector_store_idx %arg7[%or3A_272], %broadcast_in_dim3A_13 {add = true} : memref<65536xi32, #tpu.memory_space<vmem>>[vector<16xi32>], vector<16xi32>,
        %scan3A_273 = arith.constant 15 : i32
        %scan3A_274 = arith.addi %scan3A_82, %scan3A_273 : i32
        %mul3A_275 = arith.constant 16 : i32
        %mul3A_276 = arith.muli %scan3A_274, %mul3A_275 : i32
        %add3A_277 = arith.constant 16384 : i32
        %add3A_278 = arith.addi %add3A_277, %mul3A_276 : i32
        %get3A_279 = arith.index_cast %add3A_278 : i32 to index
        %get3A_280 = tpu.vector_load %arg5[%get3A_279] {strides = array<i32>} : memref<32768xi32, #tpu.memory_space<vmem>>, vector<16xi32>,
        %shift_right_logical3A_281 = arith.shrui %get3A_280, %get3A_12 : vector<16xi32>
        %shift_left3A_282 = arith.constant 4 : i32
        %shift_left3A_283 = vector.broadcast %shift_left3A_282 : i32 to vector<16xi32>
        %shift_left3A_284 = arith.shli %shift_right_logical3A_281, %shift_left3A_283 : vector<16xi32>
        %or3A_285 = arith.ori %shift_left3A_284, %iota3A : vector<16xi32>
        tpu.vector_store_idx %arg7[%or3A_285], %broadcast_in_dim3A_13 {add = true} : memref<65536xi32, #tpu.memory_space<vmem>>[vector<16xi32>], vector<16xi32>,
      }
      %scan3A_81 = arith.constant 1024 : i32
    }
    %scan3A_29 = arith.constant 16 : i32
    "tpu.region"() ({
      %run_scoped3A = tpu.sem_alloc : memref<!tpu.dma_semaphore, #tpu.memory_space<semaphore_mem>>
      %dma_start3A_30 = arith.constant 0 : i32
      %dma_start3A_31 = tpu.memref_slice %arg4[%add3A, %dma_start3A_30] : memref<32x65536xi32, #tpu.memory_space<hbm>> -> memref<1x65536xi32, #tpu.memory_space<hbm>>
      %dma_start3A_32 = tpu.memref_squeeze %dma_start3A_31 : memref<1x65536xi32, #tpu.memory_space<hbm>> -> memref<65536xi32, #tpu.memory_space<hbm>>
      %dma_start3A_33 = arith.constant 0 : i32
      %dma_start3A_34 = tpu.memref_slice %arg4[%add3A, %dma_start3A_33] : memref<32x65536xi32, #tpu.memory_space<hbm>> -> memref<1x65536xi32, #tpu.memory_space<hbm>>
      %dma_start3A_35 = tpu.memref_squeeze %dma_start3A_34 : memref<1x65536xi32, #tpu.memory_space<hbm>> -> memref<65536xi32, #tpu.memory_space<hbm>>
      tpu.enqueue_dma source(%arg7 : memref<65536xi32, #tpu.memory_space<vmem>>) target(%dma_start3A_35 : memref<65536xi32, #tpu.memory_space<hbm>>) target_semaphore(%run_scoped3A : memref<!tpu.dma_semaphore, #tpu.memory_space<semaphore_mem>>)
      %dma_wait3A = arith.constant 0 : i32
      %dma_wait3A_36 = tpu.memref_slice %arg4[%add3A, %dma_wait3A] : memref<32x65536xi32, #tpu.memory_space<hbm>> -> memref<1x65536xi32, #tpu.memory_space<hbm>>
      %dma_wait3A_37 = tpu.memref_squeeze %dma_wait3A_36 : memref<1x65536xi32, #tpu.memory_space<hbm>> -> memref<65536xi32, #tpu.memory_space<hbm>>
      %dma_wait3A_38 = arith.constant 0 : i32
      %dma_wait3A_39 = tpu.memref_slice %arg4[%add3A, %dma_wait3A_38] : memref<32x65536xi32, #tpu.memory_space<hbm>> -> memref<1x65536xi32, #tpu.memory_space<hbm>>
      %dma_wait3A_40 = tpu.memref_squeeze %dma_wait3A_39 : memref<1x65536xi32, #tpu.memory_space<hbm>> -> memref<65536xi32, #tpu.memory_space<hbm>>
      tpu.wait_dma2 semaphore(%run_scoped3A : memref<!tpu.dma_semaphore, #tpu.memory_space<semaphore_mem>>) src(%arg7 : memref<65536xi32, #tpu.memory_space<vmem>>) dst(%dma_wait3A_40 : memref<65536xi32, #tpu.memory_space<hbm>>)
      tpu.yield
    }) : () -> ()
    return
  }
}

#map = affine_map<(d0, d1) -> (0, 0, 0)>
#map1 = affine_map<(d0, d1) -> (0)>
module attributes {stable_mosaic.version = 14 : i64} {
  func.func @_sc_hist_body(%arg0: i32, %arg1: i32, %arg2: memref<32x32x16384xi32, #tpu.memory_space<hbm>>, %arg3: memref<64xi32, #tpu.memory_space<hbm>>, %arg4: memref<32x2x32768xi32, #tpu.memory_space<hbm>>, %arg5: memref<32768xi32, #tpu.memory_space<vmem>>, %arg6: memref<64xi32, #tpu.memory_space<vmem>>, %arg7: memref<32768xi32, #tpu.memory_space<vmem>>, %arg8: memref<32768xi32, #tpu.memory_space<vmem>>, %arg9: memref<!tpu.dma_semaphore, #tpu.memory_space<semaphore_mem>>, %arg10: memref<!tpu.dma_semaphore, #tpu.memory_space<semaphore_mem>>) attributes {dimension_semantics = [#tpu.dimension_semantics<core_parallel>, #tpu.dimension_semantics<subcore_parallel>], iteration_bounds = array<i64: 2, 16>, scalar_prefetch = 0 : i64, scratch_operands = 6 : i64, tpu.core_type = #tpu.core_type<sc_vector_subcore>, window_params = [{transform_indices = #map}, {transform_indices = #map1}, {transform_indices = #map}]} {
    %mul3A = arith.constant 2 : i32
    %mul3A_0 = arith.muli %arg1, %mul3A : i32
    %add3A = arith.addi %mul3A_0, %arg0 : i32
    "tpu.region"() ({
      %run_scoped3A_37 = tpu.sem_alloc : memref<!tpu.dma_semaphore, #tpu.memory_space<semaphore_mem>>
      tpu.enqueue_dma source(%arg3 : memref<64xi32, #tpu.memory_space<hbm>>) target(%arg6 : memref<64xi32, #tpu.memory_space<vmem>>) target_semaphore(%run_scoped3A_37 : memref<!tpu.dma_semaphore, #tpu.memory_space<semaphore_mem>>)
      tpu.wait_dma2 semaphore(%run_scoped3A_37 : memref<!tpu.dma_semaphore, #tpu.memory_space<semaphore_mem>>) src(%arg3 : memref<64xi32, #tpu.memory_space<hbm>>) dst(%arg6 : memref<64xi32, #tpu.memory_space<vmem>>)
      tpu.yield
    }) : () -> ()
    %scan3A = arith.constant 0 : i32
    %scan3A_1 = arith.constant 0 : i32
    %scan3A_2 = arith.constant 2048 : i32
    %scan3A_3 = arith.addi %scan3A_1, %scan3A_2 : i32
    %scan3A_4 = arith.constant 8 : i32
    scf.for %scan3A_37 = %scan3A_1 to %scan3A_3 step %scan3A_4  : i32 {
      %broadcast_in_dim3A_38 = arith.constant 0 : i32
      %broadcast_in_dim3A_39 = vector.broadcast %broadcast_in_dim3A_38 : i32 to vector<16xi32>
      %mul3A_40 = arith.constant 16 : i32
      %mul3A_41 = arith.muli %scan3A_37, %mul3A_40 : i32
      %swap3A = arith.index_cast %mul3A_41 : i32 to index
      %swap3A_42 = tpu.vector_load %arg7[%swap3A] {strides = array<i32>} : memref<32768xi32, #tpu.memory_space<vmem>>, vector<16xi32>,
      tpu.vector_store %arg7[%swap3A], %broadcast_in_dim3A_39 {strides = array<i32>} : memref<32768xi32, #tpu.memory_space<vmem>>, vector<16xi32>,
      %scan3A_43 = arith.constant 1 : i32
      %scan3A_44 = arith.addi %scan3A_37, %scan3A_43 : i32
      %broadcast_in_dim3A_45 = arith.constant 0 : i32
      %broadcast_in_dim3A_46 = vector.broadcast %broadcast_in_dim3A_45 : i32 to vector<16xi32>
      %mul3A_47 = arith.constant 16 : i32
      %mul3A_48 = arith.muli %scan3A_44, %mul3A_47 : i32
      %swap3A_49 = arith.index_cast %mul3A_48 : i32 to index
      %swap3A_50 = tpu.vector_load %arg7[%swap3A_49] {strides = array<i32>} : memref<32768xi32, #tpu.memory_space<vmem>>, vector<16xi32>,
      tpu.vector_store %arg7[%swap3A_49], %broadcast_in_dim3A_46 {strides = array<i32>} : memref<32768xi32, #tpu.memory_space<vmem>>, vector<16xi32>,
      %scan3A_51 = arith.constant 2 : i32
      %scan3A_52 = arith.addi %scan3A_37, %scan3A_51 : i32
      %broadcast_in_dim3A_53 = arith.constant 0 : i32
      %broadcast_in_dim3A_54 = vector.broadcast %broadcast_in_dim3A_53 : i32 to vector<16xi32>
      %mul3A_55 = arith.constant 16 : i32
      %mul3A_56 = arith.muli %scan3A_52, %mul3A_55 : i32
      %swap3A_57 = arith.index_cast %mul3A_56 : i32 to index
      %swap3A_58 = tpu.vector_load %arg7[%swap3A_57] {strides = array<i32>} : memref<32768xi32, #tpu.memory_space<vmem>>, vector<16xi32>,
      tpu.vector_store %arg7[%swap3A_57], %broadcast_in_dim3A_54 {strides = array<i32>} : memref<32768xi32, #tpu.memory_space<vmem>>, vector<16xi32>,
      %scan3A_59 = arith.constant 3 : i32
      %scan3A_60 = arith.addi %scan3A_37, %scan3A_59 : i32
      %broadcast_in_dim3A_61 = arith.constant 0 : i32
      %broadcast_in_dim3A_62 = vector.broadcast %broadcast_in_dim3A_61 : i32 to vector<16xi32>
      %mul3A_63 = arith.constant 16 : i32
      %mul3A_64 = arith.muli %scan3A_60, %mul3A_63 : i32
      %swap3A_65 = arith.index_cast %mul3A_64 : i32 to index
      %swap3A_66 = tpu.vector_load %arg7[%swap3A_65] {strides = array<i32>} : memref<32768xi32, #tpu.memory_space<vmem>>, vector<16xi32>,
      tpu.vector_store %arg7[%swap3A_65], %broadcast_in_dim3A_62 {strides = array<i32>} : memref<32768xi32, #tpu.memory_space<vmem>>, vector<16xi32>,
      %scan3A_67 = arith.constant 4 : i32
      %scan3A_68 = arith.addi %scan3A_37, %scan3A_67 : i32
      %broadcast_in_dim3A_69 = arith.constant 0 : i32
      %broadcast_in_dim3A_70 = vector.broadcast %broadcast_in_dim3A_69 : i32 to vector<16xi32>
      %mul3A_71 = arith.constant 16 : i32
      %mul3A_72 = arith.muli %scan3A_68, %mul3A_71 : i32
      %swap3A_73 = arith.index_cast %mul3A_72 : i32 to index
      %swap3A_74 = tpu.vector_load %arg7[%swap3A_73] {strides = array<i32>} : memref<32768xi32, #tpu.memory_space<vmem>>, vector<16xi32>,
      tpu.vector_store %arg7[%swap3A_73], %broadcast_in_dim3A_70 {strides = array<i32>} : memref<32768xi32, #tpu.memory_space<vmem>>, vector<16xi32>,
      %scan3A_75 = arith.constant 5 : i32
      %scan3A_76 = arith.addi %scan3A_37, %scan3A_75 : i32
      %broadcast_in_dim3A_77 = arith.constant 0 : i32
      %broadcast_in_dim3A_78 = vector.broadcast %broadcast_in_dim3A_77 : i32 to vector<16xi32>
      %mul3A_79 = arith.constant 16 : i32
      %mul3A_80 = arith.muli %scan3A_76, %mul3A_79 : i32
      %swap3A_81 = arith.index_cast %mul3A_80 : i32 to index
      %swap3A_82 = tpu.vector_load %arg7[%swap3A_81] {strides = array<i32>} : memref<32768xi32, #tpu.memory_space<vmem>>, vector<16xi32>,
      tpu.vector_store %arg7[%swap3A_81], %broadcast_in_dim3A_78 {strides = array<i32>} : memref<32768xi32, #tpu.memory_space<vmem>>, vector<16xi32>,
      %scan3A_83 = arith.constant 6 : i32
      %scan3A_84 = arith.addi %scan3A_37, %scan3A_83 : i32
      %broadcast_in_dim3A_85 = arith.constant 0 : i32
      %broadcast_in_dim3A_86 = vector.broadcast %broadcast_in_dim3A_85 : i32 to vector<16xi32>
      %mul3A_87 = arith.constant 16 : i32
      %mul3A_88 = arith.muli %scan3A_84, %mul3A_87 : i32
      %swap3A_89 = arith.index_cast %mul3A_88 : i32 to index
      %swap3A_90 = tpu.vector_load %arg7[%swap3A_89] {strides = array<i32>} : memref<32768xi32, #tpu.memory_space<vmem>>, vector<16xi32>,
      tpu.vector_store %arg7[%swap3A_89], %broadcast_in_dim3A_86 {strides = array<i32>} : memref<32768xi32, #tpu.memory_space<vmem>>, vector<16xi32>,
      %scan3A_91 = arith.constant 7 : i32
      %scan3A_92 = arith.addi %scan3A_37, %scan3A_91 : i32
      %broadcast_in_dim3A_93 = arith.constant 0 : i32
      %broadcast_in_dim3A_94 = vector.broadcast %broadcast_in_dim3A_93 : i32 to vector<16xi32>
      %mul3A_95 = arith.constant 16 : i32
      %mul3A_96 = arith.muli %scan3A_92, %mul3A_95 : i32
      %swap3A_97 = arith.index_cast %mul3A_96 : i32 to index
      %swap3A_98 = tpu.vector_load %arg7[%swap3A_97] {strides = array<i32>} : memref<32768xi32, #tpu.memory_space<vmem>>, vector<16xi32>,
      tpu.vector_store %arg7[%swap3A_97], %broadcast_in_dim3A_94 {strides = array<i32>} : memref<32768xi32, #tpu.memory_space<vmem>>, vector<16xi32>,
    }
    %scan3A_5 = arith.constant 2048 : i32
    %scan3A_6 = arith.constant 0 : i32
    %scan3A_7 = arith.constant 0 : i32
    %scan3A_8 = arith.constant 2048 : i32
    %scan3A_9 = arith.addi %scan3A_7, %scan3A_8 : i32
    %scan3A_10 = arith.constant 8 : i32
    scf.for %scan3A_37 = %scan3A_7 to %scan3A_9 step %scan3A_10  : i32 {
      %broadcast_in_dim3A_38 = arith.constant 0 : i32
      %broadcast_in_dim3A_39 = vector.broadcast %broadcast_in_dim3A_38 : i32 to vector<16xi32>
      %mul3A_40 = arith.constant 16 : i32
      %mul3A_41 = arith.muli %scan3A_37, %mul3A_40 : i32
      %swap3A = arith.index_cast %mul3A_41 : i32 to index
      %swap3A_42 = tpu.vector_load %arg8[%swap3A] {strides = array<i32>} : memref<32768xi32, #tpu.memory_space<vmem>>, vector<16xi32>,
      tpu.vector_store %arg8[%swap3A], %broadcast_in_dim3A_39 {strides = array<i32>} : memref<32768xi32, #tpu.memory_space<vmem>>, vector<16xi32>,
      %scan3A_43 = arith.constant 1 : i32
      %scan3A_44 = arith.addi %scan3A_37, %scan3A_43 : i32
      %broadcast_in_dim3A_45 = arith.constant 0 : i32
      %broadcast_in_dim3A_46 = vector.broadcast %broadcast_in_dim3A_45 : i32 to vector<16xi32>
      %mul3A_47 = arith.constant 16 : i32
      %mul3A_48 = arith.muli %scan3A_44, %mul3A_47 : i32
      %swap3A_49 = arith.index_cast %mul3A_48 : i32 to index
      %swap3A_50 = tpu.vector_load %arg8[%swap3A_49] {strides = array<i32>} : memref<32768xi32, #tpu.memory_space<vmem>>, vector<16xi32>,
      tpu.vector_store %arg8[%swap3A_49], %broadcast_in_dim3A_46 {strides = array<i32>} : memref<32768xi32, #tpu.memory_space<vmem>>, vector<16xi32>,
      %scan3A_51 = arith.constant 2 : i32
      %scan3A_52 = arith.addi %scan3A_37, %scan3A_51 : i32
      %broadcast_in_dim3A_53 = arith.constant 0 : i32
      %broadcast_in_dim3A_54 = vector.broadcast %broadcast_in_dim3A_53 : i32 to vector<16xi32>
      %mul3A_55 = arith.constant 16 : i32
      %mul3A_56 = arith.muli %scan3A_52, %mul3A_55 : i32
      %swap3A_57 = arith.index_cast %mul3A_56 : i32 to index
      %swap3A_58 = tpu.vector_load %arg8[%swap3A_57] {strides = array<i32>} : memref<32768xi32, #tpu.memory_space<vmem>>, vector<16xi32>,
      tpu.vector_store %arg8[%swap3A_57], %broadcast_in_dim3A_54 {strides = array<i32>} : memref<32768xi32, #tpu.memory_space<vmem>>, vector<16xi32>,
      %scan3A_59 = arith.constant 3 : i32
      %scan3A_60 = arith.addi %scan3A_37, %scan3A_59 : i32
      %broadcast_in_dim3A_61 = arith.constant 0 : i32
      %broadcast_in_dim3A_62 = vector.broadcast %broadcast_in_dim3A_61 : i32 to vector<16xi32>
      %mul3A_63 = arith.constant 16 : i32
      %mul3A_64 = arith.muli %scan3A_60, %mul3A_63 : i32
      %swap3A_65 = arith.index_cast %mul3A_64 : i32 to index
      %swap3A_66 = tpu.vector_load %arg8[%swap3A_65] {strides = array<i32>} : memref<32768xi32, #tpu.memory_space<vmem>>, vector<16xi32>,
      tpu.vector_store %arg8[%swap3A_65], %broadcast_in_dim3A_62 {strides = array<i32>} : memref<32768xi32, #tpu.memory_space<vmem>>, vector<16xi32>,
      %scan3A_67 = arith.constant 4 : i32
      %scan3A_68 = arith.addi %scan3A_37, %scan3A_67 : i32
      %broadcast_in_dim3A_69 = arith.constant 0 : i32
      %broadcast_in_dim3A_70 = vector.broadcast %broadcast_in_dim3A_69 : i32 to vector<16xi32>
      %mul3A_71 = arith.constant 16 : i32
      %mul3A_72 = arith.muli %scan3A_68, %mul3A_71 : i32
      %swap3A_73 = arith.index_cast %mul3A_72 : i32 to index
      %swap3A_74 = tpu.vector_load %arg8[%swap3A_73] {strides = array<i32>} : memref<32768xi32, #tpu.memory_space<vmem>>, vector<16xi32>,
      tpu.vector_store %arg8[%swap3A_73], %broadcast_in_dim3A_70 {strides = array<i32>} : memref<32768xi32, #tpu.memory_space<vmem>>, vector<16xi32>,
      %scan3A_75 = arith.constant 5 : i32
      %scan3A_76 = arith.addi %scan3A_37, %scan3A_75 : i32
      %broadcast_in_dim3A_77 = arith.constant 0 : i32
      %broadcast_in_dim3A_78 = vector.broadcast %broadcast_in_dim3A_77 : i32 to vector<16xi32>
      %mul3A_79 = arith.constant 16 : i32
      %mul3A_80 = arith.muli %scan3A_76, %mul3A_79 : i32
      %swap3A_81 = arith.index_cast %mul3A_80 : i32 to index
      %swap3A_82 = tpu.vector_load %arg8[%swap3A_81] {strides = array<i32>} : memref<32768xi32, #tpu.memory_space<vmem>>, vector<16xi32>,
      tpu.vector_store %arg8[%swap3A_81], %broadcast_in_dim3A_78 {strides = array<i32>} : memref<32768xi32, #tpu.memory_space<vmem>>, vector<16xi32>,
      %scan3A_83 = arith.constant 6 : i32
      %scan3A_84 = arith.addi %scan3A_37, %scan3A_83 : i32
      %broadcast_in_dim3A_85 = arith.constant 0 : i32
      %broadcast_in_dim3A_86 = vector.broadcast %broadcast_in_dim3A_85 : i32 to vector<16xi32>
      %mul3A_87 = arith.constant 16 : i32
      %mul3A_88 = arith.muli %scan3A_84, %mul3A_87 : i32
      %swap3A_89 = arith.index_cast %mul3A_88 : i32 to index
      %swap3A_90 = tpu.vector_load %arg8[%swap3A_89] {strides = array<i32>} : memref<32768xi32, #tpu.memory_space<vmem>>, vector<16xi32>,
      tpu.vector_store %arg8[%swap3A_89], %broadcast_in_dim3A_86 {strides = array<i32>} : memref<32768xi32, #tpu.memory_space<vmem>>, vector<16xi32>,
      %scan3A_91 = arith.constant 7 : i32
      %scan3A_92 = arith.addi %scan3A_37, %scan3A_91 : i32
      %broadcast_in_dim3A_93 = arith.constant 0 : i32
      %broadcast_in_dim3A_94 = vector.broadcast %broadcast_in_dim3A_93 : i32 to vector<16xi32>
      %mul3A_95 = arith.constant 16 : i32
      %mul3A_96 = arith.muli %scan3A_92, %mul3A_95 : i32
      %swap3A_97 = arith.index_cast %mul3A_96 : i32 to index
      %swap3A_98 = tpu.vector_load %arg8[%swap3A_97] {strides = array<i32>} : memref<32768xi32, #tpu.memory_space<vmem>>, vector<16xi32>,
      tpu.vector_store %arg8[%swap3A_97], %broadcast_in_dim3A_94 {strides = array<i32>} : memref<32768xi32, #tpu.memory_space<vmem>>, vector<16xi32>,
    }
    %scan3A_11 = arith.constant 2048 : i32
    %get3A = arith.constant 0 : index
    %get3A_12 = tpu.vector_load %arg6[%get3A] {strides = array<i32>} : memref<64xi32, #tpu.memory_space<vmem>>, vector<16xi32>,
    %get3A_13 = arith.constant 16 : index
    %get3A_14 = tpu.vector_load %arg6[%get3A_13] {strides = array<i32>} : memref<64xi32, #tpu.memory_space<vmem>>, vector<16xi32>,
    %get3A_15 = arith.constant 32 : index
    %get3A_16 = tpu.vector_load %arg6[%get3A_15] {strides = array<i32>} : memref<64xi32, #tpu.memory_space<vmem>>, vector<16xi32>,
    %get3A_17 = arith.constant 48 : index
    %get3A_18 = tpu.vector_load %arg6[%get3A_17] {strides = array<i32>} : memref<64xi32, #tpu.memory_space<vmem>>, vector<16xi32>,
    %iota3A = tpu.iota {dimensions = array<i32: 0>} : vector<16xi32>
    %broadcast_in_dim3A = arith.constant 1 : i32
    %broadcast_in_dim3A_19 = vector.broadcast %broadcast_in_dim3A : i32 to vector<16xi32>
    %dma_start3A = arith.constant 0 : i32
    %dma_start3A_20 = arith.constant 0 : i32
    %dma_start3A_21 = tpu.memref_slice %arg5[%dma_start3A_20] : memref<32768xi32, #tpu.memory_space<vmem>> -> memref<16384xi32, #tpu.memory_space<vmem>>
    %dma_start3A_22 = arith.constant 0 : i32
    %dma_start3A_23 = tpu.memref_slice %arg2[%add3A, %dma_start3A, %dma_start3A_22] : memref<32x32x16384xi32, #tpu.memory_space<hbm>> -> memref<1x1x16384xi32, #tpu.memory_space<hbm>>
    %dma_start3A_24 = tpu.memref_squeeze %dma_start3A_23 : memref<1x1x16384xi32, #tpu.memory_space<hbm>> -> memref<16384xi32, #tpu.memory_space<hbm>>
    %dma_start3A_25 = arith.constant 0 : i32
    %dma_start3A_26 = tpu.memref_slice %arg5[%dma_start3A_25] : memref<32768xi32, #tpu.memory_space<vmem>> -> memref<16384xi32, #tpu.memory_space<vmem>>
    %dma_start3A_27 = arith.constant 0 : i32
    %dma_start3A_28 = tpu.memref_slice %arg2[%add3A, %dma_start3A, %dma_start3A_27] : memref<32x32x16384xi32, #tpu.memory_space<hbm>> -> memref<1x1x16384xi32, #tpu.memory_space<hbm>>
    %dma_start3A_29 = tpu.memref_squeeze %dma_start3A_28 : memref<1x1x16384xi32, #tpu.memory_space<hbm>> -> memref<16384xi32, #tpu.memory_space<hbm>>
    tpu.enqueue_dma source(%dma_start3A_29 : memref<16384xi32, #tpu.memory_space<hbm>>) target(%dma_start3A_26 : memref<16384xi32, #tpu.memory_space<vmem>>) target_semaphore(%arg9 : memref<!tpu.dma_semaphore, #tpu.memory_space<semaphore_mem>>)
    %scan3A_30 = arith.constant 0 : i32
    %scan3A_31 = arith.constant 0 : i32
    %scan3A_32 = arith.constant 16 : i32
    %scan3A_33 = arith.addi %scan3A_31, %scan3A_32 : i32
    %scan3A_34 = arith.constant 1 : i32
    scf.for %scan3A_37 = %scan3A_31 to %scan3A_33 step %scan3A_34  : i32 {
      %mul3A_38 = arith.constant 2 : i32
      %mul3A_39 = arith.muli %scan3A_37, %mul3A_38 : i32
      %add3A_40 = arith.constant 1 : i32
      %add3A_41 = arith.addi %mul3A_39, %add3A_40 : i32
      %dma_start3A_42 = arith.constant 16384 : i32
      %dma_start3A_43 = tpu.memref_slice %arg5[%dma_start3A_42] : memref<32768xi32, #tpu.memory_space<vmem>> -> memref<16384xi32, #tpu.memory_space<vmem>>
      %dma_start3A_44 = arith.constant 0 : i32
      %dma_start3A_45 = tpu.memref_slice %arg2[%add3A, %add3A_41, %dma_start3A_44] : memref<32x32x16384xi32, #tpu.memory_space<hbm>> -> memref<1x1x16384xi32, #tpu.memory_space<hbm>>
      %dma_start3A_46 = tpu.memref_squeeze %dma_start3A_45 : memref<1x1x16384xi32, #tpu.memory_space<hbm>> -> memref<16384xi32, #tpu.memory_space<hbm>>
      %dma_start3A_47 = arith.constant 16384 : i32
      %dma_start3A_48 = tpu.memref_slice %arg5[%dma_start3A_47] : memref<32768xi32, #tpu.memory_space<vmem>> -> memref<16384xi32, #tpu.memory_space<vmem>>
      %dma_start3A_49 = arith.constant 0 : i32
      %dma_start3A_50 = tpu.memref_slice %arg2[%add3A, %add3A_41, %dma_start3A_49] : memref<32x32x16384xi32, #tpu.memory_space<hbm>> -> memref<1x1x16384xi32, #tpu.memory_space<hbm>>
      %dma_start3A_51 = tpu.memref_squeeze %dma_start3A_50 : memref<1x1x16384xi32, #tpu.memory_space<hbm>> -> memref<16384xi32, #tpu.memory_space<hbm>>
      tpu.enqueue_dma source(%dma_start3A_51 : memref<16384xi32, #tpu.memory_space<hbm>>) target(%dma_start3A_48 : memref<16384xi32, #tpu.memory_space<vmem>>) target_semaphore(%arg10 : memref<!tpu.dma_semaphore, #tpu.memory_space<semaphore_mem>>)
      %dma_wait3A = arith.constant 0 : i32
      %dma_wait3A_52 = arith.constant 0 : i32
      %dma_wait3A_53 = tpu.memref_slice %arg5[%dma_wait3A_52] : memref<32768xi32, #tpu.memory_space<vmem>> -> memref<16384xi32, #tpu.memory_space<vmem>>
      %dma_wait3A_54 = arith.constant 0 : i32
      %dma_wait3A_55 = tpu.memref_slice %arg2[%add3A, %dma_wait3A, %dma_wait3A_54] : memref<32x32x16384xi32, #tpu.memory_space<hbm>> -> memref<1x1x16384xi32, #tpu.memory_space<hbm>>
      %dma_wait3A_56 = tpu.memref_squeeze %dma_wait3A_55 : memref<1x1x16384xi32, #tpu.memory_space<hbm>> -> memref<16384xi32, #tpu.memory_space<hbm>>
      %dma_wait3A_57 = arith.constant 0 : i32
      %dma_wait3A_58 = tpu.memref_slice %arg5[%dma_wait3A_57] : memref<32768xi32, #tpu.memory_space<vmem>> -> memref<16384xi32, #tpu.memory_space<vmem>>
      %dma_wait3A_59 = arith.constant 0 : i32
      %dma_wait3A_60 = tpu.memref_slice %arg2[%add3A, %dma_wait3A, %dma_wait3A_59] : memref<32x32x16384xi32, #tpu.memory_space<hbm>> -> memref<1x1x16384xi32, #tpu.memory_space<hbm>>
      %dma_wait3A_61 = tpu.memref_squeeze %dma_wait3A_60 : memref<1x1x16384xi32, #tpu.memory_space<hbm>> -> memref<16384xi32, #tpu.memory_space<hbm>>
      tpu.wait_dma2 semaphore(%arg9 : memref<!tpu.dma_semaphore, #tpu.memory_space<semaphore_mem>>) src(%dma_wait3A_61 : memref<16384xi32, #tpu.memory_space<hbm>>) dst(%dma_wait3A_58 : memref<16384xi32, #tpu.memory_space<vmem>>)
      %scan3A_62 = arith.constant 0 : i32
      %scan3A_63 = arith.constant 0 : i32
      %scan3A_64 = arith.constant 512 : i32
      %scan3A_65 = arith.addi %scan3A_63, %scan3A_64 : i32
      %scan3A_66 = arith.constant 8 : i32
      scf.for %scan3A_89 = %scan3A_63 to %scan3A_65 step %scan3A_66  : i32 {
        %mul3A_90 = arith.constant 32 : i32
        %mul3A_91 = arith.muli %scan3A_89, %mul3A_90 : i32
        %add3A_92 = arith.constant 0 : i32
        %add3A_93 = arith.addi %add3A_92, %mul3A_91 : i32
        %get3A_94 = arith.index_cast %add3A_93 : i32 to index
        %get3A_95 = tpu.vector_load %arg5[%get3A_94] {strides = array<i32>} : memref<32768xi32, #tpu.memory_space<vmem>>, vector<16xi32>,
        %shift_right_logical3A = arith.shrui %get3A_95, %get3A_18 : vector<16xi32>
        %and3A = arith.constant 1023 : i32
        %and3A_96 = vector.broadcast %and3A : i32 to vector<16xi32>
        %and3A_97 = arith.andi %shift_right_logical3A, %and3A_96 : vector<16xi32>
        %shift_right_logical3A_98 = arith.constant 31 : i32
        %shift_right_logical3A_99 = vector.broadcast %shift_right_logical3A_98 : i32 to vector<16xi32>
        %shift_right_logical3A_100 = arith.shrui %get3A_95, %shift_right_logical3A_99 : vector<16xi32>
        %shift_left3A = arith.constant 10 : i32
        %shift_left3A_101 = vector.broadcast %shift_left3A : i32 to vector<16xi32>
        %shift_left3A_102 = arith.shli %shift_right_logical3A_100, %shift_left3A_101 : vector<16xi32>
        %or3A = arith.ori %and3A_97, %shift_left3A_102 : vector<16xi32>
        %shift_left3A_103 = arith.constant 4 : i32
        %shift_left3A_104 = vector.broadcast %shift_left3A_103 : i32 to vector<16xi32>
        %shift_left3A_105 = arith.shli %or3A, %shift_left3A_104 : vector<16xi32>
        %or3A_106 = arith.ori %shift_left3A_105, %iota3A : vector<16xi32>
        %shift_right_logical3A_107 = arith.shrui %get3A_95, %get3A_16 : vector<16xi32>
        %eq3A = arith.cmpi eq, %shift_right_logical3A_107, %get3A_12 : vector<16xi32>
        %eq3A_108 = arith.cmpi eq, %shift_right_logical3A_107, %get3A_14 : vector<16xi32>
        %or3A_109 = arith.ori %eq3A, %eq3A_108 : vector<16xi1>
        tpu.vector_store_idx %arg7[%or3A_106], %broadcast_in_dim3A_19 masked %or3A_109 {add = true} : memref<32768xi32, #tpu.memory_space<vmem>>[vector<16xi32>], vector<16xi32>, vector<16xi1>
        %add3A_110 = arith.constant 16 : i32
        %add3A_111 = arith.addi %add3A_93, %add3A_110 : i32
        %get3A_112 = arith.index_cast %add3A_111 : i32 to index
        %get3A_113 = tpu.vector_load %arg5[%get3A_112] {strides = array<i32>} : memref<32768xi32, #tpu.memory_space<vmem>>, vector<16xi32>,
        %shift_right_logical3A_114 = arith.shrui %get3A_113, %get3A_18 : vector<16xi32>
        %and3A_115 = arith.constant 1023 : i32
        %and3A_116 = vector.broadcast %and3A_115 : i32 to vector<16xi32>
        %and3A_117 = arith.andi %shift_right_logical3A_114, %and3A_116 : vector<16xi32>
        %shift_right_logical3A_118 = arith.constant 31 : i32
        %shift_right_logical3A_119 = vector.broadcast %shift_right_logical3A_118 : i32 to vector<16xi32>
        %shift_right_logical3A_120 = arith.shrui %get3A_113, %shift_right_logical3A_119 : vector<16xi32>
        %shift_left3A_121 = arith.constant 10 : i32
        %shift_left3A_122 = vector.broadcast %shift_left3A_121 : i32 to vector<16xi32>
        %shift_left3A_123 = arith.shli %shift_right_logical3A_120, %shift_left3A_122 : vector<16xi32>
        %or3A_124 = arith.ori %and3A_117, %shift_left3A_123 : vector<16xi32>
        %shift_left3A_125 = arith.constant 4 : i32
        %shift_left3A_126 = vector.broadcast %shift_left3A_125 : i32 to vector<16xi32>
        %shift_left3A_127 = arith.shli %or3A_124, %shift_left3A_126 : vector<16xi32>
        %or3A_128 = arith.ori %shift_left3A_127, %iota3A : vector<16xi32>
        %shift_right_logical3A_129 = arith.shrui %get3A_113, %get3A_16 : vector<16xi32>
        %eq3A_130 = arith.cmpi eq, %shift_right_logical3A_129, %get3A_12 : vector<16xi32>
        %eq3A_131 = arith.cmpi eq, %shift_right_logical3A_129, %get3A_14 : vector<16xi32>
        %or3A_132 = arith.ori %eq3A_130, %eq3A_131 : vector<16xi1>
        tpu.vector_store_idx %arg8[%or3A_128], %broadcast_in_dim3A_19 masked %or3A_132 {add = true} : memref<32768xi32, #tpu.memory_space<vmem>>[vector<16xi32>], vector<16xi32>, vector<16xi1>
        %scan3A_133 = arith.constant 1 : i32
        %scan3A_134 = arith.addi %scan3A_89, %scan3A_133 : i32
        %mul3A_135 = arith.constant 32 : i32
        %mul3A_136 = arith.muli %scan3A_134, %mul3A_135 : i32
        %add3A_137 = arith.constant 0 : i32
        %add3A_138 = arith.addi %add3A_137, %mul3A_136 : i32
        %get3A_139 = arith.index_cast %add3A_138 : i32 to index
        %get3A_140 = tpu.vector_load %arg5[%get3A_139] {strides = array<i32>} : memref<32768xi32, #tpu.memory_space<vmem>>, vector<16xi32>,
        %shift_right_logical3A_141 = arith.shrui %get3A_140, %get3A_18 : vector<16xi32>
        %and3A_142 = arith.constant 1023 : i32
        %and3A_143 = vector.broadcast %and3A_142 : i32 to vector<16xi32>
        %and3A_144 = arith.andi %shift_right_logical3A_141, %and3A_143 : vector<16xi32>
        %shift_right_logical3A_145 = arith.constant 31 : i32
        %shift_right_logical3A_146 = vector.broadcast %shift_right_logical3A_145 : i32 to vector<16xi32>
        %shift_right_logical3A_147 = arith.shrui %get3A_140, %shift_right_logical3A_146 : vector<16xi32>
        %shift_left3A_148 = arith.constant 10 : i32
        %shift_left3A_149 = vector.broadcast %shift_left3A_148 : i32 to vector<16xi32>
        %shift_left3A_150 = arith.shli %shift_right_logical3A_147, %shift_left3A_149 : vector<16xi32>
        %or3A_151 = arith.ori %and3A_144, %shift_left3A_150 : vector<16xi32>
        %shift_left3A_152 = arith.constant 4 : i32
        %shift_left3A_153 = vector.broadcast %shift_left3A_152 : i32 to vector<16xi32>
        %shift_left3A_154 = arith.shli %or3A_151, %shift_left3A_153 : vector<16xi32>
        %or3A_155 = arith.ori %shift_left3A_154, %iota3A : vector<16xi32>
        %shift_right_logical3A_156 = arith.shrui %get3A_140, %get3A_16 : vector<16xi32>
        %eq3A_157 = arith.cmpi eq, %shift_right_logical3A_156, %get3A_12 : vector<16xi32>
        %eq3A_158 = arith.cmpi eq, %shift_right_logical3A_156, %get3A_14 : vector<16xi32>
        %or3A_159 = arith.ori %eq3A_157, %eq3A_158 : vector<16xi1>
        tpu.vector_store_idx %arg7[%or3A_155], %broadcast_in_dim3A_19 masked %or3A_159 {add = true} : memref<32768xi32, #tpu.memory_space<vmem>>[vector<16xi32>], vector<16xi32>, vector<16xi1>
        %add3A_160 = arith.constant 16 : i32
        %add3A_161 = arith.addi %add3A_138, %add3A_160 : i32
        %get3A_162 = arith.index_cast %add3A_161 : i32 to index
        %get3A_163 = tpu.vector_load %arg5[%get3A_162] {strides = array<i32>} : memref<32768xi32, #tpu.memory_space<vmem>>, vector<16xi32>,
        %shift_right_logical3A_164 = arith.shrui %get3A_163, %get3A_18 : vector<16xi32>
        %and3A_165 = arith.constant 1023 : i32
        %and3A_166 = vector.broadcast %and3A_165 : i32 to vector<16xi32>
        %and3A_167 = arith.andi %shift_right_logical3A_164, %and3A_166 : vector<16xi32>
        %shift_right_logical3A_168 = arith.constant 31 : i32
        %shift_right_logical3A_169 = vector.broadcast %shift_right_logical3A_168 : i32 to vector<16xi32>
        %shift_right_logical3A_170 = arith.shrui %get3A_163, %shift_right_logical3A_169 : vector<16xi32>
        %shift_left3A_171 = arith.constant 10 : i32
        %shift_left3A_172 = vector.broadcast %shift_left3A_171 : i32 to vector<16xi32>
        %shift_left3A_173 = arith.shli %shift_right_logical3A_170, %shift_left3A_172 : vector<16xi32>
        %or3A_174 = arith.ori %and3A_167, %shift_left3A_173 : vector<16xi32>
        %shift_left3A_175 = arith.constant 4 : i32
        %shift_left3A_176 = vector.broadcast %shift_left3A_175 : i32 to vector<16xi32>
        %shift_left3A_177 = arith.shli %or3A_174, %shift_left3A_176 : vector<16xi32>
        %or3A_178 = arith.ori %shift_left3A_177, %iota3A : vector<16xi32>
        %shift_right_logical3A_179 = arith.shrui %get3A_163, %get3A_16 : vector<16xi32>
        %eq3A_180 = arith.cmpi eq, %shift_right_logical3A_179, %get3A_12 : vector<16xi32>
        %eq3A_181 = arith.cmpi eq, %shift_right_logical3A_179, %get3A_14 : vector<16xi32>
        %or3A_182 = arith.ori %eq3A_180, %eq3A_181 : vector<16xi1>
        tpu.vector_store_idx %arg8[%or3A_178], %broadcast_in_dim3A_19 masked %or3A_182 {add = true} : memref<32768xi32, #tpu.memory_space<vmem>>[vector<16xi32>], vector<16xi32>, vector<16xi1>
        %scan3A_183 = arith.constant 2 : i32
        %scan3A_184 = arith.addi %scan3A_89, %scan3A_183 : i32
        %mul3A_185 = arith.constant 32 : i32
        %mul3A_186 = arith.muli %scan3A_184, %mul3A_185 : i32
        %add3A_187 = arith.constant 0 : i32
        %add3A_188 = arith.addi %add3A_187, %mul3A_186 : i32
        %get3A_189 = arith.index_cast %add3A_188 : i32 to index
        %get3A_190 = tpu.vector_load %arg5[%get3A_189] {strides = array<i32>} : memref<32768xi32, #tpu.memory_space<vmem>>, vector<16xi32>,
        %shift_right_logical3A_191 = arith.shrui %get3A_190, %get3A_18 : vector<16xi32>
        %and3A_192 = arith.constant 1023 : i32
        %and3A_193 = vector.broadcast %and3A_192 : i32 to vector<16xi32>
        %and3A_194 = arith.andi %shift_right_logical3A_191, %and3A_193 : vector<16xi32>
        %shift_right_logical3A_195 = arith.constant 31 : i32
        %shift_right_logical3A_196 = vector.broadcast %shift_right_logical3A_195 : i32 to vector<16xi32>
        %shift_right_logical3A_197 = arith.shrui %get3A_190, %shift_right_logical3A_196 : vector<16xi32>
        %shift_left3A_198 = arith.constant 10 : i32
        %shift_left3A_199 = vector.broadcast %shift_left3A_198 : i32 to vector<16xi32>
        %shift_left3A_200 = arith.shli %shift_right_logical3A_197, %shift_left3A_199 : vector<16xi32>
        %or3A_201 = arith.ori %and3A_194, %shift_left3A_200 : vector<16xi32>
        %shift_left3A_202 = arith.constant 4 : i32
        %shift_left3A_203 = vector.broadcast %shift_left3A_202 : i32 to vector<16xi32>
        %shift_left3A_204 = arith.shli %or3A_201, %shift_left3A_203 : vector<16xi32>
        %or3A_205 = arith.ori %shift_left3A_204, %iota3A : vector<16xi32>
        %shift_right_logical3A_206 = arith.shrui %get3A_190, %get3A_16 : vector<16xi32>
        %eq3A_207 = arith.cmpi eq, %shift_right_logical3A_206, %get3A_12 : vector<16xi32>
        %eq3A_208 = arith.cmpi eq, %shift_right_logical3A_206, %get3A_14 : vector<16xi32>
        %or3A_209 = arith.ori %eq3A_207, %eq3A_208 : vector<16xi1>
        tpu.vector_store_idx %arg7[%or3A_205], %broadcast_in_dim3A_19 masked %or3A_209 {add = true} : memref<32768xi32, #tpu.memory_space<vmem>>[vector<16xi32>], vector<16xi32>, vector<16xi1>
        %add3A_210 = arith.constant 16 : i32
        %add3A_211 = arith.addi %add3A_188, %add3A_210 : i32
        %get3A_212 = arith.index_cast %add3A_211 : i32 to index
        %get3A_213 = tpu.vector_load %arg5[%get3A_212] {strides = array<i32>} : memref<32768xi32, #tpu.memory_space<vmem>>, vector<16xi32>,
        %shift_right_logical3A_214 = arith.shrui %get3A_213, %get3A_18 : vector<16xi32>
        %and3A_215 = arith.constant 1023 : i32
        %and3A_216 = vector.broadcast %and3A_215 : i32 to vector<16xi32>
        %and3A_217 = arith.andi %shift_right_logical3A_214, %and3A_216 : vector<16xi32>
        %shift_right_logical3A_218 = arith.constant 31 : i32
        %shift_right_logical3A_219 = vector.broadcast %shift_right_logical3A_218 : i32 to vector<16xi32>
        %shift_right_logical3A_220 = arith.shrui %get3A_213, %shift_right_logical3A_219 : vector<16xi32>
        %shift_left3A_221 = arith.constant 10 : i32
        %shift_left3A_222 = vector.broadcast %shift_left3A_221 : i32 to vector<16xi32>
        %shift_left3A_223 = arith.shli %shift_right_logical3A_220, %shift_left3A_222 : vector<16xi32>
        %or3A_224 = arith.ori %and3A_217, %shift_left3A_223 : vector<16xi32>
        %shift_left3A_225 = arith.constant 4 : i32
        %shift_left3A_226 = vector.broadcast %shift_left3A_225 : i32 to vector<16xi32>
        %shift_left3A_227 = arith.shli %or3A_224, %shift_left3A_226 : vector<16xi32>
        %or3A_228 = arith.ori %shift_left3A_227, %iota3A : vector<16xi32>
        %shift_right_logical3A_229 = arith.shrui %get3A_213, %get3A_16 : vector<16xi32>
        %eq3A_230 = arith.cmpi eq, %shift_right_logical3A_229, %get3A_12 : vector<16xi32>
        %eq3A_231 = arith.cmpi eq, %shift_right_logical3A_229, %get3A_14 : vector<16xi32>
        %or3A_232 = arith.ori %eq3A_230, %eq3A_231 : vector<16xi1>
        tpu.vector_store_idx %arg8[%or3A_228], %broadcast_in_dim3A_19 masked %or3A_232 {add = true} : memref<32768xi32, #tpu.memory_space<vmem>>[vector<16xi32>], vector<16xi32>, vector<16xi1>
        %scan3A_233 = arith.constant 3 : i32
        %scan3A_234 = arith.addi %scan3A_89, %scan3A_233 : i32
        %mul3A_235 = arith.constant 32 : i32
        %mul3A_236 = arith.muli %scan3A_234, %mul3A_235 : i32
        %add3A_237 = arith.constant 0 : i32
        %add3A_238 = arith.addi %add3A_237, %mul3A_236 : i32
        %get3A_239 = arith.index_cast %add3A_238 : i32 to index
        %get3A_240 = tpu.vector_load %arg5[%get3A_239] {strides = array<i32>} : memref<32768xi32, #tpu.memory_space<vmem>>, vector<16xi32>,
        %shift_right_logical3A_241 = arith.shrui %get3A_240, %get3A_18 : vector<16xi32>
        %and3A_242 = arith.constant 1023 : i32
        %and3A_243 = vector.broadcast %and3A_242 : i32 to vector<16xi32>
        %and3A_244 = arith.andi %shift_right_logical3A_241, %and3A_243 : vector<16xi32>
        %shift_right_logical3A_245 = arith.constant 31 : i32
        %shift_right_logical3A_246 = vector.broadcast %shift_right_logical3A_245 : i32 to vector<16xi32>
        %shift_right_logical3A_247 = arith.shrui %get3A_240, %shift_right_logical3A_246 : vector<16xi32>
        %shift_left3A_248 = arith.constant 10 : i32
        %shift_left3A_249 = vector.broadcast %shift_left3A_248 : i32 to vector<16xi32>
        %shift_left3A_250 = arith.shli %shift_right_logical3A_247, %shift_left3A_249 : vector<16xi32>
        %or3A_251 = arith.ori %and3A_244, %shift_left3A_250 : vector<16xi32>
        %shift_left3A_252 = arith.constant 4 : i32
        %shift_left3A_253 = vector.broadcast %shift_left3A_252 : i32 to vector<16xi32>
        %shift_left3A_254 = arith.shli %or3A_251, %shift_left3A_253 : vector<16xi32>
        %or3A_255 = arith.ori %shift_left3A_254, %iota3A : vector<16xi32>
        %shift_right_logical3A_256 = arith.shrui %get3A_240, %get3A_16 : vector<16xi32>
        %eq3A_257 = arith.cmpi eq, %shift_right_logical3A_256, %get3A_12 : vector<16xi32>
        %eq3A_258 = arith.cmpi eq, %shift_right_logical3A_256, %get3A_14 : vector<16xi32>
        %or3A_259 = arith.ori %eq3A_257, %eq3A_258 : vector<16xi1>
        tpu.vector_store_idx %arg7[%or3A_255], %broadcast_in_dim3A_19 masked %or3A_259 {add = true} : memref<32768xi32, #tpu.memory_space<vmem>>[vector<16xi32>], vector<16xi32>, vector<16xi1>
        %add3A_260 = arith.constant 16 : i32
        %add3A_261 = arith.addi %add3A_238, %add3A_260 : i32
        %get3A_262 = arith.index_cast %add3A_261 : i32 to index
        %get3A_263 = tpu.vector_load %arg5[%get3A_262] {strides = array<i32>} : memref<32768xi32, #tpu.memory_space<vmem>>, vector<16xi32>,
        %shift_right_logical3A_264 = arith.shrui %get3A_263, %get3A_18 : vector<16xi32>
        %and3A_265 = arith.constant 1023 : i32
        %and3A_266 = vector.broadcast %and3A_265 : i32 to vector<16xi32>
        %and3A_267 = arith.andi %shift_right_logical3A_264, %and3A_266 : vector<16xi32>
        %shift_right_logical3A_268 = arith.constant 31 : i32
        %shift_right_logical3A_269 = vector.broadcast %shift_right_logical3A_268 : i32 to vector<16xi32>
        %shift_right_logical3A_270 = arith.shrui %get3A_263, %shift_right_logical3A_269 : vector<16xi32>
        %shift_left3A_271 = arith.constant 10 : i32
        %shift_left3A_272 = vector.broadcast %shift_left3A_271 : i32 to vector<16xi32>
        %shift_left3A_273 = arith.shli %shift_right_logical3A_270, %shift_left3A_272 : vector<16xi32>
        %or3A_274 = arith.ori %and3A_267, %shift_left3A_273 : vector<16xi32>
        %shift_left3A_275 = arith.constant 4 : i32
        %shift_left3A_276 = vector.broadcast %shift_left3A_275 : i32 to vector<16xi32>
        %shift_left3A_277 = arith.shli %or3A_274, %shift_left3A_276 : vector<16xi32>
        %or3A_278 = arith.ori %shift_left3A_277, %iota3A : vector<16xi32>
        %shift_right_logical3A_279 = arith.shrui %get3A_263, %get3A_16 : vector<16xi32>
        %eq3A_280 = arith.cmpi eq, %shift_right_logical3A_279, %get3A_12 : vector<16xi32>
        %eq3A_281 = arith.cmpi eq, %shift_right_logical3A_279, %get3A_14 : vector<16xi32>
        %or3A_282 = arith.ori %eq3A_280, %eq3A_281 : vector<16xi1>
        tpu.vector_store_idx %arg8[%or3A_278], %broadcast_in_dim3A_19 masked %or3A_282 {add = true} : memref<32768xi32, #tpu.memory_space<vmem>>[vector<16xi32>], vector<16xi32>, vector<16xi1>
        %scan3A_283 = arith.constant 4 : i32
        %scan3A_284 = arith.addi %scan3A_89, %scan3A_283 : i32
        %mul3A_285 = arith.constant 32 : i32
        %mul3A_286 = arith.muli %scan3A_284, %mul3A_285 : i32
        %add3A_287 = arith.constant 0 : i32
        %add3A_288 = arith.addi %add3A_287, %mul3A_286 : i32
        %get3A_289 = arith.index_cast %add3A_288 : i32 to index
        %get3A_290 = tpu.vector_load %arg5[%get3A_289] {strides = array<i32>} : memref<32768xi32, #tpu.memory_space<vmem>>, vector<16xi32>,
        %shift_right_logical3A_291 = arith.shrui %get3A_290, %get3A_18 : vector<16xi32>
        %and3A_292 = arith.constant 1023 : i32
        %and3A_293 = vector.broadcast %and3A_292 : i32 to vector<16xi32>
        %and3A_294 = arith.andi %shift_right_logical3A_291, %and3A_293 : vector<16xi32>
        %shift_right_logical3A_295 = arith.constant 31 : i32
        %shift_right_logical3A_296 = vector.broadcast %shift_right_logical3A_295 : i32 to vector<16xi32>
        %shift_right_logical3A_297 = arith.shrui %get3A_290, %shift_right_logical3A_296 : vector<16xi32>
        %shift_left3A_298 = arith.constant 10 : i32
        %shift_left3A_299 = vector.broadcast %shift_left3A_298 : i32 to vector<16xi32>
        %shift_left3A_300 = arith.shli %shift_right_logical3A_297, %shift_left3A_299 : vector<16xi32>
        %or3A_301 = arith.ori %and3A_294, %shift_left3A_300 : vector<16xi32>
        %shift_left3A_302 = arith.constant 4 : i32
        %shift_left3A_303 = vector.broadcast %shift_left3A_302 : i32 to vector<16xi32>
        %shift_left3A_304 = arith.shli %or3A_301, %shift_left3A_303 : vector<16xi32>
        %or3A_305 = arith.ori %shift_left3A_304, %iota3A : vector<16xi32>
        %shift_right_logical3A_306 = arith.shrui %get3A_290, %get3A_16 : vector<16xi32>
        %eq3A_307 = arith.cmpi eq, %shift_right_logical3A_306, %get3A_12 : vector<16xi32>
        %eq3A_308 = arith.cmpi eq, %shift_right_logical3A_306, %get3A_14 : vector<16xi32>
        %or3A_309 = arith.ori %eq3A_307, %eq3A_308 : vector<16xi1>
        tpu.vector_store_idx %arg7[%or3A_305], %broadcast_in_dim3A_19 masked %or3A_309 {add = true} : memref<32768xi32, #tpu.memory_space<vmem>>[vector<16xi32>], vector<16xi32>, vector<16xi1>
        %add3A_310 = arith.constant 16 : i32
        %add3A_311 = arith.addi %add3A_288, %add3A_310 : i32
        %get3A_312 = arith.index_cast %add3A_311 : i32 to index
        %get3A_313 = tpu.vector_load %arg5[%get3A_312] {strides = array<i32>} : memref<32768xi32, #tpu.memory_space<vmem>>, vector<16xi32>,
        %shift_right_logical3A_314 = arith.shrui %get3A_313, %get3A_18 : vector<16xi32>
        %and3A_315 = arith.constant 1023 : i32
        %and3A_316 = vector.broadcast %and3A_315 : i32 to vector<16xi32>
        %and3A_317 = arith.andi %shift_right_logical3A_314, %and3A_316 : vector<16xi32>
        %shift_right_logical3A_318 = arith.constant 31 : i32
        %shift_right_logical3A_319 = vector.broadcast %shift_right_logical3A_318 : i32 to vector<16xi32>
        %shift_right_logical3A_320 = arith.shrui %get3A_313, %shift_right_logical3A_319 : vector<16xi32>
        %shift_left3A_321 = arith.constant 10 : i32
        %shift_left3A_322 = vector.broadcast %shift_left3A_321 : i32 to vector<16xi32>
        %shift_left3A_323 = arith.shli %shift_right_logical3A_320, %shift_left3A_322 : vector<16xi32>
        %or3A_324 = arith.ori %and3A_317, %shift_left3A_323 : vector<16xi32>
        %shift_left3A_325 = arith.constant 4 : i32
        %shift_left3A_326 = vector.broadcast %shift_left3A_325 : i32 to vector<16xi32>
        %shift_left3A_327 = arith.shli %or3A_324, %shift_left3A_326 : vector<16xi32>
        %or3A_328 = arith.ori %shift_left3A_327, %iota3A : vector<16xi32>
        %shift_right_logical3A_329 = arith.shrui %get3A_313, %get3A_16 : vector<16xi32>
        %eq3A_330 = arith.cmpi eq, %shift_right_logical3A_329, %get3A_12 : vector<16xi32>
        %eq3A_331 = arith.cmpi eq, %shift_right_logical3A_329, %get3A_14 : vector<16xi32>
        %or3A_332 = arith.ori %eq3A_330, %eq3A_331 : vector<16xi1>
        tpu.vector_store_idx %arg8[%or3A_328], %broadcast_in_dim3A_19 masked %or3A_332 {add = true} : memref<32768xi32, #tpu.memory_space<vmem>>[vector<16xi32>], vector<16xi32>, vector<16xi1>
        %scan3A_333 = arith.constant 5 : i32
        %scan3A_334 = arith.addi %scan3A_89, %scan3A_333 : i32
        %mul3A_335 = arith.constant 32 : i32
        %mul3A_336 = arith.muli %scan3A_334, %mul3A_335 : i32
        %add3A_337 = arith.constant 0 : i32
        %add3A_338 = arith.addi %add3A_337, %mul3A_336 : i32
        %get3A_339 = arith.index_cast %add3A_338 : i32 to index
        %get3A_340 = tpu.vector_load %arg5[%get3A_339] {strides = array<i32>} : memref<32768xi32, #tpu.memory_space<vmem>>, vector<16xi32>,
        %shift_right_logical3A_341 = arith.shrui %get3A_340, %get3A_18 : vector<16xi32>
        %and3A_342 = arith.constant 1023 : i32
        %and3A_343 = vector.broadcast %and3A_342 : i32 to vector<16xi32>
        %and3A_344 = arith.andi %shift_right_logical3A_341, %and3A_343 : vector<16xi32>
        %shift_right_logical3A_345 = arith.constant 31 : i32
        %shift_right_logical3A_346 = vector.broadcast %shift_right_logical3A_345 : i32 to vector<16xi32>
        %shift_right_logical3A_347 = arith.shrui %get3A_340, %shift_right_logical3A_346 : vector<16xi32>
        %shift_left3A_348 = arith.constant 10 : i32
        %shift_left3A_349 = vector.broadcast %shift_left3A_348 : i32 to vector<16xi32>
        %shift_left3A_350 = arith.shli %shift_right_logical3A_347, %shift_left3A_349 : vector<16xi32>
        %or3A_351 = arith.ori %and3A_344, %shift_left3A_350 : vector<16xi32>
        %shift_left3A_352 = arith.constant 4 : i32
        %shift_left3A_353 = vector.broadcast %shift_left3A_352 : i32 to vector<16xi32>
        %shift_left3A_354 = arith.shli %or3A_351, %shift_left3A_353 : vector<16xi32>
        %or3A_355 = arith.ori %shift_left3A_354, %iota3A : vector<16xi32>
        %shift_right_logical3A_356 = arith.shrui %get3A_340, %get3A_16 : vector<16xi32>
        %eq3A_357 = arith.cmpi eq, %shift_right_logical3A_356, %get3A_12 : vector<16xi32>
        %eq3A_358 = arith.cmpi eq, %shift_right_logical3A_356, %get3A_14 : vector<16xi32>
        %or3A_359 = arith.ori %eq3A_357, %eq3A_358 : vector<16xi1>
        tpu.vector_store_idx %arg7[%or3A_355], %broadcast_in_dim3A_19 masked %or3A_359 {add = true} : memref<32768xi32, #tpu.memory_space<vmem>>[vector<16xi32>], vector<16xi32>, vector<16xi1>
        %add3A_360 = arith.constant 16 : i32
        %add3A_361 = arith.addi %add3A_338, %add3A_360 : i32
        %get3A_362 = arith.index_cast %add3A_361 : i32 to index
        %get3A_363 = tpu.vector_load %arg5[%get3A_362] {strides = array<i32>} : memref<32768xi32, #tpu.memory_space<vmem>>, vector<16xi32>,
        %shift_right_logical3A_364 = arith.shrui %get3A_363, %get3A_18 : vector<16xi32>
        %and3A_365 = arith.constant 1023 : i32
        %and3A_366 = vector.broadcast %and3A_365 : i32 to vector<16xi32>
        %and3A_367 = arith.andi %shift_right_logical3A_364, %and3A_366 : vector<16xi32>
        %shift_right_logical3A_368 = arith.constant 31 : i32
        %shift_right_logical3A_369 = vector.broadcast %shift_right_logical3A_368 : i32 to vector<16xi32>
        %shift_right_logical3A_370 = arith.shrui %get3A_363, %shift_right_logical3A_369 : vector<16xi32>
        %shift_left3A_371 = arith.constant 10 : i32
        %shift_left3A_372 = vector.broadcast %shift_left3A_371 : i32 to vector<16xi32>
        %shift_left3A_373 = arith.shli %shift_right_logical3A_370, %shift_left3A_372 : vector<16xi32>
        %or3A_374 = arith.ori %and3A_367, %shift_left3A_373 : vector<16xi32>
        %shift_left3A_375 = arith.constant 4 : i32
        %shift_left3A_376 = vector.broadcast %shift_left3A_375 : i32 to vector<16xi32>
        %shift_left3A_377 = arith.shli %or3A_374, %shift_left3A_376 : vector<16xi32>
        %or3A_378 = arith.ori %shift_left3A_377, %iota3A : vector<16xi32>
        %shift_right_logical3A_379 = arith.shrui %get3A_363, %get3A_16 : vector<16xi32>
        %eq3A_380 = arith.cmpi eq, %shift_right_logical3A_379, %get3A_12 : vector<16xi32>
        %eq3A_381 = arith.cmpi eq, %shift_right_logical3A_379, %get3A_14 : vector<16xi32>
        %or3A_382 = arith.ori %eq3A_380, %eq3A_381 : vector<16xi1>
        tpu.vector_store_idx %arg8[%or3A_378], %broadcast_in_dim3A_19 masked %or3A_382 {add = true} : memref<32768xi32, #tpu.memory_space<vmem>>[vector<16xi32>], vector<16xi32>, vector<16xi1>
        %scan3A_383 = arith.constant 6 : i32
        %scan3A_384 = arith.addi %scan3A_89, %scan3A_383 : i32
        %mul3A_385 = arith.constant 32 : i32
        %mul3A_386 = arith.muli %scan3A_384, %mul3A_385 : i32
        %add3A_387 = arith.constant 0 : i32
        %add3A_388 = arith.addi %add3A_387, %mul3A_386 : i32
        %get3A_389 = arith.index_cast %add3A_388 : i32 to index
        %get3A_390 = tpu.vector_load %arg5[%get3A_389] {strides = array<i32>} : memref<32768xi32, #tpu.memory_space<vmem>>, vector<16xi32>,
        %shift_right_logical3A_391 = arith.shrui %get3A_390, %get3A_18 : vector<16xi32>
        %and3A_392 = arith.constant 1023 : i32
        %and3A_393 = vector.broadcast %and3A_392 : i32 to vector<16xi32>
        %and3A_394 = arith.andi %shift_right_logical3A_391, %and3A_393 : vector<16xi32>
        %shift_right_logical3A_395 = arith.constant 31 : i32
        %shift_right_logical3A_396 = vector.broadcast %shift_right_logical3A_395 : i32 to vector<16xi32>
        %shift_right_logical3A_397 = arith.shrui %get3A_390, %shift_right_logical3A_396 : vector<16xi32>
        %shift_left3A_398 = arith.constant 10 : i32
        %shift_left3A_399 = vector.broadcast %shift_left3A_398 : i32 to vector<16xi32>
        %shift_left3A_400 = arith.shli %shift_right_logical3A_397, %shift_left3A_399 : vector<16xi32>
        %or3A_401 = arith.ori %and3A_394, %shift_left3A_400 : vector<16xi32>
        %shift_left3A_402 = arith.constant 4 : i32
        %shift_left3A_403 = vector.broadcast %shift_left3A_402 : i32 to vector<16xi32>
        %shift_left3A_404 = arith.shli %or3A_401, %shift_left3A_403 : vector<16xi32>
        %or3A_405 = arith.ori %shift_left3A_404, %iota3A : vector<16xi32>
        %shift_right_logical3A_406 = arith.shrui %get3A_390, %get3A_16 : vector<16xi32>
        %eq3A_407 = arith.cmpi eq, %shift_right_logical3A_406, %get3A_12 : vector<16xi32>
        %eq3A_408 = arith.cmpi eq, %shift_right_logical3A_406, %get3A_14 : vector<16xi32>
        %or3A_409 = arith.ori %eq3A_407, %eq3A_408 : vector<16xi1>
        tpu.vector_store_idx %arg7[%or3A_405], %broadcast_in_dim3A_19 masked %or3A_409 {add = true} : memref<32768xi32, #tpu.memory_space<vmem>>[vector<16xi32>], vector<16xi32>, vector<16xi1>
        %add3A_410 = arith.constant 16 : i32
        %add3A_411 = arith.addi %add3A_388, %add3A_410 : i32
        %get3A_412 = arith.index_cast %add3A_411 : i32 to index
        %get3A_413 = tpu.vector_load %arg5[%get3A_412] {strides = array<i32>} : memref<32768xi32, #tpu.memory_space<vmem>>, vector<16xi32>,
        %shift_right_logical3A_414 = arith.shrui %get3A_413, %get3A_18 : vector<16xi32>
        %and3A_415 = arith.constant 1023 : i32
        %and3A_416 = vector.broadcast %and3A_415 : i32 to vector<16xi32>
        %and3A_417 = arith.andi %shift_right_logical3A_414, %and3A_416 : vector<16xi32>
        %shift_right_logical3A_418 = arith.constant 31 : i32
        %shift_right_logical3A_419 = vector.broadcast %shift_right_logical3A_418 : i32 to vector<16xi32>
        %shift_right_logical3A_420 = arith.shrui %get3A_413, %shift_right_logical3A_419 : vector<16xi32>
        %shift_left3A_421 = arith.constant 10 : i32
        %shift_left3A_422 = vector.broadcast %shift_left3A_421 : i32 to vector<16xi32>
        %shift_left3A_423 = arith.shli %shift_right_logical3A_420, %shift_left3A_422 : vector<16xi32>
        %or3A_424 = arith.ori %and3A_417, %shift_left3A_423 : vector<16xi32>
        %shift_left3A_425 = arith.constant 4 : i32
        %shift_left3A_426 = vector.broadcast %shift_left3A_425 : i32 to vector<16xi32>
        %shift_left3A_427 = arith.shli %or3A_424, %shift_left3A_426 : vector<16xi32>
        %or3A_428 = arith.ori %shift_left3A_427, %iota3A : vector<16xi32>
        %shift_right_logical3A_429 = arith.shrui %get3A_413, %get3A_16 : vector<16xi32>
        %eq3A_430 = arith.cmpi eq, %shift_right_logical3A_429, %get3A_12 : vector<16xi32>
        %eq3A_431 = arith.cmpi eq, %shift_right_logical3A_429, %get3A_14 : vector<16xi32>
        %or3A_432 = arith.ori %eq3A_430, %eq3A_431 : vector<16xi1>
        tpu.vector_store_idx %arg8[%or3A_428], %broadcast_in_dim3A_19 masked %or3A_432 {add = true} : memref<32768xi32, #tpu.memory_space<vmem>>[vector<16xi32>], vector<16xi32>, vector<16xi1>
        %scan3A_433 = arith.constant 7 : i32
        %scan3A_434 = arith.addi %scan3A_89, %scan3A_433 : i32
        %mul3A_435 = arith.constant 32 : i32
        %mul3A_436 = arith.muli %scan3A_434, %mul3A_435 : i32
        %add3A_437 = arith.constant 0 : i32
        %add3A_438 = arith.addi %add3A_437, %mul3A_436 : i32
        %get3A_439 = arith.index_cast %add3A_438 : i32 to index
        %get3A_440 = tpu.vector_load %arg5[%get3A_439] {strides = array<i32>} : memref<32768xi32, #tpu.memory_space<vmem>>, vector<16xi32>,
        %shift_right_logical3A_441 = arith.shrui %get3A_440, %get3A_18 : vector<16xi32>
        %and3A_442 = arith.constant 1023 : i32
        %and3A_443 = vector.broadcast %and3A_442 : i32 to vector<16xi32>
        %and3A_444 = arith.andi %shift_right_logical3A_441, %and3A_443 : vector<16xi32>
        %shift_right_logical3A_445 = arith.constant 31 : i32
        %shift_right_logical3A_446 = vector.broadcast %shift_right_logical3A_445 : i32 to vector<16xi32>
        %shift_right_logical3A_447 = arith.shrui %get3A_440, %shift_right_logical3A_446 : vector<16xi32>
        %shift_left3A_448 = arith.constant 10 : i32
        %shift_left3A_449 = vector.broadcast %shift_left3A_448 : i32 to vector<16xi32>
        %shift_left3A_450 = arith.shli %shift_right_logical3A_447, %shift_left3A_449 : vector<16xi32>
        %or3A_451 = arith.ori %and3A_444, %shift_left3A_450 : vector<16xi32>
        %shift_left3A_452 = arith.constant 4 : i32
        %shift_left3A_453 = vector.broadcast %shift_left3A_452 : i32 to vector<16xi32>
        %shift_left3A_454 = arith.shli %or3A_451, %shift_left3A_453 : vector<16xi32>
        %or3A_455 = arith.ori %shift_left3A_454, %iota3A : vector<16xi32>
        %shift_right_logical3A_456 = arith.shrui %get3A_440, %get3A_16 : vector<16xi32>
        %eq3A_457 = arith.cmpi eq, %shift_right_logical3A_456, %get3A_12 : vector<16xi32>
        %eq3A_458 = arith.cmpi eq, %shift_right_logical3A_456, %get3A_14 : vector<16xi32>
        %or3A_459 = arith.ori %eq3A_457, %eq3A_458 : vector<16xi1>
        tpu.vector_store_idx %arg7[%or3A_455], %broadcast_in_dim3A_19 masked %or3A_459 {add = true} : memref<32768xi32, #tpu.memory_space<vmem>>[vector<16xi32>], vector<16xi32>, vector<16xi1>
        %add3A_460 = arith.constant 16 : i32
        %add3A_461 = arith.addi %add3A_438, %add3A_460 : i32
        %get3A_462 = arith.index_cast %add3A_461 : i32 to index
        %get3A_463 = tpu.vector_load %arg5[%get3A_462] {strides = array<i32>} : memref<32768xi32, #tpu.memory_space<vmem>>, vector<16xi32>,
        %shift_right_logical3A_464 = arith.shrui %get3A_463, %get3A_18 : vector<16xi32>
        %and3A_465 = arith.constant 1023 : i32
        %and3A_466 = vector.broadcast %and3A_465 : i32 to vector<16xi32>
        %and3A_467 = arith.andi %shift_right_logical3A_464, %and3A_466 : vector<16xi32>
        %shift_right_logical3A_468 = arith.constant 31 : i32
        %shift_right_logical3A_469 = vector.broadcast %shift_right_logical3A_468 : i32 to vector<16xi32>
        %shift_right_logical3A_470 = arith.shrui %get3A_463, %shift_right_logical3A_469 : vector<16xi32>
        %shift_left3A_471 = arith.constant 10 : i32
        %shift_left3A_472 = vector.broadcast %shift_left3A_471 : i32 to vector<16xi32>
        %shift_left3A_473 = arith.shli %shift_right_logical3A_470, %shift_left3A_472 : vector<16xi32>
        %or3A_474 = arith.ori %and3A_467, %shift_left3A_473 : vector<16xi32>
        %shift_left3A_475 = arith.constant 4 : i32
        %shift_left3A_476 = vector.broadcast %shift_left3A_475 : i32 to vector<16xi32>
        %shift_left3A_477 = arith.shli %or3A_474, %shift_left3A_476 : vector<16xi32>
        %or3A_478 = arith.ori %shift_left3A_477, %iota3A : vector<16xi32>
        %shift_right_logical3A_479 = arith.shrui %get3A_463, %get3A_16 : vector<16xi32>
        %eq3A_480 = arith.cmpi eq, %shift_right_logical3A_479, %get3A_12 : vector<16xi32>
        %eq3A_481 = arith.cmpi eq, %shift_right_logical3A_479, %get3A_14 : vector<16xi32>
        %or3A_482 = arith.ori %eq3A_480, %eq3A_481 : vector<16xi1>
        tpu.vector_store_idx %arg8[%or3A_478], %broadcast_in_dim3A_19 masked %or3A_482 {add = true} : memref<32768xi32, #tpu.memory_space<vmem>>[vector<16xi32>], vector<16xi32>, vector<16xi1>
      }
      %scan3A_67 = arith.constant 512 : i32
      %add3A_68 = arith.constant 2 : i32
      %add3A_69 = arith.addi %mul3A_39, %add3A_68 : i32
      %lt3A = arith.constant 32 : i32
      %lt3A_70 = arith.cmpi slt, %add3A_69, %lt3A : i32
      %convert_element_type3A = arith.extui %lt3A_70 : i1 to i32
      %cond3A = arith.constant 0 : i32
      %cond3A_71 = arith.cmpi ne, %convert_element_type3A, %cond3A : i32
      scf.if %cond3A_71 {
        %add3A_89 = arith.constant 2 : i32
        %add3A_90 = arith.addi %mul3A_39, %add3A_89 : i32
        %dma_start3A_91 = arith.constant 0 : i32
        %dma_start3A_92 = tpu.memref_slice %arg5[%dma_start3A_91] : memref<32768xi32, #tpu.memory_space<vmem>> -> memref<16384xi32, #tpu.memory_space<vmem>>
        %dma_start3A_93 = arith.constant 0 : i32
        %dma_start3A_94 = tpu.memref_slice %arg2[%add3A, %add3A_90, %dma_start3A_93] : memref<32x32x16384xi32, #tpu.memory_space<hbm>> -> memref<1x1x16384xi32, #tpu.memory_space<hbm>>
        %dma_start3A_95 = tpu.memref_squeeze %dma_start3A_94 : memref<1x1x16384xi32, #tpu.memory_space<hbm>> -> memref<16384xi32, #tpu.memory_space<hbm>>
        %dma_start3A_96 = arith.constant 0 : i32
        %dma_start3A_97 = tpu.memref_slice %arg5[%dma_start3A_96] : memref<32768xi32, #tpu.memory_space<vmem>> -> memref<16384xi32, #tpu.memory_space<vmem>>
        %dma_start3A_98 = arith.constant 0 : i32
        %dma_start3A_99 = tpu.memref_slice %arg2[%add3A, %add3A_90, %dma_start3A_98] : memref<32x32x16384xi32, #tpu.memory_space<hbm>> -> memref<1x1x16384xi32, #tpu.memory_space<hbm>>
        %dma_start3A_100 = tpu.memref_squeeze %dma_start3A_99 : memref<1x1x16384xi32, #tpu.memory_space<hbm>> -> memref<16384xi32, #tpu.memory_space<hbm>>
        tpu.enqueue_dma source(%dma_start3A_100 : memref<16384xi32, #tpu.memory_space<hbm>>) target(%dma_start3A_97 : memref<16384xi32, #tpu.memory_space<vmem>>) target_semaphore(%arg9 : memref<!tpu.dma_semaphore, #tpu.memory_space<semaphore_mem>>)
      } else {
      }
      %dma_wait3A_72 = arith.constant 0 : i32
      %dma_wait3A_73 = arith.constant 16384 : i32
      %dma_wait3A_74 = tpu.memref_slice %arg5[%dma_wait3A_73] : memref<32768xi32, #tpu.memory_space<vmem>> -> memref<16384xi32, #tpu.memory_space<vmem>>
      %dma_wait3A_75 = arith.constant 0 : i32
      %dma_wait3A_76 = tpu.memref_slice %arg2[%add3A, %dma_wait3A_72, %dma_wait3A_75] : memref<32x32x16384xi32, #tpu.memory_space<hbm>> -> memref<1x1x16384xi32, #tpu.memory_space<hbm>>
      %dma_wait3A_77 = tpu.memref_squeeze %dma_wait3A_76 : memref<1x1x16384xi32, #tpu.memory_space<hbm>> -> memref<16384xi32, #tpu.memory_space<hbm>>
      %dma_wait3A_78 = arith.constant 16384 : i32
      %dma_wait3A_79 = tpu.memref_slice %arg5[%dma_wait3A_78] : memref<32768xi32, #tpu.memory_space<vmem>> -> memref<16384xi32, #tpu.memory_space<vmem>>
      %dma_wait3A_80 = arith.constant 0 : i32
      %dma_wait3A_81 = tpu.memref_slice %arg2[%add3A, %dma_wait3A_72, %dma_wait3A_80] : memref<32x32x16384xi32, #tpu.memory_space<hbm>> -> memref<1x1x16384xi32, #tpu.memory_space<hbm>>
      %dma_wait3A_82 = tpu.memref_squeeze %dma_wait3A_81 : memref<1x1x16384xi32, #tpu.memory_space<hbm>> -> memref<16384xi32, #tpu.memory_space<hbm>>
      tpu.wait_dma2 semaphore(%arg10 : memref<!tpu.dma_semaphore, #tpu.memory_space<semaphore_mem>>) src(%dma_wait3A_82 : memref<16384xi32, #tpu.memory_space<hbm>>) dst(%dma_wait3A_79 : memref<16384xi32, #tpu.memory_space<vmem>>)
      %scan3A_83 = arith.constant 0 : i32
      %scan3A_84 = arith.constant 0 : i32
      %scan3A_85 = arith.constant 512 : i32
      %scan3A_86 = arith.addi %scan3A_84, %scan3A_85 : i32
      %scan3A_87 = arith.constant 8 : i32
      scf.for %scan3A_89 = %scan3A_84 to %scan3A_86 step %scan3A_87  : i32 {
        %mul3A_90 = arith.constant 32 : i32
        %mul3A_91 = arith.muli %scan3A_89, %mul3A_90 : i32
        %add3A_92 = arith.constant 16384 : i32
        %add3A_93 = arith.addi %add3A_92, %mul3A_91 : i32
        %get3A_94 = arith.index_cast %add3A_93 : i32 to index
        %get3A_95 = tpu.vector_load %arg5[%get3A_94] {strides = array<i32>} : memref<32768xi32, #tpu.memory_space<vmem>>, vector<16xi32>,
        %shift_right_logical3A = arith.shrui %get3A_95, %get3A_18 : vector<16xi32>
        %and3A = arith.constant 1023 : i32
        %and3A_96 = vector.broadcast %and3A : i32 to vector<16xi32>
        %and3A_97 = arith.andi %shift_right_logical3A, %and3A_96 : vector<16xi32>
        %shift_right_logical3A_98 = arith.constant 31 : i32
        %shift_right_logical3A_99 = vector.broadcast %shift_right_logical3A_98 : i32 to vector<16xi32>
        %shift_right_logical3A_100 = arith.shrui %get3A_95, %shift_right_logical3A_99 : vector<16xi32>
        %shift_left3A = arith.constant 10 : i32
        %shift_left3A_101 = vector.broadcast %shift_left3A : i32 to vector<16xi32>
        %shift_left3A_102 = arith.shli %shift_right_logical3A_100, %shift_left3A_101 : vector<16xi32>
        %or3A = arith.ori %and3A_97, %shift_left3A_102 : vector<16xi32>
        %shift_left3A_103 = arith.constant 4 : i32
        %shift_left3A_104 = vector.broadcast %shift_left3A_103 : i32 to vector<16xi32>
        %shift_left3A_105 = arith.shli %or3A, %shift_left3A_104 : vector<16xi32>
        %or3A_106 = arith.ori %shift_left3A_105, %iota3A : vector<16xi32>
        %shift_right_logical3A_107 = arith.shrui %get3A_95, %get3A_16 : vector<16xi32>
        %eq3A = arith.cmpi eq, %shift_right_logical3A_107, %get3A_12 : vector<16xi32>
        %eq3A_108 = arith.cmpi eq, %shift_right_logical3A_107, %get3A_14 : vector<16xi32>
        %or3A_109 = arith.ori %eq3A, %eq3A_108 : vector<16xi1>
        tpu.vector_store_idx %arg7[%or3A_106], %broadcast_in_dim3A_19 masked %or3A_109 {add = true} : memref<32768xi32, #tpu.memory_space<vmem>>[vector<16xi32>], vector<16xi32>, vector<16xi1>
        %add3A_110 = arith.constant 16 : i32
        %add3A_111 = arith.addi %add3A_93, %add3A_110 : i32
        %get3A_112 = arith.index_cast %add3A_111 : i32 to index
        %get3A_113 = tpu.vector_load %arg5[%get3A_112] {strides = array<i32>} : memref<32768xi32, #tpu.memory_space<vmem>>, vector<16xi32>,
        %shift_right_logical3A_114 = arith.shrui %get3A_113, %get3A_18 : vector<16xi32>
        %and3A_115 = arith.constant 1023 : i32
        %and3A_116 = vector.broadcast %and3A_115 : i32 to vector<16xi32>
        %and3A_117 = arith.andi %shift_right_logical3A_114, %and3A_116 : vector<16xi32>
        %shift_right_logical3A_118 = arith.constant 31 : i32
        %shift_right_logical3A_119 = vector.broadcast %shift_right_logical3A_118 : i32 to vector<16xi32>
        %shift_right_logical3A_120 = arith.shrui %get3A_113, %shift_right_logical3A_119 : vector<16xi32>
        %shift_left3A_121 = arith.constant 10 : i32
        %shift_left3A_122 = vector.broadcast %shift_left3A_121 : i32 to vector<16xi32>
        %shift_left3A_123 = arith.shli %shift_right_logical3A_120, %shift_left3A_122 : vector<16xi32>
        %or3A_124 = arith.ori %and3A_117, %shift_left3A_123 : vector<16xi32>
        %shift_left3A_125 = arith.constant 4 : i32
        %shift_left3A_126 = vector.broadcast %shift_left3A_125 : i32 to vector<16xi32>
        %shift_left3A_127 = arith.shli %or3A_124, %shift_left3A_126 : vector<16xi32>
        %or3A_128 = arith.ori %shift_left3A_127, %iota3A : vector<16xi32>
        %shift_right_logical3A_129 = arith.shrui %get3A_113, %get3A_16 : vector<16xi32>
        %eq3A_130 = arith.cmpi eq, %shift_right_logical3A_129, %get3A_12 : vector<16xi32>
        %eq3A_131 = arith.cmpi eq, %shift_right_logical3A_129, %get3A_14 : vector<16xi32>
        %or3A_132 = arith.ori %eq3A_130, %eq3A_131 : vector<16xi1>
        tpu.vector_store_idx %arg8[%or3A_128], %broadcast_in_dim3A_19 masked %or3A_132 {add = true} : memref<32768xi32, #tpu.memory_space<vmem>>[vector<16xi32>], vector<16xi32>, vector<16xi1>
        %scan3A_133 = arith.constant 1 : i32
        %scan3A_134 = arith.addi %scan3A_89, %scan3A_133 : i32
        %mul3A_135 = arith.constant 32 : i32
        %mul3A_136 = arith.muli %scan3A_134, %mul3A_135 : i32
        %add3A_137 = arith.constant 16384 : i32
        %add3A_138 = arith.addi %add3A_137, %mul3A_136 : i32
        %get3A_139 = arith.index_cast %add3A_138 : i32 to index
        %get3A_140 = tpu.vector_load %arg5[%get3A_139] {strides = array<i32>} : memref<32768xi32, #tpu.memory_space<vmem>>, vector<16xi32>,
        %shift_right_logical3A_141 = arith.shrui %get3A_140, %get3A_18 : vector<16xi32>
        %and3A_142 = arith.constant 1023 : i32
        %and3A_143 = vector.broadcast %and3A_142 : i32 to vector<16xi32>
        %and3A_144 = arith.andi %shift_right_logical3A_141, %and3A_143 : vector<16xi32>
        %shift_right_logical3A_145 = arith.constant 31 : i32
        %shift_right_logical3A_146 = vector.broadcast %shift_right_logical3A_145 : i32 to vector<16xi32>
        %shift_right_logical3A_147 = arith.shrui %get3A_140, %shift_right_logical3A_146 : vector<16xi32>
        %shift_left3A_148 = arith.constant 10 : i32
        %shift_left3A_149 = vector.broadcast %shift_left3A_148 : i32 to vector<16xi32>
        %shift_left3A_150 = arith.shli %shift_right_logical3A_147, %shift_left3A_149 : vector<16xi32>
        %or3A_151 = arith.ori %and3A_144, %shift_left3A_150 : vector<16xi32>
        %shift_left3A_152 = arith.constant 4 : i32
        %shift_left3A_153 = vector.broadcast %shift_left3A_152 : i32 to vector<16xi32>
        %shift_left3A_154 = arith.shli %or3A_151, %shift_left3A_153 : vector<16xi32>
        %or3A_155 = arith.ori %shift_left3A_154, %iota3A : vector<16xi32>
        %shift_right_logical3A_156 = arith.shrui %get3A_140, %get3A_16 : vector<16xi32>
        %eq3A_157 = arith.cmpi eq, %shift_right_logical3A_156, %get3A_12 : vector<16xi32>
        %eq3A_158 = arith.cmpi eq, %shift_right_logical3A_156, %get3A_14 : vector<16xi32>
        %or3A_159 = arith.ori %eq3A_157, %eq3A_158 : vector<16xi1>
        tpu.vector_store_idx %arg7[%or3A_155], %broadcast_in_dim3A_19 masked %or3A_159 {add = true} : memref<32768xi32, #tpu.memory_space<vmem>>[vector<16xi32>], vector<16xi32>, vector<16xi1>
        %add3A_160 = arith.constant 16 : i32
        %add3A_161 = arith.addi %add3A_138, %add3A_160 : i32
        %get3A_162 = arith.index_cast %add3A_161 : i32 to index
        %get3A_163 = tpu.vector_load %arg5[%get3A_162] {strides = array<i32>} : memref<32768xi32, #tpu.memory_space<vmem>>, vector<16xi32>,
        %shift_right_logical3A_164 = arith.shrui %get3A_163, %get3A_18 : vector<16xi32>
        %and3A_165 = arith.constant 1023 : i32
        %and3A_166 = vector.broadcast %and3A_165 : i32 to vector<16xi32>
        %and3A_167 = arith.andi %shift_right_logical3A_164, %and3A_166 : vector<16xi32>
        %shift_right_logical3A_168 = arith.constant 31 : i32
        %shift_right_logical3A_169 = vector.broadcast %shift_right_logical3A_168 : i32 to vector<16xi32>
        %shift_right_logical3A_170 = arith.shrui %get3A_163, %shift_right_logical3A_169 : vector<16xi32>
        %shift_left3A_171 = arith.constant 10 : i32
        %shift_left3A_172 = vector.broadcast %shift_left3A_171 : i32 to vector<16xi32>
        %shift_left3A_173 = arith.shli %shift_right_logical3A_170, %shift_left3A_172 : vector<16xi32>
        %or3A_174 = arith.ori %and3A_167, %shift_left3A_173 : vector<16xi32>
        %shift_left3A_175 = arith.constant 4 : i32
        %shift_left3A_176 = vector.broadcast %shift_left3A_175 : i32 to vector<16xi32>
        %shift_left3A_177 = arith.shli %or3A_174, %shift_left3A_176 : vector<16xi32>
        %or3A_178 = arith.ori %shift_left3A_177, %iota3A : vector<16xi32>
        %shift_right_logical3A_179 = arith.shrui %get3A_163, %get3A_16 : vector<16xi32>
        %eq3A_180 = arith.cmpi eq, %shift_right_logical3A_179, %get3A_12 : vector<16xi32>
        %eq3A_181 = arith.cmpi eq, %shift_right_logical3A_179, %get3A_14 : vector<16xi32>
        %or3A_182 = arith.ori %eq3A_180, %eq3A_181 : vector<16xi1>
        tpu.vector_store_idx %arg8[%or3A_178], %broadcast_in_dim3A_19 masked %or3A_182 {add = true} : memref<32768xi32, #tpu.memory_space<vmem>>[vector<16xi32>], vector<16xi32>, vector<16xi1>
        %scan3A_183 = arith.constant 2 : i32
        %scan3A_184 = arith.addi %scan3A_89, %scan3A_183 : i32
        %mul3A_185 = arith.constant 32 : i32
        %mul3A_186 = arith.muli %scan3A_184, %mul3A_185 : i32
        %add3A_187 = arith.constant 16384 : i32
        %add3A_188 = arith.addi %add3A_187, %mul3A_186 : i32
        %get3A_189 = arith.index_cast %add3A_188 : i32 to index
        %get3A_190 = tpu.vector_load %arg5[%get3A_189] {strides = array<i32>} : memref<32768xi32, #tpu.memory_space<vmem>>, vector<16xi32>,
        %shift_right_logical3A_191 = arith.shrui %get3A_190, %get3A_18 : vector<16xi32>
        %and3A_192 = arith.constant 1023 : i32
        %and3A_193 = vector.broadcast %and3A_192 : i32 to vector<16xi32>
        %and3A_194 = arith.andi %shift_right_logical3A_191, %and3A_193 : vector<16xi32>
        %shift_right_logical3A_195 = arith.constant 31 : i32
        %shift_right_logical3A_196 = vector.broadcast %shift_right_logical3A_195 : i32 to vector<16xi32>
        %shift_right_logical3A_197 = arith.shrui %get3A_190, %shift_right_logical3A_196 : vector<16xi32>
        %shift_left3A_198 = arith.constant 10 : i32
        %shift_left3A_199 = vector.broadcast %shift_left3A_198 : i32 to vector<16xi32>
        %shift_left3A_200 = arith.shli %shift_right_logical3A_197, %shift_left3A_199 : vector<16xi32>
        %or3A_201 = arith.ori %and3A_194, %shift_left3A_200 : vector<16xi32>
        %shift_left3A_202 = arith.constant 4 : i32
        %shift_left3A_203 = vector.broadcast %shift_left3A_202 : i32 to vector<16xi32>
        %shift_left3A_204 = arith.shli %or3A_201, %shift_left3A_203 : vector<16xi32>
        %or3A_205 = arith.ori %shift_left3A_204, %iota3A : vector<16xi32>
        %shift_right_logical3A_206 = arith.shrui %get3A_190, %get3A_16 : vector<16xi32>
        %eq3A_207 = arith.cmpi eq, %shift_right_logical3A_206, %get3A_12 : vector<16xi32>
        %eq3A_208 = arith.cmpi eq, %shift_right_logical3A_206, %get3A_14 : vector<16xi32>
        %or3A_209 = arith.ori %eq3A_207, %eq3A_208 : vector<16xi1>
        tpu.vector_store_idx %arg7[%or3A_205], %broadcast_in_dim3A_19 masked %or3A_209 {add = true} : memref<32768xi32, #tpu.memory_space<vmem>>[vector<16xi32>], vector<16xi32>, vector<16xi1>
        %add3A_210 = arith.constant 16 : i32
        %add3A_211 = arith.addi %add3A_188, %add3A_210 : i32
        %get3A_212 = arith.index_cast %add3A_211 : i32 to index
        %get3A_213 = tpu.vector_load %arg5[%get3A_212] {strides = array<i32>} : memref<32768xi32, #tpu.memory_space<vmem>>, vector<16xi32>,
        %shift_right_logical3A_214 = arith.shrui %get3A_213, %get3A_18 : vector<16xi32>
        %and3A_215 = arith.constant 1023 : i32
        %and3A_216 = vector.broadcast %and3A_215 : i32 to vector<16xi32>
        %and3A_217 = arith.andi %shift_right_logical3A_214, %and3A_216 : vector<16xi32>
        %shift_right_logical3A_218 = arith.constant 31 : i32
        %shift_right_logical3A_219 = vector.broadcast %shift_right_logical3A_218 : i32 to vector<16xi32>
        %shift_right_logical3A_220 = arith.shrui %get3A_213, %shift_right_logical3A_219 : vector<16xi32>
        %shift_left3A_221 = arith.constant 10 : i32
        %shift_left3A_222 = vector.broadcast %shift_left3A_221 : i32 to vector<16xi32>
        %shift_left3A_223 = arith.shli %shift_right_logical3A_220, %shift_left3A_222 : vector<16xi32>
        %or3A_224 = arith.ori %and3A_217, %shift_left3A_223 : vector<16xi32>
        %shift_left3A_225 = arith.constant 4 : i32
        %shift_left3A_226 = vector.broadcast %shift_left3A_225 : i32 to vector<16xi32>
        %shift_left3A_227 = arith.shli %or3A_224, %shift_left3A_226 : vector<16xi32>
        %or3A_228 = arith.ori %shift_left3A_227, %iota3A : vector<16xi32>
        %shift_right_logical3A_229 = arith.shrui %get3A_213, %get3A_16 : vector<16xi32>
        %eq3A_230 = arith.cmpi eq, %shift_right_logical3A_229, %get3A_12 : vector<16xi32>
        %eq3A_231 = arith.cmpi eq, %shift_right_logical3A_229, %get3A_14 : vector<16xi32>
        %or3A_232 = arith.ori %eq3A_230, %eq3A_231 : vector<16xi1>
        tpu.vector_store_idx %arg8[%or3A_228], %broadcast_in_dim3A_19 masked %or3A_232 {add = true} : memref<32768xi32, #tpu.memory_space<vmem>>[vector<16xi32>], vector<16xi32>, vector<16xi1>
        %scan3A_233 = arith.constant 3 : i32
        %scan3A_234 = arith.addi %scan3A_89, %scan3A_233 : i32
        %mul3A_235 = arith.constant 32 : i32
        %mul3A_236 = arith.muli %scan3A_234, %mul3A_235 : i32
        %add3A_237 = arith.constant 16384 : i32
        %add3A_238 = arith.addi %add3A_237, %mul3A_236 : i32
        %get3A_239 = arith.index_cast %add3A_238 : i32 to index
        %get3A_240 = tpu.vector_load %arg5[%get3A_239] {strides = array<i32>} : memref<32768xi32, #tpu.memory_space<vmem>>, vector<16xi32>,
        %shift_right_logical3A_241 = arith.shrui %get3A_240, %get3A_18 : vector<16xi32>
        %and3A_242 = arith.constant 1023 : i32
        %and3A_243 = vector.broadcast %and3A_242 : i32 to vector<16xi32>
        %and3A_244 = arith.andi %shift_right_logical3A_241, %and3A_243 : vector<16xi32>
        %shift_right_logical3A_245 = arith.constant 31 : i32
        %shift_right_logical3A_246 = vector.broadcast %shift_right_logical3A_245 : i32 to vector<16xi32>
        %shift_right_logical3A_247 = arith.shrui %get3A_240, %shift_right_logical3A_246 : vector<16xi32>
        %shift_left3A_248 = arith.constant 10 : i32
        %shift_left3A_249 = vector.broadcast %shift_left3A_248 : i32 to vector<16xi32>
        %shift_left3A_250 = arith.shli %shift_right_logical3A_247, %shift_left3A_249 : vector<16xi32>
        %or3A_251 = arith.ori %and3A_244, %shift_left3A_250 : vector<16xi32>
        %shift_left3A_252 = arith.constant 4 : i32
        %shift_left3A_253 = vector.broadcast %shift_left3A_252 : i32 to vector<16xi32>
        %shift_left3A_254 = arith.shli %or3A_251, %shift_left3A_253 : vector<16xi32>
        %or3A_255 = arith.ori %shift_left3A_254, %iota3A : vector<16xi32>
        %shift_right_logical3A_256 = arith.shrui %get3A_240, %get3A_16 : vector<16xi32>
        %eq3A_257 = arith.cmpi eq, %shift_right_logical3A_256, %get3A_12 : vector<16xi32>
        %eq3A_258 = arith.cmpi eq, %shift_right_logical3A_256, %get3A_14 : vector<16xi32>
        %or3A_259 = arith.ori %eq3A_257, %eq3A_258 : vector<16xi1>
        tpu.vector_store_idx %arg7[%or3A_255], %broadcast_in_dim3A_19 masked %or3A_259 {add = true} : memref<32768xi32, #tpu.memory_space<vmem>>[vector<16xi32>], vector<16xi32>, vector<16xi1>
        %add3A_260 = arith.constant 16 : i32
        %add3A_261 = arith.addi %add3A_238, %add3A_260 : i32
        %get3A_262 = arith.index_cast %add3A_261 : i32 to index
        %get3A_263 = tpu.vector_load %arg5[%get3A_262] {strides = array<i32>} : memref<32768xi32, #tpu.memory_space<vmem>>, vector<16xi32>,
        %shift_right_logical3A_264 = arith.shrui %get3A_263, %get3A_18 : vector<16xi32>
        %and3A_265 = arith.constant 1023 : i32
        %and3A_266 = vector.broadcast %and3A_265 : i32 to vector<16xi32>
        %and3A_267 = arith.andi %shift_right_logical3A_264, %and3A_266 : vector<16xi32>
        %shift_right_logical3A_268 = arith.constant 31 : i32
        %shift_right_logical3A_269 = vector.broadcast %shift_right_logical3A_268 : i32 to vector<16xi32>
        %shift_right_logical3A_270 = arith.shrui %get3A_263, %shift_right_logical3A_269 : vector<16xi32>
        %shift_left3A_271 = arith.constant 10 : i32
        %shift_left3A_272 = vector.broadcast %shift_left3A_271 : i32 to vector<16xi32>
        %shift_left3A_273 = arith.shli %shift_right_logical3A_270, %shift_left3A_272 : vector<16xi32>
        %or3A_274 = arith.ori %and3A_267, %shift_left3A_273 : vector<16xi32>
        %shift_left3A_275 = arith.constant 4 : i32
        %shift_left3A_276 = vector.broadcast %shift_left3A_275 : i32 to vector<16xi32>
        %shift_left3A_277 = arith.shli %or3A_274, %shift_left3A_276 : vector<16xi32>
        %or3A_278 = arith.ori %shift_left3A_277, %iota3A : vector<16xi32>
        %shift_right_logical3A_279 = arith.shrui %get3A_263, %get3A_16 : vector<16xi32>
        %eq3A_280 = arith.cmpi eq, %shift_right_logical3A_279, %get3A_12 : vector<16xi32>
        %eq3A_281 = arith.cmpi eq, %shift_right_logical3A_279, %get3A_14 : vector<16xi32>
        %or3A_282 = arith.ori %eq3A_280, %eq3A_281 : vector<16xi1>
        tpu.vector_store_idx %arg8[%or3A_278], %broadcast_in_dim3A_19 masked %or3A_282 {add = true} : memref<32768xi32, #tpu.memory_space<vmem>>[vector<16xi32>], vector<16xi32>, vector<16xi1>
        %scan3A_283 = arith.constant 4 : i32
        %scan3A_284 = arith.addi %scan3A_89, %scan3A_283 : i32
        %mul3A_285 = arith.constant 32 : i32
        %mul3A_286 = arith.muli %scan3A_284, %mul3A_285 : i32
        %add3A_287 = arith.constant 16384 : i32
        %add3A_288 = arith.addi %add3A_287, %mul3A_286 : i32
        %get3A_289 = arith.index_cast %add3A_288 : i32 to index
        %get3A_290 = tpu.vector_load %arg5[%get3A_289] {strides = array<i32>} : memref<32768xi32, #tpu.memory_space<vmem>>, vector<16xi32>,
        %shift_right_logical3A_291 = arith.shrui %get3A_290, %get3A_18 : vector<16xi32>
        %and3A_292 = arith.constant 1023 : i32
        %and3A_293 = vector.broadcast %and3A_292 : i32 to vector<16xi32>
        %and3A_294 = arith.andi %shift_right_logical3A_291, %and3A_293 : vector<16xi32>
        %shift_right_logical3A_295 = arith.constant 31 : i32
        %shift_right_logical3A_296 = vector.broadcast %shift_right_logical3A_295 : i32 to vector<16xi32>
        %shift_right_logical3A_297 = arith.shrui %get3A_290, %shift_right_logical3A_296 : vector<16xi32>
        %shift_left3A_298 = arith.constant 10 : i32
        %shift_left3A_299 = vector.broadcast %shift_left3A_298 : i32 to vector<16xi32>
        %shift_left3A_300 = arith.shli %shift_right_logical3A_297, %shift_left3A_299 : vector<16xi32>
        %or3A_301 = arith.ori %and3A_294, %shift_left3A_300 : vector<16xi32>
        %shift_left3A_302 = arith.constant 4 : i32
        %shift_left3A_303 = vector.broadcast %shift_left3A_302 : i32 to vector<16xi32>
        %shift_left3A_304 = arith.shli %or3A_301, %shift_left3A_303 : vector<16xi32>
        %or3A_305 = arith.ori %shift_left3A_304, %iota3A : vector<16xi32>
        %shift_right_logical3A_306 = arith.shrui %get3A_290, %get3A_16 : vector<16xi32>
        %eq3A_307 = arith.cmpi eq, %shift_right_logical3A_306, %get3A_12 : vector<16xi32>
        %eq3A_308 = arith.cmpi eq, %shift_right_logical3A_306, %get3A_14 : vector<16xi32>
        %or3A_309 = arith.ori %eq3A_307, %eq3A_308 : vector<16xi1>
        tpu.vector_store_idx %arg7[%or3A_305], %broadcast_in_dim3A_19 masked %or3A_309 {add = true} : memref<32768xi32, #tpu.memory_space<vmem>>[vector<16xi32>], vector<16xi32>, vector<16xi1>
        %add3A_310 = arith.constant 16 : i32
        %add3A_311 = arith.addi %add3A_288, %add3A_310 : i32
        %get3A_312 = arith.index_cast %add3A_311 : i32 to index
        %get3A_313 = tpu.vector_load %arg5[%get3A_312] {strides = array<i32>} : memref<32768xi32, #tpu.memory_space<vmem>>, vector<16xi32>,
        %shift_right_logical3A_314 = arith.shrui %get3A_313, %get3A_18 : vector<16xi32>
        %and3A_315 = arith.constant 1023 : i32
        %and3A_316 = vector.broadcast %and3A_315 : i32 to vector<16xi32>
        %and3A_317 = arith.andi %shift_right_logical3A_314, %and3A_316 : vector<16xi32>
        %shift_right_logical3A_318 = arith.constant 31 : i32
        %shift_right_logical3A_319 = vector.broadcast %shift_right_logical3A_318 : i32 to vector<16xi32>
        %shift_right_logical3A_320 = arith.shrui %get3A_313, %shift_right_logical3A_319 : vector<16xi32>
        %shift_left3A_321 = arith.constant 10 : i32
        %shift_left3A_322 = vector.broadcast %shift_left3A_321 : i32 to vector<16xi32>
        %shift_left3A_323 = arith.shli %shift_right_logical3A_320, %shift_left3A_322 : vector<16xi32>
        %or3A_324 = arith.ori %and3A_317, %shift_left3A_323 : vector<16xi32>
        %shift_left3A_325 = arith.constant 4 : i32
        %shift_left3A_326 = vector.broadcast %shift_left3A_325 : i32 to vector<16xi32>
        %shift_left3A_327 = arith.shli %or3A_324, %shift_left3A_326 : vector<16xi32>
        %or3A_328 = arith.ori %shift_left3A_327, %iota3A : vector<16xi32>
        %shift_right_logical3A_329 = arith.shrui %get3A_313, %get3A_16 : vector<16xi32>
        %eq3A_330 = arith.cmpi eq, %shift_right_logical3A_329, %get3A_12 : vector<16xi32>
        %eq3A_331 = arith.cmpi eq, %shift_right_logical3A_329, %get3A_14 : vector<16xi32>
        %or3A_332 = arith.ori %eq3A_330, %eq3A_331 : vector<16xi1>
        tpu.vector_store_idx %arg8[%or3A_328], %broadcast_in_dim3A_19 masked %or3A_332 {add = true} : memref<32768xi32, #tpu.memory_space<vmem>>[vector<16xi32>], vector<16xi32>, vector<16xi1>
        %scan3A_333 = arith.constant 5 : i32
        %scan3A_334 = arith.addi %scan3A_89, %scan3A_333 : i32
        %mul3A_335 = arith.constant 32 : i32
        %mul3A_336 = arith.muli %scan3A_334, %mul3A_335 : i32
        %add3A_337 = arith.constant 16384 : i32
        %add3A_338 = arith.addi %add3A_337, %mul3A_336 : i32
        %get3A_339 = arith.index_cast %add3A_338 : i32 to index
        %get3A_340 = tpu.vector_load %arg5[%get3A_339] {strides = array<i32>} : memref<32768xi32, #tpu.memory_space<vmem>>, vector<16xi32>,
        %shift_right_logical3A_341 = arith.shrui %get3A_340, %get3A_18 : vector<16xi32>
        %and3A_342 = arith.constant 1023 : i32
        %and3A_343 = vector.broadcast %and3A_342 : i32 to vector<16xi32>
        %and3A_344 = arith.andi %shift_right_logical3A_341, %and3A_343 : vector<16xi32>
        %shift_right_logical3A_345 = arith.constant 31 : i32
        %shift_right_logical3A_346 = vector.broadcast %shift_right_logical3A_345 : i32 to vector<16xi32>
        %shift_right_logical3A_347 = arith.shrui %get3A_340, %shift_right_logical3A_346 : vector<16xi32>
        %shift_left3A_348 = arith.constant 10 : i32
        %shift_left3A_349 = vector.broadcast %shift_left3A_348 : i32 to vector<16xi32>
        %shift_left3A_350 = arith.shli %shift_right_logical3A_347, %shift_left3A_349 : vector<16xi32>
        %or3A_351 = arith.ori %and3A_344, %shift_left3A_350 : vector<16xi32>
        %shift_left3A_352 = arith.constant 4 : i32
        %shift_left3A_353 = vector.broadcast %shift_left3A_352 : i32 to vector<16xi32>
        %shift_left3A_354 = arith.shli %or3A_351, %shift_left3A_353 : vector<16xi32>
        %or3A_355 = arith.ori %shift_left3A_354, %iota3A : vector<16xi32>
        %shift_right_logical3A_356 = arith.shrui %get3A_340, %get3A_16 : vector<16xi32>
        %eq3A_357 = arith.cmpi eq, %shift_right_logical3A_356, %get3A_12 : vector<16xi32>
        %eq3A_358 = arith.cmpi eq, %shift_right_logical3A_356, %get3A_14 : vector<16xi32>
        %or3A_359 = arith.ori %eq3A_357, %eq3A_358 : vector<16xi1>
        tpu.vector_store_idx %arg7[%or3A_355], %broadcast_in_dim3A_19 masked %or3A_359 {add = true} : memref<32768xi32, #tpu.memory_space<vmem>>[vector<16xi32>], vector<16xi32>, vector<16xi1>
        %add3A_360 = arith.constant 16 : i32
        %add3A_361 = arith.addi %add3A_338, %add3A_360 : i32
        %get3A_362 = arith.index_cast %add3A_361 : i32 to index
        %get3A_363 = tpu.vector_load %arg5[%get3A_362] {strides = array<i32>} : memref<32768xi32, #tpu.memory_space<vmem>>, vector<16xi32>,
        %shift_right_logical3A_364 = arith.shrui %get3A_363, %get3A_18 : vector<16xi32>
        %and3A_365 = arith.constant 1023 : i32
        %and3A_366 = vector.broadcast %and3A_365 : i32 to vector<16xi32>
        %and3A_367 = arith.andi %shift_right_logical3A_364, %and3A_366 : vector<16xi32>
        %shift_right_logical3A_368 = arith.constant 31 : i32
        %shift_right_logical3A_369 = vector.broadcast %shift_right_logical3A_368 : i32 to vector<16xi32>
        %shift_right_logical3A_370 = arith.shrui %get3A_363, %shift_right_logical3A_369 : vector<16xi32>
        %shift_left3A_371 = arith.constant 10 : i32
        %shift_left3A_372 = vector.broadcast %shift_left3A_371 : i32 to vector<16xi32>
        %shift_left3A_373 = arith.shli %shift_right_logical3A_370, %shift_left3A_372 : vector<16xi32>
        %or3A_374 = arith.ori %and3A_367, %shift_left3A_373 : vector<16xi32>
        %shift_left3A_375 = arith.constant 4 : i32
        %shift_left3A_376 = vector.broadcast %shift_left3A_375 : i32 to vector<16xi32>
        %shift_left3A_377 = arith.shli %or3A_374, %shift_left3A_376 : vector<16xi32>
        %or3A_378 = arith.ori %shift_left3A_377, %iota3A : vector<16xi32>
        %shift_right_logical3A_379 = arith.shrui %get3A_363, %get3A_16 : vector<16xi32>
        %eq3A_380 = arith.cmpi eq, %shift_right_logical3A_379, %get3A_12 : vector<16xi32>
        %eq3A_381 = arith.cmpi eq, %shift_right_logical3A_379, %get3A_14 : vector<16xi32>
        %or3A_382 = arith.ori %eq3A_380, %eq3A_381 : vector<16xi1>
        tpu.vector_store_idx %arg8[%or3A_378], %broadcast_in_dim3A_19 masked %or3A_382 {add = true} : memref<32768xi32, #tpu.memory_space<vmem>>[vector<16xi32>], vector<16xi32>, vector<16xi1>
        %scan3A_383 = arith.constant 6 : i32
        %scan3A_384 = arith.addi %scan3A_89, %scan3A_383 : i32
        %mul3A_385 = arith.constant 32 : i32
        %mul3A_386 = arith.muli %scan3A_384, %mul3A_385 : i32
        %add3A_387 = arith.constant 16384 : i32
        %add3A_388 = arith.addi %add3A_387, %mul3A_386 : i32
        %get3A_389 = arith.index_cast %add3A_388 : i32 to index
        %get3A_390 = tpu.vector_load %arg5[%get3A_389] {strides = array<i32>} : memref<32768xi32, #tpu.memory_space<vmem>>, vector<16xi32>,
        %shift_right_logical3A_391 = arith.shrui %get3A_390, %get3A_18 : vector<16xi32>
        %and3A_392 = arith.constant 1023 : i32
        %and3A_393 = vector.broadcast %and3A_392 : i32 to vector<16xi32>
        %and3A_394 = arith.andi %shift_right_logical3A_391, %and3A_393 : vector<16xi32>
        %shift_right_logical3A_395 = arith.constant 31 : i32
        %shift_right_logical3A_396 = vector.broadcast %shift_right_logical3A_395 : i32 to vector<16xi32>
        %shift_right_logical3A_397 = arith.shrui %get3A_390, %shift_right_logical3A_396 : vector<16xi32>
        %shift_left3A_398 = arith.constant 10 : i32
        %shift_left3A_399 = vector.broadcast %shift_left3A_398 : i32 to vector<16xi32>
        %shift_left3A_400 = arith.shli %shift_right_logical3A_397, %shift_left3A_399 : vector<16xi32>
        %or3A_401 = arith.ori %and3A_394, %shift_left3A_400 : vector<16xi32>
        %shift_left3A_402 = arith.constant 4 : i32
        %shift_left3A_403 = vector.broadcast %shift_left3A_402 : i32 to vector<16xi32>
        %shift_left3A_404 = arith.shli %or3A_401, %shift_left3A_403 : vector<16xi32>
        %or3A_405 = arith.ori %shift_left3A_404, %iota3A : vector<16xi32>
        %shift_right_logical3A_406 = arith.shrui %get3A_390, %get3A_16 : vector<16xi32>
        %eq3A_407 = arith.cmpi eq, %shift_right_logical3A_406, %get3A_12 : vector<16xi32>
        %eq3A_408 = arith.cmpi eq, %shift_right_logical3A_406, %get3A_14 : vector<16xi32>
        %or3A_409 = arith.ori %eq3A_407, %eq3A_408 : vector<16xi1>
        tpu.vector_store_idx %arg7[%or3A_405], %broadcast_in_dim3A_19 masked %or3A_409 {add = true} : memref<32768xi32, #tpu.memory_space<vmem>>[vector<16xi32>], vector<16xi32>, vector<16xi1>
        %add3A_410 = arith.constant 16 : i32
        %add3A_411 = arith.addi %add3A_388, %add3A_410 : i32
        %get3A_412 = arith.index_cast %add3A_411 : i32 to index
        %get3A_413 = tpu.vector_load %arg5[%get3A_412] {strides = array<i32>} : memref<32768xi32, #tpu.memory_space<vmem>>, vector<16xi32>,
        %shift_right_logical3A_414 = arith.shrui %get3A_413, %get3A_18 : vector<16xi32>
        %and3A_415 = arith.constant 1023 : i32
        %and3A_416 = vector.broadcast %and3A_415 : i32 to vector<16xi32>
        %and3A_417 = arith.andi %shift_right_logical3A_414, %and3A_416 : vector<16xi32>
        %shift_right_logical3A_418 = arith.constant 31 : i32
        %shift_right_logical3A_419 = vector.broadcast %shift_right_logical3A_418 : i32 to vector<16xi32>
        %shift_right_logical3A_420 = arith.shrui %get3A_413, %shift_right_logical3A_419 : vector<16xi32>
        %shift_left3A_421 = arith.constant 10 : i32
        %shift_left3A_422 = vector.broadcast %shift_left3A_421 : i32 to vector<16xi32>
        %shift_left3A_423 = arith.shli %shift_right_logical3A_420, %shift_left3A_422 : vector<16xi32>
        %or3A_424 = arith.ori %and3A_417, %shift_left3A_423 : vector<16xi32>
        %shift_left3A_425 = arith.constant 4 : i32
        %shift_left3A_426 = vector.broadcast %shift_left3A_425 : i32 to vector<16xi32>
        %shift_left3A_427 = arith.shli %or3A_424, %shift_left3A_426 : vector<16xi32>
        %or3A_428 = arith.ori %shift_left3A_427, %iota3A : vector<16xi32>
        %shift_right_logical3A_429 = arith.shrui %get3A_413, %get3A_16 : vector<16xi32>
        %eq3A_430 = arith.cmpi eq, %shift_right_logical3A_429, %get3A_12 : vector<16xi32>
        %eq3A_431 = arith.cmpi eq, %shift_right_logical3A_429, %get3A_14 : vector<16xi32>
        %or3A_432 = arith.ori %eq3A_430, %eq3A_431 : vector<16xi1>
        tpu.vector_store_idx %arg8[%or3A_428], %broadcast_in_dim3A_19 masked %or3A_432 {add = true} : memref<32768xi32, #tpu.memory_space<vmem>>[vector<16xi32>], vector<16xi32>, vector<16xi1>
        %scan3A_433 = arith.constant 7 : i32
        %scan3A_434 = arith.addi %scan3A_89, %scan3A_433 : i32
        %mul3A_435 = arith.constant 32 : i32
        %mul3A_436 = arith.muli %scan3A_434, %mul3A_435 : i32
        %add3A_437 = arith.constant 16384 : i32
        %add3A_438 = arith.addi %add3A_437, %mul3A_436 : i32
        %get3A_439 = arith.index_cast %add3A_438 : i32 to index
        %get3A_440 = tpu.vector_load %arg5[%get3A_439] {strides = array<i32>} : memref<32768xi32, #tpu.memory_space<vmem>>, vector<16xi32>,
        %shift_right_logical3A_441 = arith.shrui %get3A_440, %get3A_18 : vector<16xi32>
        %and3A_442 = arith.constant 1023 : i32
        %and3A_443 = vector.broadcast %and3A_442 : i32 to vector<16xi32>
        %and3A_444 = arith.andi %shift_right_logical3A_441, %and3A_443 : vector<16xi32>
        %shift_right_logical3A_445 = arith.constant 31 : i32
        %shift_right_logical3A_446 = vector.broadcast %shift_right_logical3A_445 : i32 to vector<16xi32>
        %shift_right_logical3A_447 = arith.shrui %get3A_440, %shift_right_logical3A_446 : vector<16xi32>
        %shift_left3A_448 = arith.constant 10 : i32
        %shift_left3A_449 = vector.broadcast %shift_left3A_448 : i32 to vector<16xi32>
        %shift_left3A_450 = arith.shli %shift_right_logical3A_447, %shift_left3A_449 : vector<16xi32>
        %or3A_451 = arith.ori %and3A_444, %shift_left3A_450 : vector<16xi32>
        %shift_left3A_452 = arith.constant 4 : i32
        %shift_left3A_453 = vector.broadcast %shift_left3A_452 : i32 to vector<16xi32>
        %shift_left3A_454 = arith.shli %or3A_451, %shift_left3A_453 : vector<16xi32>
        %or3A_455 = arith.ori %shift_left3A_454, %iota3A : vector<16xi32>
        %shift_right_logical3A_456 = arith.shrui %get3A_440, %get3A_16 : vector<16xi32>
        %eq3A_457 = arith.cmpi eq, %shift_right_logical3A_456, %get3A_12 : vector<16xi32>
        %eq3A_458 = arith.cmpi eq, %shift_right_logical3A_456, %get3A_14 : vector<16xi32>
        %or3A_459 = arith.ori %eq3A_457, %eq3A_458 : vector<16xi1>
        tpu.vector_store_idx %arg7[%or3A_455], %broadcast_in_dim3A_19 masked %or3A_459 {add = true} : memref<32768xi32, #tpu.memory_space<vmem>>[vector<16xi32>], vector<16xi32>, vector<16xi1>
        %add3A_460 = arith.constant 16 : i32
        %add3A_461 = arith.addi %add3A_438, %add3A_460 : i32
        %get3A_462 = arith.index_cast %add3A_461 : i32 to index
        %get3A_463 = tpu.vector_load %arg5[%get3A_462] {strides = array<i32>} : memref<32768xi32, #tpu.memory_space<vmem>>, vector<16xi32>,
        %shift_right_logical3A_464 = arith.shrui %get3A_463, %get3A_18 : vector<16xi32>
        %and3A_465 = arith.constant 1023 : i32
        %and3A_466 = vector.broadcast %and3A_465 : i32 to vector<16xi32>
        %and3A_467 = arith.andi %shift_right_logical3A_464, %and3A_466 : vector<16xi32>
        %shift_right_logical3A_468 = arith.constant 31 : i32
        %shift_right_logical3A_469 = vector.broadcast %shift_right_logical3A_468 : i32 to vector<16xi32>
        %shift_right_logical3A_470 = arith.shrui %get3A_463, %shift_right_logical3A_469 : vector<16xi32>
        %shift_left3A_471 = arith.constant 10 : i32
        %shift_left3A_472 = vector.broadcast %shift_left3A_471 : i32 to vector<16xi32>
        %shift_left3A_473 = arith.shli %shift_right_logical3A_470, %shift_left3A_472 : vector<16xi32>
        %or3A_474 = arith.ori %and3A_467, %shift_left3A_473 : vector<16xi32>
        %shift_left3A_475 = arith.constant 4 : i32
        %shift_left3A_476 = vector.broadcast %shift_left3A_475 : i32 to vector<16xi32>
        %shift_left3A_477 = arith.shli %or3A_474, %shift_left3A_476 : vector<16xi32>
        %or3A_478 = arith.ori %shift_left3A_477, %iota3A : vector<16xi32>
        %shift_right_logical3A_479 = arith.shrui %get3A_463, %get3A_16 : vector<16xi32>
        %eq3A_480 = arith.cmpi eq, %shift_right_logical3A_479, %get3A_12 : vector<16xi32>
        %eq3A_481 = arith.cmpi eq, %shift_right_logical3A_479, %get3A_14 : vector<16xi32>
        %or3A_482 = arith.ori %eq3A_480, %eq3A_481 : vector<16xi1>
        tpu.vector_store_idx %arg8[%or3A_478], %broadcast_in_dim3A_19 masked %or3A_482 {add = true} : memref<32768xi32, #tpu.memory_space<vmem>>[vector<16xi32>], vector<16xi32>, vector<16xi1>
      }
      %scan3A_88 = arith.constant 512 : i32
    }
    %scan3A_35 = arith.constant 16 : i32
    %run_scoped3A = arith.constant 0 : i32
    "tpu.region"() ({
      %run_scoped3A_37 = tpu.sem_alloc : memref<!tpu.dma_semaphore, #tpu.memory_space<semaphore_mem>>
      %dma_start3A_38 = arith.constant 0 : i32
      %dma_start3A_39 = tpu.memref_slice %arg4[%add3A, %run_scoped3A, %dma_start3A_38] : memref<32x2x32768xi32, #tpu.memory_space<hbm>> -> memref<1x1x32768xi32, #tpu.memory_space<hbm>>
      %dma_start3A_40 = tpu.memref_squeeze %dma_start3A_39 : memref<1x1x32768xi32, #tpu.memory_space<hbm>> -> memref<32768xi32, #tpu.memory_space<hbm>>
      %dma_start3A_41 = arith.constant 0 : i32
      %dma_start3A_42 = tpu.memref_slice %arg4[%add3A, %run_scoped3A, %dma_start3A_41] : memref<32x2x32768xi32, #tpu.memory_space<hbm>> -> memref<1x1x32768xi32, #tpu.memory_space<hbm>>
      %dma_start3A_43 = tpu.memref_squeeze %dma_start3A_42 : memref<1x1x32768xi32, #tpu.memory_space<hbm>> -> memref<32768xi32, #tpu.memory_space<hbm>>
      tpu.enqueue_dma source(%arg7 : memref<32768xi32, #tpu.memory_space<vmem>>) target(%dma_start3A_43 : memref<32768xi32, #tpu.memory_space<hbm>>) target_semaphore(%run_scoped3A_37 : memref<!tpu.dma_semaphore, #tpu.memory_space<semaphore_mem>>)
      %dma_wait3A = arith.constant 0 : i32
      %dma_wait3A_44 = tpu.memref_slice %arg4[%add3A, %run_scoped3A, %dma_wait3A] : memref<32x2x32768xi32, #tpu.memory_space<hbm>> -> memref<1x1x32768xi32, #tpu.memory_space<hbm>>
      %dma_wait3A_45 = tpu.memref_squeeze %dma_wait3A_44 : memref<1x1x32768xi32, #tpu.memory_space<hbm>> -> memref<32768xi32, #tpu.memory_space<hbm>>
      %dma_wait3A_46 = arith.constant 0 : i32
      %dma_wait3A_47 = tpu.memref_slice %arg4[%add3A, %run_scoped3A, %dma_wait3A_46] : memref<32x2x32768xi32, #tpu.memory_space<hbm>> -> memref<1x1x32768xi32, #tpu.memory_space<hbm>>
      %dma_wait3A_48 = tpu.memref_squeeze %dma_wait3A_47 : memref<1x1x32768xi32, #tpu.memory_space<hbm>> -> memref<32768xi32, #tpu.memory_space<hbm>>
      tpu.wait_dma2 semaphore(%run_scoped3A_37 : memref<!tpu.dma_semaphore, #tpu.memory_space<semaphore_mem>>) src(%arg7 : memref<32768xi32, #tpu.memory_space<vmem>>) dst(%dma_wait3A_48 : memref<32768xi32, #tpu.memory_space<hbm>>)
      tpu.yield
    }) : () -> ()
    %run_scoped3A_36 = arith.constant 1 : i32
    "tpu.region"() ({
      %run_scoped3A_37 = tpu.sem_alloc : memref<!tpu.dma_semaphore, #tpu.memory_space<semaphore_mem>>
      %dma_start3A_38 = arith.constant 0 : i32
      %dma_start3A_39 = tpu.memref_slice %arg4[%add3A, %run_scoped3A_36, %dma_start3A_38] : memref<32x2x32768xi32, #tpu.memory_space<hbm>> -> memref<1x1x32768xi32, #tpu.memory_space<hbm>>
      %dma_start3A_40 = tpu.memref_squeeze %dma_start3A_39 : memref<1x1x32768xi32, #tpu.memory_space<hbm>> -> memref<32768xi32, #tpu.memory_space<hbm>>
      %dma_start3A_41 = arith.constant 0 : i32
      %dma_start3A_42 = tpu.memref_slice %arg4[%add3A, %run_scoped3A_36, %dma_start3A_41] : memref<32x2x32768xi32, #tpu.memory_space<hbm>> -> memref<1x1x32768xi32, #tpu.memory_space<hbm>>
      %dma_start3A_43 = tpu.memref_squeeze %dma_start3A_42 : memref<1x1x32768xi32, #tpu.memory_space<hbm>> -> memref<32768xi32, #tpu.memory_space<hbm>>
      tpu.enqueue_dma source(%arg8 : memref<32768xi32, #tpu.memory_space<vmem>>) target(%dma_start3A_43 : memref<32768xi32, #tpu.memory_space<hbm>>) target_semaphore(%run_scoped3A_37 : memref<!tpu.dma_semaphore, #tpu.memory_space<semaphore_mem>>)
      %dma_wait3A = arith.constant 0 : i32
      %dma_wait3A_44 = tpu.memref_slice %arg4[%add3A, %run_scoped3A_36, %dma_wait3A] : memref<32x2x32768xi32, #tpu.memory_space<hbm>> -> memref<1x1x32768xi32, #tpu.memory_space<hbm>>
      %dma_wait3A_45 = tpu.memref_squeeze %dma_wait3A_44 : memref<1x1x32768xi32, #tpu.memory_space<hbm>> -> memref<32768xi32, #tpu.memory_space<hbm>>
      %dma_wait3A_46 = arith.constant 0 : i32
      %dma_wait3A_47 = tpu.memref_slice %arg4[%add3A, %run_scoped3A_36, %dma_wait3A_46] : memref<32x2x32768xi32, #tpu.memory_space<hbm>> -> memref<1x1x32768xi32, #tpu.memory_space<hbm>>
      %dma_wait3A_48 = tpu.memref_squeeze %dma_wait3A_47 : memref<1x1x32768xi32, #tpu.memory_space<hbm>> -> memref<32768xi32, #tpu.memory_space<hbm>>
      tpu.wait_dma2 semaphore(%run_scoped3A_37 : memref<!tpu.dma_semaphore, #tpu.memory_space<semaphore_mem>>) src(%arg8 : memref<32768xi32, #tpu.memory_space<vmem>>) dst(%dma_wait3A_48 : memref<32768xi32, #tpu.memory_space<hbm>>)
      tpu.yield
    }) : () -> ()
    return
  }
}

#map = affine_map<(d0, d1) -> (0, 0, 0)>
#map1 = affine_map<(d0, d1) -> (0)>
module attributes {stable_mosaic.version = 14 : i64} {
  func.func @_sc_hist_body(%arg0: i32, %arg1: i32, %arg2: memref<32x32x16384xi32, #tpu.memory_space<hbm>>, %arg3: memref<64xi32, #tpu.memory_space<hbm>>, %arg4: memref<32x2x32768xi32, #tpu.memory_space<hbm>>, %arg5: memref<32768xi32, #tpu.memory_space<vmem>>, %arg6: memref<64xi32, #tpu.memory_space<vmem>>, %arg7: memref<32768xi32, #tpu.memory_space<vmem>>, %arg8: memref<32768xi32, #tpu.memory_space<vmem>>, %arg9: memref<!tpu.dma_semaphore, #tpu.memory_space<semaphore_mem>>, %arg10: memref<!tpu.dma_semaphore, #tpu.memory_space<semaphore_mem>>) attributes {dimension_semantics = [#tpu.dimension_semantics<core_parallel>, #tpu.dimension_semantics<subcore_parallel>], iteration_bounds = array<i64: 2, 16>, scalar_prefetch = 0 : i64, scratch_operands = 6 : i64, tpu.core_type = #tpu.core_type<sc_vector_subcore>, window_params = [{transform_indices = #map}, {transform_indices = #map1}, {transform_indices = #map}]} {
    %mul3A = arith.constant 2 : i32
    %mul3A_0 = arith.muli %arg1, %mul3A : i32
    %add3A = arith.addi %mul3A_0, %arg0 : i32
    "tpu.region"() ({
      %run_scoped3A_37 = tpu.sem_alloc : memref<!tpu.dma_semaphore, #tpu.memory_space<semaphore_mem>>
      tpu.enqueue_dma source(%arg3 : memref<64xi32, #tpu.memory_space<hbm>>) target(%arg6 : memref<64xi32, #tpu.memory_space<vmem>>) target_semaphore(%run_scoped3A_37 : memref<!tpu.dma_semaphore, #tpu.memory_space<semaphore_mem>>)
      tpu.wait_dma2 semaphore(%run_scoped3A_37 : memref<!tpu.dma_semaphore, #tpu.memory_space<semaphore_mem>>) src(%arg3 : memref<64xi32, #tpu.memory_space<hbm>>) dst(%arg6 : memref<64xi32, #tpu.memory_space<vmem>>)
      tpu.yield
    }) : () -> ()
    %scan3A = arith.constant 0 : i32
    %scan3A_1 = arith.constant 0 : i32
    %scan3A_2 = arith.constant 2048 : i32
    %scan3A_3 = arith.addi %scan3A_1, %scan3A_2 : i32
    %scan3A_4 = arith.constant 8 : i32
    scf.for %scan3A_37 = %scan3A_1 to %scan3A_3 step %scan3A_4  : i32 {
      %broadcast_in_dim3A_38 = arith.constant 0 : i32
      %broadcast_in_dim3A_39 = vector.broadcast %broadcast_in_dim3A_38 : i32 to vector<16xi32>
      %mul3A_40 = arith.constant 16 : i32
      %mul3A_41 = arith.muli %scan3A_37, %mul3A_40 : i32
      %swap3A = arith.index_cast %mul3A_41 : i32 to index
      %swap3A_42 = tpu.vector_load %arg7[%swap3A] {strides = array<i32>} : memref<32768xi32, #tpu.memory_space<vmem>>, vector<16xi32>,
      tpu.vector_store %arg7[%swap3A], %broadcast_in_dim3A_39 {strides = array<i32>} : memref<32768xi32, #tpu.memory_space<vmem>>, vector<16xi32>,
      %scan3A_43 = arith.constant 1 : i32
      %scan3A_44 = arith.addi %scan3A_37, %scan3A_43 : i32
      %broadcast_in_dim3A_45 = arith.constant 0 : i32
      %broadcast_in_dim3A_46 = vector.broadcast %broadcast_in_dim3A_45 : i32 to vector<16xi32>
      %mul3A_47 = arith.constant 16 : i32
      %mul3A_48 = arith.muli %scan3A_44, %mul3A_47 : i32
      %swap3A_49 = arith.index_cast %mul3A_48 : i32 to index
      %swap3A_50 = tpu.vector_load %arg7[%swap3A_49] {strides = array<i32>} : memref<32768xi32, #tpu.memory_space<vmem>>, vector<16xi32>,
      tpu.vector_store %arg7[%swap3A_49], %broadcast_in_dim3A_46 {strides = array<i32>} : memref<32768xi32, #tpu.memory_space<vmem>>, vector<16xi32>,
      %scan3A_51 = arith.constant 2 : i32
      %scan3A_52 = arith.addi %scan3A_37, %scan3A_51 : i32
      %broadcast_in_dim3A_53 = arith.constant 0 : i32
      %broadcast_in_dim3A_54 = vector.broadcast %broadcast_in_dim3A_53 : i32 to vector<16xi32>
      %mul3A_55 = arith.constant 16 : i32
      %mul3A_56 = arith.muli %scan3A_52, %mul3A_55 : i32
      %swap3A_57 = arith.index_cast %mul3A_56 : i32 to index
      %swap3A_58 = tpu.vector_load %arg7[%swap3A_57] {strides = array<i32>} : memref<32768xi32, #tpu.memory_space<vmem>>, vector<16xi32>,
      tpu.vector_store %arg7[%swap3A_57], %broadcast_in_dim3A_54 {strides = array<i32>} : memref<32768xi32, #tpu.memory_space<vmem>>, vector<16xi32>,
      %scan3A_59 = arith.constant 3 : i32
      %scan3A_60 = arith.addi %scan3A_37, %scan3A_59 : i32
      %broadcast_in_dim3A_61 = arith.constant 0 : i32
      %broadcast_in_dim3A_62 = vector.broadcast %broadcast_in_dim3A_61 : i32 to vector<16xi32>
      %mul3A_63 = arith.constant 16 : i32
      %mul3A_64 = arith.muli %scan3A_60, %mul3A_63 : i32
      %swap3A_65 = arith.index_cast %mul3A_64 : i32 to index
      %swap3A_66 = tpu.vector_load %arg7[%swap3A_65] {strides = array<i32>} : memref<32768xi32, #tpu.memory_space<vmem>>, vector<16xi32>,
      tpu.vector_store %arg7[%swap3A_65], %broadcast_in_dim3A_62 {strides = array<i32>} : memref<32768xi32, #tpu.memory_space<vmem>>, vector<16xi32>,
      %scan3A_67 = arith.constant 4 : i32
      %scan3A_68 = arith.addi %scan3A_37, %scan3A_67 : i32
      %broadcast_in_dim3A_69 = arith.constant 0 : i32
      %broadcast_in_dim3A_70 = vector.broadcast %broadcast_in_dim3A_69 : i32 to vector<16xi32>
      %mul3A_71 = arith.constant 16 : i32
      %mul3A_72 = arith.muli %scan3A_68, %mul3A_71 : i32
      %swap3A_73 = arith.index_cast %mul3A_72 : i32 to index
      %swap3A_74 = tpu.vector_load %arg7[%swap3A_73] {strides = array<i32>} : memref<32768xi32, #tpu.memory_space<vmem>>, vector<16xi32>,
      tpu.vector_store %arg7[%swap3A_73], %broadcast_in_dim3A_70 {strides = array<i32>} : memref<32768xi32, #tpu.memory_space<vmem>>, vector<16xi32>,
      %scan3A_75 = arith.constant 5 : i32
      %scan3A_76 = arith.addi %scan3A_37, %scan3A_75 : i32
      %broadcast_in_dim3A_77 = arith.constant 0 : i32
      %broadcast_in_dim3A_78 = vector.broadcast %broadcast_in_dim3A_77 : i32 to vector<16xi32>
      %mul3A_79 = arith.constant 16 : i32
      %mul3A_80 = arith.muli %scan3A_76, %mul3A_79 : i32
      %swap3A_81 = arith.index_cast %mul3A_80 : i32 to index
      %swap3A_82 = tpu.vector_load %arg7[%swap3A_81] {strides = array<i32>} : memref<32768xi32, #tpu.memory_space<vmem>>, vector<16xi32>,
      tpu.vector_store %arg7[%swap3A_81], %broadcast_in_dim3A_78 {strides = array<i32>} : memref<32768xi32, #tpu.memory_space<vmem>>, vector<16xi32>,
      %scan3A_83 = arith.constant 6 : i32
      %scan3A_84 = arith.addi %scan3A_37, %scan3A_83 : i32
      %broadcast_in_dim3A_85 = arith.constant 0 : i32
      %broadcast_in_dim3A_86 = vector.broadcast %broadcast_in_dim3A_85 : i32 to vector<16xi32>
      %mul3A_87 = arith.constant 16 : i32
      %mul3A_88 = arith.muli %scan3A_84, %mul3A_87 : i32
      %swap3A_89 = arith.index_cast %mul3A_88 : i32 to index
      %swap3A_90 = tpu.vector_load %arg7[%swap3A_89] {strides = array<i32>} : memref<32768xi32, #tpu.memory_space<vmem>>, vector<16xi32>,
      tpu.vector_store %arg7[%swap3A_89], %broadcast_in_dim3A_86 {strides = array<i32>} : memref<32768xi32, #tpu.memory_space<vmem>>, vector<16xi32>,
      %scan3A_91 = arith.constant 7 : i32
      %scan3A_92 = arith.addi %scan3A_37, %scan3A_91 : i32
      %broadcast_in_dim3A_93 = arith.constant 0 : i32
      %broadcast_in_dim3A_94 = vector.broadcast %broadcast_in_dim3A_93 : i32 to vector<16xi32>
      %mul3A_95 = arith.constant 16 : i32
      %mul3A_96 = arith.muli %scan3A_92, %mul3A_95 : i32
      %swap3A_97 = arith.index_cast %mul3A_96 : i32 to index
      %swap3A_98 = tpu.vector_load %arg7[%swap3A_97] {strides = array<i32>} : memref<32768xi32, #tpu.memory_space<vmem>>, vector<16xi32>,
      tpu.vector_store %arg7[%swap3A_97], %broadcast_in_dim3A_94 {strides = array<i32>} : memref<32768xi32, #tpu.memory_space<vmem>>, vector<16xi32>,
    }
    %scan3A_5 = arith.constant 2048 : i32
    %scan3A_6 = arith.constant 0 : i32
    %scan3A_7 = arith.constant 0 : i32
    %scan3A_8 = arith.constant 2048 : i32
    %scan3A_9 = arith.addi %scan3A_7, %scan3A_8 : i32
    %scan3A_10 = arith.constant 8 : i32
    scf.for %scan3A_37 = %scan3A_7 to %scan3A_9 step %scan3A_10  : i32 {
      %broadcast_in_dim3A_38 = arith.constant 0 : i32
      %broadcast_in_dim3A_39 = vector.broadcast %broadcast_in_dim3A_38 : i32 to vector<16xi32>
      %mul3A_40 = arith.constant 16 : i32
      %mul3A_41 = arith.muli %scan3A_37, %mul3A_40 : i32
      %swap3A = arith.index_cast %mul3A_41 : i32 to index
      %swap3A_42 = tpu.vector_load %arg8[%swap3A] {strides = array<i32>} : memref<32768xi32, #tpu.memory_space<vmem>>, vector<16xi32>,
      tpu.vector_store %arg8[%swap3A], %broadcast_in_dim3A_39 {strides = array<i32>} : memref<32768xi32, #tpu.memory_space<vmem>>, vector<16xi32>,
      %scan3A_43 = arith.constant 1 : i32
      %scan3A_44 = arith.addi %scan3A_37, %scan3A_43 : i32
      %broadcast_in_dim3A_45 = arith.constant 0 : i32
      %broadcast_in_dim3A_46 = vector.broadcast %broadcast_in_dim3A_45 : i32 to vector<16xi32>
      %mul3A_47 = arith.constant 16 : i32
      %mul3A_48 = arith.muli %scan3A_44, %mul3A_47 : i32
      %swap3A_49 = arith.index_cast %mul3A_48 : i32 to index
      %swap3A_50 = tpu.vector_load %arg8[%swap3A_49] {strides = array<i32>} : memref<32768xi32, #tpu.memory_space<vmem>>, vector<16xi32>,
      tpu.vector_store %arg8[%swap3A_49], %broadcast_in_dim3A_46 {strides = array<i32>} : memref<32768xi32, #tpu.memory_space<vmem>>, vector<16xi32>,
      %scan3A_51 = arith.constant 2 : i32
      %scan3A_52 = arith.addi %scan3A_37, %scan3A_51 : i32
      %broadcast_in_dim3A_53 = arith.constant 0 : i32
      %broadcast_in_dim3A_54 = vector.broadcast %broadcast_in_dim3A_53 : i32 to vector<16xi32>
      %mul3A_55 = arith.constant 16 : i32
      %mul3A_56 = arith.muli %scan3A_52, %mul3A_55 : i32
      %swap3A_57 = arith.index_cast %mul3A_56 : i32 to index
      %swap3A_58 = tpu.vector_load %arg8[%swap3A_57] {strides = array<i32>} : memref<32768xi32, #tpu.memory_space<vmem>>, vector<16xi32>,
      tpu.vector_store %arg8[%swap3A_57], %broadcast_in_dim3A_54 {strides = array<i32>} : memref<32768xi32, #tpu.memory_space<vmem>>, vector<16xi32>,
      %scan3A_59 = arith.constant 3 : i32
      %scan3A_60 = arith.addi %scan3A_37, %scan3A_59 : i32
      %broadcast_in_dim3A_61 = arith.constant 0 : i32
      %broadcast_in_dim3A_62 = vector.broadcast %broadcast_in_dim3A_61 : i32 to vector<16xi32>
      %mul3A_63 = arith.constant 16 : i32
      %mul3A_64 = arith.muli %scan3A_60, %mul3A_63 : i32
      %swap3A_65 = arith.index_cast %mul3A_64 : i32 to index
      %swap3A_66 = tpu.vector_load %arg8[%swap3A_65] {strides = array<i32>} : memref<32768xi32, #tpu.memory_space<vmem>>, vector<16xi32>,
      tpu.vector_store %arg8[%swap3A_65], %broadcast_in_dim3A_62 {strides = array<i32>} : memref<32768xi32, #tpu.memory_space<vmem>>, vector<16xi32>,
      %scan3A_67 = arith.constant 4 : i32
      %scan3A_68 = arith.addi %scan3A_37, %scan3A_67 : i32
      %broadcast_in_dim3A_69 = arith.constant 0 : i32
      %broadcast_in_dim3A_70 = vector.broadcast %broadcast_in_dim3A_69 : i32 to vector<16xi32>
      %mul3A_71 = arith.constant 16 : i32
      %mul3A_72 = arith.muli %scan3A_68, %mul3A_71 : i32
      %swap3A_73 = arith.index_cast %mul3A_72 : i32 to index
      %swap3A_74 = tpu.vector_load %arg8[%swap3A_73] {strides = array<i32>} : memref<32768xi32, #tpu.memory_space<vmem>>, vector<16xi32>,
      tpu.vector_store %arg8[%swap3A_73], %broadcast_in_dim3A_70 {strides = array<i32>} : memref<32768xi32, #tpu.memory_space<vmem>>, vector<16xi32>,
      %scan3A_75 = arith.constant 5 : i32
      %scan3A_76 = arith.addi %scan3A_37, %scan3A_75 : i32
      %broadcast_in_dim3A_77 = arith.constant 0 : i32
      %broadcast_in_dim3A_78 = vector.broadcast %broadcast_in_dim3A_77 : i32 to vector<16xi32>
      %mul3A_79 = arith.constant 16 : i32
      %mul3A_80 = arith.muli %scan3A_76, %mul3A_79 : i32
      %swap3A_81 = arith.index_cast %mul3A_80 : i32 to index
      %swap3A_82 = tpu.vector_load %arg8[%swap3A_81] {strides = array<i32>} : memref<32768xi32, #tpu.memory_space<vmem>>, vector<16xi32>,
      tpu.vector_store %arg8[%swap3A_81], %broadcast_in_dim3A_78 {strides = array<i32>} : memref<32768xi32, #tpu.memory_space<vmem>>, vector<16xi32>,
      %scan3A_83 = arith.constant 6 : i32
      %scan3A_84 = arith.addi %scan3A_37, %scan3A_83 : i32
      %broadcast_in_dim3A_85 = arith.constant 0 : i32
      %broadcast_in_dim3A_86 = vector.broadcast %broadcast_in_dim3A_85 : i32 to vector<16xi32>
      %mul3A_87 = arith.constant 16 : i32
      %mul3A_88 = arith.muli %scan3A_84, %mul3A_87 : i32
      %swap3A_89 = arith.index_cast %mul3A_88 : i32 to index
      %swap3A_90 = tpu.vector_load %arg8[%swap3A_89] {strides = array<i32>} : memref<32768xi32, #tpu.memory_space<vmem>>, vector<16xi32>,
      tpu.vector_store %arg8[%swap3A_89], %broadcast_in_dim3A_86 {strides = array<i32>} : memref<32768xi32, #tpu.memory_space<vmem>>, vector<16xi32>,
      %scan3A_91 = arith.constant 7 : i32
      %scan3A_92 = arith.addi %scan3A_37, %scan3A_91 : i32
      %broadcast_in_dim3A_93 = arith.constant 0 : i32
      %broadcast_in_dim3A_94 = vector.broadcast %broadcast_in_dim3A_93 : i32 to vector<16xi32>
      %mul3A_95 = arith.constant 16 : i32
      %mul3A_96 = arith.muli %scan3A_92, %mul3A_95 : i32
      %swap3A_97 = arith.index_cast %mul3A_96 : i32 to index
      %swap3A_98 = tpu.vector_load %arg8[%swap3A_97] {strides = array<i32>} : memref<32768xi32, #tpu.memory_space<vmem>>, vector<16xi32>,
      tpu.vector_store %arg8[%swap3A_97], %broadcast_in_dim3A_94 {strides = array<i32>} : memref<32768xi32, #tpu.memory_space<vmem>>, vector<16xi32>,
    }
    %scan3A_11 = arith.constant 2048 : i32
    %get3A = arith.constant 0 : index
    %get3A_12 = tpu.vector_load %arg6[%get3A] {strides = array<i32>} : memref<64xi32, #tpu.memory_space<vmem>>, vector<16xi32>,
    %get3A_13 = arith.constant 16 : index
    %get3A_14 = tpu.vector_load %arg6[%get3A_13] {strides = array<i32>} : memref<64xi32, #tpu.memory_space<vmem>>, vector<16xi32>,
    %get3A_15 = arith.constant 32 : index
    %get3A_16 = tpu.vector_load %arg6[%get3A_15] {strides = array<i32>} : memref<64xi32, #tpu.memory_space<vmem>>, vector<16xi32>,
    %get3A_17 = arith.constant 48 : index
    %get3A_18 = tpu.vector_load %arg6[%get3A_17] {strides = array<i32>} : memref<64xi32, #tpu.memory_space<vmem>>, vector<16xi32>,
    %iota3A = tpu.iota {dimensions = array<i32: 0>} : vector<16xi32>
    %broadcast_in_dim3A = arith.constant 1 : i32
    %broadcast_in_dim3A_19 = vector.broadcast %broadcast_in_dim3A : i32 to vector<16xi32>
    %dma_start3A = arith.constant 0 : i32
    %dma_start3A_20 = arith.constant 0 : i32
    %dma_start3A_21 = tpu.memref_slice %arg5[%dma_start3A_20] : memref<32768xi32, #tpu.memory_space<vmem>> -> memref<16384xi32, #tpu.memory_space<vmem>>
    %dma_start3A_22 = arith.constant 0 : i32
    %dma_start3A_23 = tpu.memref_slice %arg2[%add3A, %dma_start3A, %dma_start3A_22] : memref<32x32x16384xi32, #tpu.memory_space<hbm>> -> memref<1x1x16384xi32, #tpu.memory_space<hbm>>
    %dma_start3A_24 = tpu.memref_squeeze %dma_start3A_23 : memref<1x1x16384xi32, #tpu.memory_space<hbm>> -> memref<16384xi32, #tpu.memory_space<hbm>>
    %dma_start3A_25 = arith.constant 0 : i32
    %dma_start3A_26 = tpu.memref_slice %arg5[%dma_start3A_25] : memref<32768xi32, #tpu.memory_space<vmem>> -> memref<16384xi32, #tpu.memory_space<vmem>>
    %dma_start3A_27 = arith.constant 0 : i32
    %dma_start3A_28 = tpu.memref_slice %arg2[%add3A, %dma_start3A, %dma_start3A_27] : memref<32x32x16384xi32, #tpu.memory_space<hbm>> -> memref<1x1x16384xi32, #tpu.memory_space<hbm>>
    %dma_start3A_29 = tpu.memref_squeeze %dma_start3A_28 : memref<1x1x16384xi32, #tpu.memory_space<hbm>> -> memref<16384xi32, #tpu.memory_space<hbm>>
    tpu.enqueue_dma source(%dma_start3A_29 : memref<16384xi32, #tpu.memory_space<hbm>>) target(%dma_start3A_26 : memref<16384xi32, #tpu.memory_space<vmem>>) target_semaphore(%arg9 : memref<!tpu.dma_semaphore, #tpu.memory_space<semaphore_mem>>)
    %scan3A_30 = arith.constant 0 : i32
    %scan3A_31 = arith.constant 0 : i32
    %scan3A_32 = arith.constant 16 : i32
    %scan3A_33 = arith.addi %scan3A_31, %scan3A_32 : i32
    %scan3A_34 = arith.constant 1 : i32
    scf.for %scan3A_37 = %scan3A_31 to %scan3A_33 step %scan3A_34  : i32 {
      %mul3A_38 = arith.constant 2 : i32
      %mul3A_39 = arith.muli %scan3A_37, %mul3A_38 : i32
      %add3A_40 = arith.constant 1 : i32
      %add3A_41 = arith.addi %mul3A_39, %add3A_40 : i32
      %dma_start3A_42 = arith.constant 16384 : i32
      %dma_start3A_43 = tpu.memref_slice %arg5[%dma_start3A_42] : memref<32768xi32, #tpu.memory_space<vmem>> -> memref<16384xi32, #tpu.memory_space<vmem>>
      %dma_start3A_44 = arith.constant 0 : i32
      %dma_start3A_45 = tpu.memref_slice %arg2[%add3A, %add3A_41, %dma_start3A_44] : memref<32x32x16384xi32, #tpu.memory_space<hbm>> -> memref<1x1x16384xi32, #tpu.memory_space<hbm>>
      %dma_start3A_46 = tpu.memref_squeeze %dma_start3A_45 : memref<1x1x16384xi32, #tpu.memory_space<hbm>> -> memref<16384xi32, #tpu.memory_space<hbm>>
      %dma_start3A_47 = arith.constant 16384 : i32
      %dma_start3A_48 = tpu.memref_slice %arg5[%dma_start3A_47] : memref<32768xi32, #tpu.memory_space<vmem>> -> memref<16384xi32, #tpu.memory_space<vmem>>
      %dma_start3A_49 = arith.constant 0 : i32
      %dma_start3A_50 = tpu.memref_slice %arg2[%add3A, %add3A_41, %dma_start3A_49] : memref<32x32x16384xi32, #tpu.memory_space<hbm>> -> memref<1x1x16384xi32, #tpu.memory_space<hbm>>
      %dma_start3A_51 = tpu.memref_squeeze %dma_start3A_50 : memref<1x1x16384xi32, #tpu.memory_space<hbm>> -> memref<16384xi32, #tpu.memory_space<hbm>>
      tpu.enqueue_dma source(%dma_start3A_51 : memref<16384xi32, #tpu.memory_space<hbm>>) target(%dma_start3A_48 : memref<16384xi32, #tpu.memory_space<vmem>>) target_semaphore(%arg10 : memref<!tpu.dma_semaphore, #tpu.memory_space<semaphore_mem>>)
      %dma_wait3A = arith.constant 0 : i32
      %dma_wait3A_52 = arith.constant 0 : i32
      %dma_wait3A_53 = tpu.memref_slice %arg5[%dma_wait3A_52] : memref<32768xi32, #tpu.memory_space<vmem>> -> memref<16384xi32, #tpu.memory_space<vmem>>
      %dma_wait3A_54 = arith.constant 0 : i32
      %dma_wait3A_55 = tpu.memref_slice %arg2[%add3A, %dma_wait3A, %dma_wait3A_54] : memref<32x32x16384xi32, #tpu.memory_space<hbm>> -> memref<1x1x16384xi32, #tpu.memory_space<hbm>>
      %dma_wait3A_56 = tpu.memref_squeeze %dma_wait3A_55 : memref<1x1x16384xi32, #tpu.memory_space<hbm>> -> memref<16384xi32, #tpu.memory_space<hbm>>
      %dma_wait3A_57 = arith.constant 0 : i32
      %dma_wait3A_58 = tpu.memref_slice %arg5[%dma_wait3A_57] : memref<32768xi32, #tpu.memory_space<vmem>> -> memref<16384xi32, #tpu.memory_space<vmem>>
      %dma_wait3A_59 = arith.constant 0 : i32
      %dma_wait3A_60 = tpu.memref_slice %arg2[%add3A, %dma_wait3A, %dma_wait3A_59] : memref<32x32x16384xi32, #tpu.memory_space<hbm>> -> memref<1x1x16384xi32, #tpu.memory_space<hbm>>
      %dma_wait3A_61 = tpu.memref_squeeze %dma_wait3A_60 : memref<1x1x16384xi32, #tpu.memory_space<hbm>> -> memref<16384xi32, #tpu.memory_space<hbm>>
      tpu.wait_dma2 semaphore(%arg9 : memref<!tpu.dma_semaphore, #tpu.memory_space<semaphore_mem>>) src(%dma_wait3A_61 : memref<16384xi32, #tpu.memory_space<hbm>>) dst(%dma_wait3A_58 : memref<16384xi32, #tpu.memory_space<vmem>>)
      %scan3A_62 = arith.constant 0 : i32
      %scan3A_63 = arith.constant 0 : i32
      %scan3A_64 = arith.constant 512 : i32
      %scan3A_65 = arith.addi %scan3A_63, %scan3A_64 : i32
      %scan3A_66 = arith.constant 8 : i32
      scf.for %scan3A_89 = %scan3A_63 to %scan3A_65 step %scan3A_66  : i32 {
        %mul3A_90 = arith.constant 32 : i32
        %mul3A_91 = arith.muli %scan3A_89, %mul3A_90 : i32
        %add3A_92 = arith.constant 0 : i32
        %add3A_93 = arith.addi %add3A_92, %mul3A_91 : i32
        %get3A_94 = arith.index_cast %add3A_93 : i32 to index
        %get3A_95 = tpu.vector_load %arg5[%get3A_94] {strides = array<i32>} : memref<32768xi32, #tpu.memory_space<vmem>>, vector<16xi32>,
        %shift_right_logical3A = arith.shrui %get3A_95, %get3A_18 : vector<16xi32>
        %and3A = arith.constant 1023 : i32
        %and3A_96 = vector.broadcast %and3A : i32 to vector<16xi32>
        %and3A_97 = arith.andi %shift_right_logical3A, %and3A_96 : vector<16xi32>
        %shift_right_logical3A_98 = arith.constant 31 : i32
        %shift_right_logical3A_99 = vector.broadcast %shift_right_logical3A_98 : i32 to vector<16xi32>
        %shift_right_logical3A_100 = arith.shrui %get3A_95, %shift_right_logical3A_99 : vector<16xi32>
        %shift_left3A = arith.constant 10 : i32
        %shift_left3A_101 = vector.broadcast %shift_left3A : i32 to vector<16xi32>
        %shift_left3A_102 = arith.shli %shift_right_logical3A_100, %shift_left3A_101 : vector<16xi32>
        %or3A = arith.ori %and3A_97, %shift_left3A_102 : vector<16xi32>
        %shift_left3A_103 = arith.constant 4 : i32
        %shift_left3A_104 = vector.broadcast %shift_left3A_103 : i32 to vector<16xi32>
        %shift_left3A_105 = arith.shli %or3A, %shift_left3A_104 : vector<16xi32>
        %or3A_106 = arith.ori %shift_left3A_105, %iota3A : vector<16xi32>
        %shift_right_logical3A_107 = arith.shrui %get3A_95, %get3A_16 : vector<16xi32>
        %eq3A = arith.cmpi eq, %shift_right_logical3A_107, %get3A_12 : vector<16xi32>
        %eq3A_108 = arith.cmpi eq, %shift_right_logical3A_107, %get3A_14 : vector<16xi32>
        %or3A_109 = arith.ori %eq3A, %eq3A_108 : vector<16xi1>
        tpu.vector_store_idx %arg7[%or3A_106], %broadcast_in_dim3A_19 masked %or3A_109 {add = true} : memref<32768xi32, #tpu.memory_space<vmem>>[vector<16xi32>], vector<16xi32>, vector<16xi1>
        %add3A_110 = arith.constant 16 : i32
        %add3A_111 = arith.addi %add3A_93, %add3A_110 : i32
        %get3A_112 = arith.index_cast %add3A_111 : i32 to index
        %get3A_113 = tpu.vector_load %arg5[%get3A_112] {strides = array<i32>} : memref<32768xi32, #tpu.memory_space<vmem>>, vector<16xi32>,
        %shift_right_logical3A_114 = arith.shrui %get3A_113, %get3A_18 : vector<16xi32>
        %and3A_115 = arith.constant 1023 : i32
        %and3A_116 = vector.broadcast %and3A_115 : i32 to vector<16xi32>
        %and3A_117 = arith.andi %shift_right_logical3A_114, %and3A_116 : vector<16xi32>
        %shift_right_logical3A_118 = arith.constant 31 : i32
        %shift_right_logical3A_119 = vector.broadcast %shift_right_logical3A_118 : i32 to vector<16xi32>
        %shift_right_logical3A_120 = arith.shrui %get3A_113, %shift_right_logical3A_119 : vector<16xi32>
        %shift_left3A_121 = arith.constant 10 : i32
        %shift_left3A_122 = vector.broadcast %shift_left3A_121 : i32 to vector<16xi32>
        %shift_left3A_123 = arith.shli %shift_right_logical3A_120, %shift_left3A_122 : vector<16xi32>
        %or3A_124 = arith.ori %and3A_117, %shift_left3A_123 : vector<16xi32>
        %shift_left3A_125 = arith.constant 4 : i32
        %shift_left3A_126 = vector.broadcast %shift_left3A_125 : i32 to vector<16xi32>
        %shift_left3A_127 = arith.shli %or3A_124, %shift_left3A_126 : vector<16xi32>
        %or3A_128 = arith.ori %shift_left3A_127, %iota3A : vector<16xi32>
        %shift_right_logical3A_129 = arith.shrui %get3A_113, %get3A_16 : vector<16xi32>
        %eq3A_130 = arith.cmpi eq, %shift_right_logical3A_129, %get3A_12 : vector<16xi32>
        %eq3A_131 = arith.cmpi eq, %shift_right_logical3A_129, %get3A_14 : vector<16xi32>
        %or3A_132 = arith.ori %eq3A_130, %eq3A_131 : vector<16xi1>
        tpu.vector_store_idx %arg8[%or3A_128], %broadcast_in_dim3A_19 masked %or3A_132 {add = true} : memref<32768xi32, #tpu.memory_space<vmem>>[vector<16xi32>], vector<16xi32>, vector<16xi1>
        %scan3A_133 = arith.constant 1 : i32
        %scan3A_134 = arith.addi %scan3A_89, %scan3A_133 : i32
        %mul3A_135 = arith.constant 32 : i32
        %mul3A_136 = arith.muli %scan3A_134, %mul3A_135 : i32
        %add3A_137 = arith.constant 0 : i32
        %add3A_138 = arith.addi %add3A_137, %mul3A_136 : i32
        %get3A_139 = arith.index_cast %add3A_138 : i32 to index
        %get3A_140 = tpu.vector_load %arg5[%get3A_139] {strides = array<i32>} : memref<32768xi32, #tpu.memory_space<vmem>>, vector<16xi32>,
        %shift_right_logical3A_141 = arith.shrui %get3A_140, %get3A_18 : vector<16xi32>
        %and3A_142 = arith.constant 1023 : i32
        %and3A_143 = vector.broadcast %and3A_142 : i32 to vector<16xi32>
        %and3A_144 = arith.andi %shift_right_logical3A_141, %and3A_143 : vector<16xi32>
        %shift_right_logical3A_145 = arith.constant 31 : i32
        %shift_right_logical3A_146 = vector.broadcast %shift_right_logical3A_145 : i32 to vector<16xi32>
        %shift_right_logical3A_147 = arith.shrui %get3A_140, %shift_right_logical3A_146 : vector<16xi32>
        %shift_left3A_148 = arith.constant 10 : i32
        %shift_left3A_149 = vector.broadcast %shift_left3A_148 : i32 to vector<16xi32>
        %shift_left3A_150 = arith.shli %shift_right_logical3A_147, %shift_left3A_149 : vector<16xi32>
        %or3A_151 = arith.ori %and3A_144, %shift_left3A_150 : vector<16xi32>
        %shift_left3A_152 = arith.constant 4 : i32
        %shift_left3A_153 = vector.broadcast %shift_left3A_152 : i32 to vector<16xi32>
        %shift_left3A_154 = arith.shli %or3A_151, %shift_left3A_153 : vector<16xi32>
        %or3A_155 = arith.ori %shift_left3A_154, %iota3A : vector<16xi32>
        %shift_right_logical3A_156 = arith.shrui %get3A_140, %get3A_16 : vector<16xi32>
        %eq3A_157 = arith.cmpi eq, %shift_right_logical3A_156, %get3A_12 : vector<16xi32>
        %eq3A_158 = arith.cmpi eq, %shift_right_logical3A_156, %get3A_14 : vector<16xi32>
        %or3A_159 = arith.ori %eq3A_157, %eq3A_158 : vector<16xi1>
        tpu.vector_store_idx %arg7[%or3A_155], %broadcast_in_dim3A_19 masked %or3A_159 {add = true} : memref<32768xi32, #tpu.memory_space<vmem>>[vector<16xi32>], vector<16xi32>, vector<16xi1>
        %add3A_160 = arith.constant 16 : i32
        %add3A_161 = arith.addi %add3A_138, %add3A_160 : i32
        %get3A_162 = arith.index_cast %add3A_161 : i32 to index
        %get3A_163 = tpu.vector_load %arg5[%get3A_162] {strides = array<i32>} : memref<32768xi32, #tpu.memory_space<vmem>>, vector<16xi32>,
        %shift_right_logical3A_164 = arith.shrui %get3A_163, %get3A_18 : vector<16xi32>
        %and3A_165 = arith.constant 1023 : i32
        %and3A_166 = vector.broadcast %and3A_165 : i32 to vector<16xi32>
        %and3A_167 = arith.andi %shift_right_logical3A_164, %and3A_166 : vector<16xi32>
        %shift_right_logical3A_168 = arith.constant 31 : i32
        %shift_right_logical3A_169 = vector.broadcast %shift_right_logical3A_168 : i32 to vector<16xi32>
        %shift_right_logical3A_170 = arith.shrui %get3A_163, %shift_right_logical3A_169 : vector<16xi32>
        %shift_left3A_171 = arith.constant 10 : i32
        %shift_left3A_172 = vector.broadcast %shift_left3A_171 : i32 to vector<16xi32>
        %shift_left3A_173 = arith.shli %shift_right_logical3A_170, %shift_left3A_172 : vector<16xi32>
        %or3A_174 = arith.ori %and3A_167, %shift_left3A_173 : vector<16xi32>
        %shift_left3A_175 = arith.constant 4 : i32
        %shift_left3A_176 = vector.broadcast %shift_left3A_175 : i32 to vector<16xi32>
        %shift_left3A_177 = arith.shli %or3A_174, %shift_left3A_176 : vector<16xi32>
        %or3A_178 = arith.ori %shift_left3A_177, %iota3A : vector<16xi32>
        %shift_right_logical3A_179 = arith.shrui %get3A_163, %get3A_16 : vector<16xi32>
        %eq3A_180 = arith.cmpi eq, %shift_right_logical3A_179, %get3A_12 : vector<16xi32>
        %eq3A_181 = arith.cmpi eq, %shift_right_logical3A_179, %get3A_14 : vector<16xi32>
        %or3A_182 = arith.ori %eq3A_180, %eq3A_181 : vector<16xi1>
        tpu.vector_store_idx %arg8[%or3A_178], %broadcast_in_dim3A_19 masked %or3A_182 {add = true} : memref<32768xi32, #tpu.memory_space<vmem>>[vector<16xi32>], vector<16xi32>, vector<16xi1>
        %scan3A_183 = arith.constant 2 : i32
        %scan3A_184 = arith.addi %scan3A_89, %scan3A_183 : i32
        %mul3A_185 = arith.constant 32 : i32
        %mul3A_186 = arith.muli %scan3A_184, %mul3A_185 : i32
        %add3A_187 = arith.constant 0 : i32
        %add3A_188 = arith.addi %add3A_187, %mul3A_186 : i32
        %get3A_189 = arith.index_cast %add3A_188 : i32 to index
        %get3A_190 = tpu.vector_load %arg5[%get3A_189] {strides = array<i32>} : memref<32768xi32, #tpu.memory_space<vmem>>, vector<16xi32>,
        %shift_right_logical3A_191 = arith.shrui %get3A_190, %get3A_18 : vector<16xi32>
        %and3A_192 = arith.constant 1023 : i32
        %and3A_193 = vector.broadcast %and3A_192 : i32 to vector<16xi32>
        %and3A_194 = arith.andi %shift_right_logical3A_191, %and3A_193 : vector<16xi32>
        %shift_right_logical3A_195 = arith.constant 31 : i32
        %shift_right_logical3A_196 = vector.broadcast %shift_right_logical3A_195 : i32 to vector<16xi32>
        %shift_right_logical3A_197 = arith.shrui %get3A_190, %shift_right_logical3A_196 : vector<16xi32>
        %shift_left3A_198 = arith.constant 10 : i32
        %shift_left3A_199 = vector.broadcast %shift_left3A_198 : i32 to vector<16xi32>
        %shift_left3A_200 = arith.shli %shift_right_logical3A_197, %shift_left3A_199 : vector<16xi32>
        %or3A_201 = arith.ori %and3A_194, %shift_left3A_200 : vector<16xi32>
        %shift_left3A_202 = arith.constant 4 : i32
        %shift_left3A_203 = vector.broadcast %shift_left3A_202 : i32 to vector<16xi32>
        %shift_left3A_204 = arith.shli %or3A_201, %shift_left3A_203 : vector<16xi32>
        %or3A_205 = arith.ori %shift_left3A_204, %iota3A : vector<16xi32>
        %shift_right_logical3A_206 = arith.shrui %get3A_190, %get3A_16 : vector<16xi32>
        %eq3A_207 = arith.cmpi eq, %shift_right_logical3A_206, %get3A_12 : vector<16xi32>
        %eq3A_208 = arith.cmpi eq, %shift_right_logical3A_206, %get3A_14 : vector<16xi32>
        %or3A_209 = arith.ori %eq3A_207, %eq3A_208 : vector<16xi1>
        tpu.vector_store_idx %arg7[%or3A_205], %broadcast_in_dim3A_19 masked %or3A_209 {add = true} : memref<32768xi32, #tpu.memory_space<vmem>>[vector<16xi32>], vector<16xi32>, vector<16xi1>
        %add3A_210 = arith.constant 16 : i32
        %add3A_211 = arith.addi %add3A_188, %add3A_210 : i32
        %get3A_212 = arith.index_cast %add3A_211 : i32 to index
        %get3A_213 = tpu.vector_load %arg5[%get3A_212] {strides = array<i32>} : memref<32768xi32, #tpu.memory_space<vmem>>, vector<16xi32>,
        %shift_right_logical3A_214 = arith.shrui %get3A_213, %get3A_18 : vector<16xi32>
        %and3A_215 = arith.constant 1023 : i32
        %and3A_216 = vector.broadcast %and3A_215 : i32 to vector<16xi32>
        %and3A_217 = arith.andi %shift_right_logical3A_214, %and3A_216 : vector<16xi32>
        %shift_right_logical3A_218 = arith.constant 31 : i32
        %shift_right_logical3A_219 = vector.broadcast %shift_right_logical3A_218 : i32 to vector<16xi32>
        %shift_right_logical3A_220 = arith.shrui %get3A_213, %shift_right_logical3A_219 : vector<16xi32>
        %shift_left3A_221 = arith.constant 10 : i32
        %shift_left3A_222 = vector.broadcast %shift_left3A_221 : i32 to vector<16xi32>
        %shift_left3A_223 = arith.shli %shift_right_logical3A_220, %shift_left3A_222 : vector<16xi32>
        %or3A_224 = arith.ori %and3A_217, %shift_left3A_223 : vector<16xi32>
        %shift_left3A_225 = arith.constant 4 : i32
        %shift_left3A_226 = vector.broadcast %shift_left3A_225 : i32 to vector<16xi32>
        %shift_left3A_227 = arith.shli %or3A_224, %shift_left3A_226 : vector<16xi32>
        %or3A_228 = arith.ori %shift_left3A_227, %iota3A : vector<16xi32>
        %shift_right_logical3A_229 = arith.shrui %get3A_213, %get3A_16 : vector<16xi32>
        %eq3A_230 = arith.cmpi eq, %shift_right_logical3A_229, %get3A_12 : vector<16xi32>
        %eq3A_231 = arith.cmpi eq, %shift_right_logical3A_229, %get3A_14 : vector<16xi32>
        %or3A_232 = arith.ori %eq3A_230, %eq3A_231 : vector<16xi1>
        tpu.vector_store_idx %arg8[%or3A_228], %broadcast_in_dim3A_19 masked %or3A_232 {add = true} : memref<32768xi32, #tpu.memory_space<vmem>>[vector<16xi32>], vector<16xi32>, vector<16xi1>
        %scan3A_233 = arith.constant 3 : i32
        %scan3A_234 = arith.addi %scan3A_89, %scan3A_233 : i32
        %mul3A_235 = arith.constant 32 : i32
        %mul3A_236 = arith.muli %scan3A_234, %mul3A_235 : i32
        %add3A_237 = arith.constant 0 : i32
        %add3A_238 = arith.addi %add3A_237, %mul3A_236 : i32
        %get3A_239 = arith.index_cast %add3A_238 : i32 to index
        %get3A_240 = tpu.vector_load %arg5[%get3A_239] {strides = array<i32>} : memref<32768xi32, #tpu.memory_space<vmem>>, vector<16xi32>,
        %shift_right_logical3A_241 = arith.shrui %get3A_240, %get3A_18 : vector<16xi32>
        %and3A_242 = arith.constant 1023 : i32
        %and3A_243 = vector.broadcast %and3A_242 : i32 to vector<16xi32>
        %and3A_244 = arith.andi %shift_right_logical3A_241, %and3A_243 : vector<16xi32>
        %shift_right_logical3A_245 = arith.constant 31 : i32
        %shift_right_logical3A_246 = vector.broadcast %shift_right_logical3A_245 : i32 to vector<16xi32>
        %shift_right_logical3A_247 = arith.shrui %get3A_240, %shift_right_logical3A_246 : vector<16xi32>
        %shift_left3A_248 = arith.constant 10 : i32
        %shift_left3A_249 = vector.broadcast %shift_left3A_248 : i32 to vector<16xi32>
        %shift_left3A_250 = arith.shli %shift_right_logical3A_247, %shift_left3A_249 : vector<16xi32>
        %or3A_251 = arith.ori %and3A_244, %shift_left3A_250 : vector<16xi32>
        %shift_left3A_252 = arith.constant 4 : i32
        %shift_left3A_253 = vector.broadcast %shift_left3A_252 : i32 to vector<16xi32>
        %shift_left3A_254 = arith.shli %or3A_251, %shift_left3A_253 : vector<16xi32>
        %or3A_255 = arith.ori %shift_left3A_254, %iota3A : vector<16xi32>
        %shift_right_logical3A_256 = arith.shrui %get3A_240, %get3A_16 : vector<16xi32>
        %eq3A_257 = arith.cmpi eq, %shift_right_logical3A_256, %get3A_12 : vector<16xi32>
        %eq3A_258 = arith.cmpi eq, %shift_right_logical3A_256, %get3A_14 : vector<16xi32>
        %or3A_259 = arith.ori %eq3A_257, %eq3A_258 : vector<16xi1>
        tpu.vector_store_idx %arg7[%or3A_255], %broadcast_in_dim3A_19 masked %or3A_259 {add = true} : memref<32768xi32, #tpu.memory_space<vmem>>[vector<16xi32>], vector<16xi32>, vector<16xi1>
        %add3A_260 = arith.constant 16 : i32
        %add3A_261 = arith.addi %add3A_238, %add3A_260 : i32
        %get3A_262 = arith.index_cast %add3A_261 : i32 to index
        %get3A_263 = tpu.vector_load %arg5[%get3A_262] {strides = array<i32>} : memref<32768xi32, #tpu.memory_space<vmem>>, vector<16xi32>,
        %shift_right_logical3A_264 = arith.shrui %get3A_263, %get3A_18 : vector<16xi32>
        %and3A_265 = arith.constant 1023 : i32
        %and3A_266 = vector.broadcast %and3A_265 : i32 to vector<16xi32>
        %and3A_267 = arith.andi %shift_right_logical3A_264, %and3A_266 : vector<16xi32>
        %shift_right_logical3A_268 = arith.constant 31 : i32
        %shift_right_logical3A_269 = vector.broadcast %shift_right_logical3A_268 : i32 to vector<16xi32>
        %shift_right_logical3A_270 = arith.shrui %get3A_263, %shift_right_logical3A_269 : vector<16xi32>
        %shift_left3A_271 = arith.constant 10 : i32
        %shift_left3A_272 = vector.broadcast %shift_left3A_271 : i32 to vector<16xi32>
        %shift_left3A_273 = arith.shli %shift_right_logical3A_270, %shift_left3A_272 : vector<16xi32>
        %or3A_274 = arith.ori %and3A_267, %shift_left3A_273 : vector<16xi32>
        %shift_left3A_275 = arith.constant 4 : i32
        %shift_left3A_276 = vector.broadcast %shift_left3A_275 : i32 to vector<16xi32>
        %shift_left3A_277 = arith.shli %or3A_274, %shift_left3A_276 : vector<16xi32>
        %or3A_278 = arith.ori %shift_left3A_277, %iota3A : vector<16xi32>
        %shift_right_logical3A_279 = arith.shrui %get3A_263, %get3A_16 : vector<16xi32>
        %eq3A_280 = arith.cmpi eq, %shift_right_logical3A_279, %get3A_12 : vector<16xi32>
        %eq3A_281 = arith.cmpi eq, %shift_right_logical3A_279, %get3A_14 : vector<16xi32>
        %or3A_282 = arith.ori %eq3A_280, %eq3A_281 : vector<16xi1>
        tpu.vector_store_idx %arg8[%or3A_278], %broadcast_in_dim3A_19 masked %or3A_282 {add = true} : memref<32768xi32, #tpu.memory_space<vmem>>[vector<16xi32>], vector<16xi32>, vector<16xi1>
        %scan3A_283 = arith.constant 4 : i32
        %scan3A_284 = arith.addi %scan3A_89, %scan3A_283 : i32
        %mul3A_285 = arith.constant 32 : i32
        %mul3A_286 = arith.muli %scan3A_284, %mul3A_285 : i32
        %add3A_287 = arith.constant 0 : i32
        %add3A_288 = arith.addi %add3A_287, %mul3A_286 : i32
        %get3A_289 = arith.index_cast %add3A_288 : i32 to index
        %get3A_290 = tpu.vector_load %arg5[%get3A_289] {strides = array<i32>} : memref<32768xi32, #tpu.memory_space<vmem>>, vector<16xi32>,
        %shift_right_logical3A_291 = arith.shrui %get3A_290, %get3A_18 : vector<16xi32>
        %and3A_292 = arith.constant 1023 : i32
        %and3A_293 = vector.broadcast %and3A_292 : i32 to vector<16xi32>
        %and3A_294 = arith.andi %shift_right_logical3A_291, %and3A_293 : vector<16xi32>
        %shift_right_logical3A_295 = arith.constant 31 : i32
        %shift_right_logical3A_296 = vector.broadcast %shift_right_logical3A_295 : i32 to vector<16xi32>
        %shift_right_logical3A_297 = arith.shrui %get3A_290, %shift_right_logical3A_296 : vector<16xi32>
        %shift_left3A_298 = arith.constant 10 : i32
        %shift_left3A_299 = vector.broadcast %shift_left3A_298 : i32 to vector<16xi32>
        %shift_left3A_300 = arith.shli %shift_right_logical3A_297, %shift_left3A_299 : vector<16xi32>
        %or3A_301 = arith.ori %and3A_294, %shift_left3A_300 : vector<16xi32>
        %shift_left3A_302 = arith.constant 4 : i32
        %shift_left3A_303 = vector.broadcast %shift_left3A_302 : i32 to vector<16xi32>
        %shift_left3A_304 = arith.shli %or3A_301, %shift_left3A_303 : vector<16xi32>
        %or3A_305 = arith.ori %shift_left3A_304, %iota3A : vector<16xi32>
        %shift_right_logical3A_306 = arith.shrui %get3A_290, %get3A_16 : vector<16xi32>
        %eq3A_307 = arith.cmpi eq, %shift_right_logical3A_306, %get3A_12 : vector<16xi32>
        %eq3A_308 = arith.cmpi eq, %shift_right_logical3A_306, %get3A_14 : vector<16xi32>
        %or3A_309 = arith.ori %eq3A_307, %eq3A_308 : vector<16xi1>
        tpu.vector_store_idx %arg7[%or3A_305], %broadcast_in_dim3A_19 masked %or3A_309 {add = true} : memref<32768xi32, #tpu.memory_space<vmem>>[vector<16xi32>], vector<16xi32>, vector<16xi1>
        %add3A_310 = arith.constant 16 : i32
        %add3A_311 = arith.addi %add3A_288, %add3A_310 : i32
        %get3A_312 = arith.index_cast %add3A_311 : i32 to index
        %get3A_313 = tpu.vector_load %arg5[%get3A_312] {strides = array<i32>} : memref<32768xi32, #tpu.memory_space<vmem>>, vector<16xi32>,
        %shift_right_logical3A_314 = arith.shrui %get3A_313, %get3A_18 : vector<16xi32>
        %and3A_315 = arith.constant 1023 : i32
        %and3A_316 = vector.broadcast %and3A_315 : i32 to vector<16xi32>
        %and3A_317 = arith.andi %shift_right_logical3A_314, %and3A_316 : vector<16xi32>
        %shift_right_logical3A_318 = arith.constant 31 : i32
        %shift_right_logical3A_319 = vector.broadcast %shift_right_logical3A_318 : i32 to vector<16xi32>
        %shift_right_logical3A_320 = arith.shrui %get3A_313, %shift_right_logical3A_319 : vector<16xi32>
        %shift_left3A_321 = arith.constant 10 : i32
        %shift_left3A_322 = vector.broadcast %shift_left3A_321 : i32 to vector<16xi32>
        %shift_left3A_323 = arith.shli %shift_right_logical3A_320, %shift_left3A_322 : vector<16xi32>
        %or3A_324 = arith.ori %and3A_317, %shift_left3A_323 : vector<16xi32>
        %shift_left3A_325 = arith.constant 4 : i32
        %shift_left3A_326 = vector.broadcast %shift_left3A_325 : i32 to vector<16xi32>
        %shift_left3A_327 = arith.shli %or3A_324, %shift_left3A_326 : vector<16xi32>
        %or3A_328 = arith.ori %shift_left3A_327, %iota3A : vector<16xi32>
        %shift_right_logical3A_329 = arith.shrui %get3A_313, %get3A_16 : vector<16xi32>
        %eq3A_330 = arith.cmpi eq, %shift_right_logical3A_329, %get3A_12 : vector<16xi32>
        %eq3A_331 = arith.cmpi eq, %shift_right_logical3A_329, %get3A_14 : vector<16xi32>
        %or3A_332 = arith.ori %eq3A_330, %eq3A_331 : vector<16xi1>
        tpu.vector_store_idx %arg8[%or3A_328], %broadcast_in_dim3A_19 masked %or3A_332 {add = true} : memref<32768xi32, #tpu.memory_space<vmem>>[vector<16xi32>], vector<16xi32>, vector<16xi1>
        %scan3A_333 = arith.constant 5 : i32
        %scan3A_334 = arith.addi %scan3A_89, %scan3A_333 : i32
        %mul3A_335 = arith.constant 32 : i32
        %mul3A_336 = arith.muli %scan3A_334, %mul3A_335 : i32
        %add3A_337 = arith.constant 0 : i32
        %add3A_338 = arith.addi %add3A_337, %mul3A_336 : i32
        %get3A_339 = arith.index_cast %add3A_338 : i32 to index
        %get3A_340 = tpu.vector_load %arg5[%get3A_339] {strides = array<i32>} : memref<32768xi32, #tpu.memory_space<vmem>>, vector<16xi32>,
        %shift_right_logical3A_341 = arith.shrui %get3A_340, %get3A_18 : vector<16xi32>
        %and3A_342 = arith.constant 1023 : i32
        %and3A_343 = vector.broadcast %and3A_342 : i32 to vector<16xi32>
        %and3A_344 = arith.andi %shift_right_logical3A_341, %and3A_343 : vector<16xi32>
        %shift_right_logical3A_345 = arith.constant 31 : i32
        %shift_right_logical3A_346 = vector.broadcast %shift_right_logical3A_345 : i32 to vector<16xi32>
        %shift_right_logical3A_347 = arith.shrui %get3A_340, %shift_right_logical3A_346 : vector<16xi32>
        %shift_left3A_348 = arith.constant 10 : i32
        %shift_left3A_349 = vector.broadcast %shift_left3A_348 : i32 to vector<16xi32>
        %shift_left3A_350 = arith.shli %shift_right_logical3A_347, %shift_left3A_349 : vector<16xi32>
        %or3A_351 = arith.ori %and3A_344, %shift_left3A_350 : vector<16xi32>
        %shift_left3A_352 = arith.constant 4 : i32
        %shift_left3A_353 = vector.broadcast %shift_left3A_352 : i32 to vector<16xi32>
        %shift_left3A_354 = arith.shli %or3A_351, %shift_left3A_353 : vector<16xi32>
        %or3A_355 = arith.ori %shift_left3A_354, %iota3A : vector<16xi32>
        %shift_right_logical3A_356 = arith.shrui %get3A_340, %get3A_16 : vector<16xi32>
        %eq3A_357 = arith.cmpi eq, %shift_right_logical3A_356, %get3A_12 : vector<16xi32>
        %eq3A_358 = arith.cmpi eq, %shift_right_logical3A_356, %get3A_14 : vector<16xi32>
        %or3A_359 = arith.ori %eq3A_357, %eq3A_358 : vector<16xi1>
        tpu.vector_store_idx %arg7[%or3A_355], %broadcast_in_dim3A_19 masked %or3A_359 {add = true} : memref<32768xi32, #tpu.memory_space<vmem>>[vector<16xi32>], vector<16xi32>, vector<16xi1>
        %add3A_360 = arith.constant 16 : i32
        %add3A_361 = arith.addi %add3A_338, %add3A_360 : i32
        %get3A_362 = arith.index_cast %add3A_361 : i32 to index
        %get3A_363 = tpu.vector_load %arg5[%get3A_362] {strides = array<i32>} : memref<32768xi32, #tpu.memory_space<vmem>>, vector<16xi32>,
        %shift_right_logical3A_364 = arith.shrui %get3A_363, %get3A_18 : vector<16xi32>
        %and3A_365 = arith.constant 1023 : i32
        %and3A_366 = vector.broadcast %and3A_365 : i32 to vector<16xi32>
        %and3A_367 = arith.andi %shift_right_logical3A_364, %and3A_366 : vector<16xi32>
        %shift_right_logical3A_368 = arith.constant 31 : i32
        %shift_right_logical3A_369 = vector.broadcast %shift_right_logical3A_368 : i32 to vector<16xi32>
        %shift_right_logical3A_370 = arith.shrui %get3A_363, %shift_right_logical3A_369 : vector<16xi32>
        %shift_left3A_371 = arith.constant 10 : i32
        %shift_left3A_372 = vector.broadcast %shift_left3A_371 : i32 to vector<16xi32>
        %shift_left3A_373 = arith.shli %shift_right_logical3A_370, %shift_left3A_372 : vector<16xi32>
        %or3A_374 = arith.ori %and3A_367, %shift_left3A_373 : vector<16xi32>
        %shift_left3A_375 = arith.constant 4 : i32
        %shift_left3A_376 = vector.broadcast %shift_left3A_375 : i32 to vector<16xi32>
        %shift_left3A_377 = arith.shli %or3A_374, %shift_left3A_376 : vector<16xi32>
        %or3A_378 = arith.ori %shift_left3A_377, %iota3A : vector<16xi32>
        %shift_right_logical3A_379 = arith.shrui %get3A_363, %get3A_16 : vector<16xi32>
        %eq3A_380 = arith.cmpi eq, %shift_right_logical3A_379, %get3A_12 : vector<16xi32>
        %eq3A_381 = arith.cmpi eq, %shift_right_logical3A_379, %get3A_14 : vector<16xi32>
        %or3A_382 = arith.ori %eq3A_380, %eq3A_381 : vector<16xi1>
        tpu.vector_store_idx %arg8[%or3A_378], %broadcast_in_dim3A_19 masked %or3A_382 {add = true} : memref<32768xi32, #tpu.memory_space<vmem>>[vector<16xi32>], vector<16xi32>, vector<16xi1>
        %scan3A_383 = arith.constant 6 : i32
        %scan3A_384 = arith.addi %scan3A_89, %scan3A_383 : i32
        %mul3A_385 = arith.constant 32 : i32
        %mul3A_386 = arith.muli %scan3A_384, %mul3A_385 : i32
        %add3A_387 = arith.constant 0 : i32
        %add3A_388 = arith.addi %add3A_387, %mul3A_386 : i32
        %get3A_389 = arith.index_cast %add3A_388 : i32 to index
        %get3A_390 = tpu.vector_load %arg5[%get3A_389] {strides = array<i32>} : memref<32768xi32, #tpu.memory_space<vmem>>, vector<16xi32>,
        %shift_right_logical3A_391 = arith.shrui %get3A_390, %get3A_18 : vector<16xi32>
        %and3A_392 = arith.constant 1023 : i32
        %and3A_393 = vector.broadcast %and3A_392 : i32 to vector<16xi32>
        %and3A_394 = arith.andi %shift_right_logical3A_391, %and3A_393 : vector<16xi32>
        %shift_right_logical3A_395 = arith.constant 31 : i32
        %shift_right_logical3A_396 = vector.broadcast %shift_right_logical3A_395 : i32 to vector<16xi32>
        %shift_right_logical3A_397 = arith.shrui %get3A_390, %shift_right_logical3A_396 : vector<16xi32>
        %shift_left3A_398 = arith.constant 10 : i32
        %shift_left3A_399 = vector.broadcast %shift_left3A_398 : i32 to vector<16xi32>
        %shift_left3A_400 = arith.shli %shift_right_logical3A_397, %shift_left3A_399 : vector<16xi32>
        %or3A_401 = arith.ori %and3A_394, %shift_left3A_400 : vector<16xi32>
        %shift_left3A_402 = arith.constant 4 : i32
        %shift_left3A_403 = vector.broadcast %shift_left3A_402 : i32 to vector<16xi32>
        %shift_left3A_404 = arith.shli %or3A_401, %shift_left3A_403 : vector<16xi32>
        %or3A_405 = arith.ori %shift_left3A_404, %iota3A : vector<16xi32>
        %shift_right_logical3A_406 = arith.shrui %get3A_390, %get3A_16 : vector<16xi32>
        %eq3A_407 = arith.cmpi eq, %shift_right_logical3A_406, %get3A_12 : vector<16xi32>
        %eq3A_408 = arith.cmpi eq, %shift_right_logical3A_406, %get3A_14 : vector<16xi32>
        %or3A_409 = arith.ori %eq3A_407, %eq3A_408 : vector<16xi1>
        tpu.vector_store_idx %arg7[%or3A_405], %broadcast_in_dim3A_19 masked %or3A_409 {add = true} : memref<32768xi32, #tpu.memory_space<vmem>>[vector<16xi32>], vector<16xi32>, vector<16xi1>
        %add3A_410 = arith.constant 16 : i32
        %add3A_411 = arith.addi %add3A_388, %add3A_410 : i32
        %get3A_412 = arith.index_cast %add3A_411 : i32 to index
        %get3A_413 = tpu.vector_load %arg5[%get3A_412] {strides = array<i32>} : memref<32768xi32, #tpu.memory_space<vmem>>, vector<16xi32>,
        %shift_right_logical3A_414 = arith.shrui %get3A_413, %get3A_18 : vector<16xi32>
        %and3A_415 = arith.constant 1023 : i32
        %and3A_416 = vector.broadcast %and3A_415 : i32 to vector<16xi32>
        %and3A_417 = arith.andi %shift_right_logical3A_414, %and3A_416 : vector<16xi32>
        %shift_right_logical3A_418 = arith.constant 31 : i32
        %shift_right_logical3A_419 = vector.broadcast %shift_right_logical3A_418 : i32 to vector<16xi32>
        %shift_right_logical3A_420 = arith.shrui %get3A_413, %shift_right_logical3A_419 : vector<16xi32>
        %shift_left3A_421 = arith.constant 10 : i32
        %shift_left3A_422 = vector.broadcast %shift_left3A_421 : i32 to vector<16xi32>
        %shift_left3A_423 = arith.shli %shift_right_logical3A_420, %shift_left3A_422 : vector<16xi32>
        %or3A_424 = arith.ori %and3A_417, %shift_left3A_423 : vector<16xi32>
        %shift_left3A_425 = arith.constant 4 : i32
        %shift_left3A_426 = vector.broadcast %shift_left3A_425 : i32 to vector<16xi32>
        %shift_left3A_427 = arith.shli %or3A_424, %shift_left3A_426 : vector<16xi32>
        %or3A_428 = arith.ori %shift_left3A_427, %iota3A : vector<16xi32>
        %shift_right_logical3A_429 = arith.shrui %get3A_413, %get3A_16 : vector<16xi32>
        %eq3A_430 = arith.cmpi eq, %shift_right_logical3A_429, %get3A_12 : vector<16xi32>
        %eq3A_431 = arith.cmpi eq, %shift_right_logical3A_429, %get3A_14 : vector<16xi32>
        %or3A_432 = arith.ori %eq3A_430, %eq3A_431 : vector<16xi1>
        tpu.vector_store_idx %arg8[%or3A_428], %broadcast_in_dim3A_19 masked %or3A_432 {add = true} : memref<32768xi32, #tpu.memory_space<vmem>>[vector<16xi32>], vector<16xi32>, vector<16xi1>
        %scan3A_433 = arith.constant 7 : i32
        %scan3A_434 = arith.addi %scan3A_89, %scan3A_433 : i32
        %mul3A_435 = arith.constant 32 : i32
        %mul3A_436 = arith.muli %scan3A_434, %mul3A_435 : i32
        %add3A_437 = arith.constant 0 : i32
        %add3A_438 = arith.addi %add3A_437, %mul3A_436 : i32
        %get3A_439 = arith.index_cast %add3A_438 : i32 to index
        %get3A_440 = tpu.vector_load %arg5[%get3A_439] {strides = array<i32>} : memref<32768xi32, #tpu.memory_space<vmem>>, vector<16xi32>,
        %shift_right_logical3A_441 = arith.shrui %get3A_440, %get3A_18 : vector<16xi32>
        %and3A_442 = arith.constant 1023 : i32
        %and3A_443 = vector.broadcast %and3A_442 : i32 to vector<16xi32>
        %and3A_444 = arith.andi %shift_right_logical3A_441, %and3A_443 : vector<16xi32>
        %shift_right_logical3A_445 = arith.constant 31 : i32
        %shift_right_logical3A_446 = vector.broadcast %shift_right_logical3A_445 : i32 to vector<16xi32>
        %shift_right_logical3A_447 = arith.shrui %get3A_440, %shift_right_logical3A_446 : vector<16xi32>
        %shift_left3A_448 = arith.constant 10 : i32
        %shift_left3A_449 = vector.broadcast %shift_left3A_448 : i32 to vector<16xi32>
        %shift_left3A_450 = arith.shli %shift_right_logical3A_447, %shift_left3A_449 : vector<16xi32>
        %or3A_451 = arith.ori %and3A_444, %shift_left3A_450 : vector<16xi32>
        %shift_left3A_452 = arith.constant 4 : i32
        %shift_left3A_453 = vector.broadcast %shift_left3A_452 : i32 to vector<16xi32>
        %shift_left3A_454 = arith.shli %or3A_451, %shift_left3A_453 : vector<16xi32>
        %or3A_455 = arith.ori %shift_left3A_454, %iota3A : vector<16xi32>
        %shift_right_logical3A_456 = arith.shrui %get3A_440, %get3A_16 : vector<16xi32>
        %eq3A_457 = arith.cmpi eq, %shift_right_logical3A_456, %get3A_12 : vector<16xi32>
        %eq3A_458 = arith.cmpi eq, %shift_right_logical3A_456, %get3A_14 : vector<16xi32>
        %or3A_459 = arith.ori %eq3A_457, %eq3A_458 : vector<16xi1>
        tpu.vector_store_idx %arg7[%or3A_455], %broadcast_in_dim3A_19 masked %or3A_459 {add = true} : memref<32768xi32, #tpu.memory_space<vmem>>[vector<16xi32>], vector<16xi32>, vector<16xi1>
        %add3A_460 = arith.constant 16 : i32
        %add3A_461 = arith.addi %add3A_438, %add3A_460 : i32
        %get3A_462 = arith.index_cast %add3A_461 : i32 to index
        %get3A_463 = tpu.vector_load %arg5[%get3A_462] {strides = array<i32>} : memref<32768xi32, #tpu.memory_space<vmem>>, vector<16xi32>,
        %shift_right_logical3A_464 = arith.shrui %get3A_463, %get3A_18 : vector<16xi32>
        %and3A_465 = arith.constant 1023 : i32
        %and3A_466 = vector.broadcast %and3A_465 : i32 to vector<16xi32>
        %and3A_467 = arith.andi %shift_right_logical3A_464, %and3A_466 : vector<16xi32>
        %shift_right_logical3A_468 = arith.constant 31 : i32
        %shift_right_logical3A_469 = vector.broadcast %shift_right_logical3A_468 : i32 to vector<16xi32>
        %shift_right_logical3A_470 = arith.shrui %get3A_463, %shift_right_logical3A_469 : vector<16xi32>
        %shift_left3A_471 = arith.constant 10 : i32
        %shift_left3A_472 = vector.broadcast %shift_left3A_471 : i32 to vector<16xi32>
        %shift_left3A_473 = arith.shli %shift_right_logical3A_470, %shift_left3A_472 : vector<16xi32>
        %or3A_474 = arith.ori %and3A_467, %shift_left3A_473 : vector<16xi32>
        %shift_left3A_475 = arith.constant 4 : i32
        %shift_left3A_476 = vector.broadcast %shift_left3A_475 : i32 to vector<16xi32>
        %shift_left3A_477 = arith.shli %or3A_474, %shift_left3A_476 : vector<16xi32>
        %or3A_478 = arith.ori %shift_left3A_477, %iota3A : vector<16xi32>
        %shift_right_logical3A_479 = arith.shrui %get3A_463, %get3A_16 : vector<16xi32>
        %eq3A_480 = arith.cmpi eq, %shift_right_logical3A_479, %get3A_12 : vector<16xi32>
        %eq3A_481 = arith.cmpi eq, %shift_right_logical3A_479, %get3A_14 : vector<16xi32>
        %or3A_482 = arith.ori %eq3A_480, %eq3A_481 : vector<16xi1>
        tpu.vector_store_idx %arg8[%or3A_478], %broadcast_in_dim3A_19 masked %or3A_482 {add = true} : memref<32768xi32, #tpu.memory_space<vmem>>[vector<16xi32>], vector<16xi32>, vector<16xi1>
      }
      %scan3A_67 = arith.constant 512 : i32
      %add3A_68 = arith.constant 2 : i32
      %add3A_69 = arith.addi %mul3A_39, %add3A_68 : i32
      %lt3A = arith.constant 32 : i32
      %lt3A_70 = arith.cmpi slt, %add3A_69, %lt3A : i32
      %convert_element_type3A = arith.extui %lt3A_70 : i1 to i32
      %cond3A = arith.constant 0 : i32
      %cond3A_71 = arith.cmpi ne, %convert_element_type3A, %cond3A : i32
      scf.if %cond3A_71 {
        %add3A_89 = arith.constant 2 : i32
        %add3A_90 = arith.addi %mul3A_39, %add3A_89 : i32
        %dma_start3A_91 = arith.constant 0 : i32
        %dma_start3A_92 = tpu.memref_slice %arg5[%dma_start3A_91] : memref<32768xi32, #tpu.memory_space<vmem>> -> memref<16384xi32, #tpu.memory_space<vmem>>
        %dma_start3A_93 = arith.constant 0 : i32
        %dma_start3A_94 = tpu.memref_slice %arg2[%add3A, %add3A_90, %dma_start3A_93] : memref<32x32x16384xi32, #tpu.memory_space<hbm>> -> memref<1x1x16384xi32, #tpu.memory_space<hbm>>
        %dma_start3A_95 = tpu.memref_squeeze %dma_start3A_94 : memref<1x1x16384xi32, #tpu.memory_space<hbm>> -> memref<16384xi32, #tpu.memory_space<hbm>>
        %dma_start3A_96 = arith.constant 0 : i32
        %dma_start3A_97 = tpu.memref_slice %arg5[%dma_start3A_96] : memref<32768xi32, #tpu.memory_space<vmem>> -> memref<16384xi32, #tpu.memory_space<vmem>>
        %dma_start3A_98 = arith.constant 0 : i32
        %dma_start3A_99 = tpu.memref_slice %arg2[%add3A, %add3A_90, %dma_start3A_98] : memref<32x32x16384xi32, #tpu.memory_space<hbm>> -> memref<1x1x16384xi32, #tpu.memory_space<hbm>>
        %dma_start3A_100 = tpu.memref_squeeze %dma_start3A_99 : memref<1x1x16384xi32, #tpu.memory_space<hbm>> -> memref<16384xi32, #tpu.memory_space<hbm>>
        tpu.enqueue_dma source(%dma_start3A_100 : memref<16384xi32, #tpu.memory_space<hbm>>) target(%dma_start3A_97 : memref<16384xi32, #tpu.memory_space<vmem>>) target_semaphore(%arg9 : memref<!tpu.dma_semaphore, #tpu.memory_space<semaphore_mem>>)
      } else {
      }
      %dma_wait3A_72 = arith.constant 0 : i32
      %dma_wait3A_73 = arith.constant 16384 : i32
      %dma_wait3A_74 = tpu.memref_slice %arg5[%dma_wait3A_73] : memref<32768xi32, #tpu.memory_space<vmem>> -> memref<16384xi32, #tpu.memory_space<vmem>>
      %dma_wait3A_75 = arith.constant 0 : i32
      %dma_wait3A_76 = tpu.memref_slice %arg2[%add3A, %dma_wait3A_72, %dma_wait3A_75] : memref<32x32x16384xi32, #tpu.memory_space<hbm>> -> memref<1x1x16384xi32, #tpu.memory_space<hbm>>
      %dma_wait3A_77 = tpu.memref_squeeze %dma_wait3A_76 : memref<1x1x16384xi32, #tpu.memory_space<hbm>> -> memref<16384xi32, #tpu.memory_space<hbm>>
      %dma_wait3A_78 = arith.constant 16384 : i32
      %dma_wait3A_79 = tpu.memref_slice %arg5[%dma_wait3A_78] : memref<32768xi32, #tpu.memory_space<vmem>> -> memref<16384xi32, #tpu.memory_space<vmem>>
      %dma_wait3A_80 = arith.constant 0 : i32
      %dma_wait3A_81 = tpu.memref_slice %arg2[%add3A, %dma_wait3A_72, %dma_wait3A_80] : memref<32x32x16384xi32, #tpu.memory_space<hbm>> -> memref<1x1x16384xi32, #tpu.memory_space<hbm>>
      %dma_wait3A_82 = tpu.memref_squeeze %dma_wait3A_81 : memref<1x1x16384xi32, #tpu.memory_space<hbm>> -> memref<16384xi32, #tpu.memory_space<hbm>>
      tpu.wait_dma2 semaphore(%arg10 : memref<!tpu.dma_semaphore, #tpu.memory_space<semaphore_mem>>) src(%dma_wait3A_82 : memref<16384xi32, #tpu.memory_space<hbm>>) dst(%dma_wait3A_79 : memref<16384xi32, #tpu.memory_space<vmem>>)
      %scan3A_83 = arith.constant 0 : i32
      %scan3A_84 = arith.constant 0 : i32
      %scan3A_85 = arith.constant 512 : i32
      %scan3A_86 = arith.addi %scan3A_84, %scan3A_85 : i32
      %scan3A_87 = arith.constant 8 : i32
      scf.for %scan3A_89 = %scan3A_84 to %scan3A_86 step %scan3A_87  : i32 {
        %mul3A_90 = arith.constant 32 : i32
        %mul3A_91 = arith.muli %scan3A_89, %mul3A_90 : i32
        %add3A_92 = arith.constant 16384 : i32
        %add3A_93 = arith.addi %add3A_92, %mul3A_91 : i32
        %get3A_94 = arith.index_cast %add3A_93 : i32 to index
        %get3A_95 = tpu.vector_load %arg5[%get3A_94] {strides = array<i32>} : memref<32768xi32, #tpu.memory_space<vmem>>, vector<16xi32>,
        %shift_right_logical3A = arith.shrui %get3A_95, %get3A_18 : vector<16xi32>
        %and3A = arith.constant 1023 : i32
        %and3A_96 = vector.broadcast %and3A : i32 to vector<16xi32>
        %and3A_97 = arith.andi %shift_right_logical3A, %and3A_96 : vector<16xi32>
        %shift_right_logical3A_98 = arith.constant 31 : i32
        %shift_right_logical3A_99 = vector.broadcast %shift_right_logical3A_98 : i32 to vector<16xi32>
        %shift_right_logical3A_100 = arith.shrui %get3A_95, %shift_right_logical3A_99 : vector<16xi32>
        %shift_left3A = arith.constant 10 : i32
        %shift_left3A_101 = vector.broadcast %shift_left3A : i32 to vector<16xi32>
        %shift_left3A_102 = arith.shli %shift_right_logical3A_100, %shift_left3A_101 : vector<16xi32>
        %or3A = arith.ori %and3A_97, %shift_left3A_102 : vector<16xi32>
        %shift_left3A_103 = arith.constant 4 : i32
        %shift_left3A_104 = vector.broadcast %shift_left3A_103 : i32 to vector<16xi32>
        %shift_left3A_105 = arith.shli %or3A, %shift_left3A_104 : vector<16xi32>
        %or3A_106 = arith.ori %shift_left3A_105, %iota3A : vector<16xi32>
        %shift_right_logical3A_107 = arith.shrui %get3A_95, %get3A_16 : vector<16xi32>
        %eq3A = arith.cmpi eq, %shift_right_logical3A_107, %get3A_12 : vector<16xi32>
        %eq3A_108 = arith.cmpi eq, %shift_right_logical3A_107, %get3A_14 : vector<16xi32>
        %or3A_109 = arith.ori %eq3A, %eq3A_108 : vector<16xi1>
        tpu.vector_store_idx %arg7[%or3A_106], %broadcast_in_dim3A_19 masked %or3A_109 {add = true} : memref<32768xi32, #tpu.memory_space<vmem>>[vector<16xi32>], vector<16xi32>, vector<16xi1>
        %add3A_110 = arith.constant 16 : i32
        %add3A_111 = arith.addi %add3A_93, %add3A_110 : i32
        %get3A_112 = arith.index_cast %add3A_111 : i32 to index
        %get3A_113 = tpu.vector_load %arg5[%get3A_112] {strides = array<i32>} : memref<32768xi32, #tpu.memory_space<vmem>>, vector<16xi32>,
        %shift_right_logical3A_114 = arith.shrui %get3A_113, %get3A_18 : vector<16xi32>
        %and3A_115 = arith.constant 1023 : i32
        %and3A_116 = vector.broadcast %and3A_115 : i32 to vector<16xi32>
        %and3A_117 = arith.andi %shift_right_logical3A_114, %and3A_116 : vector<16xi32>
        %shift_right_logical3A_118 = arith.constant 31 : i32
        %shift_right_logical3A_119 = vector.broadcast %shift_right_logical3A_118 : i32 to vector<16xi32>
        %shift_right_logical3A_120 = arith.shrui %get3A_113, %shift_right_logical3A_119 : vector<16xi32>
        %shift_left3A_121 = arith.constant 10 : i32
        %shift_left3A_122 = vector.broadcast %shift_left3A_121 : i32 to vector<16xi32>
        %shift_left3A_123 = arith.shli %shift_right_logical3A_120, %shift_left3A_122 : vector<16xi32>
        %or3A_124 = arith.ori %and3A_117, %shift_left3A_123 : vector<16xi32>
        %shift_left3A_125 = arith.constant 4 : i32
        %shift_left3A_126 = vector.broadcast %shift_left3A_125 : i32 to vector<16xi32>
        %shift_left3A_127 = arith.shli %or3A_124, %shift_left3A_126 : vector<16xi32>
        %or3A_128 = arith.ori %shift_left3A_127, %iota3A : vector<16xi32>
        %shift_right_logical3A_129 = arith.shrui %get3A_113, %get3A_16 : vector<16xi32>
        %eq3A_130 = arith.cmpi eq, %shift_right_logical3A_129, %get3A_12 : vector<16xi32>
        %eq3A_131 = arith.cmpi eq, %shift_right_logical3A_129, %get3A_14 : vector<16xi32>
        %or3A_132 = arith.ori %eq3A_130, %eq3A_131 : vector<16xi1>
        tpu.vector_store_idx %arg8[%or3A_128], %broadcast_in_dim3A_19 masked %or3A_132 {add = true} : memref<32768xi32, #tpu.memory_space<vmem>>[vector<16xi32>], vector<16xi32>, vector<16xi1>
        %scan3A_133 = arith.constant 1 : i32
        %scan3A_134 = arith.addi %scan3A_89, %scan3A_133 : i32
        %mul3A_135 = arith.constant 32 : i32
        %mul3A_136 = arith.muli %scan3A_134, %mul3A_135 : i32
        %add3A_137 = arith.constant 16384 : i32
        %add3A_138 = arith.addi %add3A_137, %mul3A_136 : i32
        %get3A_139 = arith.index_cast %add3A_138 : i32 to index
        %get3A_140 = tpu.vector_load %arg5[%get3A_139] {strides = array<i32>} : memref<32768xi32, #tpu.memory_space<vmem>>, vector<16xi32>,
        %shift_right_logical3A_141 = arith.shrui %get3A_140, %get3A_18 : vector<16xi32>
        %and3A_142 = arith.constant 1023 : i32
        %and3A_143 = vector.broadcast %and3A_142 : i32 to vector<16xi32>
        %and3A_144 = arith.andi %shift_right_logical3A_141, %and3A_143 : vector<16xi32>
        %shift_right_logical3A_145 = arith.constant 31 : i32
        %shift_right_logical3A_146 = vector.broadcast %shift_right_logical3A_145 : i32 to vector<16xi32>
        %shift_right_logical3A_147 = arith.shrui %get3A_140, %shift_right_logical3A_146 : vector<16xi32>
        %shift_left3A_148 = arith.constant 10 : i32
        %shift_left3A_149 = vector.broadcast %shift_left3A_148 : i32 to vector<16xi32>
        %shift_left3A_150 = arith.shli %shift_right_logical3A_147, %shift_left3A_149 : vector<16xi32>
        %or3A_151 = arith.ori %and3A_144, %shift_left3A_150 : vector<16xi32>
        %shift_left3A_152 = arith.constant 4 : i32
        %shift_left3A_153 = vector.broadcast %shift_left3A_152 : i32 to vector<16xi32>
        %shift_left3A_154 = arith.shli %or3A_151, %shift_left3A_153 : vector<16xi32>
        %or3A_155 = arith.ori %shift_left3A_154, %iota3A : vector<16xi32>
        %shift_right_logical3A_156 = arith.shrui %get3A_140, %get3A_16 : vector<16xi32>
        %eq3A_157 = arith.cmpi eq, %shift_right_logical3A_156, %get3A_12 : vector<16xi32>
        %eq3A_158 = arith.cmpi eq, %shift_right_logical3A_156, %get3A_14 : vector<16xi32>
        %or3A_159 = arith.ori %eq3A_157, %eq3A_158 : vector<16xi1>
        tpu.vector_store_idx %arg7[%or3A_155], %broadcast_in_dim3A_19 masked %or3A_159 {add = true} : memref<32768xi32, #tpu.memory_space<vmem>>[vector<16xi32>], vector<16xi32>, vector<16xi1>
        %add3A_160 = arith.constant 16 : i32
        %add3A_161 = arith.addi %add3A_138, %add3A_160 : i32
        %get3A_162 = arith.index_cast %add3A_161 : i32 to index
        %get3A_163 = tpu.vector_load %arg5[%get3A_162] {strides = array<i32>} : memref<32768xi32, #tpu.memory_space<vmem>>, vector<16xi32>,
        %shift_right_logical3A_164 = arith.shrui %get3A_163, %get3A_18 : vector<16xi32>
        %and3A_165 = arith.constant 1023 : i32
        %and3A_166 = vector.broadcast %and3A_165 : i32 to vector<16xi32>
        %and3A_167 = arith.andi %shift_right_logical3A_164, %and3A_166 : vector<16xi32>
        %shift_right_logical3A_168 = arith.constant 31 : i32
        %shift_right_logical3A_169 = vector.broadcast %shift_right_logical3A_168 : i32 to vector<16xi32>
        %shift_right_logical3A_170 = arith.shrui %get3A_163, %shift_right_logical3A_169 : vector<16xi32>
        %shift_left3A_171 = arith.constant 10 : i32
        %shift_left3A_172 = vector.broadcast %shift_left3A_171 : i32 to vector<16xi32>
        %shift_left3A_173 = arith.shli %shift_right_logical3A_170, %shift_left3A_172 : vector<16xi32>
        %or3A_174 = arith.ori %and3A_167, %shift_left3A_173 : vector<16xi32>
        %shift_left3A_175 = arith.constant 4 : i32
        %shift_left3A_176 = vector.broadcast %shift_left3A_175 : i32 to vector<16xi32>
        %shift_left3A_177 = arith.shli %or3A_174, %shift_left3A_176 : vector<16xi32>
        %or3A_178 = arith.ori %shift_left3A_177, %iota3A : vector<16xi32>
        %shift_right_logical3A_179 = arith.shrui %get3A_163, %get3A_16 : vector<16xi32>
        %eq3A_180 = arith.cmpi eq, %shift_right_logical3A_179, %get3A_12 : vector<16xi32>
        %eq3A_181 = arith.cmpi eq, %shift_right_logical3A_179, %get3A_14 : vector<16xi32>
        %or3A_182 = arith.ori %eq3A_180, %eq3A_181 : vector<16xi1>
        tpu.vector_store_idx %arg8[%or3A_178], %broadcast_in_dim3A_19 masked %or3A_182 {add = true} : memref<32768xi32, #tpu.memory_space<vmem>>[vector<16xi32>], vector<16xi32>, vector<16xi1>
        %scan3A_183 = arith.constant 2 : i32
        %scan3A_184 = arith.addi %scan3A_89, %scan3A_183 : i32
        %mul3A_185 = arith.constant 32 : i32
        %mul3A_186 = arith.muli %scan3A_184, %mul3A_185 : i32
        %add3A_187 = arith.constant 16384 : i32
        %add3A_188 = arith.addi %add3A_187, %mul3A_186 : i32
        %get3A_189 = arith.index_cast %add3A_188 : i32 to index
        %get3A_190 = tpu.vector_load %arg5[%get3A_189] {strides = array<i32>} : memref<32768xi32, #tpu.memory_space<vmem>>, vector<16xi32>,
        %shift_right_logical3A_191 = arith.shrui %get3A_190, %get3A_18 : vector<16xi32>
        %and3A_192 = arith.constant 1023 : i32
        %and3A_193 = vector.broadcast %and3A_192 : i32 to vector<16xi32>
        %and3A_194 = arith.andi %shift_right_logical3A_191, %and3A_193 : vector<16xi32>
        %shift_right_logical3A_195 = arith.constant 31 : i32
        %shift_right_logical3A_196 = vector.broadcast %shift_right_logical3A_195 : i32 to vector<16xi32>
        %shift_right_logical3A_197 = arith.shrui %get3A_190, %shift_right_logical3A_196 : vector<16xi32>
        %shift_left3A_198 = arith.constant 10 : i32
        %shift_left3A_199 = vector.broadcast %shift_left3A_198 : i32 to vector<16xi32>
        %shift_left3A_200 = arith.shli %shift_right_logical3A_197, %shift_left3A_199 : vector<16xi32>
        %or3A_201 = arith.ori %and3A_194, %shift_left3A_200 : vector<16xi32>
        %shift_left3A_202 = arith.constant 4 : i32
        %shift_left3A_203 = vector.broadcast %shift_left3A_202 : i32 to vector<16xi32>
        %shift_left3A_204 = arith.shli %or3A_201, %shift_left3A_203 : vector<16xi32>
        %or3A_205 = arith.ori %shift_left3A_204, %iota3A : vector<16xi32>
        %shift_right_logical3A_206 = arith.shrui %get3A_190, %get3A_16 : vector<16xi32>
        %eq3A_207 = arith.cmpi eq, %shift_right_logical3A_206, %get3A_12 : vector<16xi32>
        %eq3A_208 = arith.cmpi eq, %shift_right_logical3A_206, %get3A_14 : vector<16xi32>
        %or3A_209 = arith.ori %eq3A_207, %eq3A_208 : vector<16xi1>
        tpu.vector_store_idx %arg7[%or3A_205], %broadcast_in_dim3A_19 masked %or3A_209 {add = true} : memref<32768xi32, #tpu.memory_space<vmem>>[vector<16xi32>], vector<16xi32>, vector<16xi1>
        %add3A_210 = arith.constant 16 : i32
        %add3A_211 = arith.addi %add3A_188, %add3A_210 : i32
        %get3A_212 = arith.index_cast %add3A_211 : i32 to index
        %get3A_213 = tpu.vector_load %arg5[%get3A_212] {strides = array<i32>} : memref<32768xi32, #tpu.memory_space<vmem>>, vector<16xi32>,
        %shift_right_logical3A_214 = arith.shrui %get3A_213, %get3A_18 : vector<16xi32>
        %and3A_215 = arith.constant 1023 : i32
        %and3A_216 = vector.broadcast %and3A_215 : i32 to vector<16xi32>
        %and3A_217 = arith.andi %shift_right_logical3A_214, %and3A_216 : vector<16xi32>
        %shift_right_logical3A_218 = arith.constant 31 : i32
        %shift_right_logical3A_219 = vector.broadcast %shift_right_logical3A_218 : i32 to vector<16xi32>
        %shift_right_logical3A_220 = arith.shrui %get3A_213, %shift_right_logical3A_219 : vector<16xi32>
        %shift_left3A_221 = arith.constant 10 : i32
        %shift_left3A_222 = vector.broadcast %shift_left3A_221 : i32 to vector<16xi32>
        %shift_left3A_223 = arith.shli %shift_right_logical3A_220, %shift_left3A_222 : vector<16xi32>
        %or3A_224 = arith.ori %and3A_217, %shift_left3A_223 : vector<16xi32>
        %shift_left3A_225 = arith.constant 4 : i32
        %shift_left3A_226 = vector.broadcast %shift_left3A_225 : i32 to vector<16xi32>
        %shift_left3A_227 = arith.shli %or3A_224, %shift_left3A_226 : vector<16xi32>
        %or3A_228 = arith.ori %shift_left3A_227, %iota3A : vector<16xi32>
        %shift_right_logical3A_229 = arith.shrui %get3A_213, %get3A_16 : vector<16xi32>
        %eq3A_230 = arith.cmpi eq, %shift_right_logical3A_229, %get3A_12 : vector<16xi32>
        %eq3A_231 = arith.cmpi eq, %shift_right_logical3A_229, %get3A_14 : vector<16xi32>
        %or3A_232 = arith.ori %eq3A_230, %eq3A_231 : vector<16xi1>
        tpu.vector_store_idx %arg8[%or3A_228], %broadcast_in_dim3A_19 masked %or3A_232 {add = true} : memref<32768xi32, #tpu.memory_space<vmem>>[vector<16xi32>], vector<16xi32>, vector<16xi1>
        %scan3A_233 = arith.constant 3 : i32
        %scan3A_234 = arith.addi %scan3A_89, %scan3A_233 : i32
        %mul3A_235 = arith.constant 32 : i32
        %mul3A_236 = arith.muli %scan3A_234, %mul3A_235 : i32
        %add3A_237 = arith.constant 16384 : i32
        %add3A_238 = arith.addi %add3A_237, %mul3A_236 : i32
        %get3A_239 = arith.index_cast %add3A_238 : i32 to index
        %get3A_240 = tpu.vector_load %arg5[%get3A_239] {strides = array<i32>} : memref<32768xi32, #tpu.memory_space<vmem>>, vector<16xi32>,
        %shift_right_logical3A_241 = arith.shrui %get3A_240, %get3A_18 : vector<16xi32>
        %and3A_242 = arith.constant 1023 : i32
        %and3A_243 = vector.broadcast %and3A_242 : i32 to vector<16xi32>
        %and3A_244 = arith.andi %shift_right_logical3A_241, %and3A_243 : vector<16xi32>
        %shift_right_logical3A_245 = arith.constant 31 : i32
        %shift_right_logical3A_246 = vector.broadcast %shift_right_logical3A_245 : i32 to vector<16xi32>
        %shift_right_logical3A_247 = arith.shrui %get3A_240, %shift_right_logical3A_246 : vector<16xi32>
        %shift_left3A_248 = arith.constant 10 : i32
        %shift_left3A_249 = vector.broadcast %shift_left3A_248 : i32 to vector<16xi32>
        %shift_left3A_250 = arith.shli %shift_right_logical3A_247, %shift_left3A_249 : vector<16xi32>
        %or3A_251 = arith.ori %and3A_244, %shift_left3A_250 : vector<16xi32>
        %shift_left3A_252 = arith.constant 4 : i32
        %shift_left3A_253 = vector.broadcast %shift_left3A_252 : i32 to vector<16xi32>
        %shift_left3A_254 = arith.shli %or3A_251, %shift_left3A_253 : vector<16xi32>
        %or3A_255 = arith.ori %shift_left3A_254, %iota3A : vector<16xi32>
        %shift_right_logical3A_256 = arith.shrui %get3A_240, %get3A_16 : vector<16xi32>
        %eq3A_257 = arith.cmpi eq, %shift_right_logical3A_256, %get3A_12 : vector<16xi32>
        %eq3A_258 = arith.cmpi eq, %shift_right_logical3A_256, %get3A_14 : vector<16xi32>
        %or3A_259 = arith.ori %eq3A_257, %eq3A_258 : vector<16xi1>
        tpu.vector_store_idx %arg7[%or3A_255], %broadcast_in_dim3A_19 masked %or3A_259 {add = true} : memref<32768xi32, #tpu.memory_space<vmem>>[vector<16xi32>], vector<16xi32>, vector<16xi1>
        %add3A_260 = arith.constant 16 : i32
        %add3A_261 = arith.addi %add3A_238, %add3A_260 : i32
        %get3A_262 = arith.index_cast %add3A_261 : i32 to index
        %get3A_263 = tpu.vector_load %arg5[%get3A_262] {strides = array<i32>} : memref<32768xi32, #tpu.memory_space<vmem>>, vector<16xi32>,
        %shift_right_logical3A_264 = arith.shrui %get3A_263, %get3A_18 : vector<16xi32>
        %and3A_265 = arith.constant 1023 : i32
        %and3A_266 = vector.broadcast %and3A_265 : i32 to vector<16xi32>
        %and3A_267 = arith.andi %shift_right_logical3A_264, %and3A_266 : vector<16xi32>
        %shift_right_logical3A_268 = arith.constant 31 : i32
        %shift_right_logical3A_269 = vector.broadcast %shift_right_logical3A_268 : i32 to vector<16xi32>
        %shift_right_logical3A_270 = arith.shrui %get3A_263, %shift_right_logical3A_269 : vector<16xi32>
        %shift_left3A_271 = arith.constant 10 : i32
        %shift_left3A_272 = vector.broadcast %shift_left3A_271 : i32 to vector<16xi32>
        %shift_left3A_273 = arith.shli %shift_right_logical3A_270, %shift_left3A_272 : vector<16xi32>
        %or3A_274 = arith.ori %and3A_267, %shift_left3A_273 : vector<16xi32>
        %shift_left3A_275 = arith.constant 4 : i32
        %shift_left3A_276 = vector.broadcast %shift_left3A_275 : i32 to vector<16xi32>
        %shift_left3A_277 = arith.shli %or3A_274, %shift_left3A_276 : vector<16xi32>
        %or3A_278 = arith.ori %shift_left3A_277, %iota3A : vector<16xi32>
        %shift_right_logical3A_279 = arith.shrui %get3A_263, %get3A_16 : vector<16xi32>
        %eq3A_280 = arith.cmpi eq, %shift_right_logical3A_279, %get3A_12 : vector<16xi32>
        %eq3A_281 = arith.cmpi eq, %shift_right_logical3A_279, %get3A_14 : vector<16xi32>
        %or3A_282 = arith.ori %eq3A_280, %eq3A_281 : vector<16xi1>
        tpu.vector_store_idx %arg8[%or3A_278], %broadcast_in_dim3A_19 masked %or3A_282 {add = true} : memref<32768xi32, #tpu.memory_space<vmem>>[vector<16xi32>], vector<16xi32>, vector<16xi1>
        %scan3A_283 = arith.constant 4 : i32
        %scan3A_284 = arith.addi %scan3A_89, %scan3A_283 : i32
        %mul3A_285 = arith.constant 32 : i32
        %mul3A_286 = arith.muli %scan3A_284, %mul3A_285 : i32
        %add3A_287 = arith.constant 16384 : i32
        %add3A_288 = arith.addi %add3A_287, %mul3A_286 : i32
        %get3A_289 = arith.index_cast %add3A_288 : i32 to index
        %get3A_290 = tpu.vector_load %arg5[%get3A_289] {strides = array<i32>} : memref<32768xi32, #tpu.memory_space<vmem>>, vector<16xi32>,
        %shift_right_logical3A_291 = arith.shrui %get3A_290, %get3A_18 : vector<16xi32>
        %and3A_292 = arith.constant 1023 : i32
        %and3A_293 = vector.broadcast %and3A_292 : i32 to vector<16xi32>
        %and3A_294 = arith.andi %shift_right_logical3A_291, %and3A_293 : vector<16xi32>
        %shift_right_logical3A_295 = arith.constant 31 : i32
        %shift_right_logical3A_296 = vector.broadcast %shift_right_logical3A_295 : i32 to vector<16xi32>
        %shift_right_logical3A_297 = arith.shrui %get3A_290, %shift_right_logical3A_296 : vector<16xi32>
        %shift_left3A_298 = arith.constant 10 : i32
        %shift_left3A_299 = vector.broadcast %shift_left3A_298 : i32 to vector<16xi32>
        %shift_left3A_300 = arith.shli %shift_right_logical3A_297, %shift_left3A_299 : vector<16xi32>
        %or3A_301 = arith.ori %and3A_294, %shift_left3A_300 : vector<16xi32>
        %shift_left3A_302 = arith.constant 4 : i32
        %shift_left3A_303 = vector.broadcast %shift_left3A_302 : i32 to vector<16xi32>
        %shift_left3A_304 = arith.shli %or3A_301, %shift_left3A_303 : vector<16xi32>
        %or3A_305 = arith.ori %shift_left3A_304, %iota3A : vector<16xi32>
        %shift_right_logical3A_306 = arith.shrui %get3A_290, %get3A_16 : vector<16xi32>
        %eq3A_307 = arith.cmpi eq, %shift_right_logical3A_306, %get3A_12 : vector<16xi32>
        %eq3A_308 = arith.cmpi eq, %shift_right_logical3A_306, %get3A_14 : vector<16xi32>
        %or3A_309 = arith.ori %eq3A_307, %eq3A_308 : vector<16xi1>
        tpu.vector_store_idx %arg7[%or3A_305], %broadcast_in_dim3A_19 masked %or3A_309 {add = true} : memref<32768xi32, #tpu.memory_space<vmem>>[vector<16xi32>], vector<16xi32>, vector<16xi1>
        %add3A_310 = arith.constant 16 : i32
        %add3A_311 = arith.addi %add3A_288, %add3A_310 : i32
        %get3A_312 = arith.index_cast %add3A_311 : i32 to index
        %get3A_313 = tpu.vector_load %arg5[%get3A_312] {strides = array<i32>} : memref<32768xi32, #tpu.memory_space<vmem>>, vector<16xi32>,
        %shift_right_logical3A_314 = arith.shrui %get3A_313, %get3A_18 : vector<16xi32>
        %and3A_315 = arith.constant 1023 : i32
        %and3A_316 = vector.broadcast %and3A_315 : i32 to vector<16xi32>
        %and3A_317 = arith.andi %shift_right_logical3A_314, %and3A_316 : vector<16xi32>
        %shift_right_logical3A_318 = arith.constant 31 : i32
        %shift_right_logical3A_319 = vector.broadcast %shift_right_logical3A_318 : i32 to vector<16xi32>
        %shift_right_logical3A_320 = arith.shrui %get3A_313, %shift_right_logical3A_319 : vector<16xi32>
        %shift_left3A_321 = arith.constant 10 : i32
        %shift_left3A_322 = vector.broadcast %shift_left3A_321 : i32 to vector<16xi32>
        %shift_left3A_323 = arith.shli %shift_right_logical3A_320, %shift_left3A_322 : vector<16xi32>
        %or3A_324 = arith.ori %and3A_317, %shift_left3A_323 : vector<16xi32>
        %shift_left3A_325 = arith.constant 4 : i32
        %shift_left3A_326 = vector.broadcast %shift_left3A_325 : i32 to vector<16xi32>
        %shift_left3A_327 = arith.shli %or3A_324, %shift_left3A_326 : vector<16xi32>
        %or3A_328 = arith.ori %shift_left3A_327, %iota3A : vector<16xi32>
        %shift_right_logical3A_329 = arith.shrui %get3A_313, %get3A_16 : vector<16xi32>
        %eq3A_330 = arith.cmpi eq, %shift_right_logical3A_329, %get3A_12 : vector<16xi32>
        %eq3A_331 = arith.cmpi eq, %shift_right_logical3A_329, %get3A_14 : vector<16xi32>
        %or3A_332 = arith.ori %eq3A_330, %eq3A_331 : vector<16xi1>
        tpu.vector_store_idx %arg8[%or3A_328], %broadcast_in_dim3A_19 masked %or3A_332 {add = true} : memref<32768xi32, #tpu.memory_space<vmem>>[vector<16xi32>], vector<16xi32>, vector<16xi1>
        %scan3A_333 = arith.constant 5 : i32
        %scan3A_334 = arith.addi %scan3A_89, %scan3A_333 : i32
        %mul3A_335 = arith.constant 32 : i32
        %mul3A_336 = arith.muli %scan3A_334, %mul3A_335 : i32
        %add3A_337 = arith.constant 16384 : i32
        %add3A_338 = arith.addi %add3A_337, %mul3A_336 : i32
        %get3A_339 = arith.index_cast %add3A_338 : i32 to index
        %get3A_340 = tpu.vector_load %arg5[%get3A_339] {strides = array<i32>} : memref<32768xi32, #tpu.memory_space<vmem>>, vector<16xi32>,
        %shift_right_logical3A_341 = arith.shrui %get3A_340, %get3A_18 : vector<16xi32>
        %and3A_342 = arith.constant 1023 : i32
        %and3A_343 = vector.broadcast %and3A_342 : i32 to vector<16xi32>
        %and3A_344 = arith.andi %shift_right_logical3A_341, %and3A_343 : vector<16xi32>
        %shift_right_logical3A_345 = arith.constant 31 : i32
        %shift_right_logical3A_346 = vector.broadcast %shift_right_logical3A_345 : i32 to vector<16xi32>
        %shift_right_logical3A_347 = arith.shrui %get3A_340, %shift_right_logical3A_346 : vector<16xi32>
        %shift_left3A_348 = arith.constant 10 : i32
        %shift_left3A_349 = vector.broadcast %shift_left3A_348 : i32 to vector<16xi32>
        %shift_left3A_350 = arith.shli %shift_right_logical3A_347, %shift_left3A_349 : vector<16xi32>
        %or3A_351 = arith.ori %and3A_344, %shift_left3A_350 : vector<16xi32>
        %shift_left3A_352 = arith.constant 4 : i32
        %shift_left3A_353 = vector.broadcast %shift_left3A_352 : i32 to vector<16xi32>
        %shift_left3A_354 = arith.shli %or3A_351, %shift_left3A_353 : vector<16xi32>
        %or3A_355 = arith.ori %shift_left3A_354, %iota3A : vector<16xi32>
        %shift_right_logical3A_356 = arith.shrui %get3A_340, %get3A_16 : vector<16xi32>
        %eq3A_357 = arith.cmpi eq, %shift_right_logical3A_356, %get3A_12 : vector<16xi32>
        %eq3A_358 = arith.cmpi eq, %shift_right_logical3A_356, %get3A_14 : vector<16xi32>
        %or3A_359 = arith.ori %eq3A_357, %eq3A_358 : vector<16xi1>
        tpu.vector_store_idx %arg7[%or3A_355], %broadcast_in_dim3A_19 masked %or3A_359 {add = true} : memref<32768xi32, #tpu.memory_space<vmem>>[vector<16xi32>], vector<16xi32>, vector<16xi1>
        %add3A_360 = arith.constant 16 : i32
        %add3A_361 = arith.addi %add3A_338, %add3A_360 : i32
        %get3A_362 = arith.index_cast %add3A_361 : i32 to index
        %get3A_363 = tpu.vector_load %arg5[%get3A_362] {strides = array<i32>} : memref<32768xi32, #tpu.memory_space<vmem>>, vector<16xi32>,
        %shift_right_logical3A_364 = arith.shrui %get3A_363, %get3A_18 : vector<16xi32>
        %and3A_365 = arith.constant 1023 : i32
        %and3A_366 = vector.broadcast %and3A_365 : i32 to vector<16xi32>
        %and3A_367 = arith.andi %shift_right_logical3A_364, %and3A_366 : vector<16xi32>
        %shift_right_logical3A_368 = arith.constant 31 : i32
        %shift_right_logical3A_369 = vector.broadcast %shift_right_logical3A_368 : i32 to vector<16xi32>
        %shift_right_logical3A_370 = arith.shrui %get3A_363, %shift_right_logical3A_369 : vector<16xi32>
        %shift_left3A_371 = arith.constant 10 : i32
        %shift_left3A_372 = vector.broadcast %shift_left3A_371 : i32 to vector<16xi32>
        %shift_left3A_373 = arith.shli %shift_right_logical3A_370, %shift_left3A_372 : vector<16xi32>
        %or3A_374 = arith.ori %and3A_367, %shift_left3A_373 : vector<16xi32>
        %shift_left3A_375 = arith.constant 4 : i32
        %shift_left3A_376 = vector.broadcast %shift_left3A_375 : i32 to vector<16xi32>
        %shift_left3A_377 = arith.shli %or3A_374, %shift_left3A_376 : vector<16xi32>
        %or3A_378 = arith.ori %shift_left3A_377, %iota3A : vector<16xi32>
        %shift_right_logical3A_379 = arith.shrui %get3A_363, %get3A_16 : vector<16xi32>
        %eq3A_380 = arith.cmpi eq, %shift_right_logical3A_379, %get3A_12 : vector<16xi32>
        %eq3A_381 = arith.cmpi eq, %shift_right_logical3A_379, %get3A_14 : vector<16xi32>
        %or3A_382 = arith.ori %eq3A_380, %eq3A_381 : vector<16xi1>
        tpu.vector_store_idx %arg8[%or3A_378], %broadcast_in_dim3A_19 masked %or3A_382 {add = true} : memref<32768xi32, #tpu.memory_space<vmem>>[vector<16xi32>], vector<16xi32>, vector<16xi1>
        %scan3A_383 = arith.constant 6 : i32
        %scan3A_384 = arith.addi %scan3A_89, %scan3A_383 : i32
        %mul3A_385 = arith.constant 32 : i32
        %mul3A_386 = arith.muli %scan3A_384, %mul3A_385 : i32
        %add3A_387 = arith.constant 16384 : i32
        %add3A_388 = arith.addi %add3A_387, %mul3A_386 : i32
        %get3A_389 = arith.index_cast %add3A_388 : i32 to index
        %get3A_390 = tpu.vector_load %arg5[%get3A_389] {strides = array<i32>} : memref<32768xi32, #tpu.memory_space<vmem>>, vector<16xi32>,
        %shift_right_logical3A_391 = arith.shrui %get3A_390, %get3A_18 : vector<16xi32>
        %and3A_392 = arith.constant 1023 : i32
        %and3A_393 = vector.broadcast %and3A_392 : i32 to vector<16xi32>
        %and3A_394 = arith.andi %shift_right_logical3A_391, %and3A_393 : vector<16xi32>
        %shift_right_logical3A_395 = arith.constant 31 : i32
        %shift_right_logical3A_396 = vector.broadcast %shift_right_logical3A_395 : i32 to vector<16xi32>
        %shift_right_logical3A_397 = arith.shrui %get3A_390, %shift_right_logical3A_396 : vector<16xi32>
        %shift_left3A_398 = arith.constant 10 : i32
        %shift_left3A_399 = vector.broadcast %shift_left3A_398 : i32 to vector<16xi32>
        %shift_left3A_400 = arith.shli %shift_right_logical3A_397, %shift_left3A_399 : vector<16xi32>
        %or3A_401 = arith.ori %and3A_394, %shift_left3A_400 : vector<16xi32>
        %shift_left3A_402 = arith.constant 4 : i32
        %shift_left3A_403 = vector.broadcast %shift_left3A_402 : i32 to vector<16xi32>
        %shift_left3A_404 = arith.shli %or3A_401, %shift_left3A_403 : vector<16xi32>
        %or3A_405 = arith.ori %shift_left3A_404, %iota3A : vector<16xi32>
        %shift_right_logical3A_406 = arith.shrui %get3A_390, %get3A_16 : vector<16xi32>
        %eq3A_407 = arith.cmpi eq, %shift_right_logical3A_406, %get3A_12 : vector<16xi32>
        %eq3A_408 = arith.cmpi eq, %shift_right_logical3A_406, %get3A_14 : vector<16xi32>
        %or3A_409 = arith.ori %eq3A_407, %eq3A_408 : vector<16xi1>
        tpu.vector_store_idx %arg7[%or3A_405], %broadcast_in_dim3A_19 masked %or3A_409 {add = true} : memref<32768xi32, #tpu.memory_space<vmem>>[vector<16xi32>], vector<16xi32>, vector<16xi1>
        %add3A_410 = arith.constant 16 : i32
        %add3A_411 = arith.addi %add3A_388, %add3A_410 : i32
        %get3A_412 = arith.index_cast %add3A_411 : i32 to index
        %get3A_413 = tpu.vector_load %arg5[%get3A_412] {strides = array<i32>} : memref<32768xi32, #tpu.memory_space<vmem>>, vector<16xi32>,
        %shift_right_logical3A_414 = arith.shrui %get3A_413, %get3A_18 : vector<16xi32>
        %and3A_415 = arith.constant 1023 : i32
        %and3A_416 = vector.broadcast %and3A_415 : i32 to vector<16xi32>
        %and3A_417 = arith.andi %shift_right_logical3A_414, %and3A_416 : vector<16xi32>
        %shift_right_logical3A_418 = arith.constant 31 : i32
        %shift_right_logical3A_419 = vector.broadcast %shift_right_logical3A_418 : i32 to vector<16xi32>
        %shift_right_logical3A_420 = arith.shrui %get3A_413, %shift_right_logical3A_419 : vector<16xi32>
        %shift_left3A_421 = arith.constant 10 : i32
        %shift_left3A_422 = vector.broadcast %shift_left3A_421 : i32 to vector<16xi32>
        %shift_left3A_423 = arith.shli %shift_right_logical3A_420, %shift_left3A_422 : vector<16xi32>
        %or3A_424 = arith.ori %and3A_417, %shift_left3A_423 : vector<16xi32>
        %shift_left3A_425 = arith.constant 4 : i32
        %shift_left3A_426 = vector.broadcast %shift_left3A_425 : i32 to vector<16xi32>
        %shift_left3A_427 = arith.shli %or3A_424, %shift_left3A_426 : vector<16xi32>
        %or3A_428 = arith.ori %shift_left3A_427, %iota3A : vector<16xi32>
        %shift_right_logical3A_429 = arith.shrui %get3A_413, %get3A_16 : vector<16xi32>
        %eq3A_430 = arith.cmpi eq, %shift_right_logical3A_429, %get3A_12 : vector<16xi32>
        %eq3A_431 = arith.cmpi eq, %shift_right_logical3A_429, %get3A_14 : vector<16xi32>
        %or3A_432 = arith.ori %eq3A_430, %eq3A_431 : vector<16xi1>
        tpu.vector_store_idx %arg8[%or3A_428], %broadcast_in_dim3A_19 masked %or3A_432 {add = true} : memref<32768xi32, #tpu.memory_space<vmem>>[vector<16xi32>], vector<16xi32>, vector<16xi1>
        %scan3A_433 = arith.constant 7 : i32
        %scan3A_434 = arith.addi %scan3A_89, %scan3A_433 : i32
        %mul3A_435 = arith.constant 32 : i32
        %mul3A_436 = arith.muli %scan3A_434, %mul3A_435 : i32
        %add3A_437 = arith.constant 16384 : i32
        %add3A_438 = arith.addi %add3A_437, %mul3A_436 : i32
        %get3A_439 = arith.index_cast %add3A_438 : i32 to index
        %get3A_440 = tpu.vector_load %arg5[%get3A_439] {strides = array<i32>} : memref<32768xi32, #tpu.memory_space<vmem>>, vector<16xi32>,
        %shift_right_logical3A_441 = arith.shrui %get3A_440, %get3A_18 : vector<16xi32>
        %and3A_442 = arith.constant 1023 : i32
        %and3A_443 = vector.broadcast %and3A_442 : i32 to vector<16xi32>
        %and3A_444 = arith.andi %shift_right_logical3A_441, %and3A_443 : vector<16xi32>
        %shift_right_logical3A_445 = arith.constant 31 : i32
        %shift_right_logical3A_446 = vector.broadcast %shift_right_logical3A_445 : i32 to vector<16xi32>
        %shift_right_logical3A_447 = arith.shrui %get3A_440, %shift_right_logical3A_446 : vector<16xi32>
        %shift_left3A_448 = arith.constant 10 : i32
        %shift_left3A_449 = vector.broadcast %shift_left3A_448 : i32 to vector<16xi32>
        %shift_left3A_450 = arith.shli %shift_right_logical3A_447, %shift_left3A_449 : vector<16xi32>
        %or3A_451 = arith.ori %and3A_444, %shift_left3A_450 : vector<16xi32>
        %shift_left3A_452 = arith.constant 4 : i32
        %shift_left3A_453 = vector.broadcast %shift_left3A_452 : i32 to vector<16xi32>
        %shift_left3A_454 = arith.shli %or3A_451, %shift_left3A_453 : vector<16xi32>
        %or3A_455 = arith.ori %shift_left3A_454, %iota3A : vector<16xi32>
        %shift_right_logical3A_456 = arith.shrui %get3A_440, %get3A_16 : vector<16xi32>
        %eq3A_457 = arith.cmpi eq, %shift_right_logical3A_456, %get3A_12 : vector<16xi32>
        %eq3A_458 = arith.cmpi eq, %shift_right_logical3A_456, %get3A_14 : vector<16xi32>
        %or3A_459 = arith.ori %eq3A_457, %eq3A_458 : vector<16xi1>
        tpu.vector_store_idx %arg7[%or3A_455], %broadcast_in_dim3A_19 masked %or3A_459 {add = true} : memref<32768xi32, #tpu.memory_space<vmem>>[vector<16xi32>], vector<16xi32>, vector<16xi1>
        %add3A_460 = arith.constant 16 : i32
        %add3A_461 = arith.addi %add3A_438, %add3A_460 : i32
        %get3A_462 = arith.index_cast %add3A_461 : i32 to index
        %get3A_463 = tpu.vector_load %arg5[%get3A_462] {strides = array<i32>} : memref<32768xi32, #tpu.memory_space<vmem>>, vector<16xi32>,
        %shift_right_logical3A_464 = arith.shrui %get3A_463, %get3A_18 : vector<16xi32>
        %and3A_465 = arith.constant 1023 : i32
        %and3A_466 = vector.broadcast %and3A_465 : i32 to vector<16xi32>
        %and3A_467 = arith.andi %shift_right_logical3A_464, %and3A_466 : vector<16xi32>
        %shift_right_logical3A_468 = arith.constant 31 : i32
        %shift_right_logical3A_469 = vector.broadcast %shift_right_logical3A_468 : i32 to vector<16xi32>
        %shift_right_logical3A_470 = arith.shrui %get3A_463, %shift_right_logical3A_469 : vector<16xi32>
        %shift_left3A_471 = arith.constant 10 : i32
        %shift_left3A_472 = vector.broadcast %shift_left3A_471 : i32 to vector<16xi32>
        %shift_left3A_473 = arith.shli %shift_right_logical3A_470, %shift_left3A_472 : vector<16xi32>
        %or3A_474 = arith.ori %and3A_467, %shift_left3A_473 : vector<16xi32>
        %shift_left3A_475 = arith.constant 4 : i32
        %shift_left3A_476 = vector.broadcast %shift_left3A_475 : i32 to vector<16xi32>
        %shift_left3A_477 = arith.shli %or3A_474, %shift_left3A_476 : vector<16xi32>
        %or3A_478 = arith.ori %shift_left3A_477, %iota3A : vector<16xi32>
        %shift_right_logical3A_479 = arith.shrui %get3A_463, %get3A_16 : vector<16xi32>
        %eq3A_480 = arith.cmpi eq, %shift_right_logical3A_479, %get3A_12 : vector<16xi32>
        %eq3A_481 = arith.cmpi eq, %shift_right_logical3A_479, %get3A_14 : vector<16xi32>
        %or3A_482 = arith.ori %eq3A_480, %eq3A_481 : vector<16xi1>
        tpu.vector_store_idx %arg8[%or3A_478], %broadcast_in_dim3A_19 masked %or3A_482 {add = true} : memref<32768xi32, #tpu.memory_space<vmem>>[vector<16xi32>], vector<16xi32>, vector<16xi1>
      }
      %scan3A_88 = arith.constant 512 : i32
    }
    %scan3A_35 = arith.constant 16 : i32
    %run_scoped3A = arith.constant 0 : i32
    "tpu.region"() ({
      %run_scoped3A_37 = tpu.sem_alloc : memref<!tpu.dma_semaphore, #tpu.memory_space<semaphore_mem>>
      %dma_start3A_38 = arith.constant 0 : i32
      %dma_start3A_39 = tpu.memref_slice %arg4[%add3A, %run_scoped3A, %dma_start3A_38] : memref<32x2x32768xi32, #tpu.memory_space<hbm>> -> memref<1x1x32768xi32, #tpu.memory_space<hbm>>
      %dma_start3A_40 = tpu.memref_squeeze %dma_start3A_39 : memref<1x1x32768xi32, #tpu.memory_space<hbm>> -> memref<32768xi32, #tpu.memory_space<hbm>>
      %dma_start3A_41 = arith.constant 0 : i32
      %dma_start3A_42 = tpu.memref_slice %arg4[%add3A, %run_scoped3A, %dma_start3A_41] : memref<32x2x32768xi32, #tpu.memory_space<hbm>> -> memref<1x1x32768xi32, #tpu.memory_space<hbm>>
      %dma_start3A_43 = tpu.memref_squeeze %dma_start3A_42 : memref<1x1x32768xi32, #tpu.memory_space<hbm>> -> memref<32768xi32, #tpu.memory_space<hbm>>
      tpu.enqueue_dma source(%arg7 : memref<32768xi32, #tpu.memory_space<vmem>>) target(%dma_start3A_43 : memref<32768xi32, #tpu.memory_space<hbm>>) target_semaphore(%run_scoped3A_37 : memref<!tpu.dma_semaphore, #tpu.memory_space<semaphore_mem>>)
      %dma_wait3A = arith.constant 0 : i32
      %dma_wait3A_44 = tpu.memref_slice %arg4[%add3A, %run_scoped3A, %dma_wait3A] : memref<32x2x32768xi32, #tpu.memory_space<hbm>> -> memref<1x1x32768xi32, #tpu.memory_space<hbm>>
      %dma_wait3A_45 = tpu.memref_squeeze %dma_wait3A_44 : memref<1x1x32768xi32, #tpu.memory_space<hbm>> -> memref<32768xi32, #tpu.memory_space<hbm>>
      %dma_wait3A_46 = arith.constant 0 : i32
      %dma_wait3A_47 = tpu.memref_slice %arg4[%add3A, %run_scoped3A, %dma_wait3A_46] : memref<32x2x32768xi32, #tpu.memory_space<hbm>> -> memref<1x1x32768xi32, #tpu.memory_space<hbm>>
      %dma_wait3A_48 = tpu.memref_squeeze %dma_wait3A_47 : memref<1x1x32768xi32, #tpu.memory_space<hbm>> -> memref<32768xi32, #tpu.memory_space<hbm>>
      tpu.wait_dma2 semaphore(%run_scoped3A_37 : memref<!tpu.dma_semaphore, #tpu.memory_space<semaphore_mem>>) src(%arg7 : memref<32768xi32, #tpu.memory_space<vmem>>) dst(%dma_wait3A_48 : memref<32768xi32, #tpu.memory_space<hbm>>)
      tpu.yield
    }) : () -> ()
    %run_scoped3A_36 = arith.constant 1 : i32
    "tpu.region"() ({
      %run_scoped3A_37 = tpu.sem_alloc : memref<!tpu.dma_semaphore, #tpu.memory_space<semaphore_mem>>
      %dma_start3A_38 = arith.constant 0 : i32
      %dma_start3A_39 = tpu.memref_slice %arg4[%add3A, %run_scoped3A_36, %dma_start3A_38] : memref<32x2x32768xi32, #tpu.memory_space<hbm>> -> memref<1x1x32768xi32, #tpu.memory_space<hbm>>
      %dma_start3A_40 = tpu.memref_squeeze %dma_start3A_39 : memref<1x1x32768xi32, #tpu.memory_space<hbm>> -> memref<32768xi32, #tpu.memory_space<hbm>>
      %dma_start3A_41 = arith.constant 0 : i32
      %dma_start3A_42 = tpu.memref_slice %arg4[%add3A, %run_scoped3A_36, %dma_start3A_41] : memref<32x2x32768xi32, #tpu.memory_space<hbm>> -> memref<1x1x32768xi32, #tpu.memory_space<hbm>>
      %dma_start3A_43 = tpu.memref_squeeze %dma_start3A_42 : memref<1x1x32768xi32, #tpu.memory_space<hbm>> -> memref<32768xi32, #tpu.memory_space<hbm>>
      tpu.enqueue_dma source(%arg8 : memref<32768xi32, #tpu.memory_space<vmem>>) target(%dma_start3A_43 : memref<32768xi32, #tpu.memory_space<hbm>>) target_semaphore(%run_scoped3A_37 : memref<!tpu.dma_semaphore, #tpu.memory_space<semaphore_mem>>)
      %dma_wait3A = arith.constant 0 : i32
      %dma_wait3A_44 = tpu.memref_slice %arg4[%add3A, %run_scoped3A_36, %dma_wait3A] : memref<32x2x32768xi32, #tpu.memory_space<hbm>> -> memref<1x1x32768xi32, #tpu.memory_space<hbm>>
      %dma_wait3A_45 = tpu.memref_squeeze %dma_wait3A_44 : memref<1x1x32768xi32, #tpu.memory_space<hbm>> -> memref<32768xi32, #tpu.memory_space<hbm>>
      %dma_wait3A_46 = arith.constant 0 : i32
      %dma_wait3A_47 = tpu.memref_slice %arg4[%add3A, %run_scoped3A_36, %dma_wait3A_46] : memref<32x2x32768xi32, #tpu.memory_space<hbm>> -> memref<1x1x32768xi32, #tpu.memory_space<hbm>>
      %dma_wait3A_48 = tpu.memref_squeeze %dma_wait3A_47 : memref<1x1x32768xi32, #tpu.memory_space<hbm>> -> memref<32768xi32, #tpu.memory_space<hbm>>
      tpu.wait_dma2 semaphore(%run_scoped3A_37 : memref<!tpu.dma_semaphore, #tpu.memory_space<semaphore_mem>>) src(%arg8 : memref<32768xi32, #tpu.memory_space<vmem>>) dst(%dma_wait3A_48 : memref<32768xi32, #tpu.memory_space<hbm>>)
      tpu.yield
    }) : () -> ()
    return
  }
}

module attributes {stable_mosaic.version = 14 : i64} {
  func.func @_bigmm_body(%arg0: i32, %arg1: memref<512x4096xf32, #tpu.memory_space<vmem>>, %arg2: memref<4096x128xf32, #tpu.memory_space<vmem>>, %arg3: memref<512x128xf32, #tpu.memory_space<vmem>>) attributes {dimension_semantics = [#tpu.dimension_semantics<arbitrary>], iteration_bounds = array<i64: 8>, scalar_prefetch = 0 : i64, scratch_operands = 0 : i64, tpu.core_type = #tpu.core_type<tc>, window_params = [{transform_indices = @transform_0, window_bounds = array<i64: 512, 4096>}, {pipeline_mode = #tpu.pipeline_mode<synchronous>, transform_indices = @transform_1, window_bounds = array<i64: 4096, 128>}, {transform_indices = @transform_2, window_bounds = array<i64: 512, 128>}]} {
    %get3A = arith.constant 0 : index
    %get3A_0 = arith.constant 0 : index
    %get3A_1 = vector.load %arg1[%get3A, %get3A_0] : memref<512x4096xf32, #tpu.memory_space<vmem>>, vector<512x4096xf32>
    %get3A_2 = arith.constant 0 : index
    %get3A_3 = arith.constant 0 : index
    %get3A_4 = vector.load %arg2[%get3A_2, %get3A_3] : memref<4096x128xf32, #tpu.memory_space<vmem>>, vector<4096x128xf32>
    %dot_general3A = arith.constant dense<0.000000e+00> : vector<512x128xf32>
    %dot_general3A_5 = tpu.matmul %get3A_1, %get3A_4, %dot_general3A {dimension_numbers = #tpu.dot_dimension_numbers<[1], [0], [0], [1], [0, 0, 1, 1], [], []>, transpose_lhs_hint = false} : vector<512x4096xf32>, vector<4096x128xf32>, vector<512x128xf32> -> vector<512x128xf32>
    %swap3A = arith.constant 0 : index
    %swap3A_6 = arith.constant 0 : index
    %swap3A_7 = vector.load %arg3[%swap3A, %swap3A_6] : memref<512x128xf32, #tpu.memory_space<vmem>>, vector<512x128xf32>
    tpu.vector_store %arg3[%swap3A, %swap3A_6], %dot_general3A_5 {strides = array<i32>} : memref<512x128xf32, #tpu.memory_space<vmem>>, vector<512x128xf32>,
    return
  }
  func.func @transform_0(%arg0: i32) -> (i32, i32) {
    %c0_i32 = arith.constant 0 : i32
    %c0_i32_0 = arith.constant 0 : i32
    return %arg0, %c0_i32 : i32, i32
  }
  func.func @transform_1(%arg0: i32) -> (i32, i32) {
    %c0_i32 = arith.constant 0 : i32
    %c0_i32_0 = arith.constant 0 : i32
    %c0_i32_1 = arith.constant 0 : i32
    return %c0_i32, %c0_i32_0 : i32, i32
  }
  func.func @transform_2(%arg0: i32) -> (i32, i32) {
    %c0_i32 = arith.constant 0 : i32
    %c0_i32_0 = arith.constant 0 : i32
    return %arg0, %c0_i32 : i32, i32
  }
}

module attributes {stable_mosaic.version = 14 : i64} {
  func.func @_mm_body(%arg0: memref<4096x128xf32, #tpu.memory_space<vmem>>, %arg1: memref<128x64xf32, #tpu.memory_space<vmem>>, %arg2: memref<4096x64xf32, #tpu.memory_space<vmem>>) attributes {dimension_semantics = [], scalar_prefetch = 0 : i64, scratch_operands = 0 : i64, tpu.core_type = #tpu.core_type<tc>} {
    %get3A = arith.constant 0 : index
    %get3A_0 = arith.constant 0 : index
    %get3A_1 = vector.load %arg0[%get3A, %get3A_0] : memref<4096x128xf32, #tpu.memory_space<vmem>>, vector<4096x128xf32>
    %get3A_2 = arith.constant 0 : index
    %get3A_3 = arith.constant 0 : index
    %get3A_4 = vector.load %arg1[%get3A_2, %get3A_3] : memref<128x64xf32, #tpu.memory_space<vmem>>, vector<128x64xf32>
    %dot_general3A = arith.constant dense<0.000000e+00> : vector<4096x64xf32>
    %dot_general3A_5 = tpu.matmul %get3A_1, %get3A_4, %dot_general3A {dimension_numbers = #tpu.dot_dimension_numbers<[1], [0], [0], [1], [0, 0, 1, 1], [], []>, transpose_lhs_hint = false} : vector<4096x128xf32>, vector<128x64xf32>, vector<4096x64xf32> -> vector<4096x64xf32>
    %swap3A = arith.constant 0 : index
    %swap3A_6 = arith.constant 0 : index
    %swap3A_7 = vector.load %arg2[%swap3A, %swap3A_6] : memref<4096x64xf32, #tpu.memory_space<vmem>>, vector<4096x64xf32>
    tpu.vector_store %arg2[%swap3A, %swap3A_6], %dot_general3A_5 {strides = array<i32>} : memref<4096x64xf32, #tpu.memory_space<vmem>>, vector<4096x64xf32>,
    return
  }
}

module attributes {stable_mosaic.version = 14 : i64} {
  func.func @_mm_body(%arg0: memref<4096x128xf32, #tpu.memory_space<vmem>>, %arg1: memref<128x128xf32, #tpu.memory_space<vmem>>, %arg2: memref<4096x128xf32, #tpu.memory_space<vmem>>) attributes {dimension_semantics = [], scalar_prefetch = 0 : i64, scratch_operands = 0 : i64, tpu.core_type = #tpu.core_type<tc>} {
    %get3A = arith.constant 0 : index
    %get3A_0 = arith.constant 0 : index
    %get3A_1 = vector.load %arg0[%get3A, %get3A_0] : memref<4096x128xf32, #tpu.memory_space<vmem>>, vector<4096x128xf32>
    %get3A_2 = arith.constant 0 : index
    %get3A_3 = arith.constant 0 : index
    %get3A_4 = vector.load %arg1[%get3A_2, %get3A_3] : memref<128x128xf32, #tpu.memory_space<vmem>>, vector<128x128xf32>
    %dot_general3A = arith.constant dense<0.000000e+00> : vector<4096x128xf32>
    %dot_general3A_5 = tpu.matmul %get3A_1, %get3A_4, %dot_general3A {dimension_numbers = #tpu.dot_dimension_numbers<[1], [0], [0], [1], [0, 0, 1, 1], [], []>, transpose_lhs_hint = false} : vector<4096x128xf32>, vector<128x128xf32>, vector<4096x128xf32> -> vector<4096x128xf32>
    %swap3A = arith.constant 0 : index
    %swap3A_6 = arith.constant 0 : index
    %swap3A_7 = vector.load %arg2[%swap3A, %swap3A_6] : memref<4096x128xf32, #tpu.memory_space<vmem>>, vector<4096x128xf32>
    tpu.vector_store %arg2[%swap3A, %swap3A_6], %dot_general3A_5 {strides = array<i32>} : memref<4096x128xf32, #tpu.memory_space<vmem>>, vector<4096x128xf32>,
    return
  }
}

module attributes {stable_mosaic.version = 14 : i64} {
  func.func @_bigmm_body(%arg0: i32, %arg1: memref<512x4096xf32, #tpu.memory_space<vmem>>, %arg2: memref<4096x64xf32, #tpu.memory_space<vmem>>, %arg3: memref<512x64xf32, #tpu.memory_space<vmem>>) attributes {dimension_semantics = [#tpu.dimension_semantics<arbitrary>], iteration_bounds = array<i64: 8>, scalar_prefetch = 0 : i64, scratch_operands = 0 : i64, tpu.core_type = #tpu.core_type<tc>, window_params = [{transform_indices = @transform_0, window_bounds = array<i64: 512, 4096>}, {pipeline_mode = #tpu.pipeline_mode<synchronous>, transform_indices = @transform_1, window_bounds = array<i64: 4096, 64>}, {transform_indices = @transform_2, window_bounds = array<i64: 512, 64>}]} {
    %get3A = arith.constant 0 : index
    %get3A_0 = arith.constant 0 : index
    %get3A_1 = vector.load %arg1[%get3A, %get3A_0] : memref<512x4096xf32, #tpu.memory_space<vmem>>, vector<512x4096xf32>
    %get3A_2 = arith.constant 0 : index
    %get3A_3 = arith.constant 0 : index
    %get3A_4 = vector.load %arg2[%get3A_2, %get3A_3] : memref<4096x64xf32, #tpu.memory_space<vmem>>, vector<4096x64xf32>
    %dot_general3A = arith.constant dense<0.000000e+00> : vector<512x64xf32>
    %dot_general3A_5 = tpu.matmul %get3A_1, %get3A_4, %dot_general3A {dimension_numbers = #tpu.dot_dimension_numbers<[1], [0], [0], [1], [0, 0, 1, 1], [], []>, transpose_lhs_hint = false} : vector<512x4096xf32>, vector<4096x64xf32>, vector<512x64xf32> -> vector<512x64xf32>
    %max3A = arith.constant 0.000000e+00 : f32
    %max3A_6 = vector.broadcast %max3A : f32 to vector<512x64xf32>
    %max3A_7 = arith.maximumf %dot_general3A_5, %max3A_6 : vector<512x64xf32>
    %swap3A = arith.constant 0 : index
    %swap3A_8 = arith.constant 0 : index
    %swap3A_9 = vector.load %arg3[%swap3A, %swap3A_8] : memref<512x64xf32, #tpu.memory_space<vmem>>, vector<512x64xf32>
    tpu.vector_store %arg3[%swap3A, %swap3A_8], %max3A_7 {strides = array<i32>} : memref<512x64xf32, #tpu.memory_space<vmem>>, vector<512x64xf32>,
    return
  }
  func.func @transform_0(%arg0: i32) -> (i32, i32) {
    %c0_i32 = arith.constant 0 : i32
    %c0_i32_0 = arith.constant 0 : i32
    return %arg0, %c0_i32 : i32, i32
  }
  func.func @transform_1(%arg0: i32) -> (i32, i32) {
    %c0_i32 = arith.constant 0 : i32
    %c0_i32_0 = arith.constant 0 : i32
    %c0_i32_1 = arith.constant 0 : i32
    return %c0_i32, %c0_i32_0 : i32, i32
  }
  func.func @transform_2(%arg0: i32) -> (i32, i32) {
    %c0_i32 = arith.constant 0 : i32
    %c0_i32_0 = arith.constant 0 : i32
    return %arg0, %c0_i32 : i32, i32
  }
}

module attributes {stable_mosaic.version = 14 : i64} {
  func.func @_logits_body(%arg0: i32, %arg1: i32, %arg2: memref<512x64xf32, #tpu.memory_space<vmem>>, %arg3: memref<512x64xf32, #tpu.memory_space<vmem>>, %arg4: memref<512x512xf32, #tpu.memory_space<vmem>>, %arg5: memref<8x128xf32, #tpu.memory_space<vmem>>) attributes {dimension_semantics = [#tpu.dimension_semantics<arbitrary>, #tpu.dimension_semantics<arbitrary>], iteration_bounds = array<i64: 8, 8>, scalar_prefetch = 0 : i64, scratch_operands = 0 : i64, tpu.core_type = #tpu.core_type<tc>, window_params = [{transform_indices = @transform_0, window_bounds = array<i64: 512, 64>}, {transform_indices = @transform_1, window_bounds = array<i64: 512, 64>}, {transform_indices = @transform_2, window_bounds = array<i64: 512, 512>}, {pipeline_mode = #tpu.pipeline_mode<synchronous>, transform_indices = @transform_3, window_bounds = array<i64: 8, 128>}]} {
    %get3A = arith.constant 0 : index
    %get3A_0 = arith.constant 0 : index
    %get3A_1 = vector.load %arg2[%get3A, %get3A_0] : memref<512x64xf32, #tpu.memory_space<vmem>>, vector<512x64xf32>
    %get3A_2 = arith.constant 0 : index
    %get3A_3 = arith.constant 0 : index
    %get3A_4 = vector.load %arg3[%get3A_2, %get3A_3] : memref<512x64xf32, #tpu.memory_space<vmem>>, vector<512x64xf32>
    %dot_general3A = arith.constant dense<0.000000e+00> : vector<512x512xf32>
    %dot_general3A_5 = tpu.matmul %get3A_1, %get3A_4, %dot_general3A {dimension_numbers = #tpu.dot_dimension_numbers<[1], [1], [0], [0], [0, 0, 1, 0], [], []>, transpose_lhs_hint = false} : vector<512x64xf32>, vector<512x64xf32>, vector<512x512xf32> -> vector<512x512xf32>
    %swap3A = arith.constant 0 : index
    %swap3A_6 = arith.constant 0 : index
    %swap3A_7 = vector.load %arg4[%swap3A, %swap3A_6] : memref<512x512xf32, #tpu.memory_space<vmem>>, vector<512x512xf32>
    tpu.vector_store %arg4[%swap3A, %swap3A_6], %dot_general3A_5 {strides = array<i32>} : memref<512x512xf32, #tpu.memory_space<vmem>>, vector<512x512xf32>,
    %mul3A = arith.constant 512 : i32
    %mul3A_8 = arith.muli %arg0, %mul3A : i32
    %iota3A = tpu.iota {dimensions = array<i32: 0>} : vector<512x512xi32>
    %add3A = vector.broadcast %mul3A_8 : i32 to vector<512x512xi32>
    %add3A_9 = arith.addi %add3A, %iota3A : vector<512x512xi32>
    %mul3A_10 = arith.constant 512 : i32
    %mul3A_11 = arith.muli %arg1, %mul3A_10 : i32
    %iota3A_12 = tpu.iota {dimensions = array<i32: 1>} : vector<512x512xi32>
    %add3A_13 = vector.broadcast %mul3A_11 : i32 to vector<512x512xi32>
    %add3A_14 = arith.addi %add3A_13, %iota3A_12 : vector<512x512xi32>
    %gt3A = arith.cmpi sgt, %add3A_14, %add3A_9 : vector<512x512xi32>
    %jit3A = arith.constant 0xFF800000 : f32
    %broadcast_in_dim3A = vector.broadcast %jit3A : f32 to vector<512x512xf32>
    %select_n3A = arith.select %gt3A, %dot_general3A_5, %broadcast_in_dim3A : vector<512x512xi1>, vector<512x512xf32>
    %reduce_max3A = vector.shape_cast %select_n3A : vector<512x512xf32> to vector<1x512x512xf32>
    %reduce_max3A_15 = arith.constant dense<0xFF800000> : vector<1xf32>
    %reduce_max3A_16 = vector.multi_reduction <maximumf>, %reduce_max3A, %reduce_max3A_15 [1, 2] : vector<1x512x512xf32> to vector<1xf32>
    %reduce_max3A_17 = vector.shape_cast %reduce_max3A_16 : vector<1xf32> to vector<1x1x1xf32>
    %reduce_max3A_18 = vector.extract %reduce_max3A_17[0, 0, 0] : f32 from vector<1x1x1xf32>
    %eq3A = arith.constant 0 : i32
    %eq3A_19 = arith.cmpi eq, %arg0, %eq3A : i32
    %eq3A_20 = arith.constant 0 : i32
    %eq3A_21 = arith.cmpi eq, %arg1, %eq3A_20 : i32
    %and3A = arith.andi %eq3A_19, %eq3A_21 : i1
    %convert_element_type3A = arith.extui %and3A : i1 to i32
    %cond3A = arith.constant 0 : i32
    %cond3A_22 = arith.cmpi ne, %convert_element_type3A, %cond3A : i32
    scf.if %cond3A_22 {
      %broadcast_in_dim3A_30 = arith.constant 0xFF800000 : f32
      %broadcast_in_dim3A_31 = vector.broadcast %broadcast_in_dim3A_30 : f32 to vector<8x128xf32>
      %swap3A_32 = arith.constant 0 : index
      %swap3A_33 = arith.constant 0 : index
      %swap3A_34 = vector.load %arg5[%swap3A_32, %swap3A_33] : memref<8x128xf32, #tpu.memory_space<vmem>>, vector<8x128xf32>
      tpu.vector_store %arg5[%swap3A_32, %swap3A_33], %broadcast_in_dim3A_31 {strides = array<i32>} : memref<8x128xf32, #tpu.memory_space<vmem>>, vector<8x128xf32>,
    } else {
    }
    %get3A_23 = arith.constant 0 : index
    %get3A_24 = arith.constant 0 : index
    %get3A_25 = vector.load %arg5[%get3A_23, %get3A_24] : memref<8x128xf32, #tpu.memory_space<vmem>>, vector<8x128xf32>
    %max3A = vector.broadcast %reduce_max3A_18 : f32 to vector<8x128xf32>
    %max3A_26 = arith.maximumf %get3A_25, %max3A : vector<8x128xf32>
    %swap3A_27 = arith.constant 0 : index
    %swap3A_28 = arith.constant 0 : index
    %swap3A_29 = vector.load %arg5[%swap3A_27, %swap3A_28] : memref<8x128xf32, #tpu.memory_space<vmem>>, vector<8x128xf32>
    tpu.vector_store %arg5[%swap3A_27, %swap3A_28], %max3A_26 {strides = array<i32>} : memref<8x128xf32, #tpu.memory_space<vmem>>, vector<8x128xf32>,
    return
  }
  func.func @transform_0(%arg0: i32, %arg1: i32) -> (i32, i32) {
    %c0_i32 = arith.constant 0 : i32
    %c0_i32_0 = arith.constant 0 : i32
    return %arg0, %c0_i32 : i32, i32
  }
  func.func @transform_1(%arg0: i32, %arg1: i32) -> (i32, i32) {
    %c0_i32 = arith.constant 0 : i32
    %c0_i32_0 = arith.constant 0 : i32
    return %arg1, %c0_i32 : i32, i32
  }
  func.func @transform_2(%arg0: i32, %arg1: i32) -> (i32, i32) {
    %c0_i32 = arith.constant 0 : i32
    return %arg0, %arg1 : i32, i32
  }
  func.func @transform_3(%arg0: i32, %arg1: i32) -> (i32, i32) {
    %c0_i32 = arith.constant 0 : i32
    %c0_i32_0 = arith.constant 0 : i32
    %c0_i32_1 = arith.constant 0 : i32
    return %c0_i32, %c0_i32_0 : i32, i32
  }
}

module attributes {stable_mosaic.version = 14 : i64} {
  func.func @_key_body(%arg0: i32, %arg1: memref<256x4096xf32, #tpu.memory_space<vmem>>, %arg2: memref<256x4096xf32, #tpu.memory_space<vmem>>, %arg3: memref<1xf32, #tpu.memory_space<smem>>, %arg4: memref<256x4096xi32, #tpu.memory_space<vmem>>, %arg5: memref<8x128xi32, #tpu.memory_space<vmem>>) attributes {dimension_semantics = [#tpu.dimension_semantics<arbitrary>], iteration_bounds = array<i64: 16>, scalar_prefetch = 0 : i64, scratch_operands = 0 : i64, tpu.core_type = #tpu.core_type<tc>, window_params = [{transform_indices = @transform_0, window_bounds = array<i64: 256, 4096>}, {transform_indices = @transform_1, window_bounds = array<i64: 256, 4096>}, {transform_indices = @transform_2, window_bounds = array<i64: 1>}, {transform_indices = @transform_3, window_bounds = array<i64: 256, 4096>}, {pipeline_mode = #tpu.pipeline_mode<synchronous>, transform_indices = @transform_4, window_bounds = array<i64: 8, 128>}]} {
    %get3A = arith.constant 0 : index
    %get3A_0 = memref.load %arg3[%get3A] : memref<1xf32, #tpu.memory_space<smem>>
    %get3A_1 = arith.constant 0 : index
    %get3A_2 = arith.constant 0 : index
    %get3A_3 = vector.load %arg1[%get3A_1, %get3A_2] : memref<256x4096xf32, #tpu.memory_space<vmem>>, vector<256x4096xf32>
    %get3A_4 = arith.constant 0 : index
    %get3A_5 = arith.constant 0 : index
    %get3A_6 = vector.load %arg2[%get3A_4, %get3A_5] : memref<256x4096xf32, #tpu.memory_space<vmem>>, vector<256x4096xf32>
    %div3A = vector.broadcast %get3A_0 : f32 to vector<256x4096xf32>
    %div3A_7 = arith.divf %get3A_3, %div3A : vector<256x4096xf32>
    %mul3A = arith.constant 256 : i32
    %mul3A_8 = arith.muli %arg0, %mul3A : i32
    %iota3A = tpu.iota {dimensions = array<i32: 0>} : vector<256x4096xi32>
    %add3A = vector.broadcast %mul3A_8 : i32 to vector<256x4096xi32>
    %add3A_9 = arith.addi %add3A, %iota3A : vector<256x4096xi32>
    %iota3A_10 = tpu.iota {dimensions = array<i32: 1>} : vector<256x4096xi32>
    %gt3A = arith.cmpi sgt, %iota3A_10, %add3A_9 : vector<256x4096xi32>
    %gt3A_11 = arith.constant 0.000000e+00 : f32
    %gt3A_12 = vector.broadcast %gt3A_11 : f32 to vector<256x4096xf32>
    %gt3A_13 = arith.cmpf ogt, %div3A_7, %gt3A_12 : vector<256x4096xf32>
    %and3A = arith.andi %gt3A, %gt3A_13 : vector<256x4096xi1>
    %bitcast_convert_type3A = tpu.bitcast %div3A_7 : vector<256x4096xf32> -> vector<256x4096xi32>
    %eq3A = arith.constant 0.000000e+00 : f32
    %eq3A_14 = vector.broadcast %eq3A : f32 to vector<256x4096xf32>
    %eq3A_15 = arith.cmpf oeq, %get3A_6, %eq3A_14 : vector<256x4096xf32>
    %or3A = arith.constant -2147483648 : i32
    %or3A_16 = vector.broadcast %or3A : i32 to vector<256x4096xi32>
    %or3A_17 = arith.ori %bitcast_convert_type3A, %or3A_16 : vector<256x4096xi32>
    %select_n3A = arith.select %eq3A_15, %or3A_17, %bitcast_convert_type3A : vector<256x4096xi1>, vector<256x4096xi32>
    %jit3A = arith.constant 2147483647 : i32
    %broadcast_in_dim3A = vector.broadcast %jit3A : i32 to vector<256x4096xi32>
    %select_n3A_18 = arith.select %and3A, %select_n3A, %broadcast_in_dim3A : vector<256x4096xi1>, vector<256x4096xi32>
    %swap3A = arith.constant 0 : index
    %swap3A_19 = arith.constant 0 : index
    %swap3A_20 = vector.load %arg4[%swap3A, %swap3A_19] : memref<256x4096xi32, #tpu.memory_space<vmem>>, vector<256x4096xi32>
    tpu.vector_store %arg4[%swap3A, %swap3A_19], %select_n3A_18 {strides = array<i32>} : memref<256x4096xi32, #tpu.memory_space<vmem>>, vector<256x4096xi32>,
    %ne3A = arith.constant 0.000000e+00 : f32
    %ne3A_21 = vector.broadcast %ne3A : f32 to vector<256x4096xf32>
    %ne3A_22 = arith.cmpf one, %get3A_6, %ne3A_21 : vector<256x4096xf32>
    %convert_element_type3A = arith.extui %ne3A_22 : vector<256x4096xi1> to vector<256x4096xi32>
    %reduce_sum3A = vector.shape_cast %convert_element_type3A : vector<256x4096xi32> to vector<1x256x4096xi32>
    %reduce_sum3A_23 = arith.constant dense<0> : vector<1xi32>
    %reduce_sum3A_24 = vector.multi_reduction <add>, %reduce_sum3A, %reduce_sum3A_23 [1, 2] : vector<1x256x4096xi32> to vector<1xi32>
    %reduce_sum3A_25 = vector.shape_cast %reduce_sum3A_24 : vector<1xi32> to vector<1x1x1xi32>
    %reduce_sum3A_26 = vector.extract %reduce_sum3A_25[0, 0, 0] : i32 from vector<1x1x1xi32>
    %eq3A_27 = arith.constant 0 : i32
    %eq3A_28 = arith.cmpi eq, %arg0, %eq3A_27 : i32
    %convert_element_type3A_29 = arith.extui %eq3A_28 : i1 to i32
    %cond3A = arith.constant 0 : i32
    %cond3A_30 = arith.cmpi ne, %convert_element_type3A_29, %cond3A : i32
    scf.if %cond3A_30 {
      %broadcast_in_dim3A_39 = arith.constant 0 : i32
      %broadcast_in_dim3A_40 = vector.broadcast %broadcast_in_dim3A_39 : i32 to vector<8x128xi32>
      %swap3A_41 = arith.constant 0 : index
      %swap3A_42 = arith.constant 0 : index
      %swap3A_43 = vector.load %arg5[%swap3A_41, %swap3A_42] : memref<8x128xi32, #tpu.memory_space<vmem>>, vector<8x128xi32>
      tpu.vector_store %arg5[%swap3A_41, %swap3A_42], %broadcast_in_dim3A_40 {strides = array<i32>} : memref<8x128xi32, #tpu.memory_space<vmem>>, vector<8x128xi32>,
    } else {
    }
    %get3A_31 = arith.constant 0 : index
    %get3A_32 = arith.constant 0 : index
    %get3A_33 = vector.load %arg5[%get3A_31, %get3A_32] : memref<8x128xi32, #tpu.memory_space<vmem>>, vector<8x128xi32>
    %add3A_34 = vector.broadcast %reduce_sum3A_26 : i32 to vector<8x128xi32>
    %add3A_35 = arith.addi %get3A_33, %add3A_34 : vector<8x128xi32>
    %swap3A_36 = arith.constant 0 : index
    %swap3A_37 = arith.constant 0 : index
    %swap3A_38 = vector.load %arg5[%swap3A_36, %swap3A_37] : memref<8x128xi32, #tpu.memory_space<vmem>>, vector<8x128xi32>
    tpu.vector_store %arg5[%swap3A_36, %swap3A_37], %add3A_35 {strides = array<i32>} : memref<8x128xi32, #tpu.memory_space<vmem>>, vector<8x128xi32>,
    return
  }
  func.func @transform_0(%arg0: i32) -> (i32, i32) {
    %c0_i32 = arith.constant 0 : i32
    %c0_i32_0 = arith.constant 0 : i32
    return %arg0, %c0_i32 : i32, i32
  }
  func.func @transform_1(%arg0: i32) -> (i32, i32) {
    %c0_i32 = arith.constant 0 : i32
    %c0_i32_0 = arith.constant 0 : i32
    return %arg0, %c0_i32 : i32, i32
  }
  func.func @transform_2(%arg0: i32) -> i32 {
    %c0_i32 = arith.constant 0 : i32
    %c0_i32_0 = arith.constant 0 : i32
    return %c0_i32 : i32
  }
  func.func @transform_3(%arg0: i32) -> (i32, i32) {
    %c0_i32 = arith.constant 0 : i32
    %c0_i32_0 = arith.constant 0 : i32
    return %arg0, %c0_i32 : i32, i32
  }
  func.func @transform_4(%arg0: i32) -> (i32, i32) {
    %c0_i32 = arith.constant 0 : i32
    %c0_i32_0 = arith.constant 0 : i32
    %c0_i32_1 = arith.constant 0 : i32
    return %c0_i32, %c0_i32_0 : i32, i32
  }
}

module attributes {stable_mosaic.version = 14 : i64} {
  func.func @_search_body(%arg0: memref<32x512x128xi32, #tpu.memory_space<vmem>>, %arg1: memref<2xi32, #tpu.memory_space<smem>>, %arg2: memref<8x128xi32, #tpu.memory_space<vmem>>) attributes {dimension_semantics = [], scalar_prefetch = 0 : i64, scratch_operands = 0 : i64, tpu.core_type = #tpu.core_type<tc>} {
    %broadcast_in_dim3A = arith.constant 0 : i32
    %broadcast_in_dim3A_0 = vector.broadcast %broadcast_in_dim3A : i32 to vector<512x128xi32>
    %scan3A = arith.constant 0 : i32
    %scan3A_1 = arith.constant 32 : i32
    %scan3A_2 = arith.addi %scan3A, %scan3A_1 : i32
    %scan3A_3 = arith.constant 1 : i32
    %scan3A_4 = scf.for %scan3A_144 = %scan3A to %scan3A_2 step %scan3A_3 iter_args(%scan3A_145 = %broadcast_in_dim3A_0) -> (vector<512x128xi32>)  : i32 {
      %get3A_146 = arith.index_cast %scan3A_144 : i32 to index
      %get3A_147 = arith.constant 0 : index
      %get3A_148 = arith.constant 0 : index
      %get3A_149 = vector.load %arg0[%get3A_146, %get3A_147, %get3A_148] : memref<32x512x128xi32, #tpu.memory_space<vmem>>, vector<1x512x128xi32>
      %get3A_150 = vector.shape_cast %get3A_149 : vector<1x512x128xi32> to vector<512x128xi32>
      %add3A_151 = arith.addi %scan3A_145, %get3A_150 : vector<512x128xi32>
      scf.yield %add3A_151 : vector<512x128xi32>
    }
    %scan3A_5 = arith.constant 32 : i32
    %iota3A = tpu.iota {dimensions = array<i32: 0>} : vector<512x128xi32>
    %mul3A = arith.constant 128 : i32
    %mul3A_6 = vector.broadcast %mul3A : i32 to vector<512x128xi32>
    %mul3A_7 = arith.muli %iota3A, %mul3A_6 : vector<512x128xi32>
    %iota3A_8 = tpu.iota {dimensions = array<i32: 1>} : vector<512x128xi32>
    %add3A = arith.addi %mul3A_7, %iota3A_8 : vector<512x128xi32>
    %shift_right_arithmetic3A = arith.constant 4 : i32
    %shift_right_arithmetic3A_9 = vector.broadcast %shift_right_arithmetic3A : i32 to vector<512x128xi32>
    %shift_right_arithmetic3A_10 = arith.shrsi %add3A, %shift_right_arithmetic3A_9 : vector<512x128xi32>
    %ge3A = arith.constant 0 : i32
    %ge3A_11 = vector.broadcast %ge3A : i32 to vector<512x128xi32>
    %ge3A_12 = arith.cmpi sge, %shift_right_arithmetic3A_10, %ge3A_11 : vector<512x128xi32>
    %min3A = arith.constant 2046 : i32
    %min3A_13 = arith.constant 2046 : i32
    %min3A_14 = arith.minsi %min3A, %min3A_13 : i32
    %le3A = vector.broadcast %min3A_14 : i32 to vector<512x128xi32>
    %le3A_15 = arith.cmpi sle, %shift_right_arithmetic3A_10, %le3A : vector<512x128xi32>
    %and3A = arith.andi %ge3A_12, %le3A_15 : vector<512x128xi1>
    %jit3A = arith.constant 0 : i32
    %broadcast_in_dim3A_16 = vector.broadcast %jit3A : i32 to vector<512x128xi32>
    %select_n3A = arith.select %and3A, %scan3A_4, %broadcast_in_dim3A_16 : vector<512x128xi1>, vector<512x128xi32>
    %reduce_sum3A = vector.shape_cast %select_n3A : vector<512x128xi32> to vector<1x512x128xi32>
    %reduce_sum3A_17 = arith.constant dense<0> : vector<1xi32>
    %reduce_sum3A_18 = vector.multi_reduction <add>, %reduce_sum3A, %reduce_sum3A_17 [1, 2] : vector<1x512x128xi32> to vector<1xi32>
    %reduce_sum3A_19 = vector.shape_cast %reduce_sum3A_18 : vector<1xi32> to vector<1x1x1xi32>
    %reduce_sum3A_20 = vector.extract %reduce_sum3A_19[0, 0, 0] : i32 from vector<1x1x1xi32>
    %ge3A_21 = arith.constant 2048 : i32
    %ge3A_22 = vector.broadcast %ge3A_21 : i32 to vector<512x128xi32>
    %ge3A_23 = arith.cmpi sge, %shift_right_arithmetic3A_10, %ge3A_22 : vector<512x128xi32>
    %min3A_24 = arith.constant 4095 : i32
    %min3A_25 = arith.constant 4095 : i32
    %min3A_26 = arith.minsi %min3A_24, %min3A_25 : i32
    %le3A_27 = vector.broadcast %min3A_26 : i32 to vector<512x128xi32>
    %le3A_28 = arith.cmpi sle, %shift_right_arithmetic3A_10, %le3A_27 : vector<512x128xi32>
    %and3A_29 = arith.andi %ge3A_23, %le3A_28 : vector<512x128xi1>
    %jit3A_30 = arith.constant 0 : i32
    %broadcast_in_dim3A_31 = vector.broadcast %jit3A_30 : i32 to vector<512x128xi32>
    %select_n3A_32 = arith.select %and3A_29, %scan3A_4, %broadcast_in_dim3A_31 : vector<512x128xi1>, vector<512x128xi32>
    %reduce_sum3A_33 = vector.shape_cast %select_n3A_32 : vector<512x128xi32> to vector<1x512x128xi32>
    %reduce_sum3A_34 = arith.constant dense<0> : vector<1xi32>
    %reduce_sum3A_35 = vector.multi_reduction <add>, %reduce_sum3A_33, %reduce_sum3A_34 [1, 2] : vector<1x512x128xi32> to vector<1xi32>
    %reduce_sum3A_36 = vector.shape_cast %reduce_sum3A_35 : vector<1xi32> to vector<1x1x1xi32>
    %reduce_sum3A_37 = vector.extract %reduce_sum3A_36[0, 0, 0] : i32 from vector<1x1x1xi32>
    %get3A = arith.constant 0 : index
    %get3A_38 = memref.load %arg1[%get3A] : memref<2xi32, #tpu.memory_space<smem>>
    %min3A_39 = arith.minsi %reduce_sum3A_20, %get3A_38 : i32
    %min3A_40 = arith.minsi %reduce_sum3A_37, %get3A_38 : i32
    %max3A = arith.constant 1 : i32
    %max3A_41 = arith.maxsi %min3A_39, %max3A : i32
    %max3A_42 = arith.constant 1 : i32
    %max3A_43 = arith.maxsi %min3A_40, %max3A_42 : i32
    %sub3A = arith.subi %reduce_sum3A_37, %max3A_43 : i32
    %add3A_44 = arith.constant 1 : i32
    %add3A_45 = arith.addi %sub3A, %add3A_44 : i32
    %scan3A_46 = arith.constant 0 : i32
    %scan3A_47 = arith.constant 2046 : i32
    %scan3A_48 = arith.constant 0 : i32
    %scan3A_49 = arith.constant 11 : i32
    %scan3A_50 = arith.addi %scan3A_48, %scan3A_49 : i32
    %scan3A_51 = arith.constant 1 : i32
    %scan3A_52:2 = scf.for %scan3A_144 = %scan3A_48 to %scan3A_50 step %scan3A_51 iter_args(%scan3A_145 = %scan3A_46, %scan3A_146 = %scan3A_47) -> (i32, i32)  : i32 {
      %add3A_147 = arith.addi %scan3A_145, %scan3A_146 : i32
      %shift_right_arithmetic3A_148 = arith.constant 1 : i32
      %shift_right_arithmetic3A_149 = arith.shrsi %add3A_147, %shift_right_arithmetic3A_148 : i32
      %ge3A_150 = arith.constant 0 : i32
      %ge3A_151 = vector.broadcast %ge3A_150 : i32 to vector<512x128xi32>
      %ge3A_152 = arith.cmpi sge, %shift_right_arithmetic3A_10, %ge3A_151 : vector<512x128xi32>
      %min3A_153 = arith.constant 2046 : i32
      %min3A_154 = arith.minsi %shift_right_arithmetic3A_149, %min3A_153 : i32
      %le3A_155 = vector.broadcast %min3A_154 : i32 to vector<512x128xi32>
      %le3A_156 = arith.cmpi sle, %shift_right_arithmetic3A_10, %le3A_155 : vector<512x128xi32>
      %and3A_157 = arith.andi %ge3A_152, %le3A_156 : vector<512x128xi1>
      %jit3A_158 = arith.constant 0 : i32
      %broadcast_in_dim3A_159 = vector.broadcast %jit3A_158 : i32 to vector<512x128xi32>
      %select_n3A_160 = arith.select %and3A_157, %scan3A_4, %broadcast_in_dim3A_159 : vector<512x128xi1>, vector<512x128xi32>
      %reduce_sum3A_161 = vector.shape_cast %select_n3A_160 : vector<512x128xi32> to vector<1x512x128xi32>
      %reduce_sum3A_162 = arith.constant dense<0> : vector<1xi32>
      %reduce_sum3A_163 = vector.multi_reduction <add>, %reduce_sum3A_161, %reduce_sum3A_162 [1, 2] : vector<1x512x128xi32> to vector<1xi32>
      %reduce_sum3A_164 = vector.shape_cast %reduce_sum3A_163 : vector<1xi32> to vector<1x1x1xi32>
      %reduce_sum3A_165 = vector.extract %reduce_sum3A_164[0, 0, 0] : i32 from vector<1x1x1xi32>
      %ge3A_166 = arith.cmpi sge, %reduce_sum3A_165, %max3A_41 : i32
      %add3A_167 = arith.constant 1 : i32
      %add3A_168 = arith.addi %shift_right_arithmetic3A_149, %add3A_167 : i32
      %select_n3A_169 = arith.select %ge3A_166, %scan3A_145, %add3A_168 : i32
      %select_n3A_170 = arith.select %ge3A_166, %shift_right_arithmetic3A_149, %scan3A_146 : i32
      scf.yield %select_n3A_169, %select_n3A_170 : i32, i32
    }
    %sub3A_53 = arith.constant 1 : i32
    %sub3A_54 = arith.subi %scan3A_52#0, %sub3A_53 : i32
    %ge3A_55 = arith.constant 0 : i32
    %ge3A_56 = vector.broadcast %ge3A_55 : i32 to vector<512x128xi32>
    %ge3A_57 = arith.cmpi sge, %shift_right_arithmetic3A_10, %ge3A_56 : vector<512x128xi32>
    %min3A_58 = arith.constant 2046 : i32
    %min3A_59 = arith.minsi %sub3A_54, %min3A_58 : i32
    %le3A_60 = vector.broadcast %min3A_59 : i32 to vector<512x128xi32>
    %le3A_61 = arith.cmpi sle, %shift_right_arithmetic3A_10, %le3A_60 : vector<512x128xi32>
    %and3A_62 = arith.andi %ge3A_57, %le3A_61 : vector<512x128xi1>
    %jit3A_63 = arith.constant 0 : i32
    %broadcast_in_dim3A_64 = vector.broadcast %jit3A_63 : i32 to vector<512x128xi32>
    %select_n3A_65 = arith.select %and3A_62, %scan3A_4, %broadcast_in_dim3A_64 : vector<512x128xi1>, vector<512x128xi32>
    %reduce_sum3A_66 = vector.shape_cast %select_n3A_65 : vector<512x128xi32> to vector<1x512x128xi32>
    %reduce_sum3A_67 = arith.constant dense<0> : vector<1xi32>
    %reduce_sum3A_68 = vector.multi_reduction <add>, %reduce_sum3A_66, %reduce_sum3A_67 [1, 2] : vector<1x512x128xi32> to vector<1xi32>
    %reduce_sum3A_69 = vector.shape_cast %reduce_sum3A_68 : vector<1xi32> to vector<1x1x1xi32>
    %reduce_sum3A_70 = vector.extract %reduce_sum3A_69[0, 0, 0] : i32 from vector<1x1x1xi32>
    %scan3A_71 = arith.constant 2048 : i32
    %scan3A_72 = arith.constant 4095 : i32
    %scan3A_73 = arith.constant 0 : i32
    %scan3A_74 = arith.constant 11 : i32
    %scan3A_75 = arith.addi %scan3A_73, %scan3A_74 : i32
    %scan3A_76 = arith.constant 1 : i32
    %scan3A_77:2 = scf.for %scan3A_144 = %scan3A_73 to %scan3A_75 step %scan3A_76 iter_args(%scan3A_145 = %scan3A_71, %scan3A_146 = %scan3A_72) -> (i32, i32)  : i32 {
      %add3A_147 = arith.addi %scan3A_145, %scan3A_146 : i32
      %shift_right_arithmetic3A_148 = arith.constant 1 : i32
      %shift_right_arithmetic3A_149 = arith.shrsi %add3A_147, %shift_right_arithmetic3A_148 : i32
      %ge3A_150 = arith.constant 2048 : i32
      %ge3A_151 = vector.broadcast %ge3A_150 : i32 to vector<512x128xi32>
      %ge3A_152 = arith.cmpi sge, %shift_right_arithmetic3A_10, %ge3A_151 : vector<512x128xi32>
      %min3A_153 = arith.constant 4095 : i32
      %min3A_154 = arith.minsi %shift_right_arithmetic3A_149, %min3A_153 : i32
      %le3A_155 = vector.broadcast %min3A_154 : i32 to vector<512x128xi32>
      %le3A_156 = arith.cmpi sle, %shift_right_arithmetic3A_10, %le3A_155 : vector<512x128xi32>
      %and3A_157 = arith.andi %ge3A_152, %le3A_156 : vector<512x128xi1>
      %jit3A_158 = arith.constant 0 : i32
      %broadcast_in_dim3A_159 = vector.broadcast %jit3A_158 : i32 to vector<512x128xi32>
      %select_n3A_160 = arith.select %and3A_157, %scan3A_4, %broadcast_in_dim3A_159 : vector<512x128xi1>, vector<512x128xi32>
      %reduce_sum3A_161 = vector.shape_cast %select_n3A_160 : vector<512x128xi32> to vector<1x512x128xi32>
      %reduce_sum3A_162 = arith.constant dense<0> : vector<1xi32>
      %reduce_sum3A_163 = vector.multi_reduction <add>, %reduce_sum3A_161, %reduce_sum3A_162 [1, 2] : vector<1x512x128xi32> to vector<1xi32>
      %reduce_sum3A_164 = vector.shape_cast %reduce_sum3A_163 : vector<1xi32> to vector<1x1x1xi32>
      %reduce_sum3A_165 = vector.extract %reduce_sum3A_164[0, 0, 0] : i32 from vector<1x1x1xi32>
      %ge3A_166 = arith.cmpi sge, %reduce_sum3A_165, %add3A_45 : i32
      %add3A_167 = arith.constant 1 : i32
      %add3A_168 = arith.addi %shift_right_arithmetic3A_149, %add3A_167 : i32
      %select_n3A_169 = arith.select %ge3A_166, %scan3A_145, %add3A_168 : i32
      %select_n3A_170 = arith.select %ge3A_166, %shift_right_arithmetic3A_149, %scan3A_146 : i32
      scf.yield %select_n3A_169, %select_n3A_170 : i32, i32
    }
    %sub3A_78 = arith.constant 1 : i32
    %sub3A_79 = arith.subi %scan3A_77#0, %sub3A_78 : i32
    %ge3A_80 = arith.constant 2048 : i32
    %ge3A_81 = vector.broadcast %ge3A_80 : i32 to vector<512x128xi32>
    %ge3A_82 = arith.cmpi sge, %shift_right_arithmetic3A_10, %ge3A_81 : vector<512x128xi32>
    %min3A_83 = arith.constant 4095 : i32
    %min3A_84 = arith.minsi %sub3A_79, %min3A_83 : i32
    %le3A_85 = vector.broadcast %min3A_84 : i32 to vector<512x128xi32>
    %le3A_86 = arith.cmpi sle, %shift_right_arithmetic3A_10, %le3A_85 : vector<512x128xi32>
    %and3A_87 = arith.andi %ge3A_82, %le3A_86 : vector<512x128xi1>
    %jit3A_88 = arith.constant 0 : i32
    %broadcast_in_dim3A_89 = vector.broadcast %jit3A_88 : i32 to vector<512x128xi32>
    %select_n3A_90 = arith.select %and3A_87, %scan3A_4, %broadcast_in_dim3A_89 : vector<512x128xi1>, vector<512x128xi32>
    %reduce_sum3A_91 = vector.shape_cast %select_n3A_90 : vector<512x128xi32> to vector<1x512x128xi32>
    %reduce_sum3A_92 = arith.constant dense<0> : vector<1xi32>
    %reduce_sum3A_93 = vector.multi_reduction <add>, %reduce_sum3A_91, %reduce_sum3A_92 [1, 2] : vector<1x512x128xi32> to vector<1xi32>
    %reduce_sum3A_94 = vector.shape_cast %reduce_sum3A_93 : vector<1xi32> to vector<1x1x1xi32>
    %reduce_sum3A_95 = vector.extract %reduce_sum3A_94[0, 0, 0] : i32 from vector<1x1x1xi32>
    %sub3A_96 = arith.subi %max3A_41, %reduce_sum3A_70 : i32
    %sub3A_97 = arith.constant 2048 : i32
    %sub3A_98 = arith.subi %scan3A_77#0, %sub3A_97 : i32
    %sub3A_99 = arith.subi %add3A_45, %reduce_sum3A_95 : i32
    %iota3A_100 = tpu.iota {dimensions = array<i32: 0>} : vector<8x128xi32>
    %broadcast_in_dim3A_101 = arith.constant 0 : i32
    %broadcast_in_dim3A_102 = vector.broadcast %broadcast_in_dim3A_101 : i32 to vector<8x128xi32>
    %eq3A = arith.constant 0 : i32
    %eq3A_103 = vector.broadcast %eq3A : i32 to vector<8x128xi32>
    %eq3A_104 = arith.cmpi eq, %iota3A_100, %eq3A_103 : vector<8x128xi32>
    %broadcast_in_dim3A_105 = vector.broadcast %scan3A_52#0 : i32 to vector<8x128xi32>
    %select_n3A_106 = arith.select %eq3A_104, %broadcast_in_dim3A_105, %broadcast_in_dim3A_102 : vector<8x128xi1>, vector<8x128xi32>
    %eq3A_107 = arith.constant 1 : i32
    %eq3A_108 = vector.broadcast %eq3A_107 : i32 to vector<8x128xi32>
    %eq3A_109 = arith.cmpi eq, %iota3A_100, %eq3A_108 : vector<8x128xi32>
    %broadcast_in_dim3A_110 = vector.broadcast %sub3A_96 : i32 to vector<8x128xi32>
    %select_n3A_111 = arith.select %eq3A_109, %broadcast_in_dim3A_110, %select_n3A_106 : vector<8x128xi1>, vector<8x128xi32>
    %eq3A_112 = arith.constant 2 : i32
    %eq3A_113 = vector.broadcast %eq3A_112 : i32 to vector<8x128xi32>
    %eq3A_114 = arith.cmpi eq, %iota3A_100, %eq3A_113 : vector<8x128xi32>
    %broadcast_in_dim3A_115 = vector.broadcast %sub3A_98 : i32 to vector<8x128xi32>
    %select_n3A_116 = arith.select %eq3A_114, %broadcast_in_dim3A_115, %select_n3A_111 : vector<8x128xi1>, vector<8x128xi32>
    %eq3A_117 = arith.constant 3 : i32
    %eq3A_118 = vector.broadcast %eq3A_117 : i32 to vector<8x128xi32>
    %eq3A_119 = arith.cmpi eq, %iota3A_100, %eq3A_118 : vector<8x128xi32>
    %broadcast_in_dim3A_120 = vector.broadcast %sub3A_99 : i32 to vector<8x128xi32>
    %select_n3A_121 = arith.select %eq3A_119, %broadcast_in_dim3A_120, %select_n3A_116 : vector<8x128xi1>, vector<8x128xi32>
    %eq3A_122 = arith.constant 4 : i32
    %eq3A_123 = vector.broadcast %eq3A_122 : i32 to vector<8x128xi32>
    %eq3A_124 = arith.cmpi eq, %iota3A_100, %eq3A_123 : vector<8x128xi32>
    %broadcast_in_dim3A_125 = vector.broadcast %reduce_sum3A_20 : i32 to vector<8x128xi32>
    %select_n3A_126 = arith.select %eq3A_124, %broadcast_in_dim3A_125, %select_n3A_121 : vector<8x128xi1>, vector<8x128xi32>
    %eq3A_127 = arith.constant 5 : i32
    %eq3A_128 = vector.broadcast %eq3A_127 : i32 to vector<8x128xi32>
    %eq3A_129 = arith.cmpi eq, %iota3A_100, %eq3A_128 : vector<8x128xi32>
    %broadcast_in_dim3A_130 = vector.broadcast %reduce_sum3A_37 : i32 to vector<8x128xi32>
    %select_n3A_131 = arith.select %eq3A_129, %broadcast_in_dim3A_130, %select_n3A_126 : vector<8x128xi1>, vector<8x128xi32>
    %eq3A_132 = arith.constant 6 : i32
    %eq3A_133 = vector.broadcast %eq3A_132 : i32 to vector<8x128xi32>
    %eq3A_134 = arith.cmpi eq, %iota3A_100, %eq3A_133 : vector<8x128xi32>
    %broadcast_in_dim3A_135 = vector.broadcast %min3A_39 : i32 to vector<8x128xi32>
    %select_n3A_136 = arith.select %eq3A_134, %broadcast_in_dim3A_135, %select_n3A_131 : vector<8x128xi1>, vector<8x128xi32>
    %eq3A_137 = arith.constant 7 : i32
    %eq3A_138 = vector.broadcast %eq3A_137 : i32 to vector<8x128xi32>
    %eq3A_139 = arith.cmpi eq, %iota3A_100, %eq3A_138 : vector<8x128xi32>
    %broadcast_in_dim3A_140 = vector.broadcast %min3A_40 : i32 to vector<8x128xi32>
    %select_n3A_141 = arith.select %eq3A_139, %broadcast_in_dim3A_140, %select_n3A_136 : vector<8x128xi1>, vector<8x128xi32>
    %swap3A = arith.constant 0 : index
    %swap3A_142 = arith.constant 0 : index
    %swap3A_143 = vector.load %arg2[%swap3A, %swap3A_142] : memref<8x128xi32, #tpu.memory_space<vmem>>, vector<8x128xi32>
    tpu.vector_store %arg2[%swap3A, %swap3A_142], %select_n3A_141 {strides = array<i32>} : memref<8x128xi32, #tpu.memory_space<vmem>>, vector<8x128xi32>,
    return
  }
}

module attributes {stable_mosaic.version = 14 : i64} {
  func.func @_search_body(%arg0: memref<64x256x128xi32, #tpu.memory_space<vmem>>, %arg1: memref<2xi32, #tpu.memory_space<smem>>, %arg2: memref<8x128xi32, #tpu.memory_space<vmem>>) attributes {dimension_semantics = [], scalar_prefetch = 0 : i64, scratch_operands = 0 : i64, tpu.core_type = #tpu.core_type<tc>} {
    %broadcast_in_dim3A = arith.constant 0 : i32
    %broadcast_in_dim3A_0 = vector.broadcast %broadcast_in_dim3A : i32 to vector<256x128xi32>
    %scan3A = arith.constant 0 : i32
    %scan3A_1 = arith.constant 64 : i32
    %scan3A_2 = arith.addi %scan3A, %scan3A_1 : i32
    %scan3A_3 = arith.constant 1 : i32
    %scan3A_4 = scf.for %scan3A_140 = %scan3A to %scan3A_2 step %scan3A_3 iter_args(%scan3A_141 = %broadcast_in_dim3A_0) -> (vector<256x128xi32>)  : i32 {
      %get3A_142 = arith.index_cast %scan3A_140 : i32 to index
      %get3A_143 = arith.constant 0 : index
      %get3A_144 = arith.constant 0 : index
      %get3A_145 = vector.load %arg0[%get3A_142, %get3A_143, %get3A_144] : memref<64x256x128xi32, #tpu.memory_space<vmem>>, vector<1x256x128xi32>
      %get3A_146 = vector.shape_cast %get3A_145 : vector<1x256x128xi32> to vector<256x128xi32>
      %add3A_147 = arith.addi %scan3A_141, %get3A_146 : vector<256x128xi32>
      scf.yield %add3A_147 : vector<256x128xi32>
    }
    %scan3A_5 = arith.constant 64 : i32
    %iota3A = tpu.iota {dimensions = array<i32: 0>} : vector<256x128xi32>
    %mul3A = arith.constant 128 : i32
    %mul3A_6 = vector.broadcast %mul3A : i32 to vector<256x128xi32>
    %mul3A_7 = arith.muli %iota3A, %mul3A_6 : vector<256x128xi32>
    %iota3A_8 = tpu.iota {dimensions = array<i32: 1>} : vector<256x128xi32>
    %add3A = arith.addi %mul3A_7, %iota3A_8 : vector<256x128xi32>
    %shift_right_arithmetic3A = arith.constant 4 : i32
    %shift_right_arithmetic3A_9 = vector.broadcast %shift_right_arithmetic3A : i32 to vector<256x128xi32>
    %shift_right_arithmetic3A_10 = arith.shrsi %add3A, %shift_right_arithmetic3A_9 : vector<256x128xi32>
    %ge3A = arith.constant 0 : i32
    %ge3A_11 = vector.broadcast %ge3A : i32 to vector<256x128xi32>
    %ge3A_12 = arith.cmpi sge, %shift_right_arithmetic3A_10, %ge3A_11 : vector<256x128xi32>
    %min3A = arith.constant 1023 : i32
    %min3A_13 = arith.constant 1023 : i32
    %min3A_14 = arith.minsi %min3A, %min3A_13 : i32
    %le3A = vector.broadcast %min3A_14 : i32 to vector<256x128xi32>
    %le3A_15 = arith.cmpi sle, %shift_right_arithmetic3A_10, %le3A : vector<256x128xi32>
    %and3A = arith.andi %ge3A_12, %le3A_15 : vector<256x128xi1>
    %jit3A = arith.constant 0 : i32
    %broadcast_in_dim3A_16 = vector.broadcast %jit3A : i32 to vector<256x128xi32>
    %select_n3A = arith.select %and3A, %scan3A_4, %broadcast_in_dim3A_16 : vector<256x128xi1>, vector<256x128xi32>
    %reduce_sum3A = vector.shape_cast %select_n3A : vector<256x128xi32> to vector<1x256x128xi32>
    %reduce_sum3A_17 = arith.constant dense<0> : vector<1xi32>
    %reduce_sum3A_18 = vector.multi_reduction <add>, %reduce_sum3A, %reduce_sum3A_17 [1, 2] : vector<1x256x128xi32> to vector<1xi32>
    %reduce_sum3A_19 = vector.shape_cast %reduce_sum3A_18 : vector<1xi32> to vector<1x1x1xi32>
    %reduce_sum3A_20 = vector.extract %reduce_sum3A_19[0, 0, 0] : i32 from vector<1x1x1xi32>
    %ge3A_21 = arith.constant 1024 : i32
    %ge3A_22 = vector.broadcast %ge3A_21 : i32 to vector<256x128xi32>
    %ge3A_23 = arith.cmpi sge, %shift_right_arithmetic3A_10, %ge3A_22 : vector<256x128xi32>
    %min3A_24 = arith.constant 2047 : i32
    %min3A_25 = arith.constant 2047 : i32
    %min3A_26 = arith.minsi %min3A_24, %min3A_25 : i32
    %le3A_27 = vector.broadcast %min3A_26 : i32 to vector<256x128xi32>
    %le3A_28 = arith.cmpi sle, %shift_right_arithmetic3A_10, %le3A_27 : vector<256x128xi32>
    %and3A_29 = arith.andi %ge3A_23, %le3A_28 : vector<256x128xi1>
    %jit3A_30 = arith.constant 0 : i32
    %broadcast_in_dim3A_31 = vector.broadcast %jit3A_30 : i32 to vector<256x128xi32>
    %select_n3A_32 = arith.select %and3A_29, %scan3A_4, %broadcast_in_dim3A_31 : vector<256x128xi1>, vector<256x128xi32>
    %reduce_sum3A_33 = vector.shape_cast %select_n3A_32 : vector<256x128xi32> to vector<1x256x128xi32>
    %reduce_sum3A_34 = arith.constant dense<0> : vector<1xi32>
    %reduce_sum3A_35 = vector.multi_reduction <add>, %reduce_sum3A_33, %reduce_sum3A_34 [1, 2] : vector<1x256x128xi32> to vector<1xi32>
    %reduce_sum3A_36 = vector.shape_cast %reduce_sum3A_35 : vector<1xi32> to vector<1x1x1xi32>
    %reduce_sum3A_37 = vector.extract %reduce_sum3A_36[0, 0, 0] : i32 from vector<1x1x1xi32>
    %get3A = arith.constant 0 : index
    %get3A_38 = memref.load %arg1[%get3A] : memref<2xi32, #tpu.memory_space<smem>>
    %get3A_39 = arith.constant 1 : index
    %get3A_40 = memref.load %arg1[%get3A_39] : memref<2xi32, #tpu.memory_space<smem>>
    %scan3A_41 = arith.constant 0 : i32
    %scan3A_42 = arith.constant 1023 : i32
    %scan3A_43 = arith.constant 0 : i32
    %scan3A_44 = arith.constant 11 : i32
    %scan3A_45 = arith.addi %scan3A_43, %scan3A_44 : i32
    %scan3A_46 = arith.constant 1 : i32
    %scan3A_47:2 = scf.for %scan3A_140 = %scan3A_43 to %scan3A_45 step %scan3A_46 iter_args(%scan3A_141 = %scan3A_41, %scan3A_142 = %scan3A_42) -> (i32, i32)  : i32 {
      %add3A_143 = arith.addi %scan3A_141, %scan3A_142 : i32
      %shift_right_arithmetic3A_144 = arith.constant 1 : i32
      %shift_right_arithmetic3A_145 = arith.shrsi %add3A_143, %shift_right_arithmetic3A_144 : i32
      %ge3A_146 = arith.constant 0 : i32
      %ge3A_147 = vector.broadcast %ge3A_146 : i32 to vector<256x128xi32>
      %ge3A_148 = arith.cmpi sge, %shift_right_arithmetic3A_10, %ge3A_147 : vector<256x128xi32>
      %min3A_149 = arith.constant 1023 : i32
      %min3A_150 = arith.minsi %shift_right_arithmetic3A_145, %min3A_149 : i32
      %le3A_151 = vector.broadcast %min3A_150 : i32 to vector<256x128xi32>
      %le3A_152 = arith.cmpi sle, %shift_right_arithmetic3A_10, %le3A_151 : vector<256x128xi32>
      %and3A_153 = arith.andi %ge3A_148, %le3A_152 : vector<256x128xi1>
      %jit3A_154 = arith.constant 0 : i32
      %broadcast_in_dim3A_155 = vector.broadcast %jit3A_154 : i32 to vector<256x128xi32>
      %select_n3A_156 = arith.select %and3A_153, %scan3A_4, %broadcast_in_dim3A_155 : vector<256x128xi1>, vector<256x128xi32>
      %reduce_sum3A_157 = vector.shape_cast %select_n3A_156 : vector<256x128xi32> to vector<1x256x128xi32>
      %reduce_sum3A_158 = arith.constant dense<0> : vector<1xi32>
      %reduce_sum3A_159 = vector.multi_reduction <add>, %reduce_sum3A_157, %reduce_sum3A_158 [1, 2] : vector<1x256x128xi32> to vector<1xi32>
      %reduce_sum3A_160 = vector.shape_cast %reduce_sum3A_159 : vector<1xi32> to vector<1x1x1xi32>
      %reduce_sum3A_161 = vector.extract %reduce_sum3A_160[0, 0, 0] : i32 from vector<1x1x1xi32>
      %ge3A_162 = arith.cmpi sge, %reduce_sum3A_161, %get3A_38 : i32
      %add3A_163 = arith.constant 1 : i32
      %add3A_164 = arith.addi %shift_right_arithmetic3A_145, %add3A_163 : i32
      %select_n3A_165 = arith.select %ge3A_162, %scan3A_141, %add3A_164 : i32
      %select_n3A_166 = arith.select %ge3A_162, %shift_right_arithmetic3A_145, %scan3A_142 : i32
      scf.yield %select_n3A_165, %select_n3A_166 : i32, i32
    }
    %sub3A = arith.constant 1 : i32
    %sub3A_48 = arith.subi %scan3A_47#0, %sub3A : i32
    %ge3A_49 = arith.constant 0 : i32
    %ge3A_50 = vector.broadcast %ge3A_49 : i32 to vector<256x128xi32>
    %ge3A_51 = arith.cmpi sge, %shift_right_arithmetic3A_10, %ge3A_50 : vector<256x128xi32>
    %min3A_52 = arith.constant 1023 : i32
    %min3A_53 = arith.minsi %sub3A_48, %min3A_52 : i32
    %le3A_54 = vector.broadcast %min3A_53 : i32 to vector<256x128xi32>
    %le3A_55 = arith.cmpi sle, %shift_right_arithmetic3A_10, %le3A_54 : vector<256x128xi32>
    %and3A_56 = arith.andi %ge3A_51, %le3A_55 : vector<256x128xi1>
    %jit3A_57 = arith.constant 0 : i32
    %broadcast_in_dim3A_58 = vector.broadcast %jit3A_57 : i32 to vector<256x128xi32>
    %select_n3A_59 = arith.select %and3A_56, %scan3A_4, %broadcast_in_dim3A_58 : vector<256x128xi1>, vector<256x128xi32>
    %reduce_sum3A_60 = vector.shape_cast %select_n3A_59 : vector<256x128xi32> to vector<1x256x128xi32>
    %reduce_sum3A_61 = arith.constant dense<0> : vector<1xi32>
    %reduce_sum3A_62 = vector.multi_reduction <add>, %reduce_sum3A_60, %reduce_sum3A_61 [1, 2] : vector<1x256x128xi32> to vector<1xi32>
    %reduce_sum3A_63 = vector.shape_cast %reduce_sum3A_62 : vector<1xi32> to vector<1x1x1xi32>
    %reduce_sum3A_64 = vector.extract %reduce_sum3A_63[0, 0, 0] : i32 from vector<1x1x1xi32>
    %scan3A_65 = arith.constant 1024 : i32
    %scan3A_66 = arith.constant 2047 : i32
    %scan3A_67 = arith.constant 0 : i32
    %scan3A_68 = arith.constant 11 : i32
    %scan3A_69 = arith.addi %scan3A_67, %scan3A_68 : i32
    %scan3A_70 = arith.constant 1 : i32
    %scan3A_71:2 = scf.for %scan3A_140 = %scan3A_67 to %scan3A_69 step %scan3A_70 iter_args(%scan3A_141 = %scan3A_65, %scan3A_142 = %scan3A_66) -> (i32, i32)  : i32 {
      %add3A_143 = arith.addi %scan3A_141, %scan3A_142 : i32
      %shift_right_arithmetic3A_144 = arith.constant 1 : i32
      %shift_right_arithmetic3A_145 = arith.shrsi %add3A_143, %shift_right_arithmetic3A_144 : i32
      %ge3A_146 = arith.constant 1024 : i32
      %ge3A_147 = vector.broadcast %ge3A_146 : i32 to vector<256x128xi32>
      %ge3A_148 = arith.cmpi sge, %shift_right_arithmetic3A_10, %ge3A_147 : vector<256x128xi32>
      %min3A_149 = arith.constant 2047 : i32
      %min3A_150 = arith.minsi %shift_right_arithmetic3A_145, %min3A_149 : i32
      %le3A_151 = vector.broadcast %min3A_150 : i32 to vector<256x128xi32>
      %le3A_152 = arith.cmpi sle, %shift_right_arithmetic3A_10, %le3A_151 : vector<256x128xi32>
      %and3A_153 = arith.andi %ge3A_148, %le3A_152 : vector<256x128xi1>
      %jit3A_154 = arith.constant 0 : i32
      %broadcast_in_dim3A_155 = vector.broadcast %jit3A_154 : i32 to vector<256x128xi32>
      %select_n3A_156 = arith.select %and3A_153, %scan3A_4, %broadcast_in_dim3A_155 : vector<256x128xi1>, vector<256x128xi32>
      %reduce_sum3A_157 = vector.shape_cast %select_n3A_156 : vector<256x128xi32> to vector<1x256x128xi32>
      %reduce_sum3A_158 = arith.constant dense<0> : vector<1xi32>
      %reduce_sum3A_159 = vector.multi_reduction <add>, %reduce_sum3A_157, %reduce_sum3A_158 [1, 2] : vector<1x256x128xi32> to vector<1xi32>
      %reduce_sum3A_160 = vector.shape_cast %reduce_sum3A_159 : vector<1xi32> to vector<1x1x1xi32>
      %reduce_sum3A_161 = vector.extract %reduce_sum3A_160[0, 0, 0] : i32 from vector<1x1x1xi32>
      %ge3A_162 = arith.cmpi sge, %reduce_sum3A_161, %get3A_40 : i32
      %add3A_163 = arith.constant 1 : i32
      %add3A_164 = arith.addi %shift_right_arithmetic3A_145, %add3A_163 : i32
      %select_n3A_165 = arith.select %ge3A_162, %scan3A_141, %add3A_164 : i32
      %select_n3A_166 = arith.select %ge3A_162, %shift_right_arithmetic3A_145, %scan3A_142 : i32
      scf.yield %select_n3A_165, %select_n3A_166 : i32, i32
    }
    %sub3A_72 = arith.constant 1 : i32
    %sub3A_73 = arith.subi %scan3A_71#0, %sub3A_72 : i32
    %ge3A_74 = arith.constant 1024 : i32
    %ge3A_75 = vector.broadcast %ge3A_74 : i32 to vector<256x128xi32>
    %ge3A_76 = arith.cmpi sge, %shift_right_arithmetic3A_10, %ge3A_75 : vector<256x128xi32>
    %min3A_77 = arith.constant 2047 : i32
    %min3A_78 = arith.minsi %sub3A_73, %min3A_77 : i32
    %le3A_79 = vector.broadcast %min3A_78 : i32 to vector<256x128xi32>
    %le3A_80 = arith.cmpi sle, %shift_right_arithmetic3A_10, %le3A_79 : vector<256x128xi32>
    %and3A_81 = arith.andi %ge3A_76, %le3A_80 : vector<256x128xi1>
    %jit3A_82 = arith.constant 0 : i32
    %broadcast_in_dim3A_83 = vector.broadcast %jit3A_82 : i32 to vector<256x128xi32>
    %select_n3A_84 = arith.select %and3A_81, %scan3A_4, %broadcast_in_dim3A_83 : vector<256x128xi1>, vector<256x128xi32>
    %reduce_sum3A_85 = vector.shape_cast %select_n3A_84 : vector<256x128xi32> to vector<1x256x128xi32>
    %reduce_sum3A_86 = arith.constant dense<0> : vector<1xi32>
    %reduce_sum3A_87 = vector.multi_reduction <add>, %reduce_sum3A_85, %reduce_sum3A_86 [1, 2] : vector<1x256x128xi32> to vector<1xi32>
    %reduce_sum3A_88 = vector.shape_cast %reduce_sum3A_87 : vector<1xi32> to vector<1x1x1xi32>
    %reduce_sum3A_89 = vector.extract %reduce_sum3A_88[0, 0, 0] : i32 from vector<1x1x1xi32>
    %sub3A_90 = arith.subi %get3A_38, %reduce_sum3A_64 : i32
    %sub3A_91 = arith.constant 1024 : i32
    %sub3A_92 = arith.subi %scan3A_71#0, %sub3A_91 : i32
    %sub3A_93 = arith.subi %get3A_40, %reduce_sum3A_89 : i32
    %iota3A_94 = tpu.iota {dimensions = array<i32: 0>} : vector<8x128xi32>
    %broadcast_in_dim3A_95 = arith.constant 0 : i32
    %broadcast_in_dim3A_96 = vector.broadcast %broadcast_in_dim3A_95 : i32 to vector<8x128xi32>
    %eq3A = arith.constant 0 : i32
    %eq3A_97 = vector.broadcast %eq3A : i32 to vector<8x128xi32>
    %eq3A_98 = arith.cmpi eq, %iota3A_94, %eq3A_97 : vector<8x128xi32>
    %broadcast_in_dim3A_99 = vector.broadcast %scan3A_47#0 : i32 to vector<8x128xi32>
    %select_n3A_100 = arith.select %eq3A_98, %broadcast_in_dim3A_99, %broadcast_in_dim3A_96 : vector<8x128xi1>, vector<8x128xi32>
    %eq3A_101 = arith.constant 1 : i32
    %eq3A_102 = vector.broadcast %eq3A_101 : i32 to vector<8x128xi32>
    %eq3A_103 = arith.cmpi eq, %iota3A_94, %eq3A_102 : vector<8x128xi32>
    %broadcast_in_dim3A_104 = vector.broadcast %sub3A_90 : i32 to vector<8x128xi32>
    %select_n3A_105 = arith.select %eq3A_103, %broadcast_in_dim3A_104, %select_n3A_100 : vector<8x128xi1>, vector<8x128xi32>
    %eq3A_106 = arith.constant 2 : i32
    %eq3A_107 = vector.broadcast %eq3A_106 : i32 to vector<8x128xi32>
    %eq3A_108 = arith.cmpi eq, %iota3A_94, %eq3A_107 : vector<8x128xi32>
    %broadcast_in_dim3A_109 = vector.broadcast %sub3A_92 : i32 to vector<8x128xi32>
    %select_n3A_110 = arith.select %eq3A_108, %broadcast_in_dim3A_109, %select_n3A_105 : vector<8x128xi1>, vector<8x128xi32>
    %eq3A_111 = arith.constant 3 : i32
    %eq3A_112 = vector.broadcast %eq3A_111 : i32 to vector<8x128xi32>
    %eq3A_113 = arith.cmpi eq, %iota3A_94, %eq3A_112 : vector<8x128xi32>
    %broadcast_in_dim3A_114 = vector.broadcast %sub3A_93 : i32 to vector<8x128xi32>
    %select_n3A_115 = arith.select %eq3A_113, %broadcast_in_dim3A_114, %select_n3A_110 : vector<8x128xi1>, vector<8x128xi32>
    %eq3A_116 = arith.constant 4 : i32
    %eq3A_117 = vector.broadcast %eq3A_116 : i32 to vector<8x128xi32>
    %eq3A_118 = arith.cmpi eq, %iota3A_94, %eq3A_117 : vector<8x128xi32>
    %broadcast_in_dim3A_119 = vector.broadcast %reduce_sum3A_20 : i32 to vector<8x128xi32>
    %select_n3A_120 = arith.select %eq3A_118, %broadcast_in_dim3A_119, %select_n3A_115 : vector<8x128xi1>, vector<8x128xi32>
    %eq3A_121 = arith.constant 5 : i32
    %eq3A_122 = vector.broadcast %eq3A_121 : i32 to vector<8x128xi32>
    %eq3A_123 = arith.cmpi eq, %iota3A_94, %eq3A_122 : vector<8x128xi32>
    %broadcast_in_dim3A_124 = vector.broadcast %reduce_sum3A_37 : i32 to vector<8x128xi32>
    %select_n3A_125 = arith.select %eq3A_123, %broadcast_in_dim3A_124, %select_n3A_120 : vector<8x128xi1>, vector<8x128xi32>
    %eq3A_126 = arith.constant 6 : i32
    %eq3A_127 = vector.broadcast %eq3A_126 : i32 to vector<8x128xi32>
    %eq3A_128 = arith.cmpi eq, %iota3A_94, %eq3A_127 : vector<8x128xi32>
    %jit3A_129 = arith.constant 0 : i32
    %broadcast_in_dim3A_130 = vector.broadcast %jit3A_129 : i32 to vector<8x128xi32>
    %select_n3A_131 = arith.select %eq3A_128, %broadcast_in_dim3A_130, %select_n3A_125 : vector<8x128xi1>, vector<8x128xi32>
    %eq3A_132 = arith.constant 7 : i32
    %eq3A_133 = vector.broadcast %eq3A_132 : i32 to vector<8x128xi32>
    %eq3A_134 = arith.cmpi eq, %iota3A_94, %eq3A_133 : vector<8x128xi32>
    %jit3A_135 = arith.constant 0 : i32
    %broadcast_in_dim3A_136 = vector.broadcast %jit3A_135 : i32 to vector<8x128xi32>
    %select_n3A_137 = arith.select %eq3A_134, %broadcast_in_dim3A_136, %select_n3A_131 : vector<8x128xi1>, vector<8x128xi32>
    %swap3A = arith.constant 0 : index
    %swap3A_138 = arith.constant 0 : index
    %swap3A_139 = vector.load %arg2[%swap3A, %swap3A_138] : memref<8x128xi32, #tpu.memory_space<vmem>>, vector<8x128xi32>
    tpu.vector_store %arg2[%swap3A, %swap3A_138], %select_n3A_137 {strides = array<i32>} : memref<8x128xi32, #tpu.memory_space<vmem>>, vector<8x128xi32>,
    return
  }
}

module attributes {stable_mosaic.version = 14 : i64} {
  func.func @_build_body(%arg0: i32, %arg1: i32, %arg2: memref<512x512xi32, #tpu.memory_space<vmem>>, %arg3: memref<512x512xi32, #tpu.memory_space<vmem>>, %arg4: memref<512x512xf32, #tpu.memory_space<vmem>>, %arg5: memref<4xf32, #tpu.memory_space<smem>>, %arg6: memref<512x512xf32, #tpu.memory_space<vmem>>, %arg7: memref<512x1xf32, #tpu.memory_space<vmem>>, %arg8: memref<512x1xf32, #tpu.memory_space<vmem>>, %arg9: memref<512x1xf32, #tpu.memory_space<vmem>>, %arg10: memref<512x1xf32, #tpu.memory_space<vmem>>) attributes {dimension_semantics = [#tpu.dimension_semantics<arbitrary>, #tpu.dimension_semantics<arbitrary>], iteration_bounds = array<i64: 8, 8>, scalar_prefetch = 0 : i64, scratch_operands = 2 : i64, tpu.core_type = #tpu.core_type<tc>, window_params = [{transform_indices = @transform_0, window_bounds = array<i64: 512, 512>}, {transform_indices = @transform_1, window_bounds = array<i64: 512, 512>}, {transform_indices = @transform_2, window_bounds = array<i64: 512, 512>}, {transform_indices = @transform_3, window_bounds = array<i64: 4>}, {transform_indices = @transform_4, window_bounds = array<i64: 512, 512>}, {transform_indices = @transform_5, window_bounds = array<i64: 512, 1>}, {transform_indices = @transform_6, window_bounds = array<i64: 512, 1>}]} {
    %get3A = arith.constant 0 : index
    %get3A_0 = memref.load %arg5[%get3A] : memref<4xf32, #tpu.memory_space<smem>>
    %get3A_1 = arith.constant 1 : index
    %get3A_2 = memref.load %arg5[%get3A_1] : memref<4xf32, #tpu.memory_space<smem>>
    %get3A_3 = arith.constant 2 : index
    %get3A_4 = memref.load %arg5[%get3A_3] : memref<4xf32, #tpu.memory_space<smem>>
    %gt3A = arith.constant 0.000000e+00 : f32
    %gt3A_5 = arith.cmpf ogt, %get3A_4, %gt3A : f32
    %get3A_6 = arith.constant 3 : index
    %get3A_7 = memref.load %arg5[%get3A_6] : memref<4xf32, #tpu.memory_space<smem>>
    %gt3A_8 = arith.constant 0.000000e+00 : f32
    %gt3A_9 = arith.cmpf ogt, %get3A_7, %gt3A_8 : f32
    %get3A_10 = arith.constant 0 : index
    %get3A_11 = arith.constant 0 : index
    %get3A_12 = vector.load %arg2[%get3A_10, %get3A_11] : memref<512x512xi32, #tpu.memory_space<vmem>>, vector<512x512xi32>
    %get3A_13 = arith.constant 0 : index
    %get3A_14 = arith.constant 0 : index
    %get3A_15 = vector.load %arg3[%get3A_13, %get3A_14] : memref<512x512xi32, #tpu.memory_space<vmem>>, vector<512x512xi32>
    %transpose3A = tpu.transpose %get3A_15, [1, 0] : vector<512x512xi32> -> vector<512x512xi32>
    %get3A_16 = arith.constant 0 : index
    %get3A_17 = arith.constant 0 : index
    %get3A_18 = vector.load %arg4[%get3A_16, %get3A_17] : memref<512x512xf32, #tpu.memory_space<vmem>>, vector<512x512xf32>
    %and3A = arith.constant 1073741823 : i32
    %and3A_19 = vector.broadcast %and3A : i32 to vector<512x512xi32>
    %and3A_20 = arith.andi %get3A_12, %and3A_19 : vector<512x512xi32>
    %bitcast_convert_type3A = tpu.bitcast %and3A_20 : vector<512x512xi32> -> vector<512x512xf32>
    %and3A_21 = arith.constant 1073741823 : i32
    %and3A_22 = vector.broadcast %and3A_21 : i32 to vector<512x512xi32>
    %and3A_23 = arith.andi %transpose3A, %and3A_22 : vector<512x512xi32>
    %bitcast_convert_type3A_24 = tpu.bitcast %and3A_23 : vector<512x512xi32> -> vector<512x512xf32>
    %gt3A_25 = arith.constant 0 : i32
    %gt3A_26 = vector.broadcast %gt3A_25 : i32 to vector<512x512xi32>
    %gt3A_27 = arith.cmpi sgt, %get3A_12, %gt3A_26 : vector<512x512xi32>
    %lt3A = arith.constant 1073741824 : i32
    %lt3A_28 = vector.broadcast %lt3A : i32 to vector<512x512xi32>
    %lt3A_29 = arith.cmpi slt, %get3A_12, %lt3A_28 : vector<512x512xi32>
    %and3A_30 = arith.andi %gt3A_27, %lt3A_29 : vector<512x512xi1>
    %gt3A_31 = arith.constant 0 : i32
    %gt3A_32 = vector.broadcast %gt3A_31 : i32 to vector<512x512xi32>
    %gt3A_33 = arith.cmpi sgt, %transpose3A, %gt3A_32 : vector<512x512xi32>
    %lt3A_34 = arith.constant 1073741824 : i32
    %lt3A_35 = vector.broadcast %lt3A_34 : i32 to vector<512x512xi32>
    %lt3A_36 = arith.cmpi slt, %transpose3A, %lt3A_35 : vector<512x512xi32>
    %and3A_37 = arith.andi %gt3A_33, %lt3A_36 : vector<512x512xi1>
    %le3A = vector.broadcast %get3A_0 : f32 to vector<512x512xf32>
    %le3A_38 = arith.cmpf ole, %bitcast_convert_type3A, %le3A : vector<512x512xf32>
    %and3A_39 = arith.andi %and3A_30, %le3A_38 : vector<512x512xi1>
    %le3A_40 = vector.broadcast %get3A_0 : f32 to vector<512x512xf32>
    %le3A_41 = arith.cmpf ole, %bitcast_convert_type3A_24, %le3A_40 : vector<512x512xf32>
    %and3A_42 = arith.andi %and3A_37, %le3A_41 : vector<512x512xi1>
    %or3A = arith.ori %and3A_39, %and3A_42 : vector<512x512xi1>
    %convert_element_type3A = arith.extui %or3A : vector<512x512xi1> to vector<512x512xi32>
    %convert_element_type3A_43 = arith.sitofp %convert_element_type3A : vector<512x512xi32> to vector<512x512xf32>
    %jit3A = arith.constant 0.000000e+00 : f32
    %broadcast_in_dim3A = vector.broadcast %jit3A : f32 to vector<512x512xf32>
    %select_n3A = arith.select %and3A_30, %bitcast_convert_type3A, %broadcast_in_dim3A : vector<512x512xi1>, vector<512x512xf32>
    %select_n3A_44 = arith.select %gt3A_5, %convert_element_type3A_43, %select_n3A : vector<512x512xf32>
    %lt3A_45 = arith.constant 0 : i32
    %lt3A_46 = vector.broadcast %lt3A_45 : i32 to vector<512x512xi32>
    %lt3A_47 = arith.cmpi slt, %get3A_12, %lt3A_46 : vector<512x512xi32>
    %ge3A = vector.broadcast %get3A_2 : f32 to vector<512x512xf32>
    %ge3A_48 = arith.cmpf oge, %bitcast_convert_type3A, %ge3A : vector<512x512xf32>
    %and3A_49 = arith.andi %lt3A_47, %ge3A_48 : vector<512x512xi1>
    %lt3A_50 = arith.constant 0 : i32
    %lt3A_51 = vector.broadcast %lt3A_50 : i32 to vector<512x512xi32>
    %lt3A_52 = arith.cmpi slt, %transpose3A, %lt3A_51 : vector<512x512xi32>
    %ge3A_53 = vector.broadcast %get3A_2 : f32 to vector<512x512xf32>
    %ge3A_54 = arith.cmpf oge, %bitcast_convert_type3A_24, %ge3A_53 : vector<512x512xf32>
    %and3A_55 = arith.andi %lt3A_52, %ge3A_54 : vector<512x512xi1>
    %or3A_56 = arith.ori %and3A_49, %and3A_55 : vector<512x512xi1>
    %convert_element_type3A_57 = arith.extui %or3A_56 : vector<512x512xi1> to vector<512x512xi32>
    %convert_element_type3A_58 = arith.sitofp %convert_element_type3A_57 : vector<512x512xi32> to vector<512x512xf32>
    %lt3A_59 = arith.constant 0 : i32
    %lt3A_60 = vector.broadcast %lt3A_59 : i32 to vector<512x512xi32>
    %lt3A_61 = arith.cmpi slt, %get3A_12, %lt3A_60 : vector<512x512xi32>
    %jit3A_62 = arith.constant 0.000000e+00 : f32
    %broadcast_in_dim3A_63 = vector.broadcast %jit3A_62 : f32 to vector<512x512xf32>
    %select_n3A_64 = arith.select %lt3A_61, %bitcast_convert_type3A, %broadcast_in_dim3A_63 : vector<512x512xi1>, vector<512x512xf32>
    %select_n3A_65 = arith.select %gt3A_9, %convert_element_type3A_58, %select_n3A_64 : vector<512x512xf32>
    %sub3A = arith.subf %get3A_18, %select_n3A_44 : vector<512x512xf32>
    %add3A = arith.addf %sub3A, %select_n3A_65 : vector<512x512xf32>
    %mul3A = arith.constant 512 : i32
    %mul3A_66 = arith.muli %arg0, %mul3A : i32
    %iota3A = tpu.iota {dimensions = array<i32: 0>} : vector<512x512xi32>
    %add3A_67 = vector.broadcast %mul3A_66 : i32 to vector<512x512xi32>
    %add3A_68 = arith.addi %add3A_67, %iota3A : vector<512x512xi32>
    %mul3A_69 = arith.constant 512 : i32
    %mul3A_70 = arith.muli %arg1, %mul3A_69 : i32
    %iota3A_71 = tpu.iota {dimensions = array<i32: 1>} : vector<512x512xi32>
    %add3A_72 = vector.broadcast %mul3A_70 : i32 to vector<512x512xi32>
    %add3A_73 = arith.addi %add3A_72, %iota3A_71 : vector<512x512xi32>
    %eq3A = arith.cmpi eq, %add3A_68, %add3A_73 : vector<512x512xi32>
    %jit3A_74 = arith.constant 1.000000e+00 : f32
    %broadcast_in_dim3A_75 = vector.broadcast %jit3A_74 : f32 to vector<512x512xf32>
    %select_n3A_76 = arith.select %eq3A, %broadcast_in_dim3A_75, %add3A : vector<512x512xi1>, vector<512x512xf32>
    %swap3A = arith.constant 0 : index
    %swap3A_77 = arith.constant 0 : index
    %swap3A_78 = vector.load %arg6[%swap3A, %swap3A_77] : memref<512x512xf32, #tpu.memory_space<vmem>>, vector<512x512xf32>
    tpu.vector_store %arg6[%swap3A, %swap3A_77], %select_n3A_76 {strides = array<i32>} : memref<512x512xf32, #tpu.memory_space<vmem>>, vector<512x512xf32>,
    %eq3A_79 = arith.constant 0 : i32
    %eq3A_80 = arith.cmpi eq, %arg1, %eq3A_79 : i32
    %convert_element_type3A_81 = arith.extui %eq3A_80 : i1 to i32
    %cond3A = arith.constant 0 : i32
    %cond3A_82 = arith.cmpi ne, %convert_element_type3A_81, %cond3A : i32
    scf.if %cond3A_82 {
      %broadcast_in_dim3A_107 = arith.constant 0.000000e+00 : f32
      %broadcast_in_dim3A_108 = vector.broadcast %broadcast_in_dim3A_107 : f32 to vector<512x1xf32>
      %swap3A_109 = arith.constant 0 : index
      %swap3A_110 = arith.constant 0 : index
      %swap3A_111 = vector.load %arg9[%swap3A_109, %swap3A_110] : memref<512x1xf32, #tpu.memory_space<vmem>>, vector<512x1xf32>
      tpu.vector_store %arg9[%swap3A_109, %swap3A_110], %broadcast_in_dim3A_108 {strides = array<i32>} : memref<512x1xf32, #tpu.memory_space<vmem>>, vector<512x1xf32>,
      %broadcast_in_dim3A_112 = arith.constant 0.000000e+00 : f32
      %broadcast_in_dim3A_113 = vector.broadcast %broadcast_in_dim3A_112 : f32 to vector<512x1xf32>
      %swap3A_114 = arith.constant 0 : index
      %swap3A_115 = arith.constant 0 : index
      %swap3A_116 = vector.load %arg10[%swap3A_114, %swap3A_115] : memref<512x1xf32, #tpu.memory_space<vmem>>, vector<512x1xf32>
      tpu.vector_store %arg10[%swap3A_114, %swap3A_115], %broadcast_in_dim3A_113 {strides = array<i32>} : memref<512x1xf32, #tpu.memory_space<vmem>>, vector<512x1xf32>,
    } else {
    }
    %get3A_83 = arith.constant 0 : index
    %get3A_84 = arith.constant 0 : index
    %get3A_85 = vector.load %arg9[%get3A_83, %get3A_84] : memref<512x1xf32, #tpu.memory_space<vmem>>, vector<512x1xf32>
    %abs3A = math.absf %select_n3A_76 : vector<512x512xf32>
    %reduce_sum3A = arith.constant dense<0.000000e+00> : vector<512xf32>
    %reduce_sum3A_86 = vector.multi_reduction <add>, %abs3A, %reduce_sum3A [1] : vector<512x512xf32> to vector<512xf32>
    %broadcast_in_dim3A_87 = vector.shape_cast %reduce_sum3A_86 : vector<512xf32> to vector<512x1xf32>
    %add3A_88 = arith.addf %get3A_85, %broadcast_in_dim3A_87 : vector<512x1xf32>
    %swap3A_89 = arith.constant 0 : index
    %swap3A_90 = arith.constant 0 : index
    %swap3A_91 = vector.load %arg9[%swap3A_89, %swap3A_90] : memref<512x1xf32, #tpu.memory_space<vmem>>, vector<512x1xf32>
    tpu.vector_store %arg9[%swap3A_89, %swap3A_90], %add3A_88 {strides = array<i32>} : memref<512x1xf32, #tpu.memory_space<vmem>>, vector<512x1xf32>,
    %get3A_92 = arith.constant 0 : index
    %get3A_93 = arith.constant 0 : index
    %get3A_94 = vector.load %arg10[%get3A_92, %get3A_93] : memref<512x1xf32, #tpu.memory_space<vmem>>, vector<512x1xf32>
    %reduce_sum3A_95 = arith.constant dense<0.000000e+00> : vector<512xf32>
    %reduce_sum3A_96 = vector.multi_reduction <add>, %select_n3A_76, %reduce_sum3A_95 [1] : vector<512x512xf32> to vector<512xf32>
    %broadcast_in_dim3A_97 = vector.shape_cast %reduce_sum3A_96 : vector<512xf32> to vector<512x1xf32>
    %add3A_98 = arith.addf %get3A_94, %broadcast_in_dim3A_97 : vector<512x1xf32>
    %swap3A_99 = arith.constant 0 : index
    %swap3A_100 = arith.constant 0 : index
    %swap3A_101 = vector.load %arg10[%swap3A_99, %swap3A_100] : memref<512x1xf32, #tpu.memory_space<vmem>>, vector<512x1xf32>
    tpu.vector_store %arg10[%swap3A_99, %swap3A_100], %add3A_98 {strides = array<i32>} : memref<512x1xf32, #tpu.memory_space<vmem>>, vector<512x1xf32>,
    %eq3A_102 = arith.constant 7 : i32
    %eq3A_103 = arith.cmpi eq, %arg1, %eq3A_102 : i32
    %convert_element_type3A_104 = arith.extui %eq3A_103 : i1 to i32
    %cond3A_105 = arith.constant 0 : i32
    %cond3A_106 = arith.cmpi ne, %convert_element_type3A_104, %cond3A_105 : i32
    scf.if %cond3A_106 {
      %get3A_107 = arith.constant 0 : index
      %get3A_108 = arith.constant 0 : index
      %get3A_109 = vector.load %arg9[%get3A_107, %get3A_108] : memref<512x1xf32, #tpu.memory_space<vmem>>, vector<512x1xf32>
      %swap3A_110 = arith.constant 0 : index
      %swap3A_111 = arith.constant 0 : index
      %swap3A_112 = vector.load %arg7[%swap3A_110, %swap3A_111] : memref<512x1xf32, #tpu.memory_space<vmem>>, vector<512x1xf32>
      tpu.vector_store %arg7[%swap3A_110, %swap3A_111], %get3A_109 {strides = array<i32>} : memref<512x1xf32, #tpu.memory_space<vmem>>, vector<512x1xf32>,
      %get3A_113 = arith.constant 0 : index
      %get3A_114 = arith.constant 0 : index
      %get3A_115 = vector.load %arg10[%get3A_113, %get3A_114] : memref<512x1xf32, #tpu.memory_space<vmem>>, vector<512x1xf32>
      %swap3A_116 = arith.constant 0 : index
      %swap3A_117 = arith.constant 0 : index
      %swap3A_118 = vector.load %arg8[%swap3A_116, %swap3A_117] : memref<512x1xf32, #tpu.memory_space<vmem>>, vector<512x1xf32>
      tpu.vector_store %arg8[%swap3A_116, %swap3A_117], %get3A_115 {strides = array<i32>} : memref<512x1xf32, #tpu.memory_space<vmem>>, vector<512x1xf32>,
    } else {
    }
    return
  }
  func.func @transform_0(%arg0: i32, %arg1: i32) -> (i32, i32) {
    %c0_i32 = arith.constant 0 : i32
    return %arg0, %arg1 : i32, i32
  }
  func.func @transform_1(%arg0: i32, %arg1: i32) -> (i32, i32) {
    %c0_i32 = arith.constant 0 : i32
    return %arg1, %arg0 : i32, i32
  }
  func.func @transform_2(%arg0: i32, %arg1: i32) -> (i32, i32) {
    %c0_i32 = arith.constant 0 : i32
    return %arg0, %arg1 : i32, i32
  }
  func.func @transform_3(%arg0: i32, %arg1: i32) -> i32 {
    %c0_i32 = arith.constant 0 : i32
    %c0_i32_0 = arith.constant 0 : i32
    return %c0_i32 : i32
  }
  func.func @transform_4(%arg0: i32, %arg1: i32) -> (i32, i32) {
    %c0_i32 = arith.constant 0 : i32
    return %arg0, %arg1 : i32, i32
  }
  func.func @transform_5(%arg0: i32, %arg1: i32) -> (i32, i32) {
    %c0_i32 = arith.constant 0 : i32
    %c0_i32_0 = arith.constant 0 : i32
    return %arg0, %c0_i32 : i32, i32
  }
  func.func @transform_6(%arg0: i32, %arg1: i32) -> (i32, i32) {
    %c0_i32 = arith.constant 0 : i32
    %c0_i32_0 = arith.constant 0 : i32
    return %arg0, %c0_i32 : i32, i32
  }
}

module attributes {stable_mosaic.version = 14 : i64} {
  func.func @_gcn1_body(%arg0: i32, %arg1: i32, %arg2: memref<512x512xf32, #tpu.memory_space<vmem>>, %arg3: memref<512x256xf32, #tpu.memory_space<vmem>>, %arg4: memref<512x256xf32, #tpu.memory_space<vmem>>, %arg5: memref<512x1xf32, #tpu.memory_space<vmem>>, %arg6: memref<256x128xf32, #tpu.memory_space<vmem>>, %arg7: memref<256x128xf32, #tpu.memory_space<vmem>>, %arg8: memref<1x128xf32, #tpu.memory_space<vmem>>, %arg9: memref<512x128xf32, #tpu.memory_space<vmem>>, %arg10: memref<512x256xf32, #tpu.memory_space<vmem>>) attributes {dimension_semantics = [#tpu.dimension_semantics<arbitrary>, #tpu.dimension_semantics<arbitrary>], iteration_bounds = array<i64: 8, 8>, scalar_prefetch = 0 : i64, scratch_operands = 1 : i64, tpu.core_type = #tpu.core_type<tc>, window_params = [{transform_indices = @transform_0, window_bounds = array<i64: 512, 512>}, {transform_indices = @transform_1, window_bounds = array<i64: 512, 256>}, {transform_indices = @transform_2, window_bounds = array<i64: 512, 256>}, {transform_indices = @transform_3, window_bounds = array<i64: 512, 1>}, {pipeline_mode = #tpu.pipeline_mode<synchronous>, transform_indices = @transform_4, window_bounds = array<i64: 256, 128>}, {pipeline_mode = #tpu.pipeline_mode<synchronous>, transform_indices = @transform_5, window_bounds = array<i64: 256, 128>}, {pipeline_mode = #tpu.pipeline_mode<synchronous>, transform_indices = @transform_6, window_bounds = array<i64: 1, 128>}, {transform_indices = @transform_7, window_bounds = array<i64: 512, 128>}]} {
    %eq3A = arith.constant 0 : i32
    %eq3A_0 = arith.cmpi eq, %arg1, %eq3A : i32
    %convert_element_type3A = arith.extui %eq3A_0 : i1 to i32
    %cond3A = arith.constant 0 : i32
    %cond3A_1 = arith.cmpi ne, %convert_element_type3A, %cond3A : i32
    scf.if %cond3A_1 {
      %broadcast_in_dim3A = arith.constant 0.000000e+00 : f32
      %broadcast_in_dim3A_18 = vector.broadcast %broadcast_in_dim3A : f32 to vector<512x256xf32>
      %swap3A_19 = arith.constant 0 : index
      %swap3A_20 = arith.constant 0 : index
      %swap3A_21 = vector.load %arg10[%swap3A_19, %swap3A_20] : memref<512x256xf32, #tpu.memory_space<vmem>>, vector<512x256xf32>
      tpu.vector_store %arg10[%swap3A_19, %swap3A_20], %broadcast_in_dim3A_18 {strides = array<i32>} : memref<512x256xf32, #tpu.memory_space<vmem>>, vector<512x256xf32>,
    } else {
    }
    %get3A = arith.constant 0 : index
    %get3A_2 = arith.constant 0 : index
    %get3A_3 = vector.load %arg10[%get3A, %get3A_2] : memref<512x256xf32, #tpu.memory_space<vmem>>, vector<512x256xf32>
    %get3A_4 = arith.constant 0 : index
    %get3A_5 = arith.constant 0 : index
    %get3A_6 = vector.load %arg2[%get3A_4, %get3A_5] : memref<512x512xf32, #tpu.memory_space<vmem>>, vector<512x512xf32>
    %get3A_7 = arith.constant 0 : index
    %get3A_8 = arith.constant 0 : index
    %get3A_9 = vector.load %arg3[%get3A_7, %get3A_8] : memref<512x256xf32, #tpu.memory_space<vmem>>, vector<512x256xf32>
    %dot_general3A = arith.constant dense<0.000000e+00> : vector<512x256xf32>
    %dot_general3A_10 = tpu.matmul %get3A_6, %get3A_9, %dot_general3A {dimension_numbers = #tpu.dot_dimension_numbers<[1], [0], [0], [1], [0, 0, 1, 1], [], []>, transpose_lhs_hint = false} : vector<512x512xf32>, vector<512x256xf32>, vector<512x256xf32> -> vector<512x256xf32>
    %add3A = arith.addf %get3A_3, %dot_general3A_10 : vector<512x256xf32>
    %swap3A = arith.constant 0 : index
    %swap3A_11 = arith.constant 0 : index
    %swap3A_12 = vector.load %arg10[%swap3A, %swap3A_11] : memref<512x256xf32, #tpu.memory_space<vmem>>, vector<512x256xf32>
    tpu.vector_store %arg10[%swap3A, %swap3A_11], %add3A {strides = array<i32>} : memref<512x256xf32, #tpu.memory_space<vmem>>, vector<512x256xf32>,
    %eq3A_13 = arith.constant 7 : i32
    %eq3A_14 = arith.cmpi eq, %arg1, %eq3A_13 : i32
    %convert_element_type3A_15 = arith.extui %eq3A_14 : i1 to i32
    %cond3A_16 = arith.constant 0 : i32
    %cond3A_17 = arith.cmpi ne, %convert_element_type3A_15, %cond3A_16 : i32
    scf.if %cond3A_17 {
      %get3A_18 = arith.constant 0 : index
      %get3A_19 = arith.constant 0 : index
      %get3A_20 = vector.load %arg10[%get3A_18, %get3A_19] : memref<512x256xf32, #tpu.memory_space<vmem>>, vector<512x256xf32>
      %get3A_21 = arith.constant 0 : index
      %get3A_22 = arith.constant 0 : index
      %get3A_23 = vector.load %arg5[%get3A_21, %get3A_22] : memref<512x1xf32, #tpu.memory_space<vmem>>, vector<512x1xf32>
      %mul3A = vector.broadcast %get3A_23 : vector<512x1xf32> to vector<512x256xf32>
      %mul3A_24 = arith.mulf %get3A_20, %mul3A : vector<512x256xf32>
      %get3A_25 = arith.constant 0 : index
      %get3A_26 = arith.constant 0 : index
      %get3A_27 = vector.load %arg4[%get3A_25, %get3A_26] : memref<512x256xf32, #tpu.memory_space<vmem>>, vector<512x256xf32>
      %get3A_28 = arith.constant 0 : index
      %get3A_29 = arith.constant 0 : index
      %get3A_30 = vector.load %arg6[%get3A_28, %get3A_29] : memref<256x128xf32, #tpu.memory_space<vmem>>, vector<256x128xf32>
      %dot_general3A_31 = arith.constant dense<0.000000e+00> : vector<512x128xf32>
      %dot_general3A_32 = tpu.matmul %get3A_27, %get3A_30, %dot_general3A_31 {dimension_numbers = #tpu.dot_dimension_numbers<[1], [0], [0], [1], [0, 0, 1, 1], [], []>, transpose_lhs_hint = false} : vector<512x256xf32>, vector<256x128xf32>, vector<512x128xf32> -> vector<512x128xf32>
      %get3A_33 = arith.constant 0 : index
      %get3A_34 = arith.constant 0 : index
      %get3A_35 = vector.load %arg7[%get3A_33, %get3A_34] : memref<256x128xf32, #tpu.memory_space<vmem>>, vector<256x128xf32>
      %dot_general3A_36 = arith.constant dense<0.000000e+00> : vector<512x128xf32>
      %dot_general3A_37 = tpu.matmul %mul3A_24, %get3A_35, %dot_general3A_36 {dimension_numbers = #tpu.dot_dimension_numbers<[1], [0], [0], [1], [0, 0, 1, 1], [], []>, transpose_lhs_hint = false} : vector<512x256xf32>, vector<256x128xf32>, vector<512x128xf32> -> vector<512x128xf32>
      %add3A_38 = arith.addf %dot_general3A_32, %dot_general3A_37 : vector<512x128xf32>
      %get3A_39 = arith.constant 0 : index
      %get3A_40 = arith.constant 0 : index
      %get3A_41 = vector.load %arg8[%get3A_39, %get3A_40] : memref<1x128xf32, #tpu.memory_space<vmem>>, vector<1x128xf32>
      %add3A_42 = vector.broadcast %get3A_41 : vector<1x128xf32> to vector<512x128xf32>
      %add3A_43 = arith.addf %add3A_38, %add3A_42 : vector<512x128xf32>
      %max3A = arith.constant 0.000000e+00 : f32
      %max3A_44 = vector.broadcast %max3A : f32 to vector<512x128xf32>
      %max3A_45 = arith.maximumf %add3A_43, %max3A_44 : vector<512x128xf32>
      %swap3A_46 = arith.constant 0 : index
      %swap3A_47 = arith.constant 0 : index
      %swap3A_48 = vector.load %arg9[%swap3A_46, %swap3A_47] : memref<512x128xf32, #tpu.memory_space<vmem>>, vector<512x128xf32>
      tpu.vector_store %arg9[%swap3A_46, %swap3A_47], %max3A_45 {strides = array<i32>} : memref<512x128xf32, #tpu.memory_space<vmem>>, vector<512x128xf32>,
    } else {
    }
    return
  }
  func.func @transform_0(%arg0: i32, %arg1: i32) -> (i32, i32) {
    %c0_i32 = arith.constant 0 : i32
    return %arg0, %arg1 : i32, i32
  }
  func.func @transform_1(%arg0: i32, %arg1: i32) -> (i32, i32) {
    %c0_i32 = arith.constant 0 : i32
    %c0_i32_0 = arith.constant 0 : i32
    return %arg1, %c0_i32 : i32, i32
  }
  func.func @transform_2(%arg0: i32, %arg1: i32) -> (i32, i32) {
    %c0_i32 = arith.constant 0 : i32
    %c0_i32_0 = arith.constant 0 : i32
    return %arg0, %c0_i32 : i32, i32
  }
  func.func @transform_3(%arg0: i32, %arg1: i32) -> (i32, i32) {
    %c0_i32 = arith.constant 0 : i32
    %c0_i32_0 = arith.constant 0 : i32
    return %arg0, %c0_i32 : i32, i32
  }
  func.func @transform_4(%arg0: i32, %arg1: i32) -> (i32, i32) {
    %c0_i32 = arith.constant 0 : i32
    %c0_i32_0 = arith.constant 0 : i32
    %c0_i32_1 = arith.constant 0 : i32
    return %c0_i32, %c0_i32_0 : i32, i32
  }
  func.func @transform_5(%arg0: i32, %arg1: i32) -> (i32, i32) {
    %c0_i32 = arith.constant 0 : i32
    %c0_i32_0 = arith.constant 0 : i32
    %c0_i32_1 = arith.constant 0 : i32
    return %c0_i32, %c0_i32_0 : i32, i32
  }
  func.func @transform_6(%arg0: i32, %arg1: i32) -> (i32, i32) {
    %c0_i32 = arith.constant 0 : i32
    %c0_i32_0 = arith.constant 0 : i32
    %c0_i32_1 = arith.constant 0 : i32
    return %c0_i32, %c0_i32_0 : i32, i32
  }
  func.func @transform_7(%arg0: i32, %arg1: i32) -> (i32, i32) {
    %c0_i32 = arith.constant 0 : i32
    %c0_i32_0 = arith.constant 0 : i32
    return %arg0, %c0_i32 : i32, i32
  }
}

module attributes {stable_mosaic.version = 14 : i64} {
  func.func @_gcn2_body(%arg0: i32, %arg1: i32, %arg2: memref<512x512xf32, #tpu.memory_space<vmem>>, %arg3: memref<512x128xf32, #tpu.memory_space<vmem>>, %arg4: memref<512x128xf32, #tpu.memory_space<vmem>>, %arg5: memref<512x1xf32, #tpu.memory_space<vmem>>, %arg6: memref<128x128xf32, #tpu.memory_space<vmem>>, %arg7: memref<128x128xf32, #tpu.memory_space<vmem>>, %arg8: memref<1x128xf32, #tpu.memory_space<vmem>>, %arg9: memref<40x128xf32, #tpu.memory_space<vmem>>, %arg10: memref<512x128xf32, #tpu.memory_space<vmem>>, %arg11: memref<512x128xf32, #tpu.memory_space<vmem>>, %arg12: memref<512x40xf32, #tpu.memory_space<vmem>>, %arg13: memref<512x40xf32, #tpu.memory_space<vmem>>, %arg14: memref<512x128xf32, #tpu.memory_space<vmem>>) attributes {dimension_semantics = [#tpu.dimension_semantics<arbitrary>, #tpu.dimension_semantics<arbitrary>], iteration_bounds = array<i64: 8, 8>, scalar_prefetch = 0 : i64, scratch_operands = 1 : i64, tpu.core_type = #tpu.core_type<tc>, window_params = [{transform_indices = @transform_0, window_bounds = array<i64: 512, 512>}, {transform_indices = @transform_1, window_bounds = array<i64: 512, 128>}, {transform_indices = @transform_2, window_bounds = array<i64: 512, 128>}, {transform_indices = @transform_3, window_bounds = array<i64: 512, 1>}, {pipeline_mode = #tpu.pipeline_mode<synchronous>, transform_indices = @transform_4, window_bounds = array<i64: 128, 128>}, {pipeline_mode = #tpu.pipeline_mode<synchronous>, transform_indices = @transform_5, window_bounds = array<i64: 128, 128>}, {pipeline_mode = #tpu.pipeline_mode<synchronous>, transform_indices = @transform_6, window_bounds = array<i64: 1, 128>}, {pipeline_mode = #tpu.pipeline_mode<synchronous>, transform_indices = @transform_7, window_bounds = array<i64: 40, 128>}, {transform_indices = @transform_8, window_bounds = array<i64: 512, 128>}, {transform_indices = @transform_9, window_bounds = array<i64: 512, 128>}, {transform_indices = @transform_10, window_bounds = array<i64: 512, 40>}, {transform_indices = @transform_11, window_bounds = array<i64: 512, 40>}]} {
    %eq3A = arith.constant 0 : i32
    %eq3A_0 = arith.cmpi eq, %arg1, %eq3A : i32
    %convert_element_type3A = arith.extui %eq3A_0 : i1 to i32
    %cond3A = arith.constant 0 : i32
    %cond3A_1 = arith.cmpi ne, %convert_element_type3A, %cond3A : i32
    scf.if %cond3A_1 {
      %broadcast_in_dim3A = arith.constant 0.000000e+00 : f32
      %broadcast_in_dim3A_18 = vector.broadcast %broadcast_in_dim3A : f32 to vector<512x128xf32>
      %swap3A_19 = arith.constant 0 : index
      %swap3A_20 = arith.constant 0 : index
      %swap3A_21 = vector.load %arg14[%swap3A_19, %swap3A_20] : memref<512x128xf32, #tpu.memory_space<vmem>>, vector<512x128xf32>
      tpu.vector_store %arg14[%swap3A_19, %swap3A_20], %broadcast_in_dim3A_18 {strides = array<i32>} : memref<512x128xf32, #tpu.memory_space<vmem>>, vector<512x128xf32>,
    } else {
    }
    %get3A = arith.constant 0 : index
    %get3A_2 = arith.constant 0 : index
    %get3A_3 = vector.load %arg14[%get3A, %get3A_2] : memref<512x128xf32, #tpu.memory_space<vmem>>, vector<512x128xf32>
    %get3A_4 = arith.constant 0 : index
    %get3A_5 = arith.constant 0 : index
    %get3A_6 = vector.load %arg2[%get3A_4, %get3A_5] : memref<512x512xf32, #tpu.memory_space<vmem>>, vector<512x512xf32>
    %get3A_7 = arith.constant 0 : index
    %get3A_8 = arith.constant 0 : index
    %get3A_9 = vector.load %arg3[%get3A_7, %get3A_8] : memref<512x128xf32, #tpu.memory_space<vmem>>, vector<512x128xf32>
    %dot_general3A = arith.constant dense<0.000000e+00> : vector<512x128xf32>
    %dot_general3A_10 = tpu.matmul %get3A_6, %get3A_9, %dot_general3A {dimension_numbers = #tpu.dot_dimension_numbers<[1], [0], [0], [1], [0, 0, 1, 1], [], []>, transpose_lhs_hint = false} : vector<512x512xf32>, vector<512x128xf32>, vector<512x128xf32> -> vector<512x128xf32>
    %add3A = arith.addf %get3A_3, %dot_general3A_10 : vector<512x128xf32>
    %swap3A = arith.constant 0 : index
    %swap3A_11 = arith.constant 0 : index
    %swap3A_12 = vector.load %arg14[%swap3A, %swap3A_11] : memref<512x128xf32, #tpu.memory_space<vmem>>, vector<512x128xf32>
    tpu.vector_store %arg14[%swap3A, %swap3A_11], %add3A {strides = array<i32>} : memref<512x128xf32, #tpu.memory_space<vmem>>, vector<512x128xf32>,
    %eq3A_13 = arith.constant 7 : i32
    %eq3A_14 = arith.cmpi eq, %arg1, %eq3A_13 : i32
    %convert_element_type3A_15 = arith.extui %eq3A_14 : i1 to i32
    %cond3A_16 = arith.constant 0 : i32
    %cond3A_17 = arith.cmpi ne, %convert_element_type3A_15, %cond3A_16 : i32
    scf.if %cond3A_17 {
      %get3A_18 = arith.constant 0 : index
      %get3A_19 = arith.constant 0 : index
      %get3A_20 = vector.load %arg14[%get3A_18, %get3A_19] : memref<512x128xf32, #tpu.memory_space<vmem>>, vector<512x128xf32>
      %get3A_21 = arith.constant 0 : index
      %get3A_22 = arith.constant 0 : index
      %get3A_23 = vector.load %arg5[%get3A_21, %get3A_22] : memref<512x1xf32, #tpu.memory_space<vmem>>, vector<512x1xf32>
      %mul3A = vector.broadcast %get3A_23 : vector<512x1xf32> to vector<512x128xf32>
      %mul3A_24 = arith.mulf %get3A_20, %mul3A : vector<512x128xf32>
      %get3A_25 = arith.constant 0 : index
      %get3A_26 = arith.constant 0 : index
      %get3A_27 = vector.load %arg4[%get3A_25, %get3A_26] : memref<512x128xf32, #tpu.memory_space<vmem>>, vector<512x128xf32>
      %get3A_28 = arith.constant 0 : index
      %get3A_29 = arith.constant 0 : index
      %get3A_30 = vector.load %arg6[%get3A_28, %get3A_29] : memref<128x128xf32, #tpu.memory_space<vmem>>, vector<128x128xf32>
      %dot_general3A_31 = arith.constant dense<0.000000e+00> : vector<512x128xf32>
      %dot_general3A_32 = tpu.matmul %get3A_27, %get3A_30, %dot_general3A_31 {dimension_numbers = #tpu.dot_dimension_numbers<[1], [0], [0], [1], [0, 0, 1, 1], [], []>, transpose_lhs_hint = false} : vector<512x128xf32>, vector<128x128xf32>, vector<512x128xf32> -> vector<512x128xf32>
      %get3A_33 = arith.constant 0 : index
      %get3A_34 = arith.constant 0 : index
      %get3A_35 = vector.load %arg7[%get3A_33, %get3A_34] : memref<128x128xf32, #tpu.memory_space<vmem>>, vector<128x128xf32>
      %dot_general3A_36 = arith.constant dense<0.000000e+00> : vector<512x128xf32>
      %dot_general3A_37 = tpu.matmul %mul3A_24, %get3A_35, %dot_general3A_36 {dimension_numbers = #tpu.dot_dimension_numbers<[1], [0], [0], [1], [0, 0, 1, 1], [], []>, transpose_lhs_hint = false} : vector<512x128xf32>, vector<128x128xf32>, vector<512x128xf32> -> vector<512x128xf32>
      %add3A_38 = arith.addf %dot_general3A_32, %dot_general3A_37 : vector<512x128xf32>
      %get3A_39 = arith.constant 0 : index
      %get3A_40 = arith.constant 0 : index
      %get3A_41 = vector.load %arg8[%get3A_39, %get3A_40] : memref<1x128xf32, #tpu.memory_space<vmem>>, vector<1x128xf32>
      %add3A_42 = vector.broadcast %get3A_41 : vector<1x128xf32> to vector<512x128xf32>
      %add3A_43 = arith.addf %add3A_38, %add3A_42 : vector<512x128xf32>
      %reduce_max3A = arith.constant dense<0xFF800000> : vector<512xf32>
      %reduce_max3A_44 = vector.multi_reduction <maximumf>, %add3A_43, %reduce_max3A [1] : vector<512x128xf32> to vector<512xf32>
      %broadcast_in_dim3A = vector.shape_cast %reduce_max3A_44 : vector<512xf32> to vector<512x1xf32>
      %sub3A = vector.broadcast %broadcast_in_dim3A : vector<512x1xf32> to vector<512x128xf32>
      %sub3A_45 = arith.subf %add3A_43, %sub3A : vector<512x128xf32>
      %exp3A = math.exp %sub3A_45 : vector<512x128xf32>
      %reduce_sum3A = arith.constant dense<0.000000e+00> : vector<512xf32>
      %reduce_sum3A_46 = vector.multi_reduction <add>, %exp3A, %reduce_sum3A [1] : vector<512x128xf32> to vector<512xf32>
      %broadcast_in_dim3A_47 = vector.shape_cast %reduce_sum3A_46 : vector<512xf32> to vector<512x1xf32>
      %log3A = math.log %broadcast_in_dim3A_47 : vector<512x1xf32>
      %sub3A_48 = vector.broadcast %log3A : vector<512x1xf32> to vector<512x128xf32>
      %sub3A_49 = arith.subf %sub3A_45, %sub3A_48 : vector<512x128xf32>
      %swap3A_50 = arith.constant 0 : index
      %swap3A_51 = arith.constant 0 : index
      %swap3A_52 = vector.load %arg11[%swap3A_50, %swap3A_51] : memref<512x128xf32, #tpu.memory_space<vmem>>, vector<512x128xf32>
      tpu.vector_store %arg11[%swap3A_50, %swap3A_51], %sub3A_49 {strides = array<i32>} : memref<512x128xf32, #tpu.memory_space<vmem>>, vector<512x128xf32>,
      %get3A_53 = arith.constant 0 : index
      %get3A_54 = arith.constant 0 : index
      %get3A_55 = vector.load %arg9[%get3A_53, %get3A_54] : memref<40x128xf32, #tpu.memory_space<vmem>>, vector<40x128xf32>
      %dot_general3A_56 = arith.constant dense<0.000000e+00> : vector<512x40xf32>
      %dot_general3A_57 = tpu.matmul %sub3A_49, %get3A_55, %dot_general3A_56 {dimension_numbers = #tpu.dot_dimension_numbers<[1], [1], [0], [0], [0, 0, 1, 0], [], []>, transpose_lhs_hint = false} : vector<512x128xf32>, vector<40x128xf32>, vector<512x40xf32> -> vector<512x40xf32>
      %swap3A_58 = arith.constant 0 : index
      %swap3A_59 = arith.constant 0 : index
      %swap3A_60 = vector.load %arg12[%swap3A_58, %swap3A_59] : memref<512x40xf32, #tpu.memory_space<vmem>>, vector<512x40xf32>
      tpu.vector_store %arg12[%swap3A_58, %swap3A_59], %dot_general3A_57 {strides = array<i32>} : memref<512x40xf32, #tpu.memory_space<vmem>>, vector<512x40xf32>,
      %get3A_61 = arith.constant 0 : index
      %get3A_62 = arith.constant 0 : index
      %get3A_63 = vector.load %arg10[%get3A_61, %get3A_62] : memref<512x128xf32, #tpu.memory_space<vmem>>, vector<512x128xf32>
      %get3A_64 = arith.constant 0 : index
      %get3A_65 = arith.constant 0 : index
      %get3A_66 = vector.load %arg9[%get3A_64, %get3A_65] : memref<40x128xf32, #tpu.memory_space<vmem>>, vector<40x128xf32>
      %dot_general3A_67 = arith.constant dense<0.000000e+00> : vector<512x40xf32>
      %dot_general3A_68 = tpu.matmul %get3A_63, %get3A_66, %dot_general3A_67 {dimension_numbers = #tpu.dot_dimension_numbers<[1], [1], [0], [0], [0, 0, 1, 0], [], []>, transpose_lhs_hint = false} : vector<512x128xf32>, vector<40x128xf32>, vector<512x40xf32> -> vector<512x40xf32>
      %swap3A_69 = arith.constant 0 : index
      %swap3A_70 = arith.constant 0 : index
      %swap3A_71 = vector.load %arg13[%swap3A_69, %swap3A_70] : memref<512x40xf32, #tpu.memory_space<vmem>>, vector<512x40xf32>
      tpu.vector_store %arg13[%swap3A_69, %swap3A_70], %dot_general3A_68 {strides = array<i32>} : memref<512x40xf32, #tpu.memory_space<vmem>>, vector<512x40xf32>,
    } else {
    }
    return
  }
  func.func @transform_0(%arg0: i32, %arg1: i32) -> (i32, i32) {
    %c0_i32 = arith.constant 0 : i32
    return %arg0, %arg1 : i32, i32
  }
  func.func @transform_1(%arg0: i32, %arg1: i32) -> (i32, i32) {
    %c0_i32 = arith.constant 0 : i32
    %c0_i32_0 = arith.constant 0 : i32
    return %arg1, %c0_i32 : i32, i32
  }
  func.func @transform_2(%arg0: i32, %arg1: i32) -> (i32, i32) {
    %c0_i32 = arith.constant 0 : i32
    %c0_i32_0 = arith.constant 0 : i32
    return %arg0, %c0_i32 : i32, i32
  }
  func.func @transform_3(%arg0: i32, %arg1: i32) -> (i32, i32) {
    %c0_i32 = arith.constant 0 : i32
    %c0_i32_0 = arith.constant 0 : i32
    return %arg0, %c0_i32 : i32, i32
  }
  func.func @transform_4(%arg0: i32, %arg1: i32) -> (i32, i32) {
    %c0_i32 = arith.constant 0 : i32
    %c0_i32_0 = arith.constant 0 : i32
    %c0_i32_1 = arith.constant 0 : i32
    return %c0_i32, %c0_i32_0 : i32, i32
  }
  func.func @transform_5(%arg0: i32, %arg1: i32) -> (i32, i32) {
    %c0_i32 = arith.constant 0 : i32
    %c0_i32_0 = arith.constant 0 : i32
    %c0_i32_1 = arith.constant 0 : i32
    return %c0_i32, %c0_i32_0 : i32, i32
  }
  func.func @transform_6(%arg0: i32, %arg1: i32) -> (i32, i32) {
    %c0_i32 = arith.constant 0 : i32
    %c0_i32_0 = arith.constant 0 : i32
    %c0_i32_1 = arith.constant 0 : i32
    return %c0_i32, %c0_i32_0 : i32, i32
  }
  func.func @transform_7(%arg0: i32, %arg1: i32) -> (i32, i32) {
    %c0_i32 = arith.constant 0 : i32
    %c0_i32_0 = arith.constant 0 : i32
    %c0_i32_1 = arith.constant 0 : i32
    return %c0_i32, %c0_i32_0 : i32, i32
  }
  func.func @transform_8(%arg0: i32, %arg1: i32) -> (i32, i32) {
    %c0_i32 = arith.constant 0 : i32
    %c0_i32_0 = arith.constant 0 : i32
    return %arg0, %c0_i32 : i32, i32
  }
  func.func @transform_9(%arg0: i32, %arg1: i32) -> (i32, i32) {
    %c0_i32 = arith.constant 0 : i32
    %c0_i32_0 = arith.constant 0 : i32
    return %arg0, %c0_i32 : i32, i32
  }
  func.func @transform_10(%arg0: i32, %arg1: i32) -> (i32, i32) {
    %c0_i32 = arith.constant 0 : i32
    %c0_i32_0 = arith.constant 0 : i32
    return %arg0, %c0_i32 : i32, i32
  }
  func.func @transform_11(%arg0: i32, %arg1: i32) -> (i32, i32) {
    %c0_i32 = arith.constant 0 : i32
    %c0_i32_0 = arith.constant 0 : i32
    return %arg0, %c0_i32 : i32, i32
  }
}

</mosaic_0001>

<sc_bundles>
// kernel: kernel.17.cloned.1.call-start
scs
__scs_entry_jumppad:
0x0: {  	(pc) =	sbr.rel $0x88, $3  }
0x1: {  	(tag) =	ssettag $0x0;
	lr =	simm.s32 $0x1  }
0x2: {  	[smem:$0x3F96] =	sst lr;
	_ =	strace $0xD0000000  }
0x3: {  	_ = 	snop  }
0x4: {  	_ = 	snop  }
0x5: {  	_ = 	snop  }
0x6: {  	_ = 	snop  }
0x7: {  	_ = 	snop  }
__scs_overlays_trampoline_lowered:
0x8: {  	[smem:$0x3FA5] =	sst s0  }
0x9: {  	[smem:$0x3FA6] =	sst s1  }
0xa: {  	[smem:$0x3FA7] =	sst s2  }
0xb: {  	[smem:$0x3FA8] =	sst s3  }
0xc: {  	[smem:$0x3FA9] =	sst s4  }
0xd: {  	[smem:$0x3FAA] =	sst s5  }
0xe: {  	[smem:$0x3FAB] =	sst s6  }
0xf: {  	[smem:$0x3FAC] =	sst s7  }
0x10: {  	[smem:$0x3FAD] =	sst s8  }
0x11: {  	[smem:$0x3FAE] =	sst s9;
	s0 =	simm.s32 @!p0 $0x0  }
0x12: {  	s1 =	sld [smem:$0x3F94];
	s0 =	simm.s32 @p0 $0x1  }
0x13: {  	[smem:$0x3FAF] =	sst s0;
	s0 =	simm.s32 @!p1 $0x0  }
0x14: {  	s2 =	sld [smem:$0x3F93];
	s0 =	simm.s32 @p1 $0x1  }
0x15: {  	[smem:$0x3FB0] =	sst s0;
	s0 =	simm.s32 @!p2 $0x0  }
0x16: {  	s3 =	sld [smem:$0x3FDB];
	s0 =	simm.s32 @p2 $0x1  }
0x17: {  	s4 =	simm.s32 $0x1BF5;
	[smem:$0x3FB2] =	sst s0  }
0x18: {  	s0 =	sld [smem:$0x3F95];
	_ =	swait.ge [sflag:s4], $0x0  }
0x19: {  	s7 =	sld [smem:$0x3F96]  }
0x1a: {  	s8 =	sadd.s32 $0xFFFFE003, lr  }
0x1b: {  	s9 =	sadd.s32 $0xFFFFFEF7, lr;
	s5 =	simm.s32 $0xFFFFFFFF;
	p2 =	slt.u32 s8, $0xFFFFF086  }
0x1c: {  	p1 =	slt.u32 s9, $0xF7A;
	s5 =	simm.s32 @!p2 $0x0  }
0x1d: {  	s5 =	simm.s32 @p1 $0x1;
	p0 =	seq.s32 s7, s2  }
0x1e: {  	s7 =	smul.u32 @!p0 $0xF7A, s2;
	p2 =	seq.s32 @!p0 s5, $0x0  }
0x1f: {  	s9 =	smul.u32 $0xF7A, s1;
	s8 =	simm.s32 @!p0 $0x1BF5;
	p2 =	por !p2, p0  }
0x20: {  	[sflag:s8] =	ssyncset.s32 @!p0 $0xFFFFF086;
	s6 =	sadd.s32 @!p0 s3, s7;
	s7 =	simm.s32 @!p0 $0x108  }
0x21: {  	s3 =	sadd.s32 s3, s9;
	s6 =	sadd.s32 @!p0 $0x88, s6;
	s7 =	simm.s32 @p2 $0x1082  }
0x22: {  	[simem:s7], [sflag:s8] =	dma.local @!p0 [hbm:s6], $0xF7A  }
0x23: {  	s9 =	sor.u32 $0xD0000000, s2;
	s6 =	simm.s32 $0x108;
	_ =	swait.ge @!p0 [sflag:s8], $0x0  }
0x24: {  	s3 =	sadd.s32 $0x88, s3;
	s6 =	simm.s32 @!p1 $0x1082;
	[sflag:s4] =	ssyncset.s32 $0xFFFFF086  }
0x25: {  	[simem:s6], [sflag:s4] =	dma.local [hbm:s3], $0xF7A  }
0x26: {  	[smem:$0x3F96] =	sst s1;
	(tag) =	ssettag s2;
	_ =	strace s9  }
0x27: {  	s1 =	sld [smem:$0x3FA6]  }
0x28: {  	s2 =	sld [smem:$0x3FA7]  }
0x29: {  	s4 =	sld [smem:$0x3FA9]  }
0x2a: {  	p0 =	seq.s32 s5, $0x0;
	s5 =	sld [smem:$0x3FAA]  }
0x2b: {  	s6 =	sld [smem:$0x3FAB]  }
0x2c: {  	s7 =	sld [smem:$0x3FAC]  }
0x2d: {  	s3 =	simm.s32 $0x108;
	s8 =	sld [smem:$0x3FAD]  }
0x2e: {  	s3 =	simm.s32 @!p0 $0x1082;
	s9 =	sld [smem:$0x3FAE]  }
0x2f: {  	lr =	sadd.s32 s0, s3;
	s0 =	sld [smem:$0x3FA5]  }
0x30: {  	s3 =	sld [smem:$0x3FA8]  }
0x31: {  	[smem:$0x3FB1] =	sst s10  }
0x32: {  	s10 =	sld [smem:$0x3FAF];
	_ =	sdelay $0x3  }
0x33: {  	p0 =	seq.s32 s10, $0x1;
	s10 =	sld [smem:$0x3FB1];
	_ =	sdelay $0x3  }
0x34: {  	[smem:$0x3FB1] =	sst s10  }
0x35: {  	s10 =	sld [smem:$0x3FB0];
	_ =	sdelay $0x3  }
0x36: {  	p1 =	seq.s32 s10, $0x1;
	s10 =	sld [smem:$0x3FB1];
	_ =	sdelay $0x3  }
0x37: {  	[smem:$0x3FB1] =	sst s10  }
0x38: {  	s10 =	sld [smem:$0x3FB2]  }
0x39: {  	_ = 	snop;
	(pc) =	sbr.ind lr, $3  }
0x3a: {  	_ = 	snop  }
0x3b: {  	_ = 	snop  }
0x3c: {  	p2 =	seq.s32 s10, $0x1;
	s10 =	sld [smem:$0x3FB1]  }
0x3d: {  	_ =	shalt  }
0x3e: {  	_ =	shalt  }
0x3f: {  	_ =	shalt  }
0x40: {  	_ =	shalt  }
0x41: {  	_ =	shalt  }
0x42: {  	_ =	shalt  }
0x43: {  	_ =	shalt  }
0x44: {  	_ =	shalt  }
0x45: {  	_ =	shalt  }
0x46: {  	_ =	shalt  }
0x47: {  	_ =	shalt  }
0x48: {  	_ =	shalt  }
0x49: {  	_ =	shalt  }
0x4a: {  	_ =	shalt  }
0x4b: {  	_ =	shalt  }
0x4c: {  	_ =	shalt  }
0x4d: {  	_ =	shalt  }
0x4e: {  	_ =	shalt  }
0x4f: {  	_ =	shalt  }
0x50: {  	_ =	shalt  }
0x51: {  	_ =	shalt  }
0x52: {  	_ =	shalt  }
0x53: {  	_ =	shalt  }
0x54: {  	_ =	shalt  }
0x55: {  	_ =	shalt  }
0x56: {  	_ =	shalt  }
0x57: {  	_ =	shalt  }
0x58: {  	_ =	shalt  }
0x59: {  	_ =	shalt  }
0x5a: {  	_ =	shalt  }
0x5b: {  	_ =	shalt  }
0x5c: {  	_ =	shalt  }
0x5d: {  	_ =	shalt  }
0x5e: {  	_ =	shalt  }
0x5f: {  	_ =	shalt  }
0x60: {  	_ =	shalt  }
0x61: {  	_ =	shalt  }
0x62: {  	_ =	shalt  }
0x63: {  	_ =	shalt  }
0x64: {  	_ =	shalt  }
0x65: {  	_ =	shalt  }
0x66: {  	_ =	shalt  }
0x67: {  	_ =	shalt  }
0x68: {  	_ =	shalt  }
0x69: {  	_ =	shalt  }
0x6a: {  	_ =	shalt  }
0x6b: {  	_ =	shalt  }
0x6c: {  	_ =	shalt  }
0x6d: {  	_ =	shalt  }
0x6e: {  	_ =	shalt  }
0x6f: {  	_ =	shalt  }
0x70: {  	_ =	shalt  }
0x71: {  	_ =	shalt  }
0x72: {  	_ =	shalt  }
0x73: {  	_ =	shalt  }
0x74: {  	_ =	shalt  }
0x75: {  	_ =	shalt  }
0x76: {  	_ =	shalt  }
0x77: {  	_ =	shalt  }
0x78: {  	_ =	shalt  }
0x79: {  	_ =	shalt  }
0x7a: {  	_ =	shalt  }
0x7b: {  	_ =	shalt  }
0x7c: {  	_ =	shalt  }
0x7d: {  	_ =	shalt  }
0x7e: {  	_ =	shalt  }
0x7f: {  	_ =	shalt  }
0x80: {  	_ =	shalt  }
0x81: {  	_ =	shalt  }
0x82: {  	_ =	shalt  }
0x83: {  	_ =	shalt  }
0x84: {  	_ =	shalt  }
0x85: {  	_ =	shalt  }
0x86: {  	_ =	shalt  }
0x87: {  	_ =	shalt  }
.Lfunc_end0:
.L_simem_size_0:
called_computation_lowered:
.L_overlay_start_0:
0x88: {  	s2 =	sld [smem:$0x3FD9]  }
0x89: {  	s3 =	sld [smem:$0x3FFE];
	_ =	sdelay $0x1  }
0x8a: {  	s1 =	srdreg.scid  }
0x8b: {  	s0 =	sand.u32 $0x1, s1  }
0x8c: {  	s14 =	sshll.u32 s0, $0xA;
	s2 =	sadd.s32 s3, s2  }
0x8d: {  	s2 =	sadd.s32 s2, s14  }
0x8e: {  	[smem:$0x3FBD] =	sst s2  }
0x8f: {  	_ = 	snop  }
0x90: {  	s2 =	sld [smem:$0x3FD0];
	_ =	sdelay $0x2  }
0x91: {  	s15 =	simm.s32 $0xA;
	s4 =	simm.s32 $0x10  }
0x92: {  	[smem:s4], [sflag:s15] =	dma.local [hbm:s2], $0x1  }
0x93: {  	_ =	swait.eq [sflag:s15], $0x1  }
0x94: {  	[sflag:s15] =	ssyncset.done $0x0  }
0x95: {  	[sflag:s15] =	ssyncadd.s32 $0xFFFFFFFF  }
0x96: {  	s16 =	sld [smem:$0x12];
	(tm) =	ssettm $0x1  }
0x97: {  	s17 =	sld [smem:$0x3FFB];
	_ =	sdelay $0x3  }
0x98: {  	_ =	strace s17  }
0x99: {  	s3 =	sld [smem:$0x3FFC];
	_ =	sdelay $0x3  }
0x9a: {  	_ =	strace s3  }
0x9b: {  	s3 =	sld [smem:$0x3FFD];
	_ =	sdelay $0x3  }
0x9c: {  	_ =	strace s3  }
0x9d: {  	_ =	strace $0x8FFFFFFF  }
0x9e: {  	s18 =	sld [smem:$0x3FDB];
	_ =	sdelay $0x1  }
0x9f: {  	s19 =	simm.s32 $_scs_section_size  }
0xa0: {  	s5 =	simm.s32 $_size__tile_overlayer_lowered;
	s6 =	simm.s32 $_tile_overlayer_lowered  }
0xa1: {  	s22 =	simm.s32 $0x1BFF;
	s21 =	sshll.u32 s6, $0x1;
	s3 =	sadd.s32 s19, s18  }
0xa2: {  	s7 =	simm.s32 $0x0;
	s20 =	sshll.u32 s5, $0x1;
	s5 =	sadd.s32 s21, s3  }
0xa3: {  	[timem:s7], [sflag:s22] =	dma.local [hbm:s5], s20  }
0xa4: {  	_ =	swait.ge [sflag:s22], s20  }
0xa5: {  	s4 =	ssub.s32 $0x0, s20;
	[sflag:s22] =	ssyncset.done $0x0  }
0xa6: {  	[sflag:s22] =	ssyncadd.s32 s4;
	_ =	sdelay $0x1  }
0xa7: {  	s23 =	simm.s32 $0x1B8B  }
0xa8: {  	_ =	swait.ge [sflag:s23], $0x1  }
0xa9: {  	[sflag:s23] =	ssyncset.done $0x0  }
0xaa: {  	s25 =	simm.s32 $0x1B8E;
	s24 =	sld [smem:$0x3FFE];
	[sflag:s23] =	ssyncadd.s32 $0xFFFFFFFF  }
0xab: {  	s26 =	simm.s32 $execute0_lowered;
	[smem:$0x3FD2] =	sst s25  }
0xac: {  	s5 =	sshll.u32 s26, $0x1;
	_ =	strace $0x80000046;
	[dreg:$0x1] =	wrdreg $0xFFFFFFFF  }
0xad: {  	s28 =	simm.s32 $_size_execute0_lowered;
	s3 =	sadd.s32 s3, s5;
	[dreg:$0x0] =	wrdreg $0x0  }
0xae: {  	s5 =	sshll.u32 s28, $0x1;
	[dreg:$0x2] =	wrdreg s3  }
0xaf: {  	[dreg:$0x3] =	wrdreg s5  }
0xb0: {  	[dreg:$0x4] =	wrdreg $0xC0  }
0xb1: {  	_ =	task [dreg:s7], $0x5FFFF  }
0xb2: {  	[dreg:$0x1] =	wrdreg $0xFFFFFFFF  }
0xb3: {  	[dreg:$0x0] =	wrdreg $0x60  }
0xb4: {  	[dreg:$0x2] =	wrdreg s24  }
0xb5: {  	[dreg:$0x3] =	wrdreg s16  }
0xb6: {  	[dreg:$0x4] =	wrdreg $0x9  }
0xb7: {  	_ =	task.clear_ibuf [dreg:s7], $0x5FFFF;
	_ =	strace $0x90000046  }
0xb8: {  	s29 =	simm.s32 $0x9;
	_ =	strace $0x80000048  }
0xb9: {  	_ =	swait.ge [sflag:s29], $0x1  }
0xba: {  	[sflag:s29] =	ssyncadd.s32 $0xFFFFFFFF  }
0xbb: {  	_ =	strace $0x90000048  }
0xbc: {  	_ =	sfence  }
0xbd: {  	s30 =	sld [smem:$0x0];
	_ =	sdelay $0x2  }
0xbe: {  	s31 =	sshll.u32 s1, $0xD;
	s1 =	sshrl.u32 s1, $0x2  }
0xbf: {  	s3 =	sand.u32 $0x4000, s31;
	s1 =	sadd.s32 s1, s30  }
0xc0: {  	s0 =	sor.u32 s3, s0;
	s1 =	sshll.u32 s1, $0x11  }
0xc1: {  	s0 =	sor.u32 s1, s0  }
0xc2: {  	s0 =	sadd.s32 $0x8F2B, s0  }
0xc3: {  	[sflag:s0] =	ssyncadd.remote.s32 $0x1  }
0xc4: {  	_ =	sfence.sel $0xFFFF  }
0xc5: {  	[dreg:$0x0] =	wrdreg $0xFFFFFFFF;
	(pc) =	sbr.abs _section_cstart, $3  }
0xc6: {  	[dreg:$0x1] =	wrdreg $0xFFFFFFFF  }
0xc7: {  	_ =	task.clear_ibuf [dreg:s7], $0x2FFFF;
	_ =	strace $0x9FFFFFFF  }
0xc8: {  	(tm) =	ssettm $0x7FFFFFFF  }
0xc9: {  	_ =	shalt  }
tec
execute0_lowered:
.L_overlay_start_1:
0x0: {  	(tag) =	ssettag $0x1  }
0x1: {  	s5 =	rddreg [dreg:$0x0];
	s1 =	srdreg.scid  }
0x2: {  	s0 =	stileid.u32;
	s2 =	rddreg [dreg:$0x1]  }
0x3: {  	s11 =	simm.s32 $0x80;
	s12 =	simm.s32 $0x400;
	s13 =	simm.s32 $0x4000  }
0x4: {  	s14 =	simm.s32 $0x1;
	s15 =	simm.s32 $0x8080;
	s16 =	simm.s32 $0x2  }
0x5: {  	s17 =	simm.s32 $0x0;
	s4 =	sand.u32 $0x1, s1;
	s3 =	sshll.u32 s0, $0x1  }
0x6: {  	s1 =	rddreg [dreg:$0x2];
	s6 =	sor.u32 s4, s3;
	s3 =	simm.s32 $0x0  }
0x7: {  	s9 =	ssub.s32 $0x2, s4;
	s7 =	sshll.u32 s6, $0x10;
	s8 =	sshll.u32 s6, $0x7  }
0x8: {  	s4 =	sadd.s32 $0x202E00, s5;
	[smem:$0x7FF] =	sst s3;
	s8 =	sor.u32 s8, s7  }
0x9: {  	s10 =	sshrl.u32 s9, $0x1;
	_ =	strace $0x80000047;
	s8 =	sand.u32 $0x180380, s8  }
0xa: {  	s9 =	ssub.s32 s9, s10;
	s10 =	simm.s32 $0x3;
	s8 =	sshrl.u32 s8, $0x3  }
0xb: {  	s8 =	sadd.s32 s8, s5;
	s5 =	sshll.u32 s6, $0x13;
	s6 =	sadd.s32 s4, s7  }
0xc: {  	v0 =	vimm.s32 $0x0;
	v1 =	vlaneseq.u32;
	v2 =	vimm.s32 $0x1;
	s7 =	sadd.s32 $0x402E00, s8;
	s8 =	smax.u32 s9, $0x1;
	s9 =	simm.s32 $0x8000  }
.LBB2_1:
0xd: {  	[tilespmem:s9], [sflag:$0x3] =	stream.linear.gather [hbm4b:s2+s3], $0x80, $0x38;
	[tilespmem:$0x18080] =	vst v63  }
0xe: {  	_ =	swait.ge [sflag:s10], $0x80  }
0xf: {  	[sflag:s10] =	ssyncset.done $0x0  }
0x10: {  	s18 =	simm.s32 $0x80C0;
	[sflag:s10] =	ssyncadd.s32 $0xFFFFFF80  }
0x11: {  	[tilespmem:s18+$0xFFFFFFC0] =	vst v0  }
0x12: {  	[tilespmem:s18+$0x30] =	vst v0  }
0x13: {  	[tilespmem:s18+$0x20] =	vst v0  }
0x14: {  	[tilespmem:s18+$0x10] =	vst v0  }
0x15: {  	[tilespmem:s18+$0x0] =	vst v0  }
0x16: {  	[tilespmem:s18+$0xFFFFFFF0] =	vst v0  }
0x17: {  	s19 =	simm.s32 $0x0;
	[tilespmem:s18+$0xFFFFFFE0] =	vst v0  }
.LBB2_2:
0x18: {  	s19 =	sadd.s32 $0x8, s19;
	[tilespmem:s18+$0xFFFFFFD0] =	vst v0;
	s18 =	sadd.s32 $0x80, s18  }
0x19: {  	[tilespmem:s18+$0xFFFFFFC0] =	vst v0;
	p0 =	slt.u32 s19, $0xFF8  }
0x1a: {  	[tilespmem:s18+$0x30] =	vst v0  }
.Ltmp0:
0x1b: {  	[tilespmem:s18+$0x20] =	vst v0;
	(pc) =	sbr.rel @p0 .LBB2_2-.Ltmp0, $4  }
0x1c: {  	[tilespmem:s18+$0x10] =	vst v0  }
0x1d: {  	[tilespmem:s18+$0x0] =	vst v0  }
0x1e: {  	[tilespmem:s18+$0xFFFFFFF0] =	vst v0  }
0x1f: {  	[tilespmem:s18+$0xFFFFFFE0] =	vst v0  }
0x20: {  	[tilespmem:s18+$0xFFFFFFD0] =	vst v0;
	s18 =	simm.s32 $0x0  }
0x21: {  	v3 =	vld [tilespmem:$0x8030];
	[tilespmem:s18], [sflag:$0x1] =	stream.strided.gather [hbm4b:s6+s11], $0x4000, s12, s11, $0x38  }
.LBB2_4:
0x22: {  	s19 =	sshll.u32 s18, $0x8;
	s20 =	sshll.u32 s18, $0xF  }
0x23: {  	s19 =	sand.u32 $0x300, s19;
	s20 =	sand.u32 $0x60000, s20  }
0x24: {  	s19 =	sor.u32 s20, s19  }
0x25: {  	s19 =	sor.u32 s5, s19  }
0x26: {  	s19 =	sshrl.u32 s19, $0x3  }
0x27: {  	s19 =	sadd.s32 s19, s4  }
0x28: {  	s31 =	sadd.s32 $0x10, s19;
	s19 =	simm.s32 $0x80  }
0x29: {  	[tilespmem:s13], [sflag:$0x2] =	stream.strided.gather [hbm4b:s31+s19], $0x4000, s12, s19, $0x38;
	[tilespmem:$0x18080] =	vst v63  }
0x2a: {  	_ =	swait.ge [sflag:s14], $0x4000  }
0x2b: {  	[sflag:s14] =	ssyncset.done $0x0  }
0x2c: {  	s20 =	simm.s32 $0xFFFFFFF0;
	[sflag:s14] =	ssyncadd.s32 $0xFFFFC000  }
.LBB2_5:
0x2d: {  	v4 =	vld [tilespmem:s19+$0xFFFFFF80];
	_ =	sdelay $0x4  }
0x2e: {  	v4 =	vshrl.u32 v4, v3  }
0x2f: {  	v4 =	vshll.u32 v4, $0x4  }
0x30: {  	v4 =	vor.u32 v1, v4;
	_ =	sdelay $0x4  }
0x31: {  	[tilespmem:v4+s15+$0x0] =	vst.idx.add.s32.msk $0xffff, v2  }
0x32: {  	v4 =	vld [tilespmem:s19+$0xFFFFFF90];
	_ =	sdelay $0x4  }
0x33: {  	v4 =	vshrl.u32 v4, v3  }
0x34: {  	v4 =	vshll.u32 v4, $0x4  }
0x35: {  	v4 =	vor.u32 v1, v4;
	_ =	sdelay $0x4  }
0x36: {  	[tilespmem:v4+s15+$0x0] =	vst.idx.add.s32.msk $0xffff, v2  }
0x37: {  	v4 =	vld [tilespmem:s19+$0xFFFFFFA0];
	_ =	sdelay $0x4  }
0x38: {  	v4 =	vshrl.u32 v4, v3  }
0x39: {  	v4 =	vshll.u32 v4, $0x4  }
0x3a: {  	v4 =	vor.u32 v1, v4;
	_ =	sdelay $0x4  }
0x3b: {  	[tilespmem:v4+s15+$0x0] =	vst.idx.add.s32.msk $0xffff, v2  }
0x3c: {  	v4 =	vld [tilespmem:s19+$0xFFFFFFB0];
	_ =	sdelay $0x4  }
0x3d: {  	v4 =	vshrl.u32 v4, v3  }
0x3e: {  	v4 =	vshll.u32 v4, $0x4  }
0x3f: {  	v4 =	vor.u32 v1, v4;
	_ =	sdelay $0x4  }
0x40: {  	[tilespmem:v4+s15+$0x0] =	vst.idx.add.s32.msk $0xffff, v2  }
0x41: {  	v4 =	vld [tilespmem:s19+$0xFFFFFFC0];
	_ =	sdelay $0x4  }
0x42: {  	v4 =	vshrl.u32 v4, v3  }
0x43: {  	v4 =	vshll.u32 v4, $0x4  }
0x44: {  	v4 =	vor.u32 v1, v4;
	_ =	sdelay $0x4  }
0x45: {  	[tilespmem:v4+s15+$0x0] =	vst.idx.add.s32.msk $0xffff, v2  }
0x46: {  	v4 =	vld [tilespmem:s19+$0xFFFFFFD0];
	_ =	sdelay $0x4  }
0x47: {  	v4 =	vshrl.u32 v4, v3  }
0x48: {  	v4 =	vshll.u32 v4, $0x4  }
0x49: {  	v4 =	vor.u32 v1, v4;
	_ =	sdelay $0x4  }
0x4a: {  	[tilespmem:v4+s15+$0x0] =	vst.idx.add.s32.msk $0xffff, v2  }
0x4b: {  	v4 =	vld [tilespmem:s19+$0xFFFFFFE0];
	_ =	sdelay $0x4  }
0x4c: {  	v4 =	vshrl.u32 v4, v3  }
0x4d: {  	v4 =	vshll.u32 v4, $0x4  }
0x4e: {  	v4 =	vor.u32 v1, v4;
	_ =	sdelay $0x4  }
0x4f: {  	[tilespmem:v4+s15+$0x0] =	vst.idx.add.s32.msk $0xffff, v2  }
0x50: {  	v4 =	vld [tilespmem:s19+$0xFFFFFFF0];
	_ =	sdelay $0x4  }
0x51: {  	v4 =	vshrl.u32 v4, v3  }
0x52: {  	v4 =	vshll.u32 v4, $0x4  }
0x53: {  	v4 =	vor.u32 v1, v4;
	_ =	sdelay $0x4  }
0x54: {  	[tilespmem:v4+s15+$0x0] =	vst.idx.add.s32.msk $0xffff, v2  }
0x55: {  	v4 =	vld [tilespmem:s19+$0x0];
	_ =	sdelay $0x4  }
0x56: {  	v4 =	vshrl.u32 v4, v3  }
0x57: {  	v4 =	vshll.u32 v4, $0x4  }
0x58: {  	v4 =	vor.u32 v1, v4;
	_ =	sdelay $0x4  }
0x59: {  	[tilespmem:v4+s15+$0x0] =	vst.idx.add.s32.msk $0xffff, v2  }
0x5a: {  	v4 =	vld [tilespmem:s19+$0x10];
	_ =	sdelay $0x4  }
0x5b: {  	v4 =	vshrl.u32 v4, v3  }
0x5c: {  	v4 =	vshll.u32 v4, $0x4  }
0x5d: {  	v4 =	vor.u32 v1, v4;
	_ =	sdelay $0x4  }
0x5e: {  	[tilespmem:v4+s15+$0x0] =	vst.idx.add.s32.msk $0xffff, v2  }
0x5f: {  	v4 =	vld [tilespmem:s19+$0x20];
	_ =	sdelay $0x4  }
0x60: {  	v4 =	vshrl.u32 v4, v3  }
0x61: {  	v4 =	vshll.u32 v4, $0x4  }
0x62: {  	v4 =	vor.u32 v1, v4;
	_ =	sdelay $0x4  }
0x63: {  	[tilespmem:v4+s15+$0x0] =	vst.idx.add.s32.msk $0xffff, v2  }
0x64: {  	v4 =	vld [tilespmem:s19+$0x30];
	_ =	sdelay $0x4  }
0x65: {  	v4 =	vshrl.u32 v4, v3  }
0x66: {  	v4 =	vshll.u32 v4, $0x4  }
0x67: {  	v4 =	vor.u32 v1, v4;
	_ =	sdelay $0x4  }
0x68: {  	[tilespmem:v4+s15+$0x0] =	vst.idx.add.s32.msk $0xffff, v2  }
0x69: {  	v4 =	vld [tilespmem:s19+$0x40];
	_ =	sdelay $0x4  }
0x6a: {  	v4 =	vshrl.u32 v4, v3  }
0x6b: {  	v4 =	vshll.u32 v4, $0x4  }
0x6c: {  	v4 =	vor.u32 v1, v4;
	_ =	sdelay $0x4  }
0x6d: {  	[tilespmem:v4+s15+$0x0] =	vst.idx.add.s32.msk $0xffff, v2  }
0x6e: {  	v4 =	vld [tilespmem:s19+$0x50];
	_ =	sdelay $0x4  }
0x6f: {  	v4 =	vshrl.u32 v4, v3  }
0x70: {  	v4 =	vshll.u32 v4, $0x4  }
0x71: {  	v4 =	vor.u32 v1, v4;
	_ =	sdelay $0x4  }
0x72: {  	[tilespmem:v4+s15+$0x0] =	vst.idx.add.s32.msk $0xffff, v2  }
0x73: {  	v4 =	vld [tilespmem:s19+$0x60];
	_ =	sdelay $0x4  }
0x74: {  	v4 =	vshrl.u32 v4, v3  }
0x75: {  	v4 =	vshll.u32 v4, $0x4  }
0x76: {  	v4 =	vor.u32 v1, v4;
	_ =	sdelay $0x4  }
0x77: {  	[tilespmem:v4+s15+$0x0] =	vst.idx.add.s32.msk $0xffff, v2  }
0x78: {  	v4 =	vld [tilespmem:s19+$0x70];
	_ =	sdelay $0x4  }
0x79: {  	v4 =	vshrl.u32 v4, v3  }
0x7a: {  	s20 =	sadd.s32 $0x10, s20;
	v4 =	vshll.u32 v4, $0x4  }
0x7b: {  	p0 =	slt.u32 s20, $0x3F0;
	v4 =	vor.u32 v1, v4  }
.Ltmp1:
0x7c: {  	_ = 	snop;
	(pc) =	sbr.rel @p0 .LBB2_5-.Ltmp1, $2  }
0x7d: {  	_ =	sdelay $0x2  }
0x7e: {  	s19 =	sadd.s32 $0x100, s19;
	[tilespmem:v4+s15+$0x0] =	vst.idx.add.s32.msk $0xffff, v2  }
0x7f: {  	p0 =	seq.s32 s18, $0xF  }
0x80: {  	s19 =	sshll.u32 @!p0 s18, $0x1  }
0x81: {  	s19 =	sadd.s32 @!p0 $0x2, s19  }
0x82: {  	s20 =	sshll.u32 @!p0 s19, $0xE  }
0x83: {  	s19 =	sshll.u32 @!p0 s19, $0x7;
	s20 =	sand.u32 @!p0 $0xE0000, s20  }
0x84: {  	s19 =	sand.u32 @!p0 $0x300, s19;
	s20 =	sadd.s32 @!p0 s5, s20  }
0x85: {  	s19 =	sor.u32 @!p0 s19, s20  }
0x86: {  	s21 =	simm.s32 @!p0 $0x400;
	s19 =	sshrl.u32 @!p0 s19, $0x3  }
0x87: {  	s22 =	simm.s32 @!p0 $0x0;
	s20 =	simm.s32 @!p0 $0x80;
	s19 =	sadd.s32 @!p0 s4, s19  }
0x88: {  	[tilespmem:s22], [sflag:$0x1] =	stream.strided.gather @!p0 [hbm4b:s19+s20], $0x4000, s21, s20, $0x38;
	[tilespmem:$0x18080] =	vst v63  }
0x89: {  	_ =	swait.ge [sflag:s16], $0x4000  }
0x8a: {  	[sflag:s16] =	ssyncset.done $0x0  }
0x8b: {  	s19 =	simm.s32 $0xFFFFFFF0;
	s20 =	simm.s32 $0x40F0;
	[sflag:s16] =	ssyncadd.s32 $0xFFFFC000  }
.LBB2_7:
0x8c: {  	v4 =	vld [tilespmem:s20+$0xFFFFFF10];
	_ =	sdelay $0x4  }
0x8d: {  	v4 =	vshrl.u32 v4, v3  }
0x8e: {  	v4 =	vshll.u32 v4, $0x4  }
0x8f: {  	v4 =	vor.u32 v1, v4;
	_ =	sdelay $0x4  }
0x90: {  	[tilespmem:v4+s15+$0x0] =	vst.idx.add.s32.msk $0xffff, v2  }
0x91: {  	v4 =	vld [tilespmem:s20+$0xFFFFFF20];
	_ =	sdelay $0x4  }
0x92: {  	v4 =	vshrl.u32 v4, v3  }
0x93: {  	v4 =	vshll.u32 v4, $0x4  }
0x94: {  	v4 =	vor.u32 v1, v4;
	_ =	sdelay $0x4  }
0x95: {  	[tilespmem:v4+s15+$0x0] =	vst.idx.add.s32.msk $0xffff, v2  }
0x96: {  	v4 =	vld [tilespmem:s20+$0xFFFFFF30];
	_ =	sdelay $0x4  }
0x97: {  	v4 =	vshrl.u32 v4, v3  }
0x98: {  	v4 =	vshll.u32 v4, $0x4  }
0x99: {  	v4 =	vor.u32 v1, v4;
	_ =	sdelay $0x4  }
0x9a: {  	[tilespmem:v4+s15+$0x0] =	vst.idx.add.s32.msk $0xffff, v2  }
0x9b: {  	v4 =	vld [tilespmem:s20+$0xFFFFFF40];
	_ =	sdelay $0x4  }
0x9c: {  	v4 =	vshrl.u32 v4, v3  }
0x9d: {  	v4 =	vshll.u32 v4, $0x4  }
0x9e: {  	v4 =	vor.u32 v1, v4;
	_ =	sdelay $0x4  }
0x9f: {  	[tilespmem:v4+s15+$0x0] =	vst.idx.add.s32.msk $0xffff, v2  }
0xa0: {  	v4 =	vld [tilespmem:s20+$0xFFFFFF50];
	_ =	sdelay $0x4  }
0xa1: {  	v4 =	vshrl.u32 v4, v3  }
0xa2: {  	v4 =	vshll.u32 v4, $0x4  }
0xa3: {  	v4 =	vor.u32 v1, v4;
	_ =	sdelay $0x4  }
0xa4: {  	[tilespmem:v4+s15+$0x0] =	vst.idx.add.s32.msk $0xffff, v2  }
0xa5: {  	v4 =	vld [tilespmem:s20+$0xFFFFFF60];
	_ =	sdelay $0x4  }
0xa6: {  	v4 =	vshrl.u32 v4, v3  }
0xa7: {  	v4 =	vshll.u32 v4, $0x4  }
0xa8: {  	v4 =	vor.u32 v1, v4;
	_ =	sdelay $0x4  }
0xa9: {  	[tilespmem:v4+s15+$0x0] =	vst.idx.add.s32.msk $0xffff, v2  }
0xaa: {  	v4 =	vld [tilespmem:s20+$0xFFFFFF70];
	_ =	sdelay $0x4  }
0xab: {  	v4 =	vshrl.u32 v4, v3  }
0xac: {  	v4 =	vshll.u32 v4, $0x4  }
0xad: {  	v4 =	vor.u32 v1, v4;
	_ =	sdelay $0x4  }
0xae: {  	[tilespmem:v4+s15+$0x0] =	vst.idx.add.s32.msk $0xffff, v2  }
0xaf: {  	v4 =	vld [tilespmem:s20+$0xFFFFFF80];
	_ =	sdelay $0x4  }
0xb0: {  	v4 =	vshrl.u32 v4, v3  }
0xb1: {  	v4 =	vshll.u32 v4, $0x4  }
0xb2: {  	v4 =	vor.u32 v1, v4;
	_ =	sdelay $0x4  }
0xb3: {  	[tilespmem:v4+s15+$0x0] =	vst.idx.add.s32.msk $0xffff, v2  }
0xb4: {  	v4 =	vld [tilespmem:s20+$0xFFFFFF90];
	_ =	sdelay $0x4  }
0xb5: {  	v4 =	vshrl.u32 v4, v3  }
0xb6: {  	v4 =	vshll.u32 v4, $0x4  }
0xb7: {  	v4 =	vor.u32 v1, v4;
	_ =	sdelay $0x4  }
0xb8: {  	[tilespmem:v4+s15+$0x0] =	vst.idx.add.s32.msk $0xffff, v2  }
0xb9: {  	v4 =	vld [tilespmem:s20+$0xFFFFFFA0];
	_ =	sdelay $0x4  }
0xba: {  	v4 =	vshrl.u32 v4, v3  }
0xbb: {  	v4 =	vshll.u32 v4, $0x4  }
0xbc: {  	v4 =	vor.u32 v1, v4;
	_ =	sdelay $0x4  }
0xbd: {  	[tilespmem:v4+s15+$0x0] =	vst.idx.add.s32.msk $0xffff, v2  }
0xbe: {  	v4 =	vld [tilespmem:s20+$0xFFFFFFB0];
	_ =	sdelay $0x4  }
0xbf: {  	v4 =	vshrl.u32 v4, v3  }
0xc0: {  	v4 =	vshll.u32 v4, $0x4  }
0xc1: {  	v4 =	vor.u32 v1, v4;
	_ =	sdelay $0x4  }
0xc2: {  	[tilespmem:v4+s15+$0x0] =	vst.idx.add.s32.msk $0xffff, v2  }
0xc3: {  	v4 =	vld [tilespmem:s20+$0xFFFFFFC0];
	_ =	sdelay $0x4  }
0xc4: {  	v4 =	vshrl.u32 v4, v3  }
0xc5: {  	v4 =	vshll.u32 v4, $0x4  }
0xc6: {  	v4 =	vor.u32 v1, v4;
	_ =	sdelay $0x4  }
0xc7: {  	[tilespmem:v4+s15+$0x0] =	vst.idx.add.s32.msk $0xffff, v2  }
0xc8: {  	v4 =	vld [tilespmem:s20+$0xFFFFFFD0];
	_ =	sdelay $0x4  }
0xc9: {  	v4 =	vshrl.u32 v4, v3  }
0xca: {  	v4 =	vshll.u32 v4, $0x4  }
0xcb: {  	v4 =	vor.u32 v1, v4;
	_ =	sdelay $0x4  }
0xcc: {  	[tilespmem:v4+s15+$0x0] =	vst.idx.add.s32.msk $0xffff, v2  }
0xcd: {  	v4 =	vld [tilespmem:s20+$0xFFFFFFE0];
	_ =	sdelay $0x4  }
0xce: {  	v4 =	vshrl.u32 v4, v3  }
0xcf: {  	v4 =	vshll.u32 v4, $0x4  }
0xd0: {  	v4 =	vor.u32 v1, v4;
	_ =	sdelay $0x4  }
0xd1: {  	[tilespmem:v4+s15+$0x0] =	vst.idx.add.s32.msk $0xffff, v2  }
0xd2: {  	v4 =	vld [tilespmem:s20+$0xFFFFFFF0];
	_ =	sdelay $0x4  }
0xd3: {  	v4 =	vshrl.u32 v4, v3  }
0xd4: {  	v4 =	vshll.u32 v4, $0x4  }
0xd5: {  	v4 =	vor.u32 v1, v4;
	_ =	sdelay $0x4  }
0xd6: {  	[tilespmem:v4+s15+$0x0] =	vst.idx.add.s32.msk $0xffff, v2  }
0xd7: {  	v4 =	vld [tilespmem:s20+$0x0];
	_ =	sdelay $0x4  }
0xd8: {  	v4 =	vshrl.u32 v4, v3  }
0xd9: {  	s19 =	sadd.s32 $0x10, s19;
	v4 =	vshll.u32 v4, $0x4  }
0xda: {  	p0 =	slt.u32 s19, $0x3F0;
	v4 =	vor.u32 v1, v4  }
.Ltmp2:
0xdb: {  	_ = 	snop;
	(pc) =	sbr.rel @p0 .LBB2_7-.Ltmp2, $2  }
0xdc: {  	_ =	sdelay $0x2  }
0xdd: {  	s20 =	sadd.s32 $0x100, s20;
	[tilespmem:v4+s15+$0x0] =	vst.idx.add.s32.msk $0xffff, v2  }
0xde: {  	s18 =	sadd.s32 $0x1, s18  }
0xdf: {  	p0 =	sne.s32 s18, $0x10  }
.Ltmp3:
0xe0: {  	_ = 	snop;
	(pc) =	sbr.rel @p0 .LBB2_4-.Ltmp3, $1  }
0xe1: {  	_ =	sdelay $0x3  }
0xe2: {  	s17 =	sadd.s32 $0x1, s17  }
0xe3: {  	p0 =	sne.s32 s17, s8  }
.Ltmp4:
0xe4: {  	_ = 	snop;
	(pc) =	sbr.rel @p0 .LBB2_1-.Ltmp4, $4  }
0xe5: {  	[hbm4b:s7+s11] =	stream.strided.scatter [tilespmem:s15], [sflag:$0x3], $0x10000, s12, s11, $0x38;
	[tilespmem:$0x18080] =	vst v63  }
0xe6: {  	_ =	swait.ge [sflag:s10], $0x10000  }
0xe7: {  	[sflag:s10] =	ssyncset.done $0x0  }
0xe8: {  	[sflag:s10] =	ssyncadd.s32 $0xFFFF0000  }
0xe9: {  	_ =	sfence.sel $0x180000  }
0xea: {  	[bflag:$0x0] =	sbarrier.arrive $0xFFFF  }
0xeb: {  	p0 =	sne.s32 s0, $0x0;
	_ =	strace $0x90000047  }
0xec: {  	s0 =	sadd.s32 @!p0 $0x100000, s1;
	[bflag:$0x2] =	sbarrier.arrive $0xFFFF  }
0xed: {  	[sflag:s0] =	ssyncadd.tile.s32 @!p0 $0x1;
	_ =	shalt  }
.Lfunc_end2:
_tile_overlayer_lowered:
.L_overlay_start_2:
0xee: {  	(tag) =	ssettag $0x2  }
0xef: {  	s0 =	rddreg [dreg:$0x0];
	s2 =	stileid.u32  }
0xf0: {  	s1 =	rddreg [dreg:$0x1];
	p0 =	sne.s32 s2, $0x0  }
0xf1: {  	s3 =	rddreg [dreg:$0x2];
	[bflag:$0x3] =	sbarrier.arrive $0xFFFF;
	s2 =	simm.s32 @!p0 $0x1C03  }
0xf2: {  	[timem:s3], [sflag:s2] =	dma.local @!p0 [hbm:s0], s1  }
0xf3: {  	s0 =	simm.s32 @!p0 $0x3  }
0xf4: {  	_ =	swait.ge @!p0 [sflag:s0], s1  }
0xf5: {  	s1 =	ssub.s32 @!p0 $0x0, s1;
	[sflag:s0] =	ssyncset.done @!p0 $0x0  }
0xf6: {  	[sflag:s0] =	ssyncadd.s32 @!p0 s1  }
0xf7: {  	[bflag:$0x3] =	sbarrier.arrive $0xFFFF  }
0xf8: {  	_ =	shalt  }

// kernel: kernel.20.cloned.1.call-start
scs
__scs_entry_jumppad:
0x0: {  	(pc) =	sbr.rel $0x88, $3  }
0x1: {  	(tag) =	ssettag $0x0;
	lr =	simm.s32 $0x1  }
0x2: {  	[smem:$0x3F96] =	sst lr;
	_ =	strace $0xD0000000  }
0x3: {  	_ = 	snop  }
0x4: {  	_ = 	snop  }
0x5: {  	_ = 	snop  }
0x6: {  	_ = 	snop  }
0x7: {  	_ = 	snop  }
__scs_overlays_trampoline_lowered:
0x8: {  	[smem:$0x3FA5] =	sst s0  }
0x9: {  	[smem:$0x3FA6] =	sst s1  }
0xa: {  	[smem:$0x3FA7] =	sst s2  }
0xb: {  	[smem:$0x3FA8] =	sst s3  }
0xc: {  	[smem:$0x3FA9] =	sst s4  }
0xd: {  	[smem:$0x3FAA] =	sst s5  }
0xe: {  	[smem:$0x3FAB] =	sst s6  }
0xf: {  	[smem:$0x3FAC] =	sst s7  }
0x10: {  	[smem:$0x3FAD] =	sst s8  }
0x11: {  	[smem:$0x3FAE] =	sst s9;
	s0 =	simm.s32 @!p0 $0x0  }
0x12: {  	s1 =	sld [smem:$0x3F94];
	s0 =	simm.s32 @p0 $0x1  }
0x13: {  	[smem:$0x3FAF] =	sst s0;
	s0 =	simm.s32 @!p1 $0x0  }
0x14: {  	s2 =	sld [smem:$0x3F93];
	s0 =	simm.s32 @p1 $0x1  }
0x15: {  	[smem:$0x3FB0] =	sst s0;
	s0 =	simm.s32 @!p2 $0x0  }
0x16: {  	s3 =	sld [smem:$0x3FDB];
	s0 =	simm.s32 @p2 $0x1  }
0x17: {  	s4 =	simm.s32 $0x1BF5;
	[smem:$0x3FB2] =	sst s0  }
0x18: {  	s0 =	sld [smem:$0x3F95];
	_ =	swait.ge [sflag:s4], $0x0  }
0x19: {  	s7 =	sld [smem:$0x3F96]  }
0x1a: {  	s8 =	sadd.s32 $0xFFFFE003, lr  }
0x1b: {  	s9 =	sadd.s32 $0xFFFFFEF7, lr;
	s5 =	simm.s32 $0xFFFFFFFF;
	p2 =	slt.u32 s8, $0xFFFFF086  }
0x1c: {  	p1 =	slt.u32 s9, $0xF7A;
	s5 =	simm.s32 @!p2 $0x0  }
0x1d: {  	s5 =	simm.s32 @p1 $0x1;
	p0 =	seq.s32 s7, s2  }
0x1e: {  	s7 =	smul.u32 @!p0 $0xF7A, s2;
	p2 =	seq.s32 @!p0 s5, $0x0  }
0x1f: {  	s9 =	smul.u32 $0xF7A, s1;
	s8 =	simm.s32 @!p0 $0x1BF5;
	p2 =	por !p2, p0  }
0x20: {  	[sflag:s8] =	ssyncset.s32 @!p0 $0xFFFFF086;
	s6 =	sadd.s32 @!p0 s3, s7;
	s7 =	simm.s32 @!p0 $0x108  }
0x21: {  	s3 =	sadd.s32 s3, s9;
	s6 =	sadd.s32 @!p0 $0x88, s6;
	s7 =	simm.s32 @p2 $0x1082  }
0x22: {  	[simem:s7], [sflag:s8] =	dma.local @!p0 [hbm:s6], $0xF7A  }
0x23: {  	s9 =	sor.u32 $0xD0000000, s2;
	s6 =	simm.s32 $0x108;
	_ =	swait.ge @!p0 [sflag:s8], $0x0  }
0x24: {  	s3 =	sadd.s32 $0x88, s3;
	s6 =	simm.s32 @!p1 $0x1082;
	[sflag:s4] =	ssyncset.s32 $0xFFFFF086  }
0x25: {  	[simem:s6], [sflag:s4] =	dma.local [hbm:s3], $0xF7A  }
0x26: {  	[smem:$0x3F96] =	sst s1;
	(tag) =	ssettag s2;
	_ =	strace s9  }
0x27: {  	s1 =	sld [smem:$0x3FA6]  }
0x28: {  	s2 =	sld [smem:$0x3FA7]  }
0x29: {  	s4 =	sld [smem:$0x3FA9]  }
0x2a: {  	p0 =	seq.s32 s5, $0x0;
	s5 =	sld [smem:$0x3FAA]  }
0x2b: {  	s6 =	sld [smem:$0x3FAB]  }
0x2c: {  	s7 =	sld [smem:$0x3FAC]  }
0x2d: {  	s3 =	simm.s32 $0x108;
	s8 =	sld [smem:$0x3FAD]  }
0x2e: {  	s3 =	simm.s32 @!p0 $0x1082;
	s9 =	sld [smem:$0x3FAE]  }
0x2f: {  	lr =	sadd.s32 s0, s3;
	s0 =	sld [smem:$0x3FA5]  }
0x30: {  	s3 =	sld [smem:$0x3FA8]  }
0x31: {  	[smem:$0x3FB1] =	sst s10  }
0x32: {  	s10 =	sld [smem:$0x3FAF];
	_ =	sdelay $0x3  }
0x33: {  	p0 =	seq.s32 s10, $0x1;
	s10 =	sld [smem:$0x3FB1];
	_ =	sdelay $0x3  }
0x34: {  	[smem:$0x3FB1] =	sst s10  }
0x35: {  	s10 =	sld [smem:$0x3FB0];
	_ =	sdelay $0x3  }
0x36: {  	p1 =	seq.s32 s10, $0x1;
	s10 =	sld [smem:$0x3FB1];
	_ =	sdelay $0x3  }
0x37: {  	[smem:$0x3FB1] =	sst s10  }
0x38: {  	s10 =	sld [smem:$0x3FB2]  }
0x39: {  	_ = 	snop;
	(pc) =	sbr.ind lr, $3  }
0x3a: {  	_ = 	snop  }
0x3b: {  	_ = 	snop  }
0x3c: {  	p2 =	seq.s32 s10, $0x1;
	s10 =	sld [smem:$0x3FB1]  }
0x3d: {  	_ =	shalt  }
0x3e: {  	_ =	shalt  }
0x3f: {  	_ =	shalt  }
0x40: {  	_ =	shalt  }
0x41: {  	_ =	shalt  }
0x42: {  	_ =	shalt  }
0x43: {  	_ =	shalt  }
0x44: {  	_ =	shalt  }
0x45: {  	_ =	shalt  }
0x46: {  	_ =	shalt  }
0x47: {  	_ =	shalt  }
0x48: {  	_ =	shalt  }
0x49: {  	_ =	shalt  }
0x4a: {  	_ =	shalt  }
0x4b: {  	_ =	shalt  }
0x4c: {  	_ =	shalt  }
0x4d: {  	_ =	shalt  }
0x4e: {  	_ =	shalt  }
0x4f: {  	_ =	shalt  }
0x50: {  	_ =	shalt  }
0x51: {  	_ =	shalt  }
0x52: {  	_ =	shalt  }
0x53: {  	_ =	shalt  }
0x54: {  	_ =	shalt  }
0x55: {  	_ =	shalt  }
0x56: {  	_ =	shalt  }
0x57: {  	_ =	shalt  }
0x58: {  	_ =	shalt  }
0x59: {  	_ =	shalt  }
0x5a: {  	_ =	shalt  }
0x5b: {  	_ =	shalt  }
0x5c: {  	_ =	shalt  }
0x5d: {  	_ =	shalt  }
0x5e: {  	_ =	shalt  }
0x5f: {  	_ =	shalt  }
0x60: {  	_ =	shalt  }
0x61: {  	_ =	shalt  }
0x62: {  	_ =	shalt  }
0x63: {  	_ =	shalt  }
0x64: {  	_ =	shalt  }
0x65: {  	_ =	shalt  }
0x66: {  	_ =	shalt  }
0x67: {  	_ =	shalt  }
0x68: {  	_ =	shalt  }
0x69: {  	_ =	shalt  }
0x6a: {  	_ =	shalt  }
0x6b: {  	_ =	shalt  }
0x6c: {  	_ =	shalt  }
0x6d: {  	_ =	shalt  }
0x6e: {  	_ =	shalt  }
0x6f: {  	_ =	shalt  }
0x70: {  	_ =	shalt  }
0x71: {  	_ =	shalt  }
0x72: {  	_ =	shalt  }
0x73: {  	_ =	shalt  }
0x74: {  	_ =	shalt  }
0x75: {  	_ =	shalt  }
0x76: {  	_ =	shalt  }
0x77: {  	_ =	shalt  }
0x78: {  	_ =	shalt  }
0x79: {  	_ =	shalt  }
0x7a: {  	_ =	shalt  }
0x7b: {  	_ =	shalt  }
0x7c: {  	_ =	shalt  }
0x7d: {  	_ =	shalt  }
0x7e: {  	_ =	shalt  }
0x7f: {  	_ =	shalt  }
0x80: {  	_ =	shalt  }
0x81: {  	_ =	shalt  }
0x82: {  	_ =	shalt  }
0x83: {  	_ =	shalt  }
0x84: {  	_ =	shalt  }
0x85: {  	_ =	shalt  }
0x86: {  	_ =	shalt  }
0x87: {  	_ =	shalt  }
.Lfunc_end0:
.L_simem_size_0:
called_computation.1_lowered:
.L_overlay_start_0:
0x88: {  	s2 =	sld [smem:$0x3FD9]  }
0x89: {  	s3 =	sld [smem:$0x3FFE];
	_ =	sdelay $0x1  }
0x8a: {  	s1 =	srdreg.scid  }
0x8b: {  	s0 =	sand.u32 $0x1, s1  }
0x8c: {  	s16 =	sshll.u32 s0, $0xA;
	s2 =	sadd.s32 s3, s2  }
0x8d: {  	s2 =	sadd.s32 s2, s16  }
0x8e: {  	[smem:$0x3FBD] =	sst s2  }
0x8f: {  	_ = 	snop  }
0x90: {  	(tm) =	ssettm $0x1  }
0x91: {  	s17 =	sld [smem:$0x3FFB];
	_ =	sdelay $0x3  }
0x92: {  	_ =	strace s17  }
0x93: {  	s2 =	sld [smem:$0x3FFC];
	_ =	sdelay $0x3  }
0x94: {  	_ =	strace s2  }
0x95: {  	s2 =	sld [smem:$0x3FFD];
	_ =	sdelay $0x3  }
0x96: {  	_ =	strace s2  }
0x97: {  	_ =	strace $0x8FFFFFFF  }
0x98: {  	s18 =	sld [smem:$0x3FDB];
	_ =	sdelay $0x1  }
0x99: {  	s19 =	simm.s32 $_scs_section_size  }
0x9a: {  	s4 =	simm.s32 $_size__tile_overlayer_lowered;
	s5 =	simm.s32 $_tile_overlayer_lowered  }
0x9b: {  	s22 =	simm.s32 $0x1BFF;
	s21 =	sshll.u32 s5, $0x1;
	s2 =	sadd.s32 s19, s18  }
0x9c: {  	s6 =	simm.s32 $0x0;
	s20 =	sshll.u32 s4, $0x1;
	s4 =	sadd.s32 s21, s2  }
0x9d: {  	[timem:s6], [sflag:s22] =	dma.local [hbm:s4], s20  }
0x9e: {  	_ =	swait.ge [sflag:s22], s20  }
0x9f: {  	s3 =	ssub.s32 $0x0, s20;
	[sflag:s22] =	ssyncset.done $0x0  }
0xa0: {  	[sflag:s22] =	ssyncadd.s32 s3;
	_ =	sdelay $0x1  }
0xa1: {  	s23 =	simm.s32 $0x1B8B  }
0xa2: {  	_ =	swait.ge [sflag:s23], $0x1  }
0xa3: {  	[sflag:s23] =	ssyncset.done $0x0  }
0xa4: {  	s25 =	simm.s32 $0x1B8E;
	s24 =	sld [smem:$0x3FFE];
	[sflag:s23] =	ssyncadd.s32 $0xFFFFFFFF  }
0xa5: {  	s26 =	simm.s32 $execute0_lowered;
	[smem:$0x3FD2] =	sst s25  }
0xa6: {  	s4 =	sshll.u32 s26, $0x1;
	_ =	strace $0x80000049;
	[dreg:$0x1] =	wrdreg $0xFFFFFFFF  }
0xa7: {  	s28 =	simm.s32 $_size_execute0_lowered;
	s2 =	sadd.s32 s2, s4;
	[dreg:$0x0] =	wrdreg $0x0  }
0xa8: {  	s4 =	sshll.u32 s28, $0x1;
	[dreg:$0x2] =	wrdreg s2  }
0xa9: {  	[dreg:$0x3] =	wrdreg s4  }
0xaa: {  	[dreg:$0x4] =	wrdreg $0xC0  }
0xab: {  	_ =	task [dreg:s6], $0x5FFFF  }
0xac: {  	[dreg:$0x1] =	wrdreg $0xFFFFFFFF  }
0xad: {  	[dreg:$0x0] =	wrdreg $0x60  }
0xae: {  	[dreg:$0x2] =	wrdreg s24  }
0xaf: {  	[dreg:$0x3] =	wrdreg $0x9  }
0xb0: {  	_ =	task.clear_ibuf [dreg:s6], $0x4FFFF;
	_ =	strace $0x90000049  }
0xb1: {  	s29 =	simm.s32 $0x9;
	_ =	strace $0x8000004B  }
0xb2: {  	_ =	swait.ge [sflag:s29], $0x1  }
0xb3: {  	[sflag:s29] =	ssyncadd.s32 $0xFFFFFFFF  }
0xb4: {  	_ =	strace $0x9000004B  }
0xb5: {  	_ =	sfence  }
0xb6: {  	s30 =	sld [smem:$0x0];
	_ =	sdelay $0x2  }
0xb7: {  	s31 =	sshll.u32 s1, $0xD;
	s1 =	sshrl.u32 s1, $0x2  }
0xb8: {  	s3 =	sand.u32 $0x4000, s31;
	s1 =	sadd.s32 s1, s30  }
0xb9: {  	s0 =	sor.u32 s3, s0;
	s1 =	sshll.u32 s1, $0x11  }
0xba: {  	s0 =	sor.u32 s1, s0  }
0xbb: {  	s0 =	sadd.s32 $0x8F2B, s0  }
0xbc: {  	[sflag:s0] =	ssyncadd.remote.s32 $0x1  }
0xbd: {  	_ =	sfence.sel $0xFFFF  }
0xbe: {  	[dreg:$0x0] =	wrdreg $0xFFFFFFFF;
	(pc) =	sbr.abs _section_cstart, $3  }
0xbf: {  	[dreg:$0x1] =	wrdreg $0xFFFFFFFF  }
0xc0: {  	_ =	task.clear_ibuf [dreg:s6], $0x2FFFF;
	_ =	strace $0x9FFFFFFF  }
0xc1: {  	(tm) =	ssettm $0x7FFFFFFF  }
tec
execute0_lowered:
.L_overlay_start_1:
0x0: {  	(tag) =	ssettag $0x1  }
0x1: {  	s5 =	rddreg [dreg:$0x0]  }
0x2: {  	s0 =	rddreg [dreg:$0x1];
	s2 =	simm.s32 $0x0;
	s3 =	srdreg.scid  }
0x3: {  	s1 =	stileid.u32;
	s11 =	simm.s32 $0x3;
	s12 =	simm.s32 $0x80  }
0x4: {  	s13 =	simm.s32 $0x400;
	s14 =	simm.s32 $0x4000;
	s15 =	simm.s32 $0x1  }
0x5: {  	s16 =	simm.s32 $0x8080;
	s17 =	simm.s32 $0x10080;
	s18 =	simm.s32 $0x2  }
0x6: {  	s19 =	simm.s32 $0x100;
	s20 =	simm.s32 $0x0;
	[smem:$0x7FF] =	sst s2  }
0x7: {  	s4 =	sand.u32 $0x1, s3;
	s30 =	sshll.u32 s1, $0x1;
	s3 =	sadd.s32 $0x202E00, s5  }
0x8: {  	_ =	strace $0x8000004A;
	s6 =	sor.u32 s4, s30;
	s8 =	ssub.s32 $0x2, s4  }
0x9: {  	s4 =	sadd.s32 $0x403800, s5;
	s7 =	sshll.u32 s6, $0xD;
	s31 =	sshrl.u32 s8, $0x1  }
0xa: {  	s9 =	sadd.s32 s7, s5;
	s5 =	sshll.u32 s6, $0x13;
	s6 =	sshll.u32 s6, $0x10  }
0xb: {  	s10 =	ssub.s32 s8, s31;
	s6 =	sadd.s32 s3, s6;
	s7 =	sadd.s32 $0x403A00, s9  }
0xc: {  	v0 =	vimm.s32 $0x0;
	v1 =	vlaneseq.u32;
	v2 =	vimm.s32 $0x1;
	s8 =	sadd.s32 $0x403A10, s9;
	s9 =	smax.u32 s10, $0x1;
	s10 =	simm.s32 $0x8000  }
.LBB2_1:
0xd: {  	[tilespmem:s10], [sflag:$0x3] =	stream.linear.gather [hbm4b:s4+s2], $0x80, $0x38;
	[tilespmem:$0x18080] =	vst v63  }
0xe: {  	_ =	swait.ge [sflag:s11], $0x80  }
0xf: {  	[sflag:s11] =	ssyncset.done $0x0  }
0x10: {  	s22 =	simm.s32 $0x80C0;
	[sflag:s11] =	ssyncadd.s32 $0xFFFFFF80  }
0x11: {  	[tilespmem:s22+$0xFFFFFFC0] =	vst v0  }
0x12: {  	[tilespmem:s22+$0x30] =	vst v0  }
0x13: {  	[tilespmem:s22+$0x20] =	vst v0  }
0x14: {  	[tilespmem:s22+$0x10] =	vst v0  }
0x15: {  	[tilespmem:s22+$0x0] =	vst v0  }
0x16: {  	[tilespmem:s22+$0xFFFFFFF0] =	vst v0  }
0x17: {  	s23 =	simm.s32 $0x0;
	[tilespmem:s22+$0xFFFFFFE0] =	vst v0  }
.LBB2_2:
0x18: {  	s23 =	sadd.s32 $0x8, s23;
	[tilespmem:s22+$0xFFFFFFD0] =	vst v0;
	s22 =	sadd.s32 $0x80, s22;
	s21 =	simm.s32 $0x100C0  }
0x19: {  	[tilespmem:s22+$0xFFFFFFC0] =	vst v0;
	p0 =	slt.u32 s23, $0x7F8  }
0x1a: {  	[tilespmem:s22+$0x30] =	vst v0  }
.Ltmp0:
0x1b: {  	[tilespmem:s22+$0x20] =	vst v0;
	(pc) =	sbr.rel @p0 .LBB2_2-.Ltmp0, $4  }
0x1c: {  	[tilespmem:s22+$0x10] =	vst v0  }
0x1d: {  	[tilespmem:s22+$0x0] =	vst v0  }
0x1e: {  	[tilespmem:s22+$0xFFFFFFF0] =	vst v0  }
0x1f: {  	[tilespmem:s22+$0xFFFFFFE0] =	vst v0  }
0x20: {  	[tilespmem:s22+$0xFFFFFFD0] =	vst v0  }
0x21: {  	[tilespmem:s21+$0xFFFFFFC0] =	vst v0  }
0x22: {  	[tilespmem:s21+$0x30] =	vst v0  }
0x23: {  	[tilespmem:s21+$0x20] =	vst v0  }
0x24: {  	[tilespmem:s21+$0x10] =	vst v0  }
0x25: {  	[tilespmem:s21+$0x0] =	vst v0  }
0x26: {  	[tilespmem:s21+$0xFFFFFFF0] =	vst v0  }
0x27: {  	s22 =	simm.s32 $0x0;
	[tilespmem:s21+$0xFFFFFFE0] =	vst v0  }
.LBB2_4:
0x28: {  	s22 =	sadd.s32 $0x8, s22;
	[tilespmem:s21+$0xFFFFFFD0] =	vst v0;
	s21 =	sadd.s32 $0x80, s21  }
0x29: {  	[tilespmem:s21+$0xFFFFFFC0] =	vst v0;
	p0 =	slt.u32 s22, $0x7F8  }
0x2a: {  	[tilespmem:s21+$0x30] =	vst v0  }
.Ltmp1:
0x2b: {  	[tilespmem:s21+$0x20] =	vst v0;
	(pc) =	sbr.rel @p0 .LBB2_4-.Ltmp1, $4  }
0x2c: {  	[tilespmem:s21+$0x10] =	vst v0  }
0x2d: {  	[tilespmem:s21+$0x0] =	vst v0  }
0x2e: {  	[tilespmem:s21+$0xFFFFFFF0] =	vst v0  }
0x2f: {  	[tilespmem:s21+$0xFFFFFFE0] =	vst v0  }
0x30: {  	[tilespmem:s21+$0xFFFFFFD0] =	vst v0  }
0x31: {  	v3 =	vld [tilespmem:$0x8000]  }
0x32: {  	v4 =	vld [tilespmem:$0x8010]  }
0x33: {  	s21 =	simm.s32 $0x0;
	v5 =	vld [tilespmem:$0x8020]  }
0x34: {  	v6 =	vld [tilespmem:$0x8030];
	[tilespmem:s21], [sflag:$0x1] =	stream.strided.gather [hbm4b:s6+s12], $0x4000, s13, s12, $0x38  }
.LBB2_6:
0x35: {  	s22 =	sshll.u32 s21, $0x8;
	s23 =	sshll.u32 s21, $0xF  }
0x36: {  	s22 =	sand.u32 $0x300, s22;
	s23 =	sand.u32 $0x60000, s23  }
0x37: {  	s22 =	sor.u32 s23, s22  }
0x38: {  	s22 =	sor.u32 s5, s22  }
0x39: {  	s22 =	sshrl.u32 s22, $0x3  }
0x3a: {  	s22 =	sadd.s32 s22, s3  }
0x3b: {  	s31 =	sadd.s32 $0x10, s22;
	s22 =	simm.s32 $0x80  }
0x3c: {  	[tilespmem:s14], [sflag:$0x2] =	stream.strided.gather [hbm4b:s31+s22], $0x4000, s13, s22, $0x38;
	[tilespmem:$0x18080] =	vst v63  }
0x3d: {  	_ =	swait.ge [sflag:s15], $0x4000  }
0x3e: {  	[sflag:s15] =	ssyncset.done $0x0  }
0x3f: {  	s23 =	simm.s32 $0xFFFFFFF8;
	[sflag:s15] =	ssyncadd.s32 $0xFFFFC000  }
.LBB2_7:
0x40: {  	v7 =	vld [tilespmem:s22+$0xFFFFFF80];
	_ =	sdelay $0x4  }
0x41: {  	v8 =	vshrl.u32 v7, v6;
	v9 =	vshrl.u32 v7, $0x15  }
0x42: {  	v7 =	vshrl.u32 v7, v5;
	v10 =	vand.u32 $0x3FF, v8;
	v9 =	vand.u32 $0x400, v9  }
0x43: {  	v8 =	vshll.u32 v8, $0x4;
	vm0 =	veq.s32 v7, v3;
	v9 =	vor.u32 v9, v10  }
0x44: {  	vm1 =	veq.s32 v7, v4;
	v8 =	vor.u32 v1, v8;
	v7 =	vshll.u32 v9, $0x4  }
0x45: {  	vm0 =	vmor vm0, vm1;
	v8 =	vand.u32 $0x7F, v8;
	v7 =	vand.u32 $0x7F80, v7  }
0x46: {  	v7 =	vor.u32 v8, v7;
	_ =	sdelay $0x4  }
0x47: {  	[tilespmem:v7+s16+$0x0] =	vst.idx.add.s32.msk vm0, v2  }
0x48: {  	v7 =	vld [tilespmem:s22+$0xFFFFFF90];
	_ =	sdelay $0x4  }
0x49: {  	v8 =	vshrl.u32 v7, v6;
	v34 =	vshrl.u32 v7, $0x15  }
0x4a: {  	v7 =	vshrl.u32 v7, v5;
	v35 =	vand.u32 $0x3FF, v8;
	v9 =	vand.u32 $0x400, v34  }
0x4b: {  	v8 =	vshll.u32 v8, $0x4;
	vm10 =	veq.s32 v7, v3;
	v9 =	vor.u32 v9, v35  }
0x4c: {  	vm11 =	veq.s32 v7, v4;
	v8 =	vor.u32 v1, v8;
	v7 =	vshll.u32 v9, $0x4  }
0x4d: {  	vm0 =	vmor vm10, vm11;
	v8 =	vand.u32 $0x7F, v8;
	v7 =	vand.u32 $0x7F80, v7  }
0x4e: {  	v7 =	vor.u32 v8, v7;
	_ =	sdelay $0x4  }
0x4f: {  	[tilespmem:v7+s17+$0x0] =	vst.idx.add.s32.msk vm0, v2  }
0x50: {  	v7 =	vld [tilespmem:s22+$0xFFFFFFA0];
	_ =	sdelay $0x4  }
0x51: {  	v8 =	vshrl.u32 v7, v6;
	v36 =	vshrl.u32 v7, $0x15  }
0x52: {  	v7 =	vshrl.u32 v7, v5;
	v37 =	vand.u32 $0x3FF, v8;
	v9 =	vand.u32 $0x400, v36  }
0x53: {  	v8 =	vshll.u32 v8, $0x4;
	vm12 =	veq.s32 v7, v3;
	v9 =	vor.u32 v9, v37  }
0x54: {  	vm13 =	veq.s32 v7, v4;
	v8 =	vor.u32 v1, v8;
	v7 =	vshll.u32 v9, $0x4  }
0x55: {  	vm0 =	vmor vm12, vm13;
	v8 =	vand.u32 $0x7F, v8;
	v7 =	vand.u32 $0x7F80, v7  }
0x56: {  	v7 =	vor.u32 v8, v7;
	_ =	sdelay $0x4  }
0x57: {  	[tilespmem:v7+s16+$0x0] =	vst.idx.add.s32.msk vm0, v2  }
0x58: {  	v7 =	vld [tilespmem:s22+$0xFFFFFFB0];
	_ =	sdelay $0x4  }
0x59: {  	v8 =	vshrl.u32 v7, v6;
	v38 =	vshrl.u32 v7, $0x15  }
0x5a: {  	v7 =	vshrl.u32 v7, v5;
	v39 =	vand.u32 $0x3FF, v8;
	v9 =	vand.u32 $0x400, v38  }
0x5b: {  	v8 =	vshll.u32 v8, $0x4;
	vm14 =	veq.s32 v7, v3;
	v9 =	vor.u32 v9, v39  }
0x5c: {  	vm15 =	veq.s32 v7, v4;
	v8 =	vor.u32 v1, v8;
	v7 =	vshll.u32 v9, $0x4  }
0x5d: {  	vm0 =	vmor vm14, vm15;
	v8 =	vand.u32 $0x7F, v8;
	v7 =	vand.u32 $0x7F80, v7  }
0x5e: {  	v7 =	vor.u32 v8, v7;
	_ =	sdelay $0x4  }
0x5f: {  	[tilespmem:v7+s17+$0x0] =	vst.idx.add.s32.msk vm0, v2  }
0x60: {  	v7 =	vld [tilespmem:s22+$0xFFFFFFC0];
	_ =	sdelay $0x4  }
0x61: {  	v8 =	vshrl.u32 v7, v6;
	v40 =	vshrl.u32 v7, $0x15  }
0x62: {  	v7 =	vshrl.u32 v7, v5;
	v41 =	vand.u32 $0x3FF, v8;
	v9 =	vand.u32 $0x400, v40  }
0x63: {  	v8 =	vshll.u32 v8, $0x4;
	vm4 =	veq.s32 v7, v3;
	v9 =	vor.u32 v9, v41  }
0x64: {  	vm5 =	veq.s32 v7, v4;
	v8 =	vor.u32 v1, v8;
	v7 =	vshll.u32 v9, $0x4  }
0x65: {  	vm0 =	vmor vm4, vm5;
	v8 =	vand.u32 $0x7F, v8;
	v7 =	vand.u32 $0x7F80, v7  }
0x66: {  	v7 =	vor.u32 v8, v7;
	_ =	sdelay $0x4  }
0x67: {  	[tilespmem:v7+s16+$0x0] =	vst.idx.add.s32.msk vm0, v2  }
0x68: {  	v7 =	vld [tilespmem:s22+$0xFFFFFFD0];
	_ =	sdelay $0x4  }
0x69: {  	v8 =	vshrl.u32 v7, v6;
	v42 =	vshrl.u32 v7, $0x15  }
0x6a: {  	v7 =	vshrl.u32 v7, v5;
	v43 =	vand.u32 $0x3FF, v8;
	v9 =	vand.u32 $0x400, v42  }
0x6b: {  	v8 =	vshll.u32 v8, $0x4;
	vm6 =	veq.s32 v7, v3;
	v9 =	vor.u32 v9, v43  }
0x6c: {  	vm7 =	veq.s32 v7, v4;
	v8 =	vor.u32 v1, v8;
	v7 =	vshll.u32 v9, $0x4  }
0x6d: {  	vm0 =	vmor vm6, vm7;
	v8 =	vand.u32 $0x7F, v8;
	v7 =	vand.u32 $0x7F80, v7  }
0x6e: {  	v7 =	vor.u32 v8, v7;
	_ =	sdelay $0x4  }
0x6f: {  	[tilespmem:v7+s17+$0x0] =	vst.idx.add.s32.msk vm0, v2  }
0x70: {  	v7 =	vld [tilespmem:s22+$0xFFFFFFE0];
	_ =	sdelay $0x4  }
0x71: {  	v8 =	vshrl.u32 v7, v6;
	v44 =	vshrl.u32 v7, $0x15  }
0x72: {  	v7 =	vshrl.u32 v7, v5;
	v45 =	vand.u32 $0x3FF, v8;
	v9 =	vand.u32 $0x400, v44  }
0x73: {  	v8 =	vshll.u32 v8, $0x4;
	vm8 =	veq.s32 v7, v3;
	v9 =	vor.u32 v9, v45  }
0x74: {  	vm9 =	veq.s32 v7, v4;
	v8 =	vor.u32 v1, v8;
	v7 =	vshll.u32 v9, $0x4  }
0x75: {  	vm0 =	vmor vm8, vm9;
	v8 =	vand.u32 $0x7F, v8;
	v7 =	vand.u32 $0x7F80, v7  }
0x76: {  	v7 =	vor.u32 v8, v7;
	_ =	sdelay $0x4  }
0x77: {  	[tilespmem:v7+s16+$0x0] =	vst.idx.add.s32.msk vm0, v2  }
0x78: {  	v7 =	vld [tilespmem:s22+$0xFFFFFFF0];
	_ =	sdelay $0x4  }
0x79: {  	v8 =	vshrl.u32 v7, v6;
	v46 =	vshrl.u32 v7, $0x15  }
0x7a: {  	v7 =	vshrl.u32 v7, v5;
	v47 =	vand.u32 $0x3FF, v8;
	v9 =	vand.u32 $0x400, v46  }
0x7b: {  	v8 =	vshll.u32 v8, $0x4;
	vm10 =	veq.s32 v7, v3;
	v9 =	vor.u32 v9, v47  }
0x7c: {  	vm11 =	veq.s32 v7, v4;
	v8 =	vor.u32 v1, v8;
	v7 =	vshll.u32 v9, $0x4  }
0x7d: {  	vm0 =	vmor vm10, vm11;
	v8 =	vand.u32 $0x7F, v8;
	v7 =	vand.u32 $0x7F80, v7  }
0x7e: {  	v7 =	vor.u32 v8, v7;
	_ =	sdelay $0x4  }
0x7f: {  	[tilespmem:v7+s17+$0x0] =	vst.idx.add.s32.msk vm0, v2  }
0x80: {  	v7 =	vld [tilespmem:s22+$0x0];
	_ =	sdelay $0x4  }
0x81: {  	v8 =	vshrl.u32 v7, v6;
	v48 =	vshrl.u32 v7, $0x15  }
0x82: {  	v7 =	vshrl.u32 v7, v5;
	v49 =	vand.u32 $0x3FF, v8;
	v9 =	vand.u32 $0x400, v48  }
0x83: {  	v8 =	vshll.u32 v8, $0x4;
	vm12 =	veq.s32 v7, v3;
	v9 =	vor.u32 v9, v49  }
0x84: {  	vm13 =	veq.s32 v7, v4;
	v8 =	vor.u32 v1, v8;
	v7 =	vshll.u32 v9, $0x4  }
0x85: {  	vm0 =	vmor vm12, vm13;
	v8 =	vand.u32 $0x7F, v8;
	v7 =	vand.u32 $0x7F80, v7  }
0x86: {  	v7 =	vor.u32 v8, v7;
	_ =	sdelay $0x4  }
0x87: {  	[tilespmem:v7+s16+$0x0] =	vst.idx.add.s32.msk vm0, v2  }
0x88: {  	v7 =	vld [tilespmem:s22+$0x10];
	_ =	sdelay $0x4  }
0x89: {  	v8 =	vshrl.u32 v7, v6;
	v50 =	vshrl.u32 v7, $0x15  }
0x8a: {  	v7 =	vshrl.u32 v7, v5;
	v51 =	vand.u32 $0x3FF, v8;
	v9 =	vand.u32 $0x400, v50  }
0x8b: {  	v8 =	vshll.u32 v8, $0x4;
	vm14 =	veq.s32 v7, v3;
	v9 =	vor.u32 v9, v51  }
0x8c: {  	vm15 =	veq.s32 v7, v4;
	v8 =	vor.u32 v1, v8;
	v7 =	vshll.u32 v9, $0x4  }
0x8d: {  	vm0 =	vmor vm14, vm15;
	v8 =	vand.u32 $0x7F, v8;
	v7 =	vand.u32 $0x7F80, v7  }
0x8e: {  	v7 =	vor.u32 v8, v7;
	_ =	sdelay $0x4  }
0x8f: {  	[tilespmem:v7+s17+$0x0] =	vst.idx.add.s32.msk vm0, v2  }
0x90: {  	v7 =	vld [tilespmem:s22+$0x20];
	_ =	sdelay $0x4  }
0x91: {  	v8 =	vshrl.u32 v7, v6;
	v52 =	vshrl.u32 v7, $0x15  }
0x92: {  	v7 =	vshrl.u32 v7, v5;
	v53 =	vand.u32 $0x3FF, v8;
	v9 =	vand.u32 $0x400, v52  }
0x93: {  	v8 =	vshll.u32 v8, $0x4;
	vm4 =	veq.s32 v7, v3;
	v9 =	vor.u32 v9, v53  }
0x94: {  	vm5 =	veq.s32 v7, v4;
	v8 =	vor.u32 v1, v8;
	v7 =	vshll.u32 v9, $0x4  }
0x95: {  	vm0 =	vmor vm4, vm5;
	v8 =	vand.u32 $0x7F, v8;
	v7 =	vand.u32 $0x7F80, v7  }
0x96: {  	v7 =	vor.u32 v8, v7;
	_ =	sdelay $0x4  }
0x97: {  	[tilespmem:v7+s16+$0x0] =	vst.idx.add.s32.msk vm0, v2  }
0x98: {  	v7 =	vld [tilespmem:s22+$0x30];
	_ =	sdelay $0x4  }
0x99: {  	v8 =	vshrl.u32 v7, v6;
	v54 =	vshrl.u32 v7, $0x15  }
0x9a: {  	v7 =	vshrl.u32 v7, v5;
	v55 =	vand.u32 $0x3FF, v8;
	v9 =	vand.u32 $0x400, v54  }
0x9b: {  	v8 =	vshll.u32 v8, $0x4;
	vm6 =	veq.s32 v7, v3;
	v9 =	vor.u32 v9, v55  }
0x9c: {  	vm7 =	veq.s32 v7, v4;
	v8 =	vor.u32 v1, v8;
	v7 =	vshll.u32 v9, $0x4  }
0x9d: {  	vm0 =	vmor vm6, vm7;
	v8 =	vand.u32 $0x7F, v8;
	v7 =	vand.u32 $0x7F80, v7  }
0x9e: {  	v7 =	vor.u32 v8, v7;
	_ =	sdelay $0x4  }
0x9f: {  	[tilespmem:v7+s17+$0x0] =	vst.idx.add.s32.msk vm0, v2  }
0xa0: {  	v7 =	vld [tilespmem:s22+$0x40];
	_ =	sdelay $0x4  }
0xa1: {  	v8 =	vshrl.u32 v7, v6;
	v56 =	vshrl.u32 v7, $0x15  }
0xa2: {  	v7 =	vshrl.u32 v7, v5;
	v57 =	vand.u32 $0x3FF, v8;
	v9 =	vand.u32 $0x400, v56  }
0xa3: {  	v8 =	vshll.u32 v8, $0x4;
	vm8 =	veq.s32 v7, v3;
	v9 =	vor.u32 v9, v57  }
0xa4: {  	vm9 =	veq.s32 v7, v4;
	v8 =	vor.u32 v1, v8;
	v7 =	vshll.u32 v9, $0x4  }
0xa5: {  	vm0 =	vmor vm8, vm9;
	v8 =	vand.u32 $0x7F, v8;
	v7 =	vand.u32 $0x7F80, v7  }
0xa6: {  	v7 =	vor.u32 v8, v7;
	_ =	sdelay $0x4  }
0xa7: {  	[tilespmem:v7+s16+$0x0] =	vst.idx.add.s32.msk vm0, v2  }
0xa8: {  	v7 =	vld [tilespmem:s22+$0x50];
	_ =	sdelay $0x4  }
0xa9: {  	v8 =	vshrl.u32 v7, v6;
	v58 =	vshrl.u32 v7, $0x15  }
0xaa: {  	v7 =	vshrl.u32 v7, v5;
	v59 =	vand.u32 $0x3FF, v8;
	v9 =	vand.u32 $0x400, v58  }
0xab: {  	v8 =	vshll.u32 v8, $0x4;
	vm10 =	veq.s32 v7, v3;
	v9 =	vor.u32 v9, v59  }
0xac: {  	vm11 =	veq.s32 v7, v4;
	v8 =	vor.u32 v1, v8;
	v7 =	vshll.u32 v9, $0x4  }
0xad: {  	vm0 =	vmor vm10, vm11;
	v8 =	vand.u32 $0x7F, v8;
	v7 =	vand.u32 $0x7F80, v7  }
0xae: {  	v7 =	vor.u32 v8, v7;
	_ =	sdelay $0x4  }
0xaf: {  	[tilespmem:v7+s17+$0x0] =	vst.idx.add.s32.msk vm0, v2  }
0xb0: {  	v7 =	vld [tilespmem:s22+$0x60];
	_ =	sdelay $0x4  }
0xb1: {  	v8 =	vshrl.u32 v7, v6;
	v60 =	vshrl.u32 v7, $0x15  }
0xb2: {  	v7 =	vshrl.u32 v7, v5;
	v61 =	vand.u32 $0x3FF, v8;
	v9 =	vand.u32 $0x400, v60  }
0xb3: {  	v8 =	vshll.u32 v8, $0x4;
	vm12 =	veq.s32 v7, v3;
	v9 =	vor.u32 v9, v61  }
0xb4: {  	vm13 =	veq.s32 v7, v4;
	v8 =	vor.u32 v1, v8;
	v7 =	vshll.u32 v9, $0x4  }
0xb5: {  	vm0 =	vmor vm12, vm13;
	v8 =	vand.u32 $0x7F, v8;
	v7 =	vand.u32 $0x7F80, v7  }
0xb6: {  	v7 =	vor.u32 v8, v7;
	_ =	sdelay $0x4  }
0xb7: {  	[tilespmem:v7+s16+$0x0] =	vst.idx.add.s32.msk vm0, v2  }
0xb8: {  	v7 =	vld [tilespmem:s22+$0x70];
	_ =	sdelay $0x4  }
0xb9: {  	v8 =	vshrl.u32 v7, v6;
	v62 =	vshrl.u32 v7, $0x15  }
0xba: {  	v7 =	vshrl.u32 v7, v5;
	v63 =	vand.u32 $0x3FF, v8;
	v9 =	vand.u32 $0x400, v62  }
0xbb: {  	v8 =	vshll.u32 v8, $0x4;
	vm14 =	veq.s32 v7, v3;
	v9 =	vor.u32 v9, v63  }
0xbc: {  	vm15 =	veq.s32 v7, v4;
	v8 =	vor.u32 v1, v8;
	v7 =	vshll.u32 v9, $0x4  }
0xbd: {  	s23 =	sadd.s32 $0x8, s23;
	vm0 =	vmor vm14, vm15;
	v8 =	vand.u32 $0x7F, v8;
	v7 =	vand.u32 $0x7F80, v7  }
0xbe: {  	p0 =	slt.u32 s23, $0x1F8;
	v7 =	vor.u32 v8, v7  }
.Ltmp2:
0xbf: {  	_ = 	snop;
	(pc) =	sbr.rel @p0 .LBB2_7-.Ltmp2, $2  }
0xc0: {  	_ =	sdelay $0x2  }
0xc1: {  	s22 =	sadd.s32 $0x100, s22;
	[tilespmem:v7+s17+$0x0] =	vst.idx.add.s32.msk vm0, v2  }
0xc2: {  	p0 =	seq.s32 s21, $0xF  }
0xc3: {  	s22 =	sshll.u32 @!p0 s21, $0x1  }
0xc4: {  	s22 =	sadd.s32 @!p0 $0x2, s22  }
0xc5: {  	s23 =	sshll.u32 @!p0 s22, $0xE  }
0xc6: {  	s22 =	sshll.u32 @!p0 s22, $0x7;
	s23 =	sand.u32 @!p0 $0xE0000, s23  }
0xc7: {  	s22 =	sand.u32 @!p0 $0x300, s22;
	s23 =	sadd.s32 @!p0 s5, s23  }
0xc8: {  	s22 =	sor.u32 @!p0 s22, s23  }
0xc9: {  	s24 =	simm.s32 @!p0 $0x400;
	s22 =	sshrl.u32 @!p0 s22, $0x3  }
0xca: {  	s25 =	simm.s32 @!p0 $0x0;
	s23 =	simm.s32 @!p0 $0x80;
	s22 =	sadd.s32 @!p0 s3, s22  }
0xcb: {  	[tilespmem:s25], [sflag:$0x1] =	stream.strided.gather @!p0 [hbm4b:s22+s23], $0x4000, s24, s23, $0x38;
	[tilespmem:$0x18080] =	vst v63  }
0xcc: {  	_ =	swait.ge [sflag:s18], $0x4000  }
0xcd: {  	[sflag:s18] =	ssyncset.done $0x0  }
0xce: {  	s22 =	simm.s32 $0xFFFFFFF8;
	s23 =	simm.s32 $0x4000;
	[sflag:s18] =	ssyncadd.s32 $0xFFFFC000  }
.LBB2_9:
0xcf: {  	v7 =	vld [tilespmem:s23+$0x0];
	_ =	sdelay $0x4  }
0xd0: {  	v8 =	vshrl.u32 v7, v6;
	v9 =	vshrl.u32 v7, $0x15  }
0xd1: {  	v7 =	vshrl.u32 v7, v5;
	v10 =	vand.u32 $0x3FF, v8;
	v9 =	vand.u32 $0x400, v9  }
0xd2: {  	v8 =	vshll.u32 v8, $0x4;
	vm0 =	veq.s32 v7, v3;
	v9 =	vor.u32 v9, v10  }
0xd3: {  	vm1 =	veq.s32 v7, v4;
	v8 =	vor.u32 v1, v8;
	v7 =	vshll.u32 v9, $0x4  }
0xd4: {  	vm0 =	vmor vm0, vm1;
	v8 =	vand.u32 $0x7F, v8;
	v7 =	vand.u32 $0x7F80, v7  }
0xd5: {  	v7 =	vor.u32 v8, v7;
	_ =	sdelay $0x4  }
0xd6: {  	[tilespmem:v7+s16+$0x0] =	vst.idx.add.s32.msk vm0, v2  }
0xd7: {  	v7 =	vld [tilespmem:s23+$0x10];
	_ =	sdelay $0x4  }
0xd8: {  	v8 =	vshrl.u32 v7, v6;
	v34 =	vshrl.u32 v7, $0x15  }
0xd9: {  	v7 =	vshrl.u32 v7, v5;
	v35 =	vand.u32 $0x3FF, v8;
	v9 =	vand.u32 $0x400, v34  }
0xda: {  	v8 =	vshll.u32 v8, $0x4;
	vm10 =	veq.s32 v7, v3;
	v9 =	vor.u32 v9, v35  }
0xdb: {  	vm11 =	veq.s32 v7, v4;
	v8 =	vor.u32 v1, v8;
	v7 =	vshll.u32 v9, $0x4  }
0xdc: {  	vm0 =	vmor vm10, vm11;
	v8 =	vand.u32 $0x7F, v8;
	v7 =	vand.u32 $0x7F80, v7  }
0xdd: {  	v7 =	vor.u32 v8, v7;
	_ =	sdelay $0x4  }
0xde: {  	[tilespmem:v7+s17+$0x0] =	vst.idx.add.s32.msk vm0, v2  }
0xdf: {  	v7 =	vld [tilespmem:s23+$0x20];
	_ =	sdelay $0x4  }
0xe0: {  	v8 =	vshrl.u32 v7, v6;
	v36 =	vshrl.u32 v7, $0x15  }
0xe1: {  	v7 =	vshrl.u32 v7, v5;
	v37 =	vand.u32 $0x3FF, v8;
	v9 =	vand.u32 $0x400, v36  }
0xe2: {  	v8 =	vshll.u32 v8, $0x4;
	vm12 =	veq.s32 v7, v3;
	v9 =	vor.u32 v9, v37  }
0xe3: {  	vm13 =	veq.s32 v7, v4;
	v8 =	vor.u32 v1, v8;
	v7 =	vshll.u32 v9, $0x4  }
0xe4: {  	vm0 =	vmor vm12, vm13;
	v8 =	vand.u32 $0x7F, v8;
	v7 =	vand.u32 $0x7F80, v7  }
0xe5: {  	v7 =	vor.u32 v8, v7;
	_ =	sdelay $0x4  }
0xe6: {  	[tilespmem:v7+s16+$0x0] =	vst.idx.add.s32.msk vm0, v2  }
0xe7: {  	v7 =	vld [tilespmem:s23+$0x30];
	_ =	sdelay $0x4  }
0xe8: {  	v8 =	vshrl.u32 v7, v6;
	v38 =	vshrl.u32 v7, $0x15  }
0xe9: {  	v7 =	vshrl.u32 v7, v5;
	v39 =	vand.u32 $0x3FF, v8;
	v9 =	vand.u32 $0x400, v38  }
0xea: {  	v8 =	vshll.u32 v8, $0x4;
	vm14 =	veq.s32 v7, v3;
	v9 =	vor.u32 v9, v39  }
0xeb: {  	vm15 =	veq.s32 v7, v4;
	v8 =	vor.u32 v1, v8;
	v7 =	vshll.u32 v9, $0x4  }
0xec: {  	vm0 =	vmor vm14, vm15;
	v8 =	vand.u32 $0x7F, v8;
	v7 =	vand.u32 $0x7F80, v7  }
0xed: {  	v7 =	vor.u32 v8, v7;
	_ =	sdelay $0x4  }
0xee: {  	[tilespmem:v7+s17+$0x0] =	vst.idx.add.s32.msk vm0, v2  }
0xef: {  	v7 =	vld [tilespmem:s23+$0x40];
	_ =	sdelay $0x4  }
0xf0: {  	v8 =	vshrl.u32 v7, v6;
	v40 =	vshrl.u32 v7, $0x15  }
0xf1: {  	v7 =	vshrl.u32 v7, v5;
	v41 =	vand.u32 $0x3FF, v8;
	v9 =	vand.u32 $0x400, v40  }
0xf2: {  	v8 =	vshll.u32 v8, $0x4;
	vm4 =	veq.s32 v7, v3;
	v9 =	vor.u32 v9, v41  }
0xf3: {  	vm5 =	veq.s32 v7, v4;
	v8 =	vor.u32 v1, v8;
	v7 =	vshll.u32 v9, $0x4  }
0xf4: {  	vm0 =	vmor vm4, vm5;
	v8 =	vand.u32 $0x7F, v8;
	v7 =	vand.u32 $0x7F80, v7  }
0xf5: {  	v7 =	vor.u32 v8, v7;
	_ =	sdelay $0x4  }
0xf6: {  	[tilespmem:v7+s16+$0x0] =	vst.idx.add.s32.msk vm0, v2  }
0xf7: {  	v7 =	vld [tilespmem:s23+$0x50];
	_ =	sdelay $0x4  }
0xf8: {  	v8 =	vshrl.u32 v7, v6;
	v42 =	vshrl.u32 v7, $0x15  }
0xf9: {  	v7 =	vshrl.u32 v7, v5;
	v43 =	vand.u32 $0x3FF, v8;
	v9 =	vand.u32 $0x400, v42  }
0xfa: {  	v8 =	vshll.u32 v8, $0x4;
	vm6 =	veq.s32 v7, v3;
	v9 =	vor.u32 v9, v43  }
0xfb: {  	vm7 =	veq.s32 v7, v4;
	v8 =	vor.u32 v1, v8;
	v7 =	vshll.u32 v9, $0x4  }
0xfc: {  	vm0 =	vmor vm6, vm7;
	v8 =	vand.u32 $0x7F, v8;
	v7 =	vand.u32 $0x7F80, v7  }
0xfd: {  	v7 =	vor.u32 v8, v7;
	_ =	sdelay $0x4  }
0xfe: {  	[tilespmem:v7+s17+$0x0] =	vst.idx.add.s32.msk vm0, v2  }
0xff: {  	v7 =	vld [tilespmem:s23+$0x60];
	_ =	sdelay $0x4  }
0x100: {  	v8 =	vshrl.u32 v7, v6;
	v44 =	vshrl.u32 v7, $0x15  }
0x101: {  	v7 =	vshrl.u32 v7, v5;
	v45 =	vand.u32 $0x3FF, v8;
	v9 =	vand.u32 $0x400, v44  }
0x102: {  	v8 =	vshll.u32 v8, $0x4;
	vm8 =	veq.s32 v7, v3;
	v9 =	vor.u32 v9, v45  }
0x103: {  	vm9 =	veq.s32 v7, v4;
	v8 =	vor.u32 v1, v8;
	v7 =	vshll.u32 v9, $0x4  }
0x104: {  	vm0 =	vmor vm8, vm9;
	v8 =	vand.u32 $0x7F, v8;
	v7 =	vand.u32 $0x7F80, v7  }
0x105: {  	v7 =	vor.u32 v8, v7;
	_ =	sdelay $0x4  }
0x106: {  	[tilespmem:v7+s16+$0x0] =	vst.idx.add.s32.msk vm0, v2  }
0x107: {  	v7 =	vld [tilespmem:s23+$0x70];
	_ =	sdelay $0x4  }
0x108: {  	v8 =	vshrl.u32 v7, v6;
	v46 =	vshrl.u32 v7, $0x15  }
0x109: {  	v7 =	vshrl.u32 v7, v5;
	v47 =	vand.u32 $0x3FF, v8;
	v9 =	vand.u32 $0x400, v46  }
0x10a: {  	v8 =	vshll.u32 v8, $0x4;
	vm10 =	veq.s32 v7, v3;
	v9 =	vor.u32 v9, v47  }
0x10b: {  	vm11 =	veq.s32 v7, v4;
	v8 =	vor.u32 v1, v8;
	v7 =	vshll.u32 v9, $0x4  }
0x10c: {  	vm0 =	vmor vm10, vm11;
	v8 =	vand.u32 $0x7F, v8;
	v7 =	vand.u32 $0x7F80, v7  }
0x10d: {  	v7 =	vor.u32 v8, v7;
	_ =	sdelay $0x4  }
0x10e: {  	[tilespmem:v7+s17+$0x0] =	vst.idx.add.s32.msk vm0, v2  }
0x10f: {  	v7 =	vld [tilespmem:s23+$0x80];
	_ =	sdelay $0x4  }
0x110: {  	v8 =	vshrl.u32 v7, v6;
	v48 =	vshrl.u32 v7, $0x15  }
0x111: {  	v7 =	vshrl.u32 v7, v5;
	v49 =	vand.u32 $0x3FF, v8;
	v9 =	vand.u32 $0x400, v48  }
0x112: {  	v8 =	vshll.u32 v8, $0x4;
	vm12 =	veq.s32 v7, v3;
	v9 =	vor.u32 v9, v49  }
0x113: {  	vm13 =	veq.s32 v7, v4;
	v8 =	vor.u32 v1, v8;
	v7 =	vshll.u32 v9, $0x4  }
0x114: {  	vm0 =	vmor vm12, vm13;
	v8 =	vand.u32 $0x7F, v8;
	v7 =	vand.u32 $0x7F80, v7  }
0x115: {  	v7 =	vor.u32 v8, v7;
	_ =	sdelay $0x4  }
0x116: {  	[tilespmem:v7+s16+$0x0] =	vst.idx.add.s32.msk vm0, v2  }
0x117: {  	v7 =	vld [tilespmem:s23+$0x90];
	_ =	sdelay $0x4  }
0x118: {  	v8 =	vshrl.u32 v7, v6;
	v50 =	vshrl.u32 v7, $0x15  }
0x119: {  	v7 =	vshrl.u32 v7, v5;
	v51 =	vand.u32 $0x3FF, v8;
	v9 =	vand.u32 $0x400, v50  }
0x11a: {  	v8 =	vshll.u32 v8, $0x4;
	vm14 =	veq.s32 v7, v3;
	v9 =	vor.u32 v9, v51  }
0x11b: {  	vm15 =	veq.s32 v7, v4;
	v8 =	vor.u32 v1, v8;
	v7 =	vshll.u32 v9, $0x4  }
0x11c: {  	vm0 =	vmor vm14, vm15;
	v8 =	vand.u32 $0x7F, v8;
	v7 =	vand.u32 $0x7F80, v7  }
0x11d: {  	v7 =	vor.u32 v8, v7;
	_ =	sdelay $0x4  }
0x11e: {  	[tilespmem:v7+s17+$0x0] =	vst.idx.add.s32.msk vm0, v2  }
0x11f: {  	v7 =	vld [tilespmem:s23+$0xA0];
	_ =	sdelay $0x4  }
0x120: {  	v8 =	vshrl.u32 v7, v6;
	v52 =	vshrl.u32 v7, $0x15  }
0x121: {  	v7 =	vshrl.u32 v7, v5;
	v53 =	vand.u32 $0x3FF, v8;
	v9 =	vand.u32 $0x400, v52  }
0x122: {  	v8 =	vshll.u32 v8, $0x4;
	vm4 =	veq.s32 v7, v3;
	v9 =	vor.u32 v9, v53  }
0x123: {  	vm5 =	veq.s32 v7, v4;
	v8 =	vor.u32 v1, v8;
	v7 =	vshll.u32 v9, $0x4  }
0x124: {  	vm0 =	vmor vm4, vm5;
	v8 =	vand.u32 $0x7F, v8;
	v7 =	vand.u32 $0x7F80, v7  }
0x125: {  	v7 =	vor.u32 v8, v7;
	_ =	sdelay $0x4  }
0x126: {  	[tilespmem:v7+s16+$0x0] =	vst.idx.add.s32.msk vm0, v2  }
0x127: {  	v7 =	vld [tilespmem:s23+$0xB0];
	_ =	sdelay $0x4  }
0x128: {  	v8 =	vshrl.u32 v7, v6;
	v54 =	vshrl.u32 v7, $0x15  }
0x129: {  	v7 =	vshrl.u32 v7, v5;
	v55 =	vand.u32 $0x3FF, v8;
	v9 =	vand.u32 $0x400, v54  }
0x12a: {  	v8 =	vshll.u32 v8, $0x4;
	vm6 =	veq.s32 v7, v3;
	v9 =	vor.u32 v9, v55  }
0x12b: {  	vm7 =	veq.s32 v7, v4;
	v8 =	vor.u32 v1, v8;
	v7 =	vshll.u32 v9, $0x4  }
0x12c: {  	vm0 =	vmor vm6, vm7;
	v8 =	vand.u32 $0x7F, v8;
	v7 =	vand.u32 $0x7F80, v7  }
0x12d: {  	v7 =	vor.u32 v8, v7;
	_ =	sdelay $0x4  }
0x12e: {  	[tilespmem:v7+s17+$0x0] =	vst.idx.add.s32.msk vm0, v2  }
0x12f: {  	v7 =	vld [tilespmem:s23+$0xC0];
	_ =	sdelay $0x4  }
0x130: {  	v8 =	vshrl.u32 v7, v6;
	v56 =	vshrl.u32 v7, $0x15  }
0x131: {  	v7 =	vshrl.u32 v7, v5;
	v57 =	vand.u32 $0x3FF, v8;
	v9 =	vand.u32 $0x400, v56  }
0x132: {  	v8 =	vshll.u32 v8, $0x4;
	vm8 =	veq.s32 v7, v3;
	v9 =	vor.u32 v9, v57  }
0x133: {  	vm9 =	veq.s32 v7, v4;
	v8 =	vor.u32 v1, v8;
	v7 =	vshll.u32 v9, $0x4  }
0x134: {  	vm0 =	vmor vm8, vm9;
	v8 =	vand.u32 $0x7F, v8;
	v7 =	vand.u32 $0x7F80, v7  }
0x135: {  	v7 =	vor.u32 v8, v7;
	_ =	sdelay $0x4  }
0x136: {  	[tilespmem:v7+s16+$0x0] =	vst.idx.add.s32.msk vm0, v2  }
0x137: {  	v7 =	vld [tilespmem:s23+$0xD0];
	_ =	sdelay $0x4  }
0x138: {  	v8 =	vshrl.u32 v7, v6;
	v58 =	vshrl.u32 v7, $0x15  }
0x139: {  	v7 =	vshrl.u32 v7, v5;
	v59 =	vand.u32 $0x3FF, v8;
	v9 =	vand.u32 $0x400, v58  }
0x13a: {  	v8 =	vshll.u32 v8, $0x4;
	vm10 =	veq.s32 v7, v3;
	v9 =	vor.u32 v9, v59  }
0x13b: {  	vm11 =	veq.s32 v7, v4;
	v8 =	vor.u32 v1, v8;
	v7 =	vshll.u32 v9, $0x4  }
0x13c: {  	vm0 =	vmor vm10, vm11;
	v8 =	vand.u32 $0x7F, v8;
	v7 =	vand.u32 $0x7F80, v7  }
0x13d: {  	v7 =	vor.u32 v8, v7;
	_ =	sdelay $0x4  }
0x13e: {  	[tilespmem:v7+s17+$0x0] =	vst.idx.add.s32.msk vm0, v2  }
0x13f: {  	v7 =	vld [tilespmem:s23+$0xE0];
	_ =	sdelay $0x4  }
0x140: {  	v8 =	vshrl.u32 v7, v6;
	v60 =	vshrl.u32 v7, $0x15  }
0x141: {  	v7 =	vshrl.u32 v7, v5;
	v61 =	vand.u32 $0x3FF, v8;
	v9 =	vand.u32 $0x400, v60  }
0x142: {  	v8 =	vshll.u32 v8, $0x4;
	vm12 =	veq.s32 v7, v3;
	v9 =	vor.u32 v9, v61  }
0x143: {  	vm13 =	veq.s32 v7, v4;
	v8 =	vor.u32 v1, v8;
	v7 =	vshll.u32 v9, $0x4  }
0x144: {  	vm0 =	vmor vm12, vm13;
	v8 =	vand.u32 $0x7F, v8;
	v7 =	vand.u32 $0x7F80, v7  }
0x145: {  	v7 =	vor.u32 v8, v7;
	_ =	sdelay $0x4  }
0x146: {  	[tilespmem:v7+s16+$0x0] =	vst.idx.add.s32.msk vm0, v2  }
0x147: {  	v7 =	vld [tilespmem:s23+$0xF0];
	_ =	sdelay $0x4  }
0x148: {  	v8 =	vshrl.u32 v7, v6;
	v62 =	vshrl.u32 v7, $0x15  }
0x149: {  	v7 =	vshrl.u32 v7, v5;
	v63 =	vand.u32 $0x3FF, v8;
	v9 =	vand.u32 $0x400, v62  }
0x14a: {  	v8 =	vshll.u32 v8, $0x4;
	vm14 =	veq.s32 v7, v3;
	v9 =	vor.u32 v9, v63  }
0x14b: {  	vm15 =	veq.s32 v7, v4;
	v8 =	vor.u32 v1, v8;
	v7 =	vshll.u32 v9, $0x4  }
0x14c: {  	s22 =	sadd.s32 $0x8, s22;
	vm0 =	vmor vm14, vm15;
	v8 =	vand.u32 $0x7F, v8;
	v7 =	vand.u32 $0x7F80, v7  }
0x14d: {  	p0 =	slt.u32 s22, $0x1F8;
	v7 =	vor.u32 v8, v7  }
.Ltmp3:
0x14e: {  	_ = 	snop;
	(pc) =	sbr.rel @p0 .LBB2_9-.Ltmp3, $2  }
0x14f: {  	_ =	sdelay $0x2  }
0x150: {  	s23 =	sadd.s32 $0x100, s23;
	[tilespmem:v7+s17+$0x0] =	vst.idx.add.s32.msk vm0, v2  }
0x151: {  	s21 =	sadd.s32 $0x1, s21  }
0x152: {  	p0 =	sne.s32 s21, $0x10  }
.Ltmp4:
0x153: {  	_ = 	snop;
	(pc) =	sbr.rel @p0 .LBB2_6-.Ltmp4, $1  }
0x154: {  	_ =	sdelay $0x3  }
0x155: {  	[hbm4b:s7+s12] =	stream.strided.scatter [tilespmem:s16], [sflag:$0x3], $0x8000, s19, s12, $0x38;
	[tilespmem:$0x18080] =	vst v63  }
0x156: {  	s20 =	sadd.s32 $0x1, s20;
	_ =	swait.ge [sflag:s11], $0x8000  }
0x157: {  	p0 =	sne.s32 s20, s9;
	[sflag:s11] =	ssyncset.done $0x0  }
.Ltmp5:
0x158: {  	[sflag:s11] =	ssyncadd.s32 $0xFFFF8000;
	(pc) =	sbr.rel @p0 .LBB2_1-.Ltmp5, $4  }
0x159: {  	[hbm4b:s8+s12] =	stream.strided.scatter [tilespmem:s17], [sflag:$0x3], $0x8000, s19, s12, $0x38;
	[tilespmem:$0x18080] =	vst v63  }
0x15a: {  	_ =	swait.ge [sflag:s11], $0x8000  }
0x15b: {  	[sflag:s11] =	ssyncset.done $0x0  }
0x15c: {  	[sflag:s11] =	ssyncadd.s32 $0xFFFF8000  }
0x15d: {  	_ =	sfence.sel $0x180000  }
0x15e: {  	[bflag:$0x0] =	sbarrier.arrive $0xFFFF  }
0x15f: {  	p0 =	sne.s32 s1, $0x0;
	_ =	strace $0x9000004A  }
0x160: {  	s0 =	sadd.s32 @!p0 $0x100000, s0;
	[bflag:$0x2] =	sbarrier.arrive $0xFFFF  }
0x161: {  	[sflag:s0] =	ssyncadd.tile.s32 @!p0 $0x1;
	_ =	shalt  }
.Lfunc_end2:
_tile_overlayer_lowered:
.L_overlay_start_2:
0x162: {  	(tag) =	ssettag $0x2  }
0x163: {  	s0 =	rddreg [dreg:$0x0];
	s2 =	stileid.u32  }
0x164: {  	s1 =	rddreg [dreg:$0x1];
	p0 =	sne.s32 s2, $0x0  }
0x165: {  	s3 =	rddreg [dreg:$0x2];
	[bflag:$0x3] =	sbarrier.arrive $0xFFFF;
	s2 =	simm.s32 @!p0 $0x1C03  }
0x166: {  	[timem:s3], [sflag:s2] =	dma.local @!p0 [hbm:s0], s1  }
0x167: {  	s0 =	simm.s32 @!p0 $0x3  }
0x168: {  	_ =	swait.ge @!p0 [sflag:s0], s1  }
0x169: {  	s1 =	ssub.s32 @!p0 $0x0, s1;
	[sflag:s0] =	ssyncset.done @!p0 $0x0  }
0x16a: {  	[sflag:s0] =	ssyncadd.s32 @!p0 s1  }
0x16b: {  	[bflag:$0x3] =	sbarrier.arrive $0xFFFF  }
0x16c: {  	_ =	shalt  }

// kernel: kernel.23.cloned.1.call-start
scs
__scs_entry_jumppad:
0x0: {  	(pc) =	sbr.rel $0x88, $3  }
0x1: {  	(tag) =	ssettag $0x0;
	lr =	simm.s32 $0x1  }
0x2: {  	[smem:$0x3F96] =	sst lr;
	_ =	strace $0xD0000000  }
0x3: {  	_ = 	snop  }
0x4: {  	_ = 	snop  }
0x5: {  	_ = 	snop  }
0x6: {  	_ = 	snop  }
0x7: {  	_ = 	snop  }
__scs_overlays_trampoline_lowered:
0x8: {  	[smem:$0x3FA5] =	sst s0  }
0x9: {  	[smem:$0x3FA6] =	sst s1  }
0xa: {  	[smem:$0x3FA7] =	sst s2  }
0xb: {  	[smem:$0x3FA8] =	sst s3  }
0xc: {  	[smem:$0x3FA9] =	sst s4  }
0xd: {  	[smem:$0x3FAA] =	sst s5  }
0xe: {  	[smem:$0x3FAB] =	sst s6  }
0xf: {  	[smem:$0x3FAC] =	sst s7  }
0x10: {  	[smem:$0x3FAD] =	sst s8  }
0x11: {  	[smem:$0x3FAE] =	sst s9;
	s0 =	simm.s32 @!p0 $0x0  }
0x12: {  	s1 =	sld [smem:$0x3F94];
	s0 =	simm.s32 @p0 $0x1  }
0x13: {  	[smem:$0x3FAF] =	sst s0;
	s0 =	simm.s32 @!p1 $0x0  }
0x14: {  	s2 =	sld [smem:$0x3F93];
	s0 =	simm.s32 @p1 $0x1  }
0x15: {  	[smem:$0x3FB0] =	sst s0;
	s0 =	simm.s32 @!p2 $0x0  }
0x16: {  	s3 =	sld [smem:$0x3FDB];
	s0 =	simm.s32 @p2 $0x1  }
0x17: {  	s4 =	simm.s32 $0x1BF5;
	[smem:$0x3FB2] =	sst s0  }
0x18: {  	s0 =	sld [smem:$0x3F95];
	_ =	swait.ge [sflag:s4], $0x0  }
0x19: {  	s7 =	sld [smem:$0x3F96]  }
0x1a: {  	s8 =	sadd.s32 $0xFFFFE003, lr  }
0x1b: {  	s9 =	sadd.s32 $0xFFFFFEF7, lr;
	s5 =	simm.s32 $0xFFFFFFFF;
	p2 =	slt.u32 s8, $0xFFFFF086  }
0x1c: {  	p1 =	slt.u32 s9, $0xF7A;
	s5 =	simm.s32 @!p2 $0x0  }
0x1d: {  	s5 =	simm.s32 @p1 $0x1;
	p0 =	seq.s32 s7, s2  }
0x1e: {  	s7 =	smul.u32 @!p0 $0xF7A, s2;
	p2 =	seq.s32 @!p0 s5, $0x0  }
0x1f: {  	s9 =	smul.u32 $0xF7A, s1;
	s8 =	simm.s32 @!p0 $0x1BF5;
	p2 =	por !p2, p0  }
0x20: {  	[sflag:s8] =	ssyncset.s32 @!p0 $0xFFFFF086;
	s6 =	sadd.s32 @!p0 s3, s7;
	s7 =	simm.s32 @!p0 $0x108  }
0x21: {  	s3 =	sadd.s32 s3, s9;
	s6 =	sadd.s32 @!p0 $0x88, s6;
	s7 =	simm.s32 @p2 $0x1082  }
0x22: {  	[simem:s7], [sflag:s8] =	dma.local @!p0 [hbm:s6], $0xF7A  }
0x23: {  	s9 =	sor.u32 $0xD0000000, s2;
	s6 =	simm.s32 $0x108;
	_ =	swait.ge @!p0 [sflag:s8], $0x0  }
0x24: {  	s3 =	sadd.s32 $0x88, s3;
	s6 =	simm.s32 @!p1 $0x1082;
	[sflag:s4] =	ssyncset.s32 $0xFFFFF086  }
0x25: {  	[simem:s6], [sflag:s4] =	dma.local [hbm:s3], $0xF7A  }
0x26: {  	[smem:$0x3F96] =	sst s1;
	(tag) =	ssettag s2;
	_ =	strace s9  }
0x27: {  	s1 =	sld [smem:$0x3FA6]  }
0x28: {  	s2 =	sld [smem:$0x3FA7]  }
0x29: {  	s4 =	sld [smem:$0x3FA9]  }
0x2a: {  	p0 =	seq.s32 s5, $0x0;
	s5 =	sld [smem:$0x3FAA]  }
0x2b: {  	s6 =	sld [smem:$0x3FAB]  }
0x2c: {  	s7 =	sld [smem:$0x3FAC]  }
0x2d: {  	s3 =	simm.s32 $0x108;
	s8 =	sld [smem:$0x3FAD]  }
0x2e: {  	s3 =	simm.s32 @!p0 $0x1082;
	s9 =	sld [smem:$0x3FAE]  }
0x2f: {  	lr =	sadd.s32 s0, s3;
	s0 =	sld [smem:$0x3FA5]  }
0x30: {  	s3 =	sld [smem:$0x3FA8]  }
0x31: {  	[smem:$0x3FB1] =	sst s10  }
0x32: {  	s10 =	sld [smem:$0x3FAF];
	_ =	sdelay $0x3  }
0x33: {  	p0 =	seq.s32 s10, $0x1;
	s10 =	sld [smem:$0x3FB1];
	_ =	sdelay $0x3  }
0x34: {  	[smem:$0x3FB1] =	sst s10  }
0x35: {  	s10 =	sld [smem:$0x3FB0];
	_ =	sdelay $0x3  }
0x36: {  	p1 =	seq.s32 s10, $0x1;
	s10 =	sld [smem:$0x3FB1];
	_ =	sdelay $0x3  }
0x37: {  	[smem:$0x3FB1] =	sst s10  }
0x38: {  	s10 =	sld [smem:$0x3FB2]  }
0x39: {  	_ = 	snop;
	(pc) =	sbr.ind lr, $3  }
0x3a: {  	_ = 	snop  }
0x3b: {  	_ = 	snop  }
0x3c: {  	p2 =	seq.s32 s10, $0x1;
	s10 =	sld [smem:$0x3FB1]  }
0x3d: {  	_ =	shalt  }
0x3e: {  	_ =	shalt  }
0x3f: {  	_ =	shalt  }
0x40: {  	_ =	shalt  }
0x41: {  	_ =	shalt  }
0x42: {  	_ =	shalt  }
0x43: {  	_ =	shalt  }
0x44: {  	_ =	shalt  }
0x45: {  	_ =	shalt  }
0x46: {  	_ =	shalt  }
0x47: {  	_ =	shalt  }
0x48: {  	_ =	shalt  }
0x49: {  	_ =	shalt  }
0x4a: {  	_ =	shalt  }
0x4b: {  	_ =	shalt  }
0x4c: {  	_ =	shalt  }
0x4d: {  	_ =	shalt  }
0x4e: {  	_ =	shalt  }
0x4f: {  	_ =	shalt  }
0x50: {  	_ =	shalt  }
0x51: {  	_ =	shalt  }
0x52: {  	_ =	shalt  }
0x53: {  	_ =	shalt  }
0x54: {  	_ =	shalt  }
0x55: {  	_ =	shalt  }
0x56: {  	_ =	shalt  }
0x57: {  	_ =	shalt  }
0x58: {  	_ =	shalt  }
0x59: {  	_ =	shalt  }
0x5a: {  	_ =	shalt  }
0x5b: {  	_ =	shalt  }
0x5c: {  	_ =	shalt  }
0x5d: {  	_ =	shalt  }
0x5e: {  	_ =	shalt  }
0x5f: {  	_ =	shalt  }
0x60: {  	_ =	shalt  }
0x61: {  	_ =	shalt  }
0x62: {  	_ =	shalt  }
0x63: {  	_ =	shalt  }
0x64: {  	_ =	shalt  }
0x65: {  	_ =	shalt  }
0x66: {  	_ =	shalt  }
0x67: {  	_ =	shalt  }
0x68: {  	_ =	shalt  }
0x69: {  	_ =	shalt  }
0x6a: {  	_ =	shalt  }
0x6b: {  	_ =	shalt  }
0x6c: {  	_ =	shalt  }
0x6d: {  	_ =	shalt  }
0x6e: {  	_ =	shalt  }
0x6f: {  	_ =	shalt  }
0x70: {  	_ =	shalt  }
0x71: {  	_ =	shalt  }
0x72: {  	_ =	shalt  }
0x73: {  	_ =	shalt  }
0x74: {  	_ =	shalt  }
0x75: {  	_ =	shalt  }
0x76: {  	_ =	shalt  }
0x77: {  	_ =	shalt  }
0x78: {  	_ =	shalt  }
0x79: {  	_ =	shalt  }
0x7a: {  	_ =	shalt  }
0x7b: {  	_ =	shalt  }
0x7c: {  	_ =	shalt  }
0x7d: {  	_ =	shalt  }
0x7e: {  	_ =	shalt  }
0x7f: {  	_ =	shalt  }
0x80: {  	_ =	shalt  }
0x81: {  	_ =	shalt  }
0x82: {  	_ =	shalt  }
0x83: {  	_ =	shalt  }
0x84: {  	_ =	shalt  }
0x85: {  	_ =	shalt  }
0x86: {  	_ =	shalt  }
0x87: {  	_ =	shalt  }
.Lfunc_end0:
.L_simem_size_0:
called_computation.2_lowered:
.L_overlay_start_0:
0x88: {  	s2 =	sld [smem:$0x3FD9]  }
0x89: {  	s3 =	sld [smem:$0x3FFE];
	_ =	sdelay $0x1  }
0x8a: {  	s1 =	srdreg.scid  }
0x8b: {  	s0 =	sand.u32 $0x1, s1  }
0x8c: {  	s16 =	sshll.u32 s0, $0xA;
	s2 =	sadd.s32 s3, s2  }
0x8d: {  	s2 =	sadd.s32 s2, s16  }
0x8e: {  	[smem:$0x3FBD] =	sst s2  }
0x8f: {  	_ = 	snop  }
0x90: {  	(tm) =	ssettm $0x1  }
0x91: {  	s17 =	sld [smem:$0x3FFB];
	_ =	sdelay $0x3  }
0x92: {  	_ =	strace s17  }
0x93: {  	s2 =	sld [smem:$0x3FFC];
	_ =	sdelay $0x3  }
0x94: {  	_ =	strace s2  }
0x95: {  	s2 =	sld [smem:$0x3FFD];
	_ =	sdelay $0x3  }
0x96: {  	_ =	strace s2  }
0x97: {  	_ =	strace $0x8FFFFFFF  }
0x98: {  	s18 =	sld [smem:$0x3FDB];
	_ =	sdelay $0x1  }
0x99: {  	s19 =	simm.s32 $_scs_section_size  }
0x9a: {  	s4 =	simm.s32 $_size__tile_overlayer_lowered;
	s5 =	simm.s32 $_tile_overlayer_lowered  }
0x9b: {  	s22 =	simm.s32 $0x1BFF;
	s21 =	sshll.u32 s5, $0x1;
	s2 =	sadd.s32 s19, s18  }
0x9c: {  	s6 =	simm.s32 $0x0;
	s20 =	sshll.u32 s4, $0x1;
	s4 =	sadd.s32 s21, s2  }
0x9d: {  	[timem:s6], [sflag:s22] =	dma.local [hbm:s4], s20  }
0x9e: {  	_ =	swait.ge [sflag:s22], s20  }
0x9f: {  	s3 =	ssub.s32 $0x0, s20;
	[sflag:s22] =	ssyncset.done $0x0  }
0xa0: {  	[sflag:s22] =	ssyncadd.s32 s3;
	_ =	sdelay $0x1  }
0xa1: {  	s23 =	simm.s32 $0x1B8B  }
0xa2: {  	_ =	swait.ge [sflag:s23], $0x1  }
0xa3: {  	[sflag:s23] =	ssyncset.done $0x0  }
0xa4: {  	s25 =	simm.s32 $0x1B8E;
	s24 =	sld [smem:$0x3FFE];
	[sflag:s23] =	ssyncadd.s32 $0xFFFFFFFF  }
0xa5: {  	s26 =	simm.s32 $execute0_lowered;
	[smem:$0x3FD2] =	sst s25  }
0xa6: {  	s4 =	sshll.u32 s26, $0x1;
	_ =	strace $0x8000004C;
	[dreg:$0x1] =	wrdreg $0xFFFFFFFF  }
0xa7: {  	s28 =	simm.s32 $_size_execute0_lowered;
	s2 =	sadd.s32 s2, s4;
	[dreg:$0x0] =	wrdreg $0x0  }
0xa8: {  	s4 =	sshll.u32 s28, $0x1;
	[dreg:$0x2] =	wrdreg s2  }
0xa9: {  	[dreg:$0x3] =	wrdreg s4  }
0xaa: {  	[dreg:$0x4] =	wrdreg $0xC0  }
0xab: {  	_ =	task [dreg:s6], $0x5FFFF  }
0xac: {  	[dreg:$0x1] =	wrdreg $0xFFFFFFFF  }
0xad: {  	[dreg:$0x0] =	wrdreg $0x60  }
0xae: {  	[dreg:$0x2] =	wrdreg s24  }
0xaf: {  	[dreg:$0x3] =	wrdreg $0x9  }
0xb0: {  	_ =	task.clear_ibuf [dreg:s6], $0x4FFFF;
	_ =	strace $0x9000004C  }
0xb1: {  	s29 =	simm.s32 $0x9;
	_ =	strace $0x8000004E  }
0xb2: {  	_ =	swait.ge [sflag:s29], $0x1  }
0xb3: {  	[sflag:s29] =	ssyncadd.s32 $0xFFFFFFFF  }
0xb4: {  	_ =	strace $0x9000004E  }
0xb5: {  	_ =	sfence  }
0xb6: {  	s30 =	sld [smem:$0x0];
	_ =	sdelay $0x2  }
0xb7: {  	s31 =	sshll.u32 s1, $0xD;
	s1 =	sshrl.u32 s1, $0x2  }
0xb8: {  	s3 =	sand.u32 $0x4000, s31;
	s1 =	sadd.s32 s1, s30  }
0xb9: {  	s0 =	sor.u32 s3, s0;
	s1 =	sshll.u32 s1, $0x11  }
0xba: {  	s0 =	sor.u32 s1, s0  }
0xbb: {  	s0 =	sadd.s32 $0x8F2B, s0  }
0xbc: {  	[sflag:s0] =	ssyncadd.remote.s32 $0x1  }
0xbd: {  	_ =	sfence.sel $0xFFFF  }
0xbe: {  	[dreg:$0x0] =	wrdreg $0xFFFFFFFF;
	(pc) =	sbr.abs _section_cstart, $3  }
0xbf: {  	[dreg:$0x1] =	wrdreg $0xFFFFFFFF  }
0xc0: {  	_ =	task.clear_ibuf [dreg:s6], $0x2FFFF;
	_ =	strace $0x9FFFFFFF  }
0xc1: {  	(tm) =	ssettm $0x7FFFFFFF  }
tec
execute0_lowered:
.L_overlay_start_1:
0x0: {  	(tag) =	ssettag $0x1  }
0x1: {  	s5 =	rddreg [dreg:$0x0]  }
0x2: {  	s0 =	rddreg [dreg:$0x1];
	s2 =	simm.s32 $0x0;
	s3 =	srdreg.scid  }
0x3: {  	s1 =	stileid.u32;
	s11 =	simm.s32 $0x3;
	s12 =	simm.s32 $0x80  }
0x4: {  	s13 =	simm.s32 $0x400;
	s14 =	simm.s32 $0x4000;
	s15 =	simm.s32 $0x1  }
0x5: {  	s16 =	simm.s32 $0x8080;
	s17 =	simm.s32 $0x10080;
	s18 =	simm.s32 $0x2  }
0x6: {  	s19 =	simm.s32 $0x100;
	s20 =	simm.s32 $0x0;
	[smem:$0x7FF] =	sst s2  }
0x7: {  	s4 =	sand.u32 $0x1, s3;
	s30 =	sshll.u32 s1, $0x1;
	s3 =	sadd.s32 $0x202E00, s5  }
0x8: {  	_ =	strace $0x8000004D;
	s6 =	sor.u32 s4, s30;
	s8 =	ssub.s32 $0x2, s4  }
0x9: {  	s4 =	sadd.s32 $0x402E00, s5;
	s7 =	sshll.u32 s6, $0xD;
	s31 =	sshrl.u32 s8, $0x1  }
0xa: {  	s9 =	sadd.s32 s7, s5;
	s5 =	sshll.u32 s6, $0x13;
	s6 =	sshll.u32 s6, $0x10  }
0xb: {  	s10 =	ssub.s32 s8, s31;
	s6 =	sadd.s32 s3, s6;
	s7 =	sadd.s32 $0x403800, s9  }
0xc: {  	v0 =	vimm.s32 $0x0;
	v1 =	vlaneseq.u32;
	v2 =	vimm.s32 $0x1;
	s8 =	sadd.s32 $0x403810, s9;
	s9 =	smax.u32 s10, $0x1;
	s10 =	simm.s32 $0x8000  }
.LBB2_1:
0xd: {  	[tilespmem:s10], [sflag:$0x3] =	stream.linear.gather [hbm4b:s4+s2], $0x80, $0x38;
	[tilespmem:$0x18080] =	vst v63  }
0xe: {  	_ =	swait.ge [sflag:s11], $0x80  }
0xf: {  	[sflag:s11] =	ssyncset.done $0x0  }
0x10: {  	s22 =	simm.s32 $0x80C0;
	[sflag:s11] =	ssyncadd.s32 $0xFFFFFF80  }
0x11: {  	[tilespmem:s22+$0xFFFFFFC0] =	vst v0  }
0x12: {  	[tilespmem:s22+$0x30] =	vst v0  }
0x13: {  	[tilespmem:s22+$0x20] =	vst v0  }
0x14: {  	[tilespmem:s22+$0x10] =	vst v0  }
0x15: {  	[tilespmem:s22+$0x0] =	vst v0  }
0x16: {  	[tilespmem:s22+$0xFFFFFFF0] =	vst v0  }
0x17: {  	s23 =	simm.s32 $0x0;
	[tilespmem:s22+$0xFFFFFFE0] =	vst v0  }
.LBB2_2:
0x18: {  	s23 =	sadd.s32 $0x8, s23;
	[tilespmem:s22+$0xFFFFFFD0] =	vst v0;
	s22 =	sadd.s32 $0x80, s22;
	s21 =	simm.s32 $0x100C0  }
0x19: {  	[tilespmem:s22+$0xFFFFFFC0] =	vst v0;
	p0 =	slt.u32 s23, $0x7F8  }
0x1a: {  	[tilespmem:s22+$0x30] =	vst v0  }
.Ltmp0:
0x1b: {  	[tilespmem:s22+$0x20] =	vst v0;
	(pc) =	sbr.rel @p0 .LBB2_2-.Ltmp0, $4  }
0x1c: {  	[tilespmem:s22+$0x10] =	vst v0  }
0x1d: {  	[tilespmem:s22+$0x0] =	vst v0  }
0x1e: {  	[tilespmem:s22+$0xFFFFFFF0] =	vst v0  }
0x1f: {  	[tilespmem:s22+$0xFFFFFFE0] =	vst v0  }
0x20: {  	[tilespmem:s22+$0xFFFFFFD0] =	vst v0  }
0x21: {  	[tilespmem:s21+$0xFFFFFFC0] =	vst v0  }
0x22: {  	[tilespmem:s21+$0x30] =	vst v0  }
0x23: {  	[tilespmem:s21+$0x20] =	vst v0  }
0x24: {  	[tilespmem:s21+$0x10] =	vst v0  }
0x25: {  	[tilespmem:s21+$0x0] =	vst v0  }
0x26: {  	[tilespmem:s21+$0xFFFFFFF0] =	vst v0  }
0x27: {  	s22 =	simm.s32 $0x0;
	[tilespmem:s21+$0xFFFFFFE0] =	vst v0  }
.LBB2_4:
0x28: {  	s22 =	sadd.s32 $0x8, s22;
	[tilespmem:s21+$0xFFFFFFD0] =	vst v0;
	s21 =	sadd.s32 $0x80, s21  }
0x29: {  	[tilespmem:s21+$0xFFFFFFC0] =	vst v0;
	p0 =	slt.u32 s22, $0x7F8  }
0x2a: {  	[tilespmem:s21+$0x30] =	vst v0  }
.Ltmp1:
0x2b: {  	[tilespmem:s21+$0x20] =	vst v0;
	(pc) =	sbr.rel @p0 .LBB2_4-.Ltmp1, $4  }
0x2c: {  	[tilespmem:s21+$0x10] =	vst v0  }
0x2d: {  	[tilespmem:s21+$0x0] =	vst v0  }
0x2e: {  	[tilespmem:s21+$0xFFFFFFF0] =	vst v0  }
0x2f: {  	[tilespmem:s21+$0xFFFFFFE0] =	vst v0  }
0x30: {  	[tilespmem:s21+$0xFFFFFFD0] =	vst v0  }
0x31: {  	v3 =	vld [tilespmem:$0x8000]  }
0x32: {  	v4 =	vld [tilespmem:$0x8010]  }
0x33: {  	s21 =	simm.s32 $0x0;
	v5 =	vld [tilespmem:$0x8020]  }
0x34: {  	v6 =	vld [tilespmem:$0x8030];
	[tilespmem:s21], [sflag:$0x1] =	stream.strided.gather [hbm4b:s6+s12], $0x4000, s13, s12, $0x38  }
.LBB2_6:
0x35: {  	s22 =	sshll.u32 s21, $0x8;
	s23 =	sshll.u32 s21, $0xF  }
0x36: {  	s22 =	sand.u32 $0x300, s22;
	s23 =	sand.u32 $0x60000, s23  }
0x37: {  	s22 =	sor.u32 s23, s22  }
0x38: {  	s22 =	sor.u32 s5, s22  }
0x39: {  	s22 =	sshrl.u32 s22, $0x3  }
0x3a: {  	s22 =	sadd.s32 s22, s3  }
0x3b: {  	s31 =	sadd.s32 $0x10, s22;
	s22 =	simm.s32 $0x80  }
0x3c: {  	[tilespmem:s14], [sflag:$0x2] =	stream.strided.gather [hbm4b:s31+s22], $0x4000, s13, s22, $0x38;
	[tilespmem:$0x18080] =	vst v63  }
0x3d: {  	_ =	swait.ge [sflag:s15], $0x4000  }
0x3e: {  	[sflag:s15] =	ssyncset.done $0x0  }
0x3f: {  	s23 =	simm.s32 $0xFFFFFFF8;
	[sflag:s15] =	ssyncadd.s32 $0xFFFFC000  }
.LBB2_7:
0x40: {  	v7 =	vld [tilespmem:s22+$0xFFFFFF80];
	_ =	sdelay $0x4  }
0x41: {  	v8 =	vshrl.u32 v7, v6;
	v9 =	vshrl.u32 v7, $0x15  }
0x42: {  	v7 =	vshrl.u32 v7, v5;
	v10 =	vand.u32 $0x3FF, v8;
	v9 =	vand.u32 $0x400, v9  }
0x43: {  	v8 =	vshll.u32 v8, $0x4;
	vm0 =	veq.s32 v7, v3;
	v9 =	vor.u32 v9, v10  }
0x44: {  	vm1 =	veq.s32 v7, v4;
	v8 =	vor.u32 v1, v8;
	v7 =	vshll.u32 v9, $0x4  }
0x45: {  	vm0 =	vmor vm0, vm1;
	v8 =	vand.u32 $0x7F, v8;
	v7 =	vand.u32 $0x7F80, v7  }
0x46: {  	v7 =	vor.u32 v8, v7;
	_ =	sdelay $0x4  }
0x47: {  	[tilespmem:v7+s16+$0x0] =	vst.idx.add.s32.msk vm0, v2  }
0x48: {  	v7 =	vld [tilespmem:s22+$0xFFFFFF90];
	_ =	sdelay $0x4  }
0x49: {  	v8 =	vshrl.u32 v7, v6;
	v34 =	vshrl.u32 v7, $0x15  }
0x4a: {  	v7 =	vshrl.u32 v7, v5;
	v35 =	vand.u32 $0x3FF, v8;
	v9 =	vand.u32 $0x400, v34  }
0x4b: {  	v8 =	vshll.u32 v8, $0x4;
	vm10 =	veq.s32 v7, v3;
	v9 =	vor.u32 v9, v35  }
0x4c: {  	vm11 =	veq.s32 v7, v4;
	v8 =	vor.u32 v1, v8;
	v7 =	vshll.u32 v9, $0x4  }
0x4d: {  	vm0 =	vmor vm10, vm11;
	v8 =	vand.u32 $0x7F, v8;
	v7 =	vand.u32 $0x7F80, v7  }
0x4e: {  	v7 =	vor.u32 v8, v7;
	_ =	sdelay $0x4  }
0x4f: {  	[tilespmem:v7+s17+$0x0] =	vst.idx.add.s32.msk vm0, v2  }
0x50: {  	v7 =	vld [tilespmem:s22+$0xFFFFFFA0];
	_ =	sdelay $0x4  }
0x51: {  	v8 =	vshrl.u32 v7, v6;
	v36 =	vshrl.u32 v7, $0x15  }
0x52: {  	v7 =	vshrl.u32 v7, v5;
	v37 =	vand.u32 $0x3FF, v8;
	v9 =	vand.u32 $0x400, v36  }
0x53: {  	v8 =	vshll.u32 v8, $0x4;
	vm12 =	veq.s32 v7, v3;
	v9 =	vor.u32 v9, v37  }
0x54: {  	vm13 =	veq.s32 v7, v4;
	v8 =	vor.u32 v1, v8;
	v7 =	vshll.u32 v9, $0x4  }
0x55: {  	vm0 =	vmor vm12, vm13;
	v8 =	vand.u32 $0x7F, v8;
	v7 =	vand.u32 $0x7F80, v7  }
0x56: {  	v7 =	vor.u32 v8, v7;
	_ =	sdelay $0x4  }
0x57: {  	[tilespmem:v7+s16+$0x0] =	vst.idx.add.s32.msk vm0, v2  }
0x58: {  	v7 =	vld [tilespmem:s22+$0xFFFFFFB0];
	_ =	sdelay $0x4  }
0x59: {  	v8 =	vshrl.u32 v7, v6;
	v38 =	vshrl.u32 v7, $0x15  }
0x5a: {  	v7 =	vshrl.u32 v7, v5;
	v39 =	vand.u32 $0x3FF, v8;
	v9 =	vand.u32 $0x400, v38  }
0x5b: {  	v8 =	vshll.u32 v8, $0x4;
	vm14 =	veq.s32 v7, v3;
	v9 =	vor.u32 v9, v39  }
0x5c: {  	vm15 =	veq.s32 v7, v4;
	v8 =	vor.u32 v1, v8;
	v7 =	vshll.u32 v9, $0x4  }
0x5d: {  	vm0 =	vmor vm14, vm15;
	v8 =	vand.u32 $0x7F, v8;
	v7 =	vand.u32 $0x7F80, v7  }
0x5e: {  	v7 =	vor.u32 v8, v7;
	_ =	sdelay $0x4  }
0x5f: {  	[tilespmem:v7+s17+$0x0] =	vst.idx.add.s32.msk vm0, v2  }
0x60: {  	v7 =	vld [tilespmem:s22+$0xFFFFFFC0];
	_ =	sdelay $0x4  }
0x61: {  	v8 =	vshrl.u32 v7, v6;
	v40 =	vshrl.u32 v7, $0x15  }
0x62: {  	v7 =	vshrl.u32 v7, v5;
	v41 =	vand.u32 $0x3FF, v8;
	v9 =	vand.u32 $0x400, v40  }
0x63: {  	v8 =	vshll.u32 v8, $0x4;
	vm4 =	veq.s32 v7, v3;
	v9 =	vor.u32 v9, v41  }
0x64: {  	vm5 =	veq.s32 v7, v4;
	v8 =	vor.u32 v1, v8;
	v7 =	vshll.u32 v9, $0x4  }
0x65: {  	vm0 =	vmor vm4, vm5;
	v8 =	vand.u32 $0x7F, v8;
	v7 =	vand.u32 $0x7F80, v7  }
0x66: {  	v7 =	vor.u32 v8, v7;
	_ =	sdelay $0x4  }
0x67: {  	[tilespmem:v7+s16+$0x0] =	vst.idx.add.s32.msk vm0, v2  }
0x68: {  	v7 =	vld [tilespmem:s22+$0xFFFFFFD0];
	_ =	sdelay $0x4  }
0x69: {  	v8 =	vshrl.u32 v7, v6;
	v42 =	vshrl.u32 v7, $0x15  }
0x6a: {  	v7 =	vshrl.u32 v7, v5;
	v43 =	vand.u32 $0x3FF, v8;
	v9 =	vand.u32 $0x400, v42  }
0x6b: {  	v8 =	vshll.u32 v8, $0x4;
	vm6 =	veq.s32 v7, v3;
	v9 =	vor.u32 v9, v43  }
0x6c: {  	vm7 =	veq.s32 v7, v4;
	v8 =	vor.u32 v1, v8;
	v7 =	vshll.u32 v9, $0x4  }
0x6d: {  	vm0 =	vmor vm6, vm7;
	v8 =	vand.u32 $0x7F, v8;
	v7 =	vand.u32 $0x7F80, v7  }
0x6e: {  	v7 =	vor.u32 v8, v7;
	_ =	sdelay $0x4  }
0x6f: {  	[tilespmem:v7+s17+$0x0] =	vst.idx.add.s32.msk vm0, v2  }
0x70: {  	v7 =	vld [tilespmem:s22+$0xFFFFFFE0];
	_ =	sdelay $0x4  }
0x71: {  	v8 =	vshrl.u32 v7, v6;
	v44 =	vshrl.u32 v7, $0x15  }
0x72: {  	v7 =	vshrl.u32 v7, v5;
	v45 =	vand.u32 $0x3FF, v8;
	v9 =	vand.u32 $0x400, v44  }
0x73: {  	v8 =	vshll.u32 v8, $0x4;
	vm8 =	veq.s32 v7, v3;
	v9 =	vor.u32 v9, v45  }
0x74: {  	vm9 =	veq.s32 v7, v4;
	v8 =	vor.u32 v1, v8;
	v7 =	vshll.u32 v9, $0x4  }
0x75: {  	vm0 =	vmor vm8, vm9;
	v8 =	vand.u32 $0x7F, v8;
	v7 =	vand.u32 $0x7F80, v7  }
0x76: {  	v7 =	vor.u32 v8, v7;
	_ =	sdelay $0x4  }
0x77: {  	[tilespmem:v7+s16+$0x0] =	vst.idx.add.s32.msk vm0, v2  }
0x78: {  	v7 =	vld [tilespmem:s22+$0xFFFFFFF0];
	_ =	sdelay $0x4  }
0x79: {  	v8 =	vshrl.u32 v7, v6;
	v46 =	vshrl.u32 v7, $0x15  }
0x7a: {  	v7 =	vshrl.u32 v7, v5;
	v47 =	vand.u32 $0x3FF, v8;
	v9 =	vand.u32 $0x400, v46  }
0x7b: {  	v8 =	vshll.u32 v8, $0x4;
	vm10 =	veq.s32 v7, v3;
	v9 =	vor.u32 v9, v47  }
0x7c: {  	vm11 =	veq.s32 v7, v4;
	v8 =	vor.u32 v1, v8;
	v7 =	vshll.u32 v9, $0x4  }
0x7d: {  	vm0 =	vmor vm10, vm11;
	v8 =	vand.u32 $0x7F, v8;
	v7 =	vand.u32 $0x7F80, v7  }
0x7e: {  	v7 =	vor.u32 v8, v7;
	_ =	sdelay $0x4  }
0x7f: {  	[tilespmem:v7+s17+$0x0] =	vst.idx.add.s32.msk vm0, v2  }
0x80: {  	v7 =	vld [tilespmem:s22+$0x0];
	_ =	sdelay $0x4  }
0x81: {  	v8 =	vshrl.u32 v7, v6;
	v48 =	vshrl.u32 v7, $0x15  }
0x82: {  	v7 =	vshrl.u32 v7, v5;
	v49 =	vand.u32 $0x3FF, v8;
	v9 =	vand.u32 $0x400, v48  }
0x83: {  	v8 =	vshll.u32 v8, $0x4;
	vm12 =	veq.s32 v7, v3;
	v9 =	vor.u32 v9, v49  }
0x84: {  	vm13 =	veq.s32 v7, v4;
	v8 =	vor.u32 v1, v8;
	v7 =	vshll.u32 v9, $0x4  }
0x85: {  	vm0 =	vmor vm12, vm13;
	v8 =	vand.u32 $0x7F, v8;
	v7 =	vand.u32 $0x7F80, v7  }
0x86: {  	v7 =	vor.u32 v8, v7;
	_ =	sdelay $0x4  }
0x87: {  	[tilespmem:v7+s16+$0x0] =	vst.idx.add.s32.msk vm0, v2  }
0x88: {  	v7 =	vld [tilespmem:s22+$0x10];
	_ =	sdelay $0x4  }
0x89: {  	v8 =	vshrl.u32 v7, v6;
	v50 =	vshrl.u32 v7, $0x15  }
0x8a: {  	v7 =	vshrl.u32 v7, v5;
	v51 =	vand.u32 $0x3FF, v8;
	v9 =	vand.u32 $0x400, v50  }
0x8b: {  	v8 =	vshll.u32 v8, $0x4;
	vm14 =	veq.s32 v7, v3;
	v9 =	vor.u32 v9, v51  }
0x8c: {  	vm15 =	veq.s32 v7, v4;
	v8 =	vor.u32 v1, v8;
	v7 =	vshll.u32 v9, $0x4  }
0x8d: {  	vm0 =	vmor vm14, vm15;
	v8 =	vand.u32 $0x7F, v8;
	v7 =	vand.u32 $0x7F80, v7  }
0x8e: {  	v7 =	vor.u32 v8, v7;
	_ =	sdelay $0x4  }
0x8f: {  	[tilespmem:v7+s17+$0x0] =	vst.idx.add.s32.msk vm0, v2  }
0x90: {  	v7 =	vld [tilespmem:s22+$0x20];
	_ =	sdelay $0x4  }
0x91: {  	v8 =	vshrl.u32 v7, v6;
	v52 =	vshrl.u32 v7, $0x15  }
0x92: {  	v7 =	vshrl.u32 v7, v5;
	v53 =	vand.u32 $0x3FF, v8;
	v9 =	vand.u32 $0x400, v52  }
0x93: {  	v8 =	vshll.u32 v8, $0x4;
	vm4 =	veq.s32 v7, v3;
	v9 =	vor.u32 v9, v53  }
0x94: {  	vm5 =	veq.s32 v7, v4;
	v8 =	vor.u32 v1, v8;
	v7 =	vshll.u32 v9, $0x4  }
0x95: {  	vm0 =	vmor vm4, vm5;
	v8 =	vand.u32 $0x7F, v8;
	v7 =	vand.u32 $0x7F80, v7  }
0x96: {  	v7 =	vor.u32 v8, v7;
	_ =	sdelay $0x4  }
0x97: {  	[tilespmem:v7+s16+$0x0] =	vst.idx.add.s32.msk vm0, v2  }
0x98: {  	v7 =	vld [tilespmem:s22+$0x30];
	_ =	sdelay $0x4  }
0x99: {  	v8 =	vshrl.u32 v7, v6;
	v54 =	vshrl.u32 v7, $0x15  }
0x9a: {  	v7 =	vshrl.u32 v7, v5;
	v55 =	vand.u32 $0x3FF, v8;
	v9 =	vand.u32 $0x400, v54  }
0x9b: {  	v8 =	vshll.u32 v8, $0x4;
	vm6 =	veq.s32 v7, v3;
	v9 =	vor.u32 v9, v55  }
0x9c: {  	vm7 =	veq.s32 v7, v4;
	v8 =	vor.u32 v1, v8;
	v7 =	vshll.u32 v9, $0x4  }
0x9d: {  	vm0 =	vmor vm6, vm7;
	v8 =	vand.u32 $0x7F, v8;
	v7 =	vand.u32 $0x7F80, v7  }
0x9e: {  	v7 =	vor.u32 v8, v7;
	_ =	sdelay $0x4  }
0x9f: {  	[tilespmem:v7+s17+$0x0] =	vst.idx.add.s32.msk vm0, v2  }
0xa0: {  	v7 =	vld [tilespmem:s22+$0x40];
	_ =	sdelay $0x4  }
0xa1: {  	v8 =	vshrl.u32 v7, v6;
	v56 =	vshrl.u32 v7, $0x15  }
0xa2: {  	v7 =	vshrl.u32 v7, v5;
	v57 =	vand.u32 $0x3FF, v8;
	v9 =	vand.u32 $0x400, v56  }
0xa3: {  	v8 =	vshll.u32 v8, $0x4;
	vm8 =	veq.s32 v7, v3;
	v9 =	vor.u32 v9, v57  }
0xa4: {  	vm9 =	veq.s32 v7, v4;
	v8 =	vor.u32 v1, v8;
	v7 =	vshll.u32 v9, $0x4  }
0xa5: {  	vm0 =	vmor vm8, vm9;
	v8 =	vand.u32 $0x7F, v8;
	v7 =	vand.u32 $0x7F80, v7  }
0xa6: {  	v7 =	vor.u32 v8, v7;
	_ =	sdelay $0x4  }
0xa7: {  	[tilespmem:v7+s16+$0x0] =	vst.idx.add.s32.msk vm0, v2  }
0xa8: {  	v7 =	vld [tilespmem:s22+$0x50];
	_ =	sdelay $0x4  }
0xa9: {  	v8 =	vshrl.u32 v7, v6;
	v58 =	vshrl.u32 v7, $0x15  }
0xaa: {  	v7 =	vshrl.u32 v7, v5;
	v59 =	vand.u32 $0x3FF, v8;
	v9 =	vand.u32 $0x400, v58  }
0xab: {  	v8 =	vshll.u32 v8, $0x4;
	vm10 =	veq.s32 v7, v3;
	v9 =	vor.u32 v9, v59  }
0xac: {  	vm11 =	veq.s32 v7, v4;
	v8 =	vor.u32 v1, v8;
	v7 =	vshll.u32 v9, $0x4  }
0xad: {  	vm0 =	vmor vm10, vm11;
	v8 =	vand.u32 $0x7F, v8;
	v7 =	vand.u32 $0x7F80, v7  }
0xae: {  	v7 =	vor.u32 v8, v7;
	_ =	sdelay $0x4  }
0xaf: {  	[tilespmem:v7+s17+$0x0] =	vst.idx.add.s32.msk vm0, v2  }
0xb0: {  	v7 =	vld [tilespmem:s22+$0x60];
	_ =	sdelay $0x4  }
0xb1: {  	v8 =	vshrl.u32 v7, v6;
	v60 =	vshrl.u32 v7, $0x15  }
0xb2: {  	v7 =	vshrl.u32 v7, v5;
	v61 =	vand.u32 $0x3FF, v8;
	v9 =	vand.u32 $0x400, v60  }
0xb3: {  	v8 =	vshll.u32 v8, $0x4;
	vm12 =	veq.s32 v7, v3;
	v9 =	vor.u32 v9, v61  }
0xb4: {  	vm13 =	veq.s32 v7, v4;
	v8 =	vor.u32 v1, v8;
	v7 =	vshll.u32 v9, $0x4  }
0xb5: {  	vm0 =	vmor vm12, vm13;
	v8 =	vand.u32 $0x7F, v8;
	v7 =	vand.u32 $0x7F80, v7  }
0xb6: {  	v7 =	vor.u32 v8, v7;
	_ =	sdelay $0x4  }
0xb7: {  	[tilespmem:v7+s16+$0x0] =	vst.idx.add.s32.msk vm0, v2  }
0xb8: {  	v7 =	vld [tilespmem:s22+$0x70];
	_ =	sdelay $0x4  }
0xb9: {  	v8 =	vshrl.u32 v7, v6;
	v62 =	vshrl.u32 v7, $0x15  }
0xba: {  	v7 =	vshrl.u32 v7, v5;
	v63 =	vand.u32 $0x3FF, v8;
	v9 =	vand.u32 $0x400, v62  }
0xbb: {  	v8 =	vshll.u32 v8, $0x4;
	vm14 =	veq.s32 v7, v3;
	v9 =	vor.u32 v9, v63  }
0xbc: {  	vm15 =	veq.s32 v7, v4;
	v8 =	vor.u32 v1, v8;
	v7 =	vshll.u32 v9, $0x4  }
0xbd: {  	s23 =	sadd.s32 $0x8, s23;
	vm0 =	vmor vm14, vm15;
	v8 =	vand.u32 $0x7F, v8;
	v7 =	vand.u32 $0x7F80, v7  }
0xbe: {  	p0 =	slt.u32 s23, $0x1F8;
	v7 =	vor.u32 v8, v7  }
.Ltmp2:
0xbf: {  	_ = 	snop;
	(pc) =	sbr.rel @p0 .LBB2_7-.Ltmp2, $2  }
0xc0: {  	_ =	sdelay $0x2  }
0xc1: {  	s22 =	sadd.s32 $0x100, s22;
	[tilespmem:v7+s17+$0x0] =	vst.idx.add.s32.msk vm0, v2  }
0xc2: {  	p0 =	seq.s32 s21, $0xF  }
0xc3: {  	s22 =	sshll.u32 @!p0 s21, $0x1  }
0xc4: {  	s22 =	sadd.s32 @!p0 $0x2, s22  }
0xc5: {  	s23 =	sshll.u32 @!p0 s22, $0xE  }
0xc6: {  	s22 =	sshll.u32 @!p0 s22, $0x7;
	s23 =	sand.u32 @!p0 $0xE0000, s23  }
0xc7: {  	s22 =	sand.u32 @!p0 $0x300, s22;
	s23 =	sadd.s32 @!p0 s5, s23  }
0xc8: {  	s22 =	sor.u32 @!p0 s22, s23  }
0xc9: {  	s24 =	simm.s32 @!p0 $0x400;
	s22 =	sshrl.u32 @!p0 s22, $0x3  }
0xca: {  	s25 =	simm.s32 @!p0 $0x0;
	s23 =	simm.s32 @!p0 $0x80;
	s22 =	sadd.s32 @!p0 s3, s22  }
0xcb: {  	[tilespmem:s25], [sflag:$0x1] =	stream.strided.gather @!p0 [hbm4b:s22+s23], $0x4000, s24, s23, $0x38;
	[tilespmem:$0x18080] =	vst v63  }
0xcc: {  	_ =	swait.ge [sflag:s18], $0x4000  }
0xcd: {  	[sflag:s18] =	ssyncset.done $0x0  }
0xce: {  	s22 =	simm.s32 $0xFFFFFFF8;
	s23 =	simm.s32 $0x4000;
	[sflag:s18] =	ssyncadd.s32 $0xFFFFC000  }
.LBB2_9:
0xcf: {  	v7 =	vld [tilespmem:s23+$0x0];
	_ =	sdelay $0x4  }
0xd0: {  	v8 =	vshrl.u32 v7, v6;
	v9 =	vshrl.u32 v7, $0x15  }
0xd1: {  	v7 =	vshrl.u32 v7, v5;
	v10 =	vand.u32 $0x3FF, v8;
	v9 =	vand.u32 $0x400, v9  }
0xd2: {  	v8 =	vshll.u32 v8, $0x4;
	vm0 =	veq.s32 v7, v3;
	v9 =	vor.u32 v9, v10  }
0xd3: {  	vm1 =	veq.s32 v7, v4;
	v8 =	vor.u32 v1, v8;
	v7 =	vshll.u32 v9, $0x4  }
0xd4: {  	vm0 =	vmor vm0, vm1;
	v8 =	vand.u32 $0x7F, v8;
	v7 =	vand.u32 $0x7F80, v7  }
0xd5: {  	v7 =	vor.u32 v8, v7;
	_ =	sdelay $0x4  }
0xd6: {  	[tilespmem:v7+s16+$0x0] =	vst.idx.add.s32.msk vm0, v2  }
0xd7: {  	v7 =	vld [tilespmem:s23+$0x10];
	_ =	sdelay $0x4  }
0xd8: {  	v8 =	vshrl.u32 v7, v6;
	v34 =	vshrl.u32 v7, $0x15  }
0xd9: {  	v7 =	vshrl.u32 v7, v5;
	v35 =	vand.u32 $0x3FF, v8;
	v9 =	vand.u32 $0x400, v34  }
0xda: {  	v8 =	vshll.u32 v8, $0x4;
	vm10 =	veq.s32 v7, v3;
	v9 =	vor.u32 v9, v35  }
0xdb: {  	vm11 =	veq.s32 v7, v4;
	v8 =	vor.u32 v1, v8;
	v7 =	vshll.u32 v9, $0x4  }
0xdc: {  	vm0 =	vmor vm10, vm11;
	v8 =	vand.u32 $0x7F, v8;
	v7 =	vand.u32 $0x7F80, v7  }
0xdd: {  	v7 =	vor.u32 v8, v7;
	_ =	sdelay $0x4  }
0xde: {  	[tilespmem:v7+s17+$0x0] =	vst.idx.add.s32.msk vm0, v2  }
0xdf: {  	v7 =	vld [tilespmem:s23+$0x20];
	_ =	sdelay $0x4  }
0xe0: {  	v8 =	vshrl.u32 v7, v6;
	v36 =	vshrl.u32 v7, $0x15  }
0xe1: {  	v7 =	vshrl.u32 v7, v5;
	v37 =	vand.u32 $0x3FF, v8;
	v9 =	vand.u32 $0x400, v36  }
0xe2: {  	v8 =	vshll.u32 v8, $0x4;
	vm12 =	veq.s32 v7, v3;
	v9 =	vor.u32 v9, v37  }
0xe3: {  	vm13 =	veq.s32 v7, v4;
	v8 =	vor.u32 v1, v8;
	v7 =	vshll.u32 v9, $0x4  }
0xe4: {  	vm0 =	vmor vm12, vm13;
	v8 =	vand.u32 $0x7F, v8;
	v7 =	vand.u32 $0x7F80, v7  }
0xe5: {  	v7 =	vor.u32 v8, v7;
	_ =	sdelay $0x4  }
0xe6: {  	[tilespmem:v7+s16+$0x0] =	vst.idx.add.s32.msk vm0, v2  }
0xe7: {  	v7 =	vld [tilespmem:s23+$0x30];
	_ =	sdelay $0x4  }
0xe8: {  	v8 =	vshrl.u32 v7, v6;
	v38 =	vshrl.u32 v7, $0x15  }
0xe9: {  	v7 =	vshrl.u32 v7, v5;
	v39 =	vand.u32 $0x3FF, v8;
	v9 =	vand.u32 $0x400, v38  }
0xea: {  	v8 =	vshll.u32 v8, $0x4;
	vm14 =	veq.s32 v7, v3;
	v9 =	vor.u32 v9, v39  }
0xeb: {  	vm15 =	veq.s32 v7, v4;
	v8 =	vor.u32 v1, v8;
	v7 =	vshll.u32 v9, $0x4  }
0xec: {  	vm0 =	vmor vm14, vm15;
	v8 =	vand.u32 $0x7F, v8;
	v7 =	vand.u32 $0x7F80, v7  }
0xed: {  	v7 =	vor.u32 v8, v7;
	_ =	sdelay $0x4  }
0xee: {  	[tilespmem:v7+s17+$0x0] =	vst.idx.add.s32.msk vm0, v2  }
0xef: {  	v7 =	vld [tilespmem:s23+$0x40];
	_ =	sdelay $0x4  }
0xf0: {  	v8 =	vshrl.u32 v7, v6;
	v40 =	vshrl.u32 v7, $0x15  }
0xf1: {  	v7 =	vshrl.u32 v7, v5;
	v41 =	vand.u32 $0x3FF, v8;
	v9 =	vand.u32 $0x400, v40  }
0xf2: {  	v8 =	vshll.u32 v8, $0x4;
	vm4 =	veq.s32 v7, v3;
	v9 =	vor.u32 v9, v41  }
0xf3: {  	vm5 =	veq.s32 v7, v4;
	v8 =	vor.u32 v1, v8;
	v7 =	vshll.u32 v9, $0x4  }
0xf4: {  	vm0 =	vmor vm4, vm5;
	v8 =	vand.u32 $0x7F, v8;
	v7 =	vand.u32 $0x7F80, v7  }
0xf5: {  	v7 =	vor.u32 v8, v7;
	_ =	sdelay $0x4  }
0xf6: {  	[tilespmem:v7+s16+$0x0] =	vst.idx.add.s32.msk vm0, v2  }
0xf7: {  	v7 =	vld [tilespmem:s23+$0x50];
	_ =	sdelay $0x4  }
0xf8: {  	v8 =	vshrl.u32 v7, v6;
	v42 =	vshrl.u32 v7, $0x15  }
0xf9: {  	v7 =	vshrl.u32 v7, v5;
	v43 =	vand.u32 $0x3FF, v8;
	v9 =	vand.u32 $0x400, v42  }
0xfa: {  	v8 =	vshll.u32 v8, $0x4;
	vm6 =	veq.s32 v7, v3;
	v9 =	vor.u32 v9, v43  }
0xfb: {  	vm7 =	veq.s32 v7, v4;
	v8 =	vor.u32 v1, v8;
	v7 =	vshll.u32 v9, $0x4  }
0xfc: {  	vm0 =	vmor vm6, vm7;
	v8 =	vand.u32 $0x7F, v8;
	v7 =	vand.u32 $0x7F80, v7  }
0xfd: {  	v7 =	vor.u32 v8, v7;
	_ =	sdelay $0x4  }
0xfe: {  	[tilespmem:v7+s17+$0x0] =	vst.idx.add.s32.msk vm0, v2  }
0xff: {  	v7 =	vld [tilespmem:s23+$0x60];
	_ =	sdelay $0x4  }
0x100: {  	v8 =	vshrl.u32 v7, v6;
	v44 =	vshrl.u32 v7, $0x15  }
0x101: {  	v7 =	vshrl.u32 v7, v5;
	v45 =	vand.u32 $0x3FF, v8;
	v9 =	vand.u32 $0x400, v44  }
0x102: {  	v8 =	vshll.u32 v8, $0x4;
	vm8 =	veq.s32 v7, v3;
	v9 =	vor.u32 v9, v45  }
0x103: {  	vm9 =	veq.s32 v7, v4;
	v8 =	vor.u32 v1, v8;
	v7 =	vshll.u32 v9, $0x4  }
0x104: {  	vm0 =	vmor vm8, vm9;
	v8 =	vand.u32 $0x7F, v8;
	v7 =	vand.u32 $0x7F80, v7  }
0x105: {  	v7 =	vor.u32 v8, v7;
	_ =	sdelay $0x4  }
0x106: {  	[tilespmem:v7+s16+$0x0] =	vst.idx.add.s32.msk vm0, v2  }
0x107: {  	v7 =	vld [tilespmem:s23+$0x70];
	_ =	sdelay $0x4  }
0x108: {  	v8 =	vshrl.u32 v7, v6;
	v46 =	vshrl.u32 v7, $0x15  }
0x109: {  	v7 =	vshrl.u32 v7, v5;
	v47 =	vand.u32 $0x3FF, v8;
	v9 =	vand.u32 $0x400, v46  }
0x10a: {  	v8 =	vshll.u32 v8, $0x4;
	vm10 =	veq.s32 v7, v3;
	v9 =	vor.u32 v9, v47  }
0x10b: {  	vm11 =	veq.s32 v7, v4;
	v8 =	vor.u32 v1, v8;
	v7 =	vshll.u32 v9, $0x4  }
0x10c: {  	vm0 =	vmor vm10, vm11;
	v8 =	vand.u32 $0x7F, v8;
	v7 =	vand.u32 $0x7F80, v7  }
0x10d: {  	v7 =	vor.u32 v8, v7;
	_ =	sdelay $0x4  }
0x10e: {  	[tilespmem:v7+s17+$0x0] =	vst.idx.add.s32.msk vm0, v2  }
0x10f: {  	v7 =	vld [tilespmem:s23+$0x80];
	_ =	sdelay $0x4  }
0x110: {  	v8 =	vshrl.u32 v7, v6;
	v48 =	vshrl.u32 v7, $0x15  }
0x111: {  	v7 =	vshrl.u32 v7, v5;
	v49 =	vand.u32 $0x3FF, v8;
	v9 =	vand.u32 $0x400, v48  }
0x112: {  	v8 =	vshll.u32 v8, $0x4;
	vm12 =	veq.s32 v7, v3;
	v9 =	vor.u32 v9, v49  }
0x113: {  	vm13 =	veq.s32 v7, v4;
	v8 =	vor.u32 v1, v8;
	v7 =	vshll.u32 v9, $0x4  }
0x114: {  	vm0 =	vmor vm12, vm13;
	v8 =	vand.u32 $0x7F, v8;
	v7 =	vand.u32 $0x7F80, v7  }
0x115: {  	v7 =	vor.u32 v8, v7;
	_ =	sdelay $0x4  }
0x116: {  	[tilespmem:v7+s16+$0x0] =	vst.idx.add.s32.msk vm0, v2  }
0x117: {  	v7 =	vld [tilespmem:s23+$0x90];
	_ =	sdelay $0x4  }
0x118: {  	v8 =	vshrl.u32 v7, v6;
	v50 =	vshrl.u32 v7, $0x15  }
0x119: {  	v7 =	vshrl.u32 v7, v5;
	v51 =	vand.u32 $0x3FF, v8;
	v9 =	vand.u32 $0x400, v50  }
0x11a: {  	v8 =	vshll.u32 v8, $0x4;
	vm14 =	veq.s32 v7, v3;
	v9 =	vor.u32 v9, v51  }
0x11b: {  	vm15 =	veq.s32 v7, v4;
	v8 =	vor.u32 v1, v8;
	v7 =	vshll.u32 v9, $0x4  }
0x11c: {  	vm0 =	vmor vm14, vm15;
	v8 =	vand.u32 $0x7F, v8;
	v7 =	vand.u32 $0x7F80, v7  }
0x11d: {  	v7 =	vor.u32 v8, v7;
	_ =	sdelay $0x4  }
0x11e: {  	[tilespmem:v7+s17+$0x0] =	vst.idx.add.s32.msk vm0, v2  }
0x11f: {  	v7 =	vld [tilespmem:s23+$0xA0];
	_ =	sdelay $0x4  }
0x120: {  	v8 =	vshrl.u32 v7, v6;
	v52 =	vshrl.u32 v7, $0x15  }
0x121: {  	v7 =	vshrl.u32 v7, v5;
	v53 =	vand.u32 $0x3FF, v8;
	v9 =	vand.u32 $0x400, v52  }
0x122: {  	v8 =	vshll.u32 v8, $0x4;
	vm4 =	veq.s32 v7, v3;
	v9 =	vor.u32 v9, v53  }
0x123: {  	vm5 =	veq.s32 v7, v4;
	v8 =	vor.u32 v1, v8;
	v7 =	vshll.u32 v9, $0x4  }
0x124: {  	vm0 =	vmor vm4, vm5;
	v8 =	vand.u32 $0x7F, v8;
	v7 =	vand.u32 $0x7F80, v7  }
0x125: {  	v7 =	vor.u32 v8, v7;
	_ =	sdelay $0x4  }
0x126: {  	[tilespmem:v7+s16+$0x0] =	vst.idx.add.s32.msk vm0, v2  }
0x127: {  	v7 =	vld [tilespmem:s23+$0xB0];
	_ =	sdelay $0x4  }
0x128: {  	v8 =	vshrl.u32 v7, v6;
	v54 =	vshrl.u32 v7, $0x15  }
0x129: {  	v7 =	vshrl.u32 v7, v5;
	v55 =	vand.u32 $0x3FF, v8;
	v9 =	vand.u32 $0x400, v54  }
0x12a: {  	v8 =	vshll.u32 v8, $0x4;
	vm6 =	veq.s32 v7, v3;
	v9 =	vor.u32 v9, v55  }
0x12b: {  	vm7 =	veq.s32 v7, v4;
	v8 =	vor.u32 v1, v8;
	v7 =	vshll.u32 v9, $0x4  }
0x12c: {  	vm0 =	vmor vm6, vm7;
	v8 =	vand.u32 $0x7F, v8;
	v7 =	vand.u32 $0x7F80, v7  }
0x12d: {  	v7 =	vor.u32 v8, v7;
	_ =	sdelay $0x4  }
0x12e: {  	[tilespmem:v7+s17+$0x0] =	vst.idx.add.s32.msk vm0, v2  }
0x12f: {  	v7 =	vld [tilespmem:s23+$0xC0];
	_ =	sdelay $0x4  }
0x130: {  	v8 =	vshrl.u32 v7, v6;
	v56 =	vshrl.u32 v7, $0x15  }
0x131: {  	v7 =	vshrl.u32 v7, v5;
	v57 =	vand.u32 $0x3FF, v8;
	v9 =	vand.u32 $0x400, v56  }
0x132: {  	v8 =	vshll.u32 v8, $0x4;
	vm8 =	veq.s32 v7, v3;
	v9 =	vor.u32 v9, v57  }
0x133: {  	vm9 =	veq.s32 v7, v4;
	v8 =	vor.u32 v1, v8;
	v7 =	vshll.u32 v9, $0x4  }
0x134: {  	vm0 =	vmor vm8, vm9;
	v8 =	vand.u32 $0x7F, v8;
	v7 =	vand.u32 $0x7F80, v7  }
0x135: {  	v7 =	vor.u32 v8, v7;
	_ =	sdelay $0x4  }
0x136: {  	[tilespmem:v7+s16+$0x0] =	vst.idx.add.s32.msk vm0, v2  }
0x137: {  	v7 =	vld [tilespmem:s23+$0xD0];
	_ =	sdelay $0x4  }
0x138: {  	v8 =	vshrl.u32 v7, v6;
	v58 =	vshrl.u32 v7, $0x15  }
0x139: {  	v7 =	vshrl.u32 v7, v5;
	v59 =	vand.u32 $0x3FF, v8;
	v9 =	vand.u32 $0x400, v58  }
0x13a: {  	v8 =	vshll.u32 v8, $0x4;
	vm10 =	veq.s32 v7, v3;
	v9 =	vor.u32 v9, v59  }
0x13b: {  	vm11 =	veq.s32 v7, v4;
	v8 =	vor.u32 v1, v8;
	v7 =	vshll.u32 v9, $0x4  }
0x13c: {  	vm0 =	vmor vm10, vm11;
	v8 =	vand.u32 $0x7F, v8;
	v7 =	vand.u32 $0x7F80, v7  }
0x13d: {  	v7 =	vor.u32 v8, v7;
	_ =	sdelay $0x4  }
0x13e: {  	[tilespmem:v7+s17+$0x0] =	vst.idx.add.s32.msk vm0, v2  }
0x13f: {  	v7 =	vld [tilespmem:s23+$0xE0];
	_ =	sdelay $0x4  }
0x140: {  	v8 =	vshrl.u32 v7, v6;
	v60 =	vshrl.u32 v7, $0x15  }
0x141: {  	v7 =	vshrl.u32 v7, v5;
	v61 =	vand.u32 $0x3FF, v8;
	v9 =	vand.u32 $0x400, v60  }
0x142: {  	v8 =	vshll.u32 v8, $0x4;
	vm12 =	veq.s32 v7, v3;
	v9 =	vor.u32 v9, v61  }
0x143: {  	vm13 =	veq.s32 v7, v4;
	v8 =	vor.u32 v1, v8;
	v7 =	vshll.u32 v9, $0x4  }
0x144: {  	vm0 =	vmor vm12, vm13;
	v8 =	vand.u32 $0x7F, v8;
	v7 =	vand.u32 $0x7F80, v7  }
0x145: {  	v7 =	vor.u32 v8, v7;
	_ =	sdelay $0x4  }
0x146: {  	[tilespmem:v7+s16+$0x0] =	vst.idx.add.s32.msk vm0, v2  }
0x147: {  	v7 =	vld [tilespmem:s23+$0xF0];
	_ =	sdelay $0x4  }
0x148: {  	v8 =	vshrl.u32 v7, v6;
	v62 =	vshrl.u32 v7, $0x15  }
0x149: {  	v7 =	vshrl.u32 v7, v5;
	v63 =	vand.u32 $0x3FF, v8;
	v9 =	vand.u32 $0x400, v62  }
0x14a: {  	v8 =	vshll.u32 v8, $0x4;
	vm14 =	veq.s32 v7, v3;
	v9 =	vor.u32 v9, v63  }
0x14b: {  	vm15 =	veq.s32 v7, v4;
	v8 =	vor.u32 v1, v8;
	v7 =	vshll.u32 v9, $0x4  }
0x14c: {  	s22 =	sadd.s32 $0x8, s22;
	vm0 =	vmor vm14, vm15;
	v8 =	vand.u32 $0x7F, v8;
	v7 =	vand.u32 $0x7F80, v7  }
0x14d: {  	p0 =	slt.u32 s22, $0x1F8;
	v7 =	vor.u32 v8, v7  }
.Ltmp3:
0x14e: {  	_ = 	snop;
	(pc) =	sbr.rel @p0 .LBB2_9-.Ltmp3, $2  }
0x14f: {  	_ =	sdelay $0x2  }
0x150: {  	s23 =	sadd.s32 $0x100, s23;
	[tilespmem:v7+s17+$0x0] =	vst.idx.add.s32.msk vm0, v2  }
0x151: {  	s21 =	sadd.s32 $0x1, s21  }
0x152: {  	p0 =	sne.s32 s21, $0x10  }
.Ltmp4:
0x153: {  	_ = 	snop;
	(pc) =	sbr.rel @p0 .LBB2_6-.Ltmp4, $1  }
0x154: {  	_ =	sdelay $0x3  }
0x155: {  	[hbm4b:s7+s12] =	stream.strided.scatter [tilespmem:s16], [sflag:$0x3], $0x8000, s19, s12, $0x38;
	[tilespmem:$0x18080] =	vst v63  }
0x156: {  	s20 =	sadd.s32 $0x1, s20;
	_ =	swait.ge [sflag:s11], $0x8000  }
0x157: {  	p0 =	sne.s32 s20, s9;
	[sflag:s11] =	ssyncset.done $0x0  }
.Ltmp5:
0x158: {  	[sflag:s11] =	ssyncadd.s32 $0xFFFF8000;
	(pc) =	sbr.rel @p0 .LBB2_1-.Ltmp5, $4  }
0x159: {  	[hbm4b:s8+s12] =	stream.strided.scatter [tilespmem:s17], [sflag:$0x3], $0x8000, s19, s12, $0x38;
	[tilespmem:$0x18080] =	vst v63  }
0x15a: {  	_ =	swait.ge [sflag:s11], $0x8000  }
0x15b: {  	[sflag:s11] =	ssyncset.done $0x0  }
0x15c: {  	[sflag:s11] =	ssyncadd.s32 $0xFFFF8000  }
0x15d: {  	_ =	sfence.sel $0x180000  }
0x15e: {  	[bflag:$0x0] =	sbarrier.arrive $0xFFFF  }
0x15f: {  	p0 =	sne.s32 s1, $0x0;
	_ =	strace $0x9000004D  }
0x160: {  	s0 =	sadd.s32 @!p0 $0x100000, s0;
	[bflag:$0x2] =	sbarrier.arrive $0xFFFF  }
0x161: {  	[sflag:s0] =	ssyncadd.tile.s32 @!p0 $0x1;
	_ =	shalt  }
.Lfunc_end2:
_tile_overlayer_lowered:
.L_overlay_start_2:
0x162: {  	(tag) =	ssettag $0x2  }
0x163: {  	s0 =	rddreg [dreg:$0x0];
	s2 =	stileid.u32  }
0x164: {  	s1 =	rddreg [dreg:$0x1];
	p0 =	sne.s32 s2, $0x0  }
0x165: {  	s3 =	rddreg [dreg:$0x2];
	[bflag:$0x3] =	sbarrier.arrive $0xFFFF;
	s2 =	simm.s32 @!p0 $0x1C03  }
0x166: {  	[timem:s3], [sflag:s2] =	dma.local @!p0 [hbm:s0], s1  }
0x167: {  	s0 =	simm.s32 @!p0 $0x3  }
0x168: {  	_ =	swait.ge @!p0 [sflag:s0], s1  }
0x169: {  	s1 =	ssub.s32 @!p0 $0x0, s1;
	[sflag:s0] =	ssyncset.done @!p0 $0x0  }
0x16a: {  	[sflag:s0] =	ssyncadd.s32 @!p0 s1  }
0x16b: {  	[bflag:$0x3] =	sbarrier.arrive $0xFFFF  }
0x16c: {  	_ =	shalt  }

</sc_bundles>
